<compile_context>
chip_gen: v7x
topology: tpu7x:2x2x1
jax: 0.10.2.dev20260603
libtpu: 0.0.44.dev20260713+nightly
codegen_flags: <defaults>
</compile_context>

<pallas_src>
import functools

import jax
import jax.numpy as jnp
from jax import lax
from jax.experimental import pallas as pl
from jax.experimental.pallas import tpu as pltpu
from jax.experimental.pallas import tpu_sc as plsc

B = 1024
L = 200
WORD_DIM = 128
POS_DIM = 16
OUT_D = WORD_DIM + 2 * POS_DIM

NC = 2
NS = 16
NW = NC * NS
BT = B // 128
CT = OUT_D // 8
NITEM = L * BT
IPW = NITEM // NW
NB = 2


def _lookup(word_table, pos1_table, pos2_table, wi, p1i, p2i):
    mesh = plsc.VectorSubcoreMesh(
        core_axis_name="c", subcore_axis_name="s", num_cores=NC, num_subcores=NS
    )

    @functools.partial(
        pl.kernel,
        out_type=jax.ShapeDtypeStruct((L, CT, BT, 8, 128), jnp.float32),
        mesh=mesh,
        compiler_params=pltpu.CompilerParams(
            use_tc_tiling_on_sc=False, needs_layout_passes=False),
        scratch_types=[
            pltpu.VMEM((IPW, 128), jnp.int32),
            pltpu.VMEM((IPW, 128), jnp.int32),
            pltpu.VMEM((IPW, 128), jnp.int32),
            pltpu.VMEM((NB, 128, WORD_DIM), jnp.float32),
            pltpu.VMEM((NB, 128, POS_DIM), jnp.float32),
            pltpu.VMEM((NB, 128, POS_DIM), jnp.float32),
            pltpu.VMEM((NB, CT, 8, 128), jnp.float32),
        ]
        + [pltpu.SemaphoreType.DMA] * NB
        + [pltpu.SemaphoreType.DMA] * NB,
    )
    def k(wt, p1t, p2t, wi_h, p1i_h, p2i_h, out,
          widx_v, p1idx_v, p2idx_v, w_v, p1_v, p2_v, o_v, *sems):
        sem_g = sems[:NB]
        sem_s = sems[NB:]
        wid = lax.axis_index("s") * NC + lax.axis_index("c")
        t0g = wid * IPW
        pltpu.sync_copy(wi_h.at[wid], widx_v)
        pltpu.sync_copy(p1i_h.at[wid], p1idx_v)
        pltpu.sync_copy(p2i_h.at[wid], p2idx_v)

        lane = lax.iota(jnp.int32, 16)

        def gather_copies(j, b, issue):
            f = pltpu.async_copy if issue else (
                lambda s, d, m: pltpu.make_async_copy(s, d, m).wait())
            f(wt.at[widx_v.at[j]], w_v.at[b], sem_g[b])
            f(p1t.at[p1idx_v.at[j]], p1_v.at[b], sem_g[b])
            f(p2t.at[p2idx_v.at[j]], p2_v.at[b], sem_g[b])

        def scatter_copy(j, b, issue):
            t = t0g + j
            l = t // BT
            cb = t % BT
            dst = out.at[l, pl.ds(0, CT), cb]
            f = pltpu.async_copy if issue else (
                lambda s, d, m: pltpu.make_async_copy(s, d, m).wait())
            f(o_v.at[b], dst, sem_s[b])

        def transpose_item(b):
            @plsc.parallel_loop(0, WORD_DIM // 2, unroll=4)
            def _(k):
                cols = jnp.full((16,), k, jnp.int32)
                for r0 in range(8):
                    v = plsc.load_gather(w_v.at[b], [r0 * 16 + lane, cols])
                    o_v[b, k // 8, k % 8, pl.ds(r0 * 16, 16)] = v
                for dr in range(2):
                    r = 2 * k + dr
                    rv = jnp.full((16,), r, jnp.int32)
                    for c0 in (64, 80, 96, 112):
                        ct_v = (c0 + lane) // 8
                        t2_v = (c0 + lane) % 8
                        v = w_v[b, r, pl.ds(c0, 16)]
                        plsc.store_scatter(o_v.at[b], [ct_v, t2_v, rv], v)

            for src, ct_base in ((p1_v, 16), (p2_v, 18)):
                @plsc.parallel_loop(0, POS_DIM, unroll=8)
                def _(kk):
                    cols = jnp.full((16,), kk, jnp.int32)
                    for r0 in range(8):
                        rows = r0 * 16 + lane
                        v = plsc.load_gather(src.at[b], [rows, cols])
                        o_v[b, ct_base + kk // 8, kk % 8, pl.ds(r0 * 16, 16)] = v

        for b in range(NB):
            gather_copies(b, b, True)

        def step(i, carry):
            for b in range(NB):
                j = i * NB + b
                gather_copies(j, b, False)
                if b == 0:
                    @pl.when(i >= 1)
                    def _():
                        scatter_copy(j - NB, b, False)
                else:
                    @pl.when(i >= 1)
                    def _():
                        scatter_copy(j - NB, b, False)
                transpose_item(b)
                @pl.when(j + NB < IPW)
                def _():
                    gather_copies(j + NB, b, True)
                scatter_copy(j, b, True)
            return carry

        lax.fori_loop(0, IPW // NB, step, 0)
        for b in range(NB):
            scatter_copy(IPW - NB + b, b, False)

    return k(word_table, pos1_table, pos2_table, wi, p1i, p2i)


def kernel(word_table, pos1_table, pos2_table, word, pos1, pos2):
    wi = word.astype(jnp.int32).T.reshape(NW, IPW, 128)
    p1i = pos1.astype(jnp.int32).T.reshape(NW, IPW, 128)
    p2i = pos2.astype(jnp.int32).T.reshape(NW, IPW, 128)
    out5 = _lookup(word_table, pos1_table, pos2_table, wi, p1i, p2i)
    return out5.transpose(2, 4, 0, 1, 3).reshape(B, L, OUT_D)

# --- scband reference (transcript-rebuilt; emitter-appended) ---
"""Pipeline reference for scband-embedding-49143015800893 (READ-ONLY COPY).

The authoritative reference and input builder live on the scoring server;
editing this copy changes nothing except your own understanding.
"""

import jax, jax.numpy as jnp
import numpy as np

VOCAB = 100000
WORD_DIM = 128
POS_NUM = 512
POS_SIZE = 16
B = 1024
L = 200

def setup_inputs(seed: int = 0) -> dict:
    key = jax.random.key(seed)
    k1, k2, k3, k4, k5, k6 = jax.random.split(key, 6)
    word_table = jax.random.normal(k1, (VOCAB, WORD_DIM), dtype=jnp.float32)
    # xavier-uniform-ish init for pos tables, padding row (POS_NUM) zeroed
    limit = float(np.sqrt(6.0 / (POS_NUM + 1 + POS_SIZE)))
    pos1_table = jax.random.uniform(k2, (POS_NUM + 1, POS_SIZE), dtype=jnp.float32, minval=-limit, maxval=limit)
    pos1_table = pos1_table.at[POS_NUM].set(0.0)
    pos2_table = jax.random.uniform(k3, (POS_NUM + 1, POS_SIZE), dtype=jnp.float32, minval=-limit, maxval=limit)
    pos2_table = pos2_table.at[POS_NUM].set(0.0)
    word = jax.random.randint(k4, (B, L), 0, VOCAB, dtype=jnp.int64)
    pos1 = jax.random.randint(k5, (B, L), 0, POS_NUM + 1, dtype=jnp.int64)
    pos2 = jax.random.randint(k6, (B, L), 0, POS_NUM + 1, dtype=jnp.int64)
    return {"word_table": word_table, "pos1_table": pos1_table, "pos2_table": pos2_table, "word": word, "pos1": pos1, "pos2": pos2}

def reference(word_table, pos1_table, pos2_table, word, pos1, pos2):
    w = jnp.take(word_table, word, axis=0)
    p1 = jnp.take(pos1_table, pos1, axis=0)
    p2 = jnp.take(pos2_table, pos2, axis=0)
    return jnp.concatenate((w, p1, p2), axis=2)

if __name__ == "__main__":
    import jax
    _d = setup_inputs()
    print(jax.jit(kernel)(*tuple(_d.values())))

</pallas_src>

<mosaic_0001>
#map = affine_map<(d0, d1) -> (0, 0)>
#map1 = affine_map<(d0, d1) -> (0, 0, 0)>
#map2 = affine_map<(d0, d1) -> (0, 0, 0, 0, 0)>
module attributes {stable_mosaic.version = 14 : i64} {
  func.func @k(%arg0: i32, %arg1: i32, %arg2: memref<100000x128xf32, #tpu.memory_space<hbm>>, %arg3: memref<513x16xf32, #tpu.memory_space<hbm>>, %arg4: memref<513x16xf32, #tpu.memory_space<hbm>>, %arg5: memref<32x50x128xi32, #tpu.memory_space<hbm>>, %arg6: memref<32x50x128xi32, #tpu.memory_space<hbm>>, %arg7: memref<32x50x128xi32, #tpu.memory_space<hbm>>, %arg8: memref<200x20x8x8x128xf32, #tpu.memory_space<hbm>>, %arg9: memref<50x128xi32, #tpu.memory_space<vmem>>, %arg10: memref<50x128xi32, #tpu.memory_space<vmem>>, %arg11: memref<50x128xi32, #tpu.memory_space<vmem>>, %arg12: memref<2x128x128xf32, #tpu.memory_space<vmem>>, %arg13: memref<2x128x16xf32, #tpu.memory_space<vmem>>, %arg14: memref<2x128x16xf32, #tpu.memory_space<vmem>>, %arg15: memref<2x20x8x128xf32, #tpu.memory_space<vmem>>, %arg16: memref<!tpu.dma_semaphore, #tpu.memory_space<semaphore_mem>>, %arg17: memref<!tpu.dma_semaphore, #tpu.memory_space<semaphore_mem>>, %arg18: memref<!tpu.dma_semaphore, #tpu.memory_space<semaphore_mem>>, %arg19: memref<!tpu.dma_semaphore, #tpu.memory_space<semaphore_mem>>) attributes {dimension_semantics = [#tpu.dimension_semantics<core_parallel>, #tpu.dimension_semantics<subcore_parallel>], iteration_bounds = array<i64: 2, 16>, scalar_prefetch = 0 : i64, scratch_operands = 11 : i64, tpu.core_type = #tpu.core_type<sc_vector_subcore>, window_params = [{transform_indices = #map}, {transform_indices = #map}, {transform_indices = #map}, {transform_indices = #map1}, {transform_indices = #map1}, {transform_indices = #map1}, {transform_indices = #map2}]} {
    %mul3A = arith.constant 2 : i32
    %mul3A_0 = arith.muli %arg1, %mul3A : i32
    %add3A = arith.addi %mul3A_0, %arg0 : i32
    %mul3A_1 = arith.constant 50 : i32
    %mul3A_2 = arith.muli %add3A, %mul3A_1 : i32
    "tpu.region"() ({
      %run_scoped3A = tpu.sem_alloc : memref<!tpu.dma_semaphore, #tpu.memory_space<semaphore_mem>>
      %dma_start3A_194 = arith.constant 0 : i32
      %dma_start3A_195 = arith.constant 0 : i32
      %dma_start3A_196 = tpu.memref_slice %arg5[%add3A, %dma_start3A_194, %dma_start3A_195] : memref<32x50x128xi32, #tpu.memory_space<hbm>> -> memref<1x50x128xi32, #tpu.memory_space<hbm>>
      %dma_start3A_197 = tpu.memref_squeeze %dma_start3A_196 : memref<1x50x128xi32, #tpu.memory_space<hbm>> -> memref<50x128xi32, #tpu.memory_space<hbm>>
      %dma_start3A_198 = arith.constant 0 : i32
      %dma_start3A_199 = arith.constant 0 : i32
      %dma_start3A_200 = tpu.memref_slice %arg5[%add3A, %dma_start3A_198, %dma_start3A_199] : memref<32x50x128xi32, #tpu.memory_space<hbm>> -> memref<1x50x128xi32, #tpu.memory_space<hbm>>
      %dma_start3A_201 = tpu.memref_squeeze %dma_start3A_200 : memref<1x50x128xi32, #tpu.memory_space<hbm>> -> memref<50x128xi32, #tpu.memory_space<hbm>>
      tpu.enqueue_dma source(%dma_start3A_201 : memref<50x128xi32, #tpu.memory_space<hbm>>) target(%arg9 : memref<50x128xi32, #tpu.memory_space<vmem>>) target_semaphore(%run_scoped3A : memref<!tpu.dma_semaphore, #tpu.memory_space<semaphore_mem>>)
      %dma_wait3A_202 = arith.constant 0 : i32
      %dma_wait3A_203 = arith.constant 0 : i32
      %dma_wait3A_204 = tpu.memref_slice %arg5[%add3A, %dma_wait3A_202, %dma_wait3A_203] : memref<32x50x128xi32, #tpu.memory_space<hbm>> -> memref<1x50x128xi32, #tpu.memory_space<hbm>>
      %dma_wait3A_205 = tpu.memref_squeeze %dma_wait3A_204 : memref<1x50x128xi32, #tpu.memory_space<hbm>> -> memref<50x128xi32, #tpu.memory_space<hbm>>
      %dma_wait3A_206 = arith.constant 0 : i32
      %dma_wait3A_207 = arith.constant 0 : i32
      %dma_wait3A_208 = tpu.memref_slice %arg5[%add3A, %dma_wait3A_206, %dma_wait3A_207] : memref<32x50x128xi32, #tpu.memory_space<hbm>> -> memref<1x50x128xi32, #tpu.memory_space<hbm>>
      %dma_wait3A_209 = tpu.memref_squeeze %dma_wait3A_208 : memref<1x50x128xi32, #tpu.memory_space<hbm>> -> memref<50x128xi32, #tpu.memory_space<hbm>>
      tpu.wait_dma2 semaphore(%run_scoped3A : memref<!tpu.dma_semaphore, #tpu.memory_space<semaphore_mem>>) src(%dma_wait3A_209 : memref<50x128xi32, #tpu.memory_space<hbm>>) dst(%arg9 : memref<50x128xi32, #tpu.memory_space<vmem>>)
      tpu.yield
    }) : () -> ()
    "tpu.region"() ({
      %run_scoped3A = tpu.sem_alloc : memref<!tpu.dma_semaphore, #tpu.memory_space<semaphore_mem>>
      %dma_start3A_194 = arith.constant 0 : i32
      %dma_start3A_195 = arith.constant 0 : i32
      %dma_start3A_196 = tpu.memref_slice %arg6[%add3A, %dma_start3A_194, %dma_start3A_195] : memref<32x50x128xi32, #tpu.memory_space<hbm>> -> memref<1x50x128xi32, #tpu.memory_space<hbm>>
      %dma_start3A_197 = tpu.memref_squeeze %dma_start3A_196 : memref<1x50x128xi32, #tpu.memory_space<hbm>> -> memref<50x128xi32, #tpu.memory_space<hbm>>
      %dma_start3A_198 = arith.constant 0 : i32
      %dma_start3A_199 = arith.constant 0 : i32
      %dma_start3A_200 = tpu.memref_slice %arg6[%add3A, %dma_start3A_198, %dma_start3A_199] : memref<32x50x128xi32, #tpu.memory_space<hbm>> -> memref<1x50x128xi32, #tpu.memory_space<hbm>>
      %dma_start3A_201 = tpu.memref_squeeze %dma_start3A_200 : memref<1x50x128xi32, #tpu.memory_space<hbm>> -> memref<50x128xi32, #tpu.memory_space<hbm>>
      tpu.enqueue_dma source(%dma_start3A_201 : memref<50x128xi32, #tpu.memory_space<hbm>>) target(%arg10 : memref<50x128xi32, #tpu.memory_space<vmem>>) target_semaphore(%run_scoped3A : memref<!tpu.dma_semaphore, #tpu.memory_space<semaphore_mem>>)
      %dma_wait3A_202 = arith.constant 0 : i32
      %dma_wait3A_203 = arith.constant 0 : i32
      %dma_wait3A_204 = tpu.memref_slice %arg6[%add3A, %dma_wait3A_202, %dma_wait3A_203] : memref<32x50x128xi32, #tpu.memory_space<hbm>> -> memref<1x50x128xi32, #tpu.memory_space<hbm>>
      %dma_wait3A_205 = tpu.memref_squeeze %dma_wait3A_204 : memref<1x50x128xi32, #tpu.memory_space<hbm>> -> memref<50x128xi32, #tpu.memory_space<hbm>>
      %dma_wait3A_206 = arith.constant 0 : i32
      %dma_wait3A_207 = arith.constant 0 : i32
      %dma_wait3A_208 = tpu.memref_slice %arg6[%add3A, %dma_wait3A_206, %dma_wait3A_207] : memref<32x50x128xi32, #tpu.memory_space<hbm>> -> memref<1x50x128xi32, #tpu.memory_space<hbm>>
      %dma_wait3A_209 = tpu.memref_squeeze %dma_wait3A_208 : memref<1x50x128xi32, #tpu.memory_space<hbm>> -> memref<50x128xi32, #tpu.memory_space<hbm>>
      tpu.wait_dma2 semaphore(%run_scoped3A : memref<!tpu.dma_semaphore, #tpu.memory_space<semaphore_mem>>) src(%dma_wait3A_209 : memref<50x128xi32, #tpu.memory_space<hbm>>) dst(%arg10 : memref<50x128xi32, #tpu.memory_space<vmem>>)
      tpu.yield
    }) : () -> ()
    "tpu.region"() ({
      %run_scoped3A = tpu.sem_alloc : memref<!tpu.dma_semaphore, #tpu.memory_space<semaphore_mem>>
      %dma_start3A_194 = arith.constant 0 : i32
      %dma_start3A_195 = arith.constant 0 : i32
      %dma_start3A_196 = tpu.memref_slice %arg7[%add3A, %dma_start3A_194, %dma_start3A_195] : memref<32x50x128xi32, #tpu.memory_space<hbm>> -> memref<1x50x128xi32, #tpu.memory_space<hbm>>
      %dma_start3A_197 = tpu.memref_squeeze %dma_start3A_196 : memref<1x50x128xi32, #tpu.memory_space<hbm>> -> memref<50x128xi32, #tpu.memory_space<hbm>>
      %dma_start3A_198 = arith.constant 0 : i32
      %dma_start3A_199 = arith.constant 0 : i32
      %dma_start3A_200 = tpu.memref_slice %arg7[%add3A, %dma_start3A_198, %dma_start3A_199] : memref<32x50x128xi32, #tpu.memory_space<hbm>> -> memref<1x50x128xi32, #tpu.memory_space<hbm>>
      %dma_start3A_201 = tpu.memref_squeeze %dma_start3A_200 : memref<1x50x128xi32, #tpu.memory_space<hbm>> -> memref<50x128xi32, #tpu.memory_space<hbm>>
      tpu.enqueue_dma source(%dma_start3A_201 : memref<50x128xi32, #tpu.memory_space<hbm>>) target(%arg11 : memref<50x128xi32, #tpu.memory_space<vmem>>) target_semaphore(%run_scoped3A : memref<!tpu.dma_semaphore, #tpu.memory_space<semaphore_mem>>)
      %dma_wait3A_202 = arith.constant 0 : i32
      %dma_wait3A_203 = arith.constant 0 : i32
      %dma_wait3A_204 = tpu.memref_slice %arg7[%add3A, %dma_wait3A_202, %dma_wait3A_203] : memref<32x50x128xi32, #tpu.memory_space<hbm>> -> memref<1x50x128xi32, #tpu.memory_space<hbm>>
      %dma_wait3A_205 = tpu.memref_squeeze %dma_wait3A_204 : memref<1x50x128xi32, #tpu.memory_space<hbm>> -> memref<50x128xi32, #tpu.memory_space<hbm>>
      %dma_wait3A_206 = arith.constant 0 : i32
      %dma_wait3A_207 = arith.constant 0 : i32
      %dma_wait3A_208 = tpu.memref_slice %arg7[%add3A, %dma_wait3A_206, %dma_wait3A_207] : memref<32x50x128xi32, #tpu.memory_space<hbm>> -> memref<1x50x128xi32, #tpu.memory_space<hbm>>
      %dma_wait3A_209 = tpu.memref_squeeze %dma_wait3A_208 : memref<1x50x128xi32, #tpu.memory_space<hbm>> -> memref<50x128xi32, #tpu.memory_space<hbm>>
      tpu.wait_dma2 semaphore(%run_scoped3A : memref<!tpu.dma_semaphore, #tpu.memory_space<semaphore_mem>>) src(%dma_wait3A_209 : memref<50x128xi32, #tpu.memory_space<hbm>>) dst(%arg11 : memref<50x128xi32, #tpu.memory_space<vmem>>)
      tpu.yield
    }) : () -> ()
    %iota3A = tpu.iota {dimensions = array<i32: 0>} : vector<16xi32>
    %dma_start3A = arith.constant 0 : i32
    %dma_start3A_3 = arith.constant 0 : i32
    %dma_start3A_4 = arith.constant 0 : i32
    %dma_start3A_5 = arith.constant 0 : i32
    %dma_start3A_6 = tpu.memref_slice %arg12[%dma_start3A_3, %dma_start3A_4, %dma_start3A_5] : memref<2x128x128xf32, #tpu.memory_space<vmem>> -> memref<1x128x128xf32, #tpu.memory_space<vmem>>
    %dma_start3A_7 = tpu.memref_squeeze %dma_start3A_6 : memref<1x128x128xf32, #tpu.memory_space<vmem>> -> memref<128x128xf32, #tpu.memory_space<vmem>>
    %dma_start3A_8 = arith.constant 0 : i32
    %dma_start3A_9 = tpu.memref_slice %arg9[%dma_start3A, %dma_start3A_8] : memref<50x128xi32, #tpu.memory_space<vmem>> -> memref<1x128xi32, #tpu.memory_space<vmem>>
    %dma_start3A_10 = tpu.memref_squeeze %dma_start3A_9 : memref<1x128xi32, #tpu.memory_space<vmem>> -> memref<128xi32, #tpu.memory_space<vmem>>
    %dma_start3A_11 = arith.constant 0 : i32
    %dma_start3A_12 = arith.constant 0 : i32
    %dma_start3A_13 = tpu.memref_slice %arg2[%dma_start3A_11, %dma_start3A_12] : memref<100000x128xf32, #tpu.memory_space<hbm>> -> memref<100000x128xf32, #tpu.memory_space<hbm>>
    tpu.enqueue_indirect_dma source(%dma_start3A_13 : memref<100000x128xf32, #tpu.memory_space<hbm>>) target(%dma_start3A_7 : memref<128x128xf32, #tpu.memory_space<vmem>>) offsets(%dma_start3A_10 : memref<128xi32, #tpu.memory_space<vmem>>) semaphore(%arg16 : memref<!tpu.dma_semaphore, #tpu.memory_space<semaphore_mem>>)
    %dma_start3A_14 = arith.constant 0 : i32
    %dma_start3A_15 = arith.constant 0 : i32
    %dma_start3A_16 = arith.constant 0 : i32
    %dma_start3A_17 = arith.constant 0 : i32
    %dma_start3A_18 = tpu.memref_slice %arg13[%dma_start3A_15, %dma_start3A_16, %dma_start3A_17] : memref<2x128x16xf32, #tpu.memory_space<vmem>> -> memref<1x128x16xf32, #tpu.memory_space<vmem>>
    %dma_start3A_19 = tpu.memref_squeeze %dma_start3A_18 : memref<1x128x16xf32, #tpu.memory_space<vmem>> -> memref<128x16xf32, #tpu.memory_space<vmem>>
    %dma_start3A_20 = arith.constant 0 : i32
    %dma_start3A_21 = tpu.memref_slice %arg10[%dma_start3A_14, %dma_start3A_20] : memref<50x128xi32, #tpu.memory_space<vmem>> -> memref<1x128xi32, #tpu.memory_space<vmem>>
    %dma_start3A_22 = tpu.memref_squeeze %dma_start3A_21 : memref<1x128xi32, #tpu.memory_space<vmem>> -> memref<128xi32, #tpu.memory_space<vmem>>
    %dma_start3A_23 = arith.constant 0 : i32
    %dma_start3A_24 = arith.constant 0 : i32
    %dma_start3A_25 = tpu.memref_slice %arg3[%dma_start3A_23, %dma_start3A_24] : memref<513x16xf32, #tpu.memory_space<hbm>> -> memref<513x16xf32, #tpu.memory_space<hbm>>
    tpu.enqueue_indirect_dma source(%dma_start3A_25 : memref<513x16xf32, #tpu.memory_space<hbm>>) target(%dma_start3A_19 : memref<128x16xf32, #tpu.memory_space<vmem>>) offsets(%dma_start3A_22 : memref<128xi32, #tpu.memory_space<vmem>>) semaphore(%arg16 : memref<!tpu.dma_semaphore, #tpu.memory_space<semaphore_mem>>)
    %dma_start3A_26 = arith.constant 0 : i32
    %dma_start3A_27 = arith.constant 0 : i32
    %dma_start3A_28 = arith.constant 0 : i32
    %dma_start3A_29 = arith.constant 0 : i32
    %dma_start3A_30 = tpu.memref_slice %arg14[%dma_start3A_27, %dma_start3A_28, %dma_start3A_29] : memref<2x128x16xf32, #tpu.memory_space<vmem>> -> memref<1x128x16xf32, #tpu.memory_space<vmem>>
    %dma_start3A_31 = tpu.memref_squeeze %dma_start3A_30 : memref<1x128x16xf32, #tpu.memory_space<vmem>> -> memref<128x16xf32, #tpu.memory_space<vmem>>
    %dma_start3A_32 = arith.constant 0 : i32
    %dma_start3A_33 = tpu.memref_slice %arg11[%dma_start3A_26, %dma_start3A_32] : memref<50x128xi32, #tpu.memory_space<vmem>> -> memref<1x128xi32, #tpu.memory_space<vmem>>
    %dma_start3A_34 = tpu.memref_squeeze %dma_start3A_33 : memref<1x128xi32, #tpu.memory_space<vmem>> -> memref<128xi32, #tpu.memory_space<vmem>>
    %dma_start3A_35 = arith.constant 0 : i32
    %dma_start3A_36 = arith.constant 0 : i32
    %dma_start3A_37 = tpu.memref_slice %arg4[%dma_start3A_35, %dma_start3A_36] : memref<513x16xf32, #tpu.memory_space<hbm>> -> memref<513x16xf32, #tpu.memory_space<hbm>>
    tpu.enqueue_indirect_dma source(%dma_start3A_37 : memref<513x16xf32, #tpu.memory_space<hbm>>) target(%dma_start3A_31 : memref<128x16xf32, #tpu.memory_space<vmem>>) offsets(%dma_start3A_34 : memref<128xi32, #tpu.memory_space<vmem>>) semaphore(%arg16 : memref<!tpu.dma_semaphore, #tpu.memory_space<semaphore_mem>>)
    %dma_start3A_38 = arith.constant 1 : i32
    %dma_start3A_39 = arith.constant 1 : i32
    %dma_start3A_40 = arith.constant 0 : i32
    %dma_start3A_41 = arith.constant 0 : i32
    %dma_start3A_42 = tpu.memref_slice %arg12[%dma_start3A_39, %dma_start3A_40, %dma_start3A_41] : memref<2x128x128xf32, #tpu.memory_space<vmem>> -> memref<1x128x128xf32, #tpu.memory_space<vmem>>
    %dma_start3A_43 = tpu.memref_squeeze %dma_start3A_42 : memref<1x128x128xf32, #tpu.memory_space<vmem>> -> memref<128x128xf32, #tpu.memory_space<vmem>>
    %dma_start3A_44 = arith.constant 0 : i32
    %dma_start3A_45 = tpu.memref_slice %arg9[%dma_start3A_38, %dma_start3A_44] : memref<50x128xi32, #tpu.memory_space<vmem>> -> memref<1x128xi32, #tpu.memory_space<vmem>>
    %dma_start3A_46 = tpu.memref_squeeze %dma_start3A_45 : memref<1x128xi32, #tpu.memory_space<vmem>> -> memref<128xi32, #tpu.memory_space<vmem>>
    %dma_start3A_47 = arith.constant 0 : i32
    %dma_start3A_48 = arith.constant 0 : i32
    %dma_start3A_49 = tpu.memref_slice %arg2[%dma_start3A_47, %dma_start3A_48] : memref<100000x128xf32, #tpu.memory_space<hbm>> -> memref<100000x128xf32, #tpu.memory_space<hbm>>
    tpu.enqueue_indirect_dma source(%dma_start3A_49 : memref<100000x128xf32, #tpu.memory_space<hbm>>) target(%dma_start3A_43 : memref<128x128xf32, #tpu.memory_space<vmem>>) offsets(%dma_start3A_46 : memref<128xi32, #tpu.memory_space<vmem>>) semaphore(%arg17 : memref<!tpu.dma_semaphore, #tpu.memory_space<semaphore_mem>>)
    %dma_start3A_50 = arith.constant 1 : i32
    %dma_start3A_51 = arith.constant 1 : i32
    %dma_start3A_52 = arith.constant 0 : i32
    %dma_start3A_53 = arith.constant 0 : i32
    %dma_start3A_54 = tpu.memref_slice %arg13[%dma_start3A_51, %dma_start3A_52, %dma_start3A_53] : memref<2x128x16xf32, #tpu.memory_space<vmem>> -> memref<1x128x16xf32, #tpu.memory_space<vmem>>
    %dma_start3A_55 = tpu.memref_squeeze %dma_start3A_54 : memref<1x128x16xf32, #tpu.memory_space<vmem>> -> memref<128x16xf32, #tpu.memory_space<vmem>>
    %dma_start3A_56 = arith.constant 0 : i32
    %dma_start3A_57 = tpu.memref_slice %arg10[%dma_start3A_50, %dma_start3A_56] : memref<50x128xi32, #tpu.memory_space<vmem>> -> memref<1x128xi32, #tpu.memory_space<vmem>>
    %dma_start3A_58 = tpu.memref_squeeze %dma_start3A_57 : memref<1x128xi32, #tpu.memory_space<vmem>> -> memref<128xi32, #tpu.memory_space<vmem>>
    %dma_start3A_59 = arith.constant 0 : i32
    %dma_start3A_60 = arith.constant 0 : i32
    %dma_start3A_61 = tpu.memref_slice %arg3[%dma_start3A_59, %dma_start3A_60] : memref<513x16xf32, #tpu.memory_space<hbm>> -> memref<513x16xf32, #tpu.memory_space<hbm>>
    tpu.enqueue_indirect_dma source(%dma_start3A_61 : memref<513x16xf32, #tpu.memory_space<hbm>>) target(%dma_start3A_55 : memref<128x16xf32, #tpu.memory_space<vmem>>) offsets(%dma_start3A_58 : memref<128xi32, #tpu.memory_space<vmem>>) semaphore(%arg17 : memref<!tpu.dma_semaphore, #tpu.memory_space<semaphore_mem>>)
    %dma_start3A_62 = arith.constant 1 : i32
    %dma_start3A_63 = arith.constant 1 : i32
    %dma_start3A_64 = arith.constant 0 : i32
    %dma_start3A_65 = arith.constant 0 : i32
    %dma_start3A_66 = tpu.memref_slice %arg14[%dma_start3A_63, %dma_start3A_64, %dma_start3A_65] : memref<2x128x16xf32, #tpu.memory_space<vmem>> -> memref<1x128x16xf32, #tpu.memory_space<vmem>>
    %dma_start3A_67 = tpu.memref_squeeze %dma_start3A_66 : memref<1x128x16xf32, #tpu.memory_space<vmem>> -> memref<128x16xf32, #tpu.memory_space<vmem>>
    %dma_start3A_68 = arith.constant 0 : i32
    %dma_start3A_69 = tpu.memref_slice %arg11[%dma_start3A_62, %dma_start3A_68] : memref<50x128xi32, #tpu.memory_space<vmem>> -> memref<1x128xi32, #tpu.memory_space<vmem>>
    %dma_start3A_70 = tpu.memref_squeeze %dma_start3A_69 : memref<1x128xi32, #tpu.memory_space<vmem>> -> memref<128xi32, #tpu.memory_space<vmem>>
    %dma_start3A_71 = arith.constant 0 : i32
    %dma_start3A_72 = arith.constant 0 : i32
    %dma_start3A_73 = tpu.memref_slice %arg4[%dma_start3A_71, %dma_start3A_72] : memref<513x16xf32, #tpu.memory_space<hbm>> -> memref<513x16xf32, #tpu.memory_space<hbm>>
    tpu.enqueue_indirect_dma source(%dma_start3A_73 : memref<513x16xf32, #tpu.memory_space<hbm>>) target(%dma_start3A_67 : memref<128x16xf32, #tpu.memory_space<vmem>>) offsets(%dma_start3A_70 : memref<128xi32, #tpu.memory_space<vmem>>) semaphore(%arg17 : memref<!tpu.dma_semaphore, #tpu.memory_space<semaphore_mem>>)
    %scan3A = arith.constant 0 : i32
    %scan3A_74 = arith.constant 0 : i32
    %scan3A_75 = arith.constant 25 : i32
    %scan3A_76 = arith.addi %scan3A_74, %scan3A_75 : i32
    %scan3A_77 = arith.constant 1 : i32
    scf.for %scan3A_194 = %scan3A_74 to %scan3A_76 step %scan3A_77  : i32 {
      %mul3A_195 = arith.constant 2 : i32
      %mul3A_196 = arith.muli %scan3A_194, %mul3A_195 : i32
      %add3A_197 = arith.constant 0 : i32
      %add3A_198 = arith.addi %mul3A_196, %add3A_197 : i32
      %dma_wait3A_199 = arith.constant 0 : i32
      %dma_wait3A_200 = arith.constant 0 : i32
      %dma_wait3A_201 = arith.constant 0 : i32
      %dma_wait3A_202 = tpu.memref_slice %arg12[%dma_wait3A_199, %dma_wait3A_200, %dma_wait3A_201] : memref<2x128x128xf32, #tpu.memory_space<vmem>> -> memref<1x128x128xf32, #tpu.memory_space<vmem>>
      %dma_wait3A_203 = tpu.memref_squeeze %dma_wait3A_202 : memref<1x128x128xf32, #tpu.memory_space<vmem>> -> memref<128x128xf32, #tpu.memory_space<vmem>>
      %dma_wait3A_204 = arith.constant 0 : i32
      %dma_wait3A_205 = tpu.memref_slice %arg9[%add3A_198, %dma_wait3A_204] : memref<50x128xi32, #tpu.memory_space<vmem>> -> memref<1x128xi32, #tpu.memory_space<vmem>>
      %dma_wait3A_206 = tpu.memref_squeeze %dma_wait3A_205 : memref<1x128xi32, #tpu.memory_space<vmem>> -> memref<128xi32, #tpu.memory_space<vmem>>
      %dma_wait3A_207 = arith.constant 0 : i32
      %dma_wait3A_208 = arith.constant 0 : i32
      %dma_wait3A_209 = tpu.memref_slice %arg2[%dma_wait3A_207, %dma_wait3A_208] : memref<100000x128xf32, #tpu.memory_space<hbm>> -> memref<100000x128xf32, #tpu.memory_space<hbm>>
      tpu.wait_indirect_dma semaphore(%arg16 : memref<!tpu.dma_semaphore, #tpu.memory_space<semaphore_mem>>) src(%dma_wait3A_209 : memref<100000x128xf32, #tpu.memory_space<hbm>>) dst(%dma_wait3A_203 : memref<128x128xf32, #tpu.memory_space<vmem>>)
      %dma_wait3A_210 = arith.constant 0 : i32
      %dma_wait3A_211 = arith.constant 0 : i32
      %dma_wait3A_212 = arith.constant 0 : i32
      %dma_wait3A_213 = tpu.memref_slice %arg13[%dma_wait3A_210, %dma_wait3A_211, %dma_wait3A_212] : memref<2x128x16xf32, #tpu.memory_space<vmem>> -> memref<1x128x16xf32, #tpu.memory_space<vmem>>
      %dma_wait3A_214 = tpu.memref_squeeze %dma_wait3A_213 : memref<1x128x16xf32, #tpu.memory_space<vmem>> -> memref<128x16xf32, #tpu.memory_space<vmem>>
      %dma_wait3A_215 = arith.constant 0 : i32
      %dma_wait3A_216 = tpu.memref_slice %arg10[%add3A_198, %dma_wait3A_215] : memref<50x128xi32, #tpu.memory_space<vmem>> -> memref<1x128xi32, #tpu.memory_space<vmem>>
      %dma_wait3A_217 = tpu.memref_squeeze %dma_wait3A_216 : memref<1x128xi32, #tpu.memory_space<vmem>> -> memref<128xi32, #tpu.memory_space<vmem>>
      %dma_wait3A_218 = arith.constant 0 : i32
      %dma_wait3A_219 = arith.constant 0 : i32
      %dma_wait3A_220 = tpu.memref_slice %arg3[%dma_wait3A_218, %dma_wait3A_219] : memref<513x16xf32, #tpu.memory_space<hbm>> -> memref<513x16xf32, #tpu.memory_space<hbm>>
      tpu.wait_indirect_dma semaphore(%arg16 : memref<!tpu.dma_semaphore, #tpu.memory_space<semaphore_mem>>) src(%dma_wait3A_220 : memref<513x16xf32, #tpu.memory_space<hbm>>) dst(%dma_wait3A_214 : memref<128x16xf32, #tpu.memory_space<vmem>>)
      %dma_wait3A_221 = arith.constant 0 : i32
      %dma_wait3A_222 = arith.constant 0 : i32
      %dma_wait3A_223 = arith.constant 0 : i32
      %dma_wait3A_224 = tpu.memref_slice %arg14[%dma_wait3A_221, %dma_wait3A_222, %dma_wait3A_223] : memref<2x128x16xf32, #tpu.memory_space<vmem>> -> memref<1x128x16xf32, #tpu.memory_space<vmem>>
      %dma_wait3A_225 = tpu.memref_squeeze %dma_wait3A_224 : memref<1x128x16xf32, #tpu.memory_space<vmem>> -> memref<128x16xf32, #tpu.memory_space<vmem>>
      %dma_wait3A_226 = arith.constant 0 : i32
      %dma_wait3A_227 = tpu.memref_slice %arg11[%add3A_198, %dma_wait3A_226] : memref<50x128xi32, #tpu.memory_space<vmem>> -> memref<1x128xi32, #tpu.memory_space<vmem>>
      %dma_wait3A_228 = tpu.memref_squeeze %dma_wait3A_227 : memref<1x128xi32, #tpu.memory_space<vmem>> -> memref<128xi32, #tpu.memory_space<vmem>>
      %dma_wait3A_229 = arith.constant 0 : i32
      %dma_wait3A_230 = arith.constant 0 : i32
      %dma_wait3A_231 = tpu.memref_slice %arg4[%dma_wait3A_229, %dma_wait3A_230] : memref<513x16xf32, #tpu.memory_space<hbm>> -> memref<513x16xf32, #tpu.memory_space<hbm>>
      tpu.wait_indirect_dma semaphore(%arg16 : memref<!tpu.dma_semaphore, #tpu.memory_space<semaphore_mem>>) src(%dma_wait3A_231 : memref<513x16xf32, #tpu.memory_space<hbm>>) dst(%dma_wait3A_225 : memref<128x16xf32, #tpu.memory_space<vmem>>)
      %ge3A = arith.constant 1 : i32
      %ge3A_232 = arith.cmpi sge, %scan3A_194, %ge3A : i32
      %convert_element_type3A = arith.extui %ge3A_232 : i1 to i32
      %cond3A = arith.constant 0 : i32
      %cond3A_233 = arith.cmpi ne, %convert_element_type3A, %cond3A : i32
      scf.if %cond3A_233 {
        %sub3A_431 = arith.constant 2 : i32
        %sub3A_432 = arith.subi %add3A_198, %sub3A_431 : i32
        %add3A_433 = arith.addi %mul3A_2, %sub3A_432 : i32
        %jit3A_434 = arith.constant 8 : i32
        %div3A_435 = arith.divsi %add3A_433, %jit3A_434 : i32
        %sign3A_436 = arith.constant 0 : i32
        %sign3A_437 = arith.cmpi sgt, %add3A_433, %sign3A_436 : i32
        %sign3A_438 = arith.extui %sign3A_437 : i1 to i32
        %sign3A_439 = arith.constant 0 : i32
        %sign3A_440 = arith.cmpi slt, %add3A_433, %sign3A_439 : i32
        %sign3A_441 = arith.extui %sign3A_440 : i1 to i32
        %sign3A_442 = arith.subi %sign3A_438, %sign3A_441 : i32
        %sign3A_443 = arith.constant 0 : i32
        %sign3A_444 = arith.cmpi sgt, %jit3A_434, %sign3A_443 : i32
        %sign3A_445 = arith.extui %sign3A_444 : i1 to i32
        %sign3A_446 = arith.constant 0 : i32
        %sign3A_447 = arith.cmpi slt, %jit3A_434, %sign3A_446 : i32
        %sign3A_448 = arith.extui %sign3A_447 : i1 to i32
        %sign3A_449 = arith.subi %sign3A_445, %sign3A_448 : i32
        %ne3A_450 = arith.cmpi ne, %sign3A_442, %sign3A_449 : i32
        %rem3A_451 = arith.remsi %add3A_433, %jit3A_434 : i32
        %ne3A_452 = arith.constant 0 : i32
        %ne3A_453 = arith.cmpi ne, %rem3A_451, %ne3A_452 : i32
        %and3A_454 = arith.andi %ne3A_450, %ne3A_453 : i1
        %sub3A_455 = arith.constant 1 : i32
        %sub3A_456 = arith.subi %div3A_435, %sub3A_455 : i32
        %select_n3A_457 = arith.select %and3A_454, %sub3A_456, %div3A_435 : i32
        %jit3A_458 = arith.constant 8 : i32
        %eq3A_459 = arith.constant 0 : i32
        %eq3A_460 = arith.cmpi eq, %jit3A_458, %eq3A_459 : i32
        %jit3A_461 = arith.constant 1 : i32
        %select_n3A_462 = arith.select %eq3A_460, %jit3A_461, %jit3A_458 : i32
        %rem3A_463 = arith.remsi %add3A_433, %select_n3A_462 : i32
        %ne3A_464 = arith.constant 0 : i32
        %ne3A_465 = arith.cmpi ne, %rem3A_463, %ne3A_464 : i32
        %lt3A_466 = arith.constant 0 : i32
        %lt3A_467 = arith.cmpi slt, %rem3A_463, %lt3A_466 : i32
        %lt3A_468 = arith.constant 0 : i32
        %lt3A_469 = arith.cmpi slt, %select_n3A_462, %lt3A_468 : i32
        %ne3A_470 = arith.xori %lt3A_467, %lt3A_469 : i1
        %and3A_471 = arith.andi %ne3A_470, %ne3A_465 : i1
        %add3A_472 = arith.addi %rem3A_463, %select_n3A_462 : i32
        %select_n3A_473 = arith.select %and3A_471, %add3A_472, %rem3A_463 : i32
        %dma_wait3A_474 = arith.constant 0 : i32
        %dma_wait3A_475 = arith.constant 0 : i32
        %dma_wait3A_476 = arith.constant 0 : i32
        %dma_wait3A_477 = arith.constant 0 : i32
        %dma_wait3A_478 = tpu.memref_slice %arg15[%dma_wait3A_474, %dma_wait3A_475, %dma_wait3A_476, %dma_wait3A_477] : memref<2x20x8x128xf32, #tpu.memory_space<vmem>> -> memref<1x20x8x128xf32, #tpu.memory_space<vmem>>
        %dma_wait3A_479 = tpu.memref_squeeze %dma_wait3A_478 : memref<1x20x8x128xf32, #tpu.memory_space<vmem>> -> memref<20x8x128xf32, #tpu.memory_space<vmem>>
        %dma_wait3A_480 = arith.constant 0 : i32
        %dma_wait3A_481 = arith.constant 0 : i32
        %dma_wait3A_482 = arith.constant 0 : i32
        %dma_wait3A_483 = tpu.memref_slice %arg8[%select_n3A_457, %dma_wait3A_480, %select_n3A_473, %dma_wait3A_481, %dma_wait3A_482] : memref<200x20x8x8x128xf32, #tpu.memory_space<hbm>> -> memref<1x20x1x8x128xf32, #tpu.memory_space<hbm>>
        %dma_wait3A_484 = tpu.memref_squeeze %dma_wait3A_483 : memref<1x20x1x8x128xf32, #tpu.memory_space<hbm>> -> memref<20x8x128xf32, #tpu.memory_space<hbm>>
        %dma_wait3A_485 = arith.constant 0 : i32
        %dma_wait3A_486 = arith.constant 0 : i32
        %dma_wait3A_487 = arith.constant 0 : i32
        %dma_wait3A_488 = tpu.memref_slice %arg8[%select_n3A_457, %dma_wait3A_485, %select_n3A_473, %dma_wait3A_486, %dma_wait3A_487] : memref<200x20x8x8x128xf32, #tpu.memory_space<hbm>> -> memref<1x20x1x8x128xf32, #tpu.memory_space<hbm>>
        %dma_wait3A_489 = tpu.memref_squeeze %dma_wait3A_488 : memref<1x20x1x8x128xf32, #tpu.memory_space<hbm>> -> memref<20x8x128xf32, #tpu.memory_space<hbm>>
        %dma_wait3A_490 = arith.constant 0 : i32
        %dma_wait3A_491 = arith.constant 0 : i32
        %dma_wait3A_492 = arith.constant 0 : i32
        %dma_wait3A_493 = tpu.memref_slice %arg15[%dma_wait3A_474, %dma_wait3A_490, %dma_wait3A_491, %dma_wait3A_492] : memref<2x20x8x128xf32, #tpu.memory_space<vmem>> -> memref<1x20x8x128xf32, #tpu.memory_space<vmem>>
        %dma_wait3A_494 = tpu.memref_squeeze %dma_wait3A_493 : memref<1x20x8x128xf32, #tpu.memory_space<vmem>> -> memref<20x8x128xf32, #tpu.memory_space<vmem>>
        tpu.wait_dma2 semaphore(%arg18 : memref<!tpu.dma_semaphore, #tpu.memory_space<semaphore_mem>>) src(%dma_wait3A_494 : memref<20x8x128xf32, #tpu.memory_space<vmem>>) dst(%dma_wait3A_489 : memref<20x8x128xf32, #tpu.memory_space<hbm>>)
      } else {
      }
      %parallel_loop3A = arith.constant 0 : i32
      %parallel_loop3A_234 = arith.constant 64 : i32
      %parallel_loop3A_235 = arith.constant 1 : i32
      scf.for %parallel_loop3A_431 = %parallel_loop3A to %parallel_loop3A_234 step %parallel_loop3A_235  : i32 {
        %parallel_loop3A_432 = vector.broadcast %parallel_loop3A_431 : i32 to vector<16xi32>
        %parallel_loop3A_433 = arith.constant 0 : i32
        %parallel_loop3A_434 = vector.broadcast %parallel_loop3A_433 : i32 to vector<16xi32>
        %parallel_loop3A_435 = arith.addi %parallel_loop3A_434, %iota3A : vector<16xi32>
        %parallel_loop3A_436 = arith.constant 0 : i32
        %parallel_loop3A_437 = arith.constant 0 : i32
        %parallel_loop3A_438 = arith.constant 0 : i32
        %parallel_loop3A_439 = tpu.memref_slice %arg12[%parallel_loop3A_436, %parallel_loop3A_437, %parallel_loop3A_438] : memref<2x128x128xf32, #tpu.memory_space<vmem>> -> memref<1x128x128xf32, #tpu.memory_space<vmem>>
        %parallel_loop3A_440 = tpu.memref_squeeze %parallel_loop3A_439 : memref<1x128x128xf32, #tpu.memory_space<vmem>> -> memref<128x128xf32, #tpu.memory_space<vmem>>
        %parallel_loop3A_441 = tpu.vector_load_idx %parallel_loop3A_440[%parallel_loop3A_435, %parallel_loop3A_432] : memref<128x128xf32, #tpu.memory_space<vmem>>[vector<16xi32>, vector<16xi32>], vector<16xf32>,
        %parallel_loop3A_442 = arith.constant 8 : i32
        %parallel_loop3A_443 = arith.divsi %parallel_loop3A_431, %parallel_loop3A_442 : i32
        %parallel_loop3A_444 = arith.constant 0 : i32
        %parallel_loop3A_445 = arith.cmpi sgt, %parallel_loop3A_431, %parallel_loop3A_444 : i32
        %parallel_loop3A_446 = arith.extui %parallel_loop3A_445 : i1 to i32
        %parallel_loop3A_447 = arith.constant 0 : i32
        %parallel_loop3A_448 = arith.cmpi slt, %parallel_loop3A_431, %parallel_loop3A_447 : i32
        %parallel_loop3A_449 = arith.extui %parallel_loop3A_448 : i1 to i32
        %parallel_loop3A_450 = arith.subi %parallel_loop3A_446, %parallel_loop3A_449 : i32
        %parallel_loop3A_451 = arith.constant 0 : i32
        %parallel_loop3A_452 = arith.cmpi sgt, %parallel_loop3A_442, %parallel_loop3A_451 : i32
        %parallel_loop3A_453 = arith.extui %parallel_loop3A_452 : i1 to i32
        %parallel_loop3A_454 = arith.constant 0 : i32
        %parallel_loop3A_455 = arith.cmpi slt, %parallel_loop3A_442, %parallel_loop3A_454 : i32
        %parallel_loop3A_456 = arith.extui %parallel_loop3A_455 : i1 to i32
        %parallel_loop3A_457 = arith.subi %parallel_loop3A_453, %parallel_loop3A_456 : i32
        %parallel_loop3A_458 = arith.cmpi ne, %parallel_loop3A_450, %parallel_loop3A_457 : i32
        %parallel_loop3A_459 = arith.remsi %parallel_loop3A_431, %parallel_loop3A_442 : i32
        %parallel_loop3A_460 = arith.constant 0 : i32
        %parallel_loop3A_461 = arith.cmpi ne, %parallel_loop3A_459, %parallel_loop3A_460 : i32
        %parallel_loop3A_462 = arith.andi %parallel_loop3A_458, %parallel_loop3A_461 : i1
        %parallel_loop3A_463 = arith.constant 1 : i32
        %parallel_loop3A_464 = arith.subi %parallel_loop3A_443, %parallel_loop3A_463 : i32
        %parallel_loop3A_465 = arith.select %parallel_loop3A_462, %parallel_loop3A_464, %parallel_loop3A_443 : i32
        %parallel_loop3A_466 = arith.constant 8 : i32
        %parallel_loop3A_467 = arith.constant 0 : i32
        %parallel_loop3A_468 = arith.cmpi eq, %parallel_loop3A_466, %parallel_loop3A_467 : i32
        %parallel_loop3A_469 = arith.constant 1 : i32
        %parallel_loop3A_470 = arith.select %parallel_loop3A_468, %parallel_loop3A_469, %parallel_loop3A_466 : i32
        %parallel_loop3A_471 = arith.remsi %parallel_loop3A_431, %parallel_loop3A_470 : i32
        %parallel_loop3A_472 = arith.constant 0 : i32
        %parallel_loop3A_473 = arith.cmpi ne, %parallel_loop3A_471, %parallel_loop3A_472 : i32
        %parallel_loop3A_474 = arith.constant 0 : i32
        %parallel_loop3A_475 = arith.cmpi slt, %parallel_loop3A_471, %parallel_loop3A_474 : i32
        %parallel_loop3A_476 = arith.constant 0 : i32
        %parallel_loop3A_477 = arith.cmpi slt, %parallel_loop3A_470, %parallel_loop3A_476 : i32
        %parallel_loop3A_478 = arith.xori %parallel_loop3A_475, %parallel_loop3A_477 : i1
        %parallel_loop3A_479 = arith.andi %parallel_loop3A_478, %parallel_loop3A_473 : i1
        %parallel_loop3A_480 = arith.addi %parallel_loop3A_471, %parallel_loop3A_470 : i32
        %parallel_loop3A_481 = arith.select %parallel_loop3A_479, %parallel_loop3A_480, %parallel_loop3A_471 : i32
        %parallel_loop3A_482 = arith.constant 0 : i32
        %parallel_loop3A_483 = arith.index_cast %parallel_loop3A_482 : i32 to index
        %parallel_loop3A_484 = arith.index_cast %parallel_loop3A_465 : i32 to index
        %parallel_loop3A_485 = arith.index_cast %parallel_loop3A_481 : i32 to index
        %parallel_loop3A_486 = arith.constant 0 : index
        %parallel_loop3A_487 = tpu.vector_load %arg15[%parallel_loop3A_483, %parallel_loop3A_484, %parallel_loop3A_485, %parallel_loop3A_486] {strides = array<i32>} : memref<2x20x8x128xf32, #tpu.memory_space<vmem>>, vector<16xf32>,
        tpu.vector_store %arg15[%parallel_loop3A_483, %parallel_loop3A_484, %parallel_loop3A_485, %parallel_loop3A_486], %parallel_loop3A_441 {strides = array<i32>} : memref<2x20x8x128xf32, #tpu.memory_space<vmem>>, vector<16xf32>,
        %parallel_loop3A_488 = arith.constant 16 : i32
        %parallel_loop3A_489 = vector.broadcast %parallel_loop3A_488 : i32 to vector<16xi32>
        %parallel_loop3A_490 = arith.addi %parallel_loop3A_489, %iota3A : vector<16xi32>
        %parallel_loop3A_491 = arith.constant 0 : i32
        %parallel_loop3A_492 = arith.constant 0 : i32
        %parallel_loop3A_493 = arith.constant 0 : i32
        %parallel_loop3A_494 = tpu.memref_slice %arg12[%parallel_loop3A_491, %parallel_loop3A_492, %parallel_loop3A_493] : memref<2x128x128xf32, #tpu.memory_space<vmem>> -> memref<1x128x128xf32, #tpu.memory_space<vmem>>
        %parallel_loop3A_495 = tpu.memref_squeeze %parallel_loop3A_494 : memref<1x128x128xf32, #tpu.memory_space<vmem>> -> memref<128x128xf32, #tpu.memory_space<vmem>>
        %parallel_loop3A_496 = tpu.vector_load_idx %parallel_loop3A_495[%parallel_loop3A_490, %parallel_loop3A_432] : memref<128x128xf32, #tpu.memory_space<vmem>>[vector<16xi32>, vector<16xi32>], vector<16xf32>,
        %parallel_loop3A_497 = arith.constant 8 : i32
        %parallel_loop3A_498 = arith.divsi %parallel_loop3A_431, %parallel_loop3A_497 : i32
        %parallel_loop3A_499 = arith.constant 0 : i32
        %parallel_loop3A_500 = arith.cmpi sgt, %parallel_loop3A_431, %parallel_loop3A_499 : i32
        %parallel_loop3A_501 = arith.extui %parallel_loop3A_500 : i1 to i32
        %parallel_loop3A_502 = arith.constant 0 : i32
        %parallel_loop3A_503 = arith.cmpi slt, %parallel_loop3A_431, %parallel_loop3A_502 : i32
        %parallel_loop3A_504 = arith.extui %parallel_loop3A_503 : i1 to i32
        %parallel_loop3A_505 = arith.subi %parallel_loop3A_501, %parallel_loop3A_504 : i32
        %parallel_loop3A_506 = arith.constant 0 : i32
        %parallel_loop3A_507 = arith.cmpi sgt, %parallel_loop3A_497, %parallel_loop3A_506 : i32
        %parallel_loop3A_508 = arith.extui %parallel_loop3A_507 : i1 to i32
        %parallel_loop3A_509 = arith.constant 0 : i32
        %parallel_loop3A_510 = arith.cmpi slt, %parallel_loop3A_497, %parallel_loop3A_509 : i32
        %parallel_loop3A_511 = arith.extui %parallel_loop3A_510 : i1 to i32
        %parallel_loop3A_512 = arith.subi %parallel_loop3A_508, %parallel_loop3A_511 : i32
        %parallel_loop3A_513 = arith.cmpi ne, %parallel_loop3A_505, %parallel_loop3A_512 : i32
        %parallel_loop3A_514 = arith.remsi %parallel_loop3A_431, %parallel_loop3A_497 : i32
        %parallel_loop3A_515 = arith.constant 0 : i32
        %parallel_loop3A_516 = arith.cmpi ne, %parallel_loop3A_514, %parallel_loop3A_515 : i32
        %parallel_loop3A_517 = arith.andi %parallel_loop3A_513, %parallel_loop3A_516 : i1
        %parallel_loop3A_518 = arith.constant 1 : i32
        %parallel_loop3A_519 = arith.subi %parallel_loop3A_498, %parallel_loop3A_518 : i32
        %parallel_loop3A_520 = arith.select %parallel_loop3A_517, %parallel_loop3A_519, %parallel_loop3A_498 : i32
        %parallel_loop3A_521 = arith.constant 8 : i32
        %parallel_loop3A_522 = arith.constant 0 : i32
        %parallel_loop3A_523 = arith.cmpi eq, %parallel_loop3A_521, %parallel_loop3A_522 : i32
        %parallel_loop3A_524 = arith.constant 1 : i32
        %parallel_loop3A_525 = arith.select %parallel_loop3A_523, %parallel_loop3A_524, %parallel_loop3A_521 : i32
        %parallel_loop3A_526 = arith.remsi %parallel_loop3A_431, %parallel_loop3A_525 : i32
        %parallel_loop3A_527 = arith.constant 0 : i32
        %parallel_loop3A_528 = arith.cmpi ne, %parallel_loop3A_526, %parallel_loop3A_527 : i32
        %parallel_loop3A_529 = arith.constant 0 : i32
        %parallel_loop3A_530 = arith.cmpi slt, %parallel_loop3A_526, %parallel_loop3A_529 : i32
        %parallel_loop3A_531 = arith.constant 0 : i32
        %parallel_loop3A_532 = arith.cmpi slt, %parallel_loop3A_525, %parallel_loop3A_531 : i32
        %parallel_loop3A_533 = arith.xori %parallel_loop3A_530, %parallel_loop3A_532 : i1
        %parallel_loop3A_534 = arith.andi %parallel_loop3A_533, %parallel_loop3A_528 : i1
        %parallel_loop3A_535 = arith.addi %parallel_loop3A_526, %parallel_loop3A_525 : i32
        %parallel_loop3A_536 = arith.select %parallel_loop3A_534, %parallel_loop3A_535, %parallel_loop3A_526 : i32
        %parallel_loop3A_537 = arith.constant 0 : i32
        %parallel_loop3A_538 = arith.index_cast %parallel_loop3A_537 : i32 to index
        %parallel_loop3A_539 = arith.index_cast %parallel_loop3A_520 : i32 to index
        %parallel_loop3A_540 = arith.index_cast %parallel_loop3A_536 : i32 to index
        %parallel_loop3A_541 = arith.constant 16 : index
        %parallel_loop3A_542 = tpu.vector_load %arg15[%parallel_loop3A_538, %parallel_loop3A_539, %parallel_loop3A_540, %parallel_loop3A_541] {strides = array<i32>} : memref<2x20x8x128xf32, #tpu.memory_space<vmem>>, vector<16xf32>,
        tpu.vector_store %arg15[%parallel_loop3A_538, %parallel_loop3A_539, %parallel_loop3A_540, %parallel_loop3A_541], %parallel_loop3A_496 {strides = array<i32>} : memref<2x20x8x128xf32, #tpu.memory_space<vmem>>, vector<16xf32>,
        %parallel_loop3A_543 = arith.constant 32 : i32
        %parallel_loop3A_544 = vector.broadcast %parallel_loop3A_543 : i32 to vector<16xi32>
        %parallel_loop3A_545 = arith.addi %parallel_loop3A_544, %iota3A : vector<16xi32>
        %parallel_loop3A_546 = arith.constant 0 : i32
        %parallel_loop3A_547 = arith.constant 0 : i32
        %parallel_loop3A_548 = arith.constant 0 : i32
        %parallel_loop3A_549 = tpu.memref_slice %arg12[%parallel_loop3A_546, %parallel_loop3A_547, %parallel_loop3A_548] : memref<2x128x128xf32, #tpu.memory_space<vmem>> -> memref<1x128x128xf32, #tpu.memory_space<vmem>>
        %parallel_loop3A_550 = tpu.memref_squeeze %parallel_loop3A_549 : memref<1x128x128xf32, #tpu.memory_space<vmem>> -> memref<128x128xf32, #tpu.memory_space<vmem>>
        %parallel_loop3A_551 = tpu.vector_load_idx %parallel_loop3A_550[%parallel_loop3A_545, %parallel_loop3A_432] : memref<128x128xf32, #tpu.memory_space<vmem>>[vector<16xi32>, vector<16xi32>], vector<16xf32>,
        %parallel_loop3A_552 = arith.constant 8 : i32
        %parallel_loop3A_553 = arith.divsi %parallel_loop3A_431, %parallel_loop3A_552 : i32
        %parallel_loop3A_554 = arith.constant 0 : i32
        %parallel_loop3A_555 = arith.cmpi sgt, %parallel_loop3A_431, %parallel_loop3A_554 : i32
        %parallel_loop3A_556 = arith.extui %parallel_loop3A_555 : i1 to i32
        %parallel_loop3A_557 = arith.constant 0 : i32
        %parallel_loop3A_558 = arith.cmpi slt, %parallel_loop3A_431, %parallel_loop3A_557 : i32
        %parallel_loop3A_559 = arith.extui %parallel_loop3A_558 : i1 to i32
        %parallel_loop3A_560 = arith.subi %parallel_loop3A_556, %parallel_loop3A_559 : i32
        %parallel_loop3A_561 = arith.constant 0 : i32
        %parallel_loop3A_562 = arith.cmpi sgt, %parallel_loop3A_552, %parallel_loop3A_561 : i32
        %parallel_loop3A_563 = arith.extui %parallel_loop3A_562 : i1 to i32
        %parallel_loop3A_564 = arith.constant 0 : i32
        %parallel_loop3A_565 = arith.cmpi slt, %parallel_loop3A_552, %parallel_loop3A_564 : i32
        %parallel_loop3A_566 = arith.extui %parallel_loop3A_565 : i1 to i32
        %parallel_loop3A_567 = arith.subi %parallel_loop3A_563, %parallel_loop3A_566 : i32
        %parallel_loop3A_568 = arith.cmpi ne, %parallel_loop3A_560, %parallel_loop3A_567 : i32
        %parallel_loop3A_569 = arith.remsi %parallel_loop3A_431, %parallel_loop3A_552 : i32
        %parallel_loop3A_570 = arith.constant 0 : i32
        %parallel_loop3A_571 = arith.cmpi ne, %parallel_loop3A_569, %parallel_loop3A_570 : i32
        %parallel_loop3A_572 = arith.andi %parallel_loop3A_568, %parallel_loop3A_571 : i1
        %parallel_loop3A_573 = arith.constant 1 : i32
        %parallel_loop3A_574 = arith.subi %parallel_loop3A_553, %parallel_loop3A_573 : i32
        %parallel_loop3A_575 = arith.select %parallel_loop3A_572, %parallel_loop3A_574, %parallel_loop3A_553 : i32
        %parallel_loop3A_576 = arith.constant 8 : i32
        %parallel_loop3A_577 = arith.constant 0 : i32
        %parallel_loop3A_578 = arith.cmpi eq, %parallel_loop3A_576, %parallel_loop3A_577 : i32
        %parallel_loop3A_579 = arith.constant 1 : i32
        %parallel_loop3A_580 = arith.select %parallel_loop3A_578, %parallel_loop3A_579, %parallel_loop3A_576 : i32
        %parallel_loop3A_581 = arith.remsi %parallel_loop3A_431, %parallel_loop3A_580 : i32
        %parallel_loop3A_582 = arith.constant 0 : i32
        %parallel_loop3A_583 = arith.cmpi ne, %parallel_loop3A_581, %parallel_loop3A_582 : i32
        %parallel_loop3A_584 = arith.constant 0 : i32
        %parallel_loop3A_585 = arith.cmpi slt, %parallel_loop3A_581, %parallel_loop3A_584 : i32
        %parallel_loop3A_586 = arith.constant 0 : i32
        %parallel_loop3A_587 = arith.cmpi slt, %parallel_loop3A_580, %parallel_loop3A_586 : i32
        %parallel_loop3A_588 = arith.xori %parallel_loop3A_585, %parallel_loop3A_587 : i1
        %parallel_loop3A_589 = arith.andi %parallel_loop3A_588, %parallel_loop3A_583 : i1
        %parallel_loop3A_590 = arith.addi %parallel_loop3A_581, %parallel_loop3A_580 : i32
        %parallel_loop3A_591 = arith.select %parallel_loop3A_589, %parallel_loop3A_590, %parallel_loop3A_581 : i32
        %parallel_loop3A_592 = arith.constant 0 : i32
        %parallel_loop3A_593 = arith.index_cast %parallel_loop3A_592 : i32 to index
        %parallel_loop3A_594 = arith.index_cast %parallel_loop3A_575 : i32 to index
        %parallel_loop3A_595 = arith.index_cast %parallel_loop3A_591 : i32 to index
        %parallel_loop3A_596 = arith.constant 32 : index
        %parallel_loop3A_597 = tpu.vector_load %arg15[%parallel_loop3A_593, %parallel_loop3A_594, %parallel_loop3A_595, %parallel_loop3A_596] {strides = array<i32>} : memref<2x20x8x128xf32, #tpu.memory_space<vmem>>, vector<16xf32>,
        tpu.vector_store %arg15[%parallel_loop3A_593, %parallel_loop3A_594, %parallel_loop3A_595, %parallel_loop3A_596], %parallel_loop3A_551 {strides = array<i32>} : memref<2x20x8x128xf32, #tpu.memory_space<vmem>>, vector<16xf32>,
        %parallel_loop3A_598 = arith.constant 48 : i32
        %parallel_loop3A_599 = vector.broadcast %parallel_loop3A_598 : i32 to vector<16xi32>
        %parallel_loop3A_600 = arith.addi %parallel_loop3A_599, %iota3A : vector<16xi32>
        %parallel_loop3A_601 = arith.constant 0 : i32
        %parallel_loop3A_602 = arith.constant 0 : i32
        %parallel_loop3A_603 = arith.constant 0 : i32
        %parallel_loop3A_604 = tpu.memref_slice %arg12[%parallel_loop3A_601, %parallel_loop3A_602, %parallel_loop3A_603] : memref<2x128x128xf32, #tpu.memory_space<vmem>> -> memref<1x128x128xf32, #tpu.memory_space<vmem>>
        %parallel_loop3A_605 = tpu.memref_squeeze %parallel_loop3A_604 : memref<1x128x128xf32, #tpu.memory_space<vmem>> -> memref<128x128xf32, #tpu.memory_space<vmem>>
        %parallel_loop3A_606 = tpu.vector_load_idx %parallel_loop3A_605[%parallel_loop3A_600, %parallel_loop3A_432] : memref<128x128xf32, #tpu.memory_space<vmem>>[vector<16xi32>, vector<16xi32>], vector<16xf32>,
        %parallel_loop3A_607 = arith.constant 8 : i32
        %parallel_loop3A_608 = arith.divsi %parallel_loop3A_431, %parallel_loop3A_607 : i32
        %parallel_loop3A_609 = arith.constant 0 : i32
        %parallel_loop3A_610 = arith.cmpi sgt, %parallel_loop3A_431, %parallel_loop3A_609 : i32
        %parallel_loop3A_611 = arith.extui %parallel_loop3A_610 : i1 to i32
        %parallel_loop3A_612 = arith.constant 0 : i32
        %parallel_loop3A_613 = arith.cmpi slt, %parallel_loop3A_431, %parallel_loop3A_612 : i32
        %parallel_loop3A_614 = arith.extui %parallel_loop3A_613 : i1 to i32
        %parallel_loop3A_615 = arith.subi %parallel_loop3A_611, %parallel_loop3A_614 : i32
        %parallel_loop3A_616 = arith.constant 0 : i32
        %parallel_loop3A_617 = arith.cmpi sgt, %parallel_loop3A_607, %parallel_loop3A_616 : i32
        %parallel_loop3A_618 = arith.extui %parallel_loop3A_617 : i1 to i32
        %parallel_loop3A_619 = arith.constant 0 : i32
        %parallel_loop3A_620 = arith.cmpi slt, %parallel_loop3A_607, %parallel_loop3A_619 : i32
        %parallel_loop3A_621 = arith.extui %parallel_loop3A_620 : i1 to i32
        %parallel_loop3A_622 = arith.subi %parallel_loop3A_618, %parallel_loop3A_621 : i32
        %parallel_loop3A_623 = arith.cmpi ne, %parallel_loop3A_615, %parallel_loop3A_622 : i32
        %parallel_loop3A_624 = arith.remsi %parallel_loop3A_431, %parallel_loop3A_607 : i32
        %parallel_loop3A_625 = arith.constant 0 : i32
        %parallel_loop3A_626 = arith.cmpi ne, %parallel_loop3A_624, %parallel_loop3A_625 : i32
        %parallel_loop3A_627 = arith.andi %parallel_loop3A_623, %parallel_loop3A_626 : i1
        %parallel_loop3A_628 = arith.constant 1 : i32
        %parallel_loop3A_629 = arith.subi %parallel_loop3A_608, %parallel_loop3A_628 : i32
        %parallel_loop3A_630 = arith.select %parallel_loop3A_627, %parallel_loop3A_629, %parallel_loop3A_608 : i32
        %parallel_loop3A_631 = arith.constant 8 : i32
        %parallel_loop3A_632 = arith.constant 0 : i32
        %parallel_loop3A_633 = arith.cmpi eq, %parallel_loop3A_631, %parallel_loop3A_632 : i32
        %parallel_loop3A_634 = arith.constant 1 : i32
        %parallel_loop3A_635 = arith.select %parallel_loop3A_633, %parallel_loop3A_634, %parallel_loop3A_631 : i32
        %parallel_loop3A_636 = arith.remsi %parallel_loop3A_431, %parallel_loop3A_635 : i32
        %parallel_loop3A_637 = arith.constant 0 : i32
        %parallel_loop3A_638 = arith.cmpi ne, %parallel_loop3A_636, %parallel_loop3A_637 : i32
        %parallel_loop3A_639 = arith.constant 0 : i32
        %parallel_loop3A_640 = arith.cmpi slt, %parallel_loop3A_636, %parallel_loop3A_639 : i32
        %parallel_loop3A_641 = arith.constant 0 : i32
        %parallel_loop3A_642 = arith.cmpi slt, %parallel_loop3A_635, %parallel_loop3A_641 : i32
        %parallel_loop3A_643 = arith.xori %parallel_loop3A_640, %parallel_loop3A_642 : i1
        %parallel_loop3A_644 = arith.andi %parallel_loop3A_643, %parallel_loop3A_638 : i1
        %parallel_loop3A_645 = arith.addi %parallel_loop3A_636, %parallel_loop3A_635 : i32
        %parallel_loop3A_646 = arith.select %parallel_loop3A_644, %parallel_loop3A_645, %parallel_loop3A_636 : i32
        %parallel_loop3A_647 = arith.constant 0 : i32
        %parallel_loop3A_648 = arith.index_cast %parallel_loop3A_647 : i32 to index
        %parallel_loop3A_649 = arith.index_cast %parallel_loop3A_630 : i32 to index
        %parallel_loop3A_650 = arith.index_cast %parallel_loop3A_646 : i32 to index
        %parallel_loop3A_651 = arith.constant 48 : index
        %parallel_loop3A_652 = tpu.vector_load %arg15[%parallel_loop3A_648, %parallel_loop3A_649, %parallel_loop3A_650, %parallel_loop3A_651] {strides = array<i32>} : memref<2x20x8x128xf32, #tpu.memory_space<vmem>>, vector<16xf32>,
        tpu.vector_store %arg15[%parallel_loop3A_648, %parallel_loop3A_649, %parallel_loop3A_650, %parallel_loop3A_651], %parallel_loop3A_606 {strides = array<i32>} : memref<2x20x8x128xf32, #tpu.memory_space<vmem>>, vector<16xf32>,
        %parallel_loop3A_653 = arith.constant 64 : i32
        %parallel_loop3A_654 = vector.broadcast %parallel_loop3A_653 : i32 to vector<16xi32>
        %parallel_loop3A_655 = arith.addi %parallel_loop3A_654, %iota3A : vector<16xi32>
        %parallel_loop3A_656 = arith.constant 0 : i32
        %parallel_loop3A_657 = arith.constant 0 : i32
        %parallel_loop3A_658 = arith.constant 0 : i32
        %parallel_loop3A_659 = tpu.memref_slice %arg12[%parallel_loop3A_656, %parallel_loop3A_657, %parallel_loop3A_658] : memref<2x128x128xf32, #tpu.memory_space<vmem>> -> memref<1x128x128xf32, #tpu.memory_space<vmem>>
        %parallel_loop3A_660 = tpu.memref_squeeze %parallel_loop3A_659 : memref<1x128x128xf32, #tpu.memory_space<vmem>> -> memref<128x128xf32, #tpu.memory_space<vmem>>
        %parallel_loop3A_661 = tpu.vector_load_idx %parallel_loop3A_660[%parallel_loop3A_655, %parallel_loop3A_432] : memref<128x128xf32, #tpu.memory_space<vmem>>[vector<16xi32>, vector<16xi32>], vector<16xf32>,
        %parallel_loop3A_662 = arith.constant 8 : i32
        %parallel_loop3A_663 = arith.divsi %parallel_loop3A_431, %parallel_loop3A_662 : i32
        %parallel_loop3A_664 = arith.constant 0 : i32
        %parallel_loop3A_665 = arith.cmpi sgt, %parallel_loop3A_431, %parallel_loop3A_664 : i32
        %parallel_loop3A_666 = arith.extui %parallel_loop3A_665 : i1 to i32
        %parallel_loop3A_667 = arith.constant 0 : i32
        %parallel_loop3A_668 = arith.cmpi slt, %parallel_loop3A_431, %parallel_loop3A_667 : i32
        %parallel_loop3A_669 = arith.extui %parallel_loop3A_668 : i1 to i32
        %parallel_loop3A_670 = arith.subi %parallel_loop3A_666, %parallel_loop3A_669 : i32
        %parallel_loop3A_671 = arith.constant 0 : i32
        %parallel_loop3A_672 = arith.cmpi sgt, %parallel_loop3A_662, %parallel_loop3A_671 : i32
        %parallel_loop3A_673 = arith.extui %parallel_loop3A_672 : i1 to i32
        %parallel_loop3A_674 = arith.constant 0 : i32
        %parallel_loop3A_675 = arith.cmpi slt, %parallel_loop3A_662, %parallel_loop3A_674 : i32
        %parallel_loop3A_676 = arith.extui %parallel_loop3A_675 : i1 to i32
        %parallel_loop3A_677 = arith.subi %parallel_loop3A_673, %parallel_loop3A_676 : i32
        %parallel_loop3A_678 = arith.cmpi ne, %parallel_loop3A_670, %parallel_loop3A_677 : i32
        %parallel_loop3A_679 = arith.remsi %parallel_loop3A_431, %parallel_loop3A_662 : i32
        %parallel_loop3A_680 = arith.constant 0 : i32
        %parallel_loop3A_681 = arith.cmpi ne, %parallel_loop3A_679, %parallel_loop3A_680 : i32
        %parallel_loop3A_682 = arith.andi %parallel_loop3A_678, %parallel_loop3A_681 : i1
        %parallel_loop3A_683 = arith.constant 1 : i32
        %parallel_loop3A_684 = arith.subi %parallel_loop3A_663, %parallel_loop3A_683 : i32
        %parallel_loop3A_685 = arith.select %parallel_loop3A_682, %parallel_loop3A_684, %parallel_loop3A_663 : i32
        %parallel_loop3A_686 = arith.constant 8 : i32
        %parallel_loop3A_687 = arith.constant 0 : i32
        %parallel_loop3A_688 = arith.cmpi eq, %parallel_loop3A_686, %parallel_loop3A_687 : i32
        %parallel_loop3A_689 = arith.constant 1 : i32
        %parallel_loop3A_690 = arith.select %parallel_loop3A_688, %parallel_loop3A_689, %parallel_loop3A_686 : i32
        %parallel_loop3A_691 = arith.remsi %parallel_loop3A_431, %parallel_loop3A_690 : i32
        %parallel_loop3A_692 = arith.constant 0 : i32
        %parallel_loop3A_693 = arith.cmpi ne, %parallel_loop3A_691, %parallel_loop3A_692 : i32
        %parallel_loop3A_694 = arith.constant 0 : i32
        %parallel_loop3A_695 = arith.cmpi slt, %parallel_loop3A_691, %parallel_loop3A_694 : i32
        %parallel_loop3A_696 = arith.constant 0 : i32
        %parallel_loop3A_697 = arith.cmpi slt, %parallel_loop3A_690, %parallel_loop3A_696 : i32
        %parallel_loop3A_698 = arith.xori %parallel_loop3A_695, %parallel_loop3A_697 : i1
        %parallel_loop3A_699 = arith.andi %parallel_loop3A_698, %parallel_loop3A_693 : i1
        %parallel_loop3A_700 = arith.addi %parallel_loop3A_691, %parallel_loop3A_690 : i32
        %parallel_loop3A_701 = arith.select %parallel_loop3A_699, %parallel_loop3A_700, %parallel_loop3A_691 : i32
        %parallel_loop3A_702 = arith.constant 0 : i32
        %parallel_loop3A_703 = arith.index_cast %parallel_loop3A_702 : i32 to index
        %parallel_loop3A_704 = arith.index_cast %parallel_loop3A_685 : i32 to index
        %parallel_loop3A_705 = arith.index_cast %parallel_loop3A_701 : i32 to index
        %parallel_loop3A_706 = arith.constant 64 : index
        %parallel_loop3A_707 = tpu.vector_load %arg15[%parallel_loop3A_703, %parallel_loop3A_704, %parallel_loop3A_705, %parallel_loop3A_706] {strides = array<i32>} : memref<2x20x8x128xf32, #tpu.memory_space<vmem>>, vector<16xf32>,
        tpu.vector_store %arg15[%parallel_loop3A_703, %parallel_loop3A_704, %parallel_loop3A_705, %parallel_loop3A_706], %parallel_loop3A_661 {strides = array<i32>} : memref<2x20x8x128xf32, #tpu.memory_space<vmem>>, vector<16xf32>,
        %parallel_loop3A_708 = arith.constant 80 : i32
        %parallel_loop3A_709 = vector.broadcast %parallel_loop3A_708 : i32 to vector<16xi32>
        %parallel_loop3A_710 = arith.addi %parallel_loop3A_709, %iota3A : vector<16xi32>
        %parallel_loop3A_711 = arith.constant 0 : i32
        %parallel_loop3A_712 = arith.constant 0 : i32
        %parallel_loop3A_713 = arith.constant 0 : i32
        %parallel_loop3A_714 = tpu.memref_slice %arg12[%parallel_loop3A_711, %parallel_loop3A_712, %parallel_loop3A_713] : memref<2x128x128xf32, #tpu.memory_space<vmem>> -> memref<1x128x128xf32, #tpu.memory_space<vmem>>
        %parallel_loop3A_715 = tpu.memref_squeeze %parallel_loop3A_714 : memref<1x128x128xf32, #tpu.memory_space<vmem>> -> memref<128x128xf32, #tpu.memory_space<vmem>>
        %parallel_loop3A_716 = tpu.vector_load_idx %parallel_loop3A_715[%parallel_loop3A_710, %parallel_loop3A_432] : memref<128x128xf32, #tpu.memory_space<vmem>>[vector<16xi32>, vector<16xi32>], vector<16xf32>,
        %parallel_loop3A_717 = arith.constant 8 : i32
        %parallel_loop3A_718 = arith.divsi %parallel_loop3A_431, %parallel_loop3A_717 : i32
        %parallel_loop3A_719 = arith.constant 0 : i32
        %parallel_loop3A_720 = arith.cmpi sgt, %parallel_loop3A_431, %parallel_loop3A_719 : i32
        %parallel_loop3A_721 = arith.extui %parallel_loop3A_720 : i1 to i32
        %parallel_loop3A_722 = arith.constant 0 : i32
        %parallel_loop3A_723 = arith.cmpi slt, %parallel_loop3A_431, %parallel_loop3A_722 : i32
        %parallel_loop3A_724 = arith.extui %parallel_loop3A_723 : i1 to i32
        %parallel_loop3A_725 = arith.subi %parallel_loop3A_721, %parallel_loop3A_724 : i32
        %parallel_loop3A_726 = arith.constant 0 : i32
        %parallel_loop3A_727 = arith.cmpi sgt, %parallel_loop3A_717, %parallel_loop3A_726 : i32
        %parallel_loop3A_728 = arith.extui %parallel_loop3A_727 : i1 to i32
        %parallel_loop3A_729 = arith.constant 0 : i32
        %parallel_loop3A_730 = arith.cmpi slt, %parallel_loop3A_717, %parallel_loop3A_729 : i32
        %parallel_loop3A_731 = arith.extui %parallel_loop3A_730 : i1 to i32
        %parallel_loop3A_732 = arith.subi %parallel_loop3A_728, %parallel_loop3A_731 : i32
        %parallel_loop3A_733 = arith.cmpi ne, %parallel_loop3A_725, %parallel_loop3A_732 : i32
        %parallel_loop3A_734 = arith.remsi %parallel_loop3A_431, %parallel_loop3A_717 : i32
        %parallel_loop3A_735 = arith.constant 0 : i32
        %parallel_loop3A_736 = arith.cmpi ne, %parallel_loop3A_734, %parallel_loop3A_735 : i32
        %parallel_loop3A_737 = arith.andi %parallel_loop3A_733, %parallel_loop3A_736 : i1
        %parallel_loop3A_738 = arith.constant 1 : i32
        %parallel_loop3A_739 = arith.subi %parallel_loop3A_718, %parallel_loop3A_738 : i32
        %parallel_loop3A_740 = arith.select %parallel_loop3A_737, %parallel_loop3A_739, %parallel_loop3A_718 : i32
        %parallel_loop3A_741 = arith.constant 8 : i32
        %parallel_loop3A_742 = arith.constant 0 : i32
        %parallel_loop3A_743 = arith.cmpi eq, %parallel_loop3A_741, %parallel_loop3A_742 : i32
        %parallel_loop3A_744 = arith.constant 1 : i32
        %parallel_loop3A_745 = arith.select %parallel_loop3A_743, %parallel_loop3A_744, %parallel_loop3A_741 : i32
        %parallel_loop3A_746 = arith.remsi %parallel_loop3A_431, %parallel_loop3A_745 : i32
        %parallel_loop3A_747 = arith.constant 0 : i32
        %parallel_loop3A_748 = arith.cmpi ne, %parallel_loop3A_746, %parallel_loop3A_747 : i32
        %parallel_loop3A_749 = arith.constant 0 : i32
        %parallel_loop3A_750 = arith.cmpi slt, %parallel_loop3A_746, %parallel_loop3A_749 : i32
        %parallel_loop3A_751 = arith.constant 0 : i32
        %parallel_loop3A_752 = arith.cmpi slt, %parallel_loop3A_745, %parallel_loop3A_751 : i32
        %parallel_loop3A_753 = arith.xori %parallel_loop3A_750, %parallel_loop3A_752 : i1
        %parallel_loop3A_754 = arith.andi %parallel_loop3A_753, %parallel_loop3A_748 : i1
        %parallel_loop3A_755 = arith.addi %parallel_loop3A_746, %parallel_loop3A_745 : i32
        %parallel_loop3A_756 = arith.select %parallel_loop3A_754, %parallel_loop3A_755, %parallel_loop3A_746 : i32
        %parallel_loop3A_757 = arith.constant 0 : i32
        %parallel_loop3A_758 = arith.index_cast %parallel_loop3A_757 : i32 to index
        %parallel_loop3A_759 = arith.index_cast %parallel_loop3A_740 : i32 to index
        %parallel_loop3A_760 = arith.index_cast %parallel_loop3A_756 : i32 to index
        %parallel_loop3A_761 = arith.constant 80 : index
        %parallel_loop3A_762 = tpu.vector_load %arg15[%parallel_loop3A_758, %parallel_loop3A_759, %parallel_loop3A_760, %parallel_loop3A_761] {strides = array<i32>} : memref<2x20x8x128xf32, #tpu.memory_space<vmem>>, vector<16xf32>,
        tpu.vector_store %arg15[%parallel_loop3A_758, %parallel_loop3A_759, %parallel_loop3A_760, %parallel_loop3A_761], %parallel_loop3A_716 {strides = array<i32>} : memref<2x20x8x128xf32, #tpu.memory_space<vmem>>, vector<16xf32>,
        %parallel_loop3A_763 = arith.constant 96 : i32
        %parallel_loop3A_764 = vector.broadcast %parallel_loop3A_763 : i32 to vector<16xi32>
        %parallel_loop3A_765 = arith.addi %parallel_loop3A_764, %iota3A : vector<16xi32>
        %parallel_loop3A_766 = arith.constant 0 : i32
        %parallel_loop3A_767 = arith.constant 0 : i32
        %parallel_loop3A_768 = arith.constant 0 : i32
        %parallel_loop3A_769 = tpu.memref_slice %arg12[%parallel_loop3A_766, %parallel_loop3A_767, %parallel_loop3A_768] : memref<2x128x128xf32, #tpu.memory_space<vmem>> -> memref<1x128x128xf32, #tpu.memory_space<vmem>>
        %parallel_loop3A_770 = tpu.memref_squeeze %parallel_loop3A_769 : memref<1x128x128xf32, #tpu.memory_space<vmem>> -> memref<128x128xf32, #tpu.memory_space<vmem>>
        %parallel_loop3A_771 = tpu.vector_load_idx %parallel_loop3A_770[%parallel_loop3A_765, %parallel_loop3A_432] : memref<128x128xf32, #tpu.memory_space<vmem>>[vector<16xi32>, vector<16xi32>], vector<16xf32>,
        %parallel_loop3A_772 = arith.constant 8 : i32
        %parallel_loop3A_773 = arith.divsi %parallel_loop3A_431, %parallel_loop3A_772 : i32
        %parallel_loop3A_774 = arith.constant 0 : i32
        %parallel_loop3A_775 = arith.cmpi sgt, %parallel_loop3A_431, %parallel_loop3A_774 : i32
        %parallel_loop3A_776 = arith.extui %parallel_loop3A_775 : i1 to i32
        %parallel_loop3A_777 = arith.constant 0 : i32
        %parallel_loop3A_778 = arith.cmpi slt, %parallel_loop3A_431, %parallel_loop3A_777 : i32
        %parallel_loop3A_779 = arith.extui %parallel_loop3A_778 : i1 to i32
        %parallel_loop3A_780 = arith.subi %parallel_loop3A_776, %parallel_loop3A_779 : i32
        %parallel_loop3A_781 = arith.constant 0 : i32
        %parallel_loop3A_782 = arith.cmpi sgt, %parallel_loop3A_772, %parallel_loop3A_781 : i32
        %parallel_loop3A_783 = arith.extui %parallel_loop3A_782 : i1 to i32
        %parallel_loop3A_784 = arith.constant 0 : i32
        %parallel_loop3A_785 = arith.cmpi slt, %parallel_loop3A_772, %parallel_loop3A_784 : i32
        %parallel_loop3A_786 = arith.extui %parallel_loop3A_785 : i1 to i32
        %parallel_loop3A_787 = arith.subi %parallel_loop3A_783, %parallel_loop3A_786 : i32
        %parallel_loop3A_788 = arith.cmpi ne, %parallel_loop3A_780, %parallel_loop3A_787 : i32
        %parallel_loop3A_789 = arith.remsi %parallel_loop3A_431, %parallel_loop3A_772 : i32
        %parallel_loop3A_790 = arith.constant 0 : i32
        %parallel_loop3A_791 = arith.cmpi ne, %parallel_loop3A_789, %parallel_loop3A_790 : i32
        %parallel_loop3A_792 = arith.andi %parallel_loop3A_788, %parallel_loop3A_791 : i1
        %parallel_loop3A_793 = arith.constant 1 : i32
        %parallel_loop3A_794 = arith.subi %parallel_loop3A_773, %parallel_loop3A_793 : i32
        %parallel_loop3A_795 = arith.select %parallel_loop3A_792, %parallel_loop3A_794, %parallel_loop3A_773 : i32
        %parallel_loop3A_796 = arith.constant 8 : i32
        %parallel_loop3A_797 = arith.constant 0 : i32
        %parallel_loop3A_798 = arith.cmpi eq, %parallel_loop3A_796, %parallel_loop3A_797 : i32
        %parallel_loop3A_799 = arith.constant 1 : i32
        %parallel_loop3A_800 = arith.select %parallel_loop3A_798, %parallel_loop3A_799, %parallel_loop3A_796 : i32
        %parallel_loop3A_801 = arith.remsi %parallel_loop3A_431, %parallel_loop3A_800 : i32
        %parallel_loop3A_802 = arith.constant 0 : i32
        %parallel_loop3A_803 = arith.cmpi ne, %parallel_loop3A_801, %parallel_loop3A_802 : i32
        %parallel_loop3A_804 = arith.constant 0 : i32
        %parallel_loop3A_805 = arith.cmpi slt, %parallel_loop3A_801, %parallel_loop3A_804 : i32
        %parallel_loop3A_806 = arith.constant 0 : i32
        %parallel_loop3A_807 = arith.cmpi slt, %parallel_loop3A_800, %parallel_loop3A_806 : i32
        %parallel_loop3A_808 = arith.xori %parallel_loop3A_805, %parallel_loop3A_807 : i1
        %parallel_loop3A_809 = arith.andi %parallel_loop3A_808, %parallel_loop3A_803 : i1
        %parallel_loop3A_810 = arith.addi %parallel_loop3A_801, %parallel_loop3A_800 : i32
        %parallel_loop3A_811 = arith.select %parallel_loop3A_809, %parallel_loop3A_810, %parallel_loop3A_801 : i32
        %parallel_loop3A_812 = arith.constant 0 : i32
        %parallel_loop3A_813 = arith.index_cast %parallel_loop3A_812 : i32 to index
        %parallel_loop3A_814 = arith.index_cast %parallel_loop3A_795 : i32 to index
        %parallel_loop3A_815 = arith.index_cast %parallel_loop3A_811 : i32 to index
        %parallel_loop3A_816 = arith.constant 96 : index
        %parallel_loop3A_817 = tpu.vector_load %arg15[%parallel_loop3A_813, %parallel_loop3A_814, %parallel_loop3A_815, %parallel_loop3A_816] {strides = array<i32>} : memref<2x20x8x128xf32, #tpu.memory_space<vmem>>, vector<16xf32>,
        tpu.vector_store %arg15[%parallel_loop3A_813, %parallel_loop3A_814, %parallel_loop3A_815, %parallel_loop3A_816], %parallel_loop3A_771 {strides = array<i32>} : memref<2x20x8x128xf32, #tpu.memory_space<vmem>>, vector<16xf32>,
        %parallel_loop3A_818 = arith.constant 112 : i32
        %parallel_loop3A_819 = vector.broadcast %parallel_loop3A_818 : i32 to vector<16xi32>
        %parallel_loop3A_820 = arith.addi %parallel_loop3A_819, %iota3A : vector<16xi32>
        %parallel_loop3A_821 = arith.constant 0 : i32
        %parallel_loop3A_822 = arith.constant 0 : i32
        %parallel_loop3A_823 = arith.constant 0 : i32
        %parallel_loop3A_824 = tpu.memref_slice %arg12[%parallel_loop3A_821, %parallel_loop3A_822, %parallel_loop3A_823] : memref<2x128x128xf32, #tpu.memory_space<vmem>> -> memref<1x128x128xf32, #tpu.memory_space<vmem>>
        %parallel_loop3A_825 = tpu.memref_squeeze %parallel_loop3A_824 : memref<1x128x128xf32, #tpu.memory_space<vmem>> -> memref<128x128xf32, #tpu.memory_space<vmem>>
        %parallel_loop3A_826 = tpu.vector_load_idx %parallel_loop3A_825[%parallel_loop3A_820, %parallel_loop3A_432] : memref<128x128xf32, #tpu.memory_space<vmem>>[vector<16xi32>, vector<16xi32>], vector<16xf32>,
        %parallel_loop3A_827 = arith.constant 8 : i32
        %parallel_loop3A_828 = arith.divsi %parallel_loop3A_431, %parallel_loop3A_827 : i32
        %parallel_loop3A_829 = arith.constant 0 : i32
        %parallel_loop3A_830 = arith.cmpi sgt, %parallel_loop3A_431, %parallel_loop3A_829 : i32
        %parallel_loop3A_831 = arith.extui %parallel_loop3A_830 : i1 to i32
        %parallel_loop3A_832 = arith.constant 0 : i32
        %parallel_loop3A_833 = arith.cmpi slt, %parallel_loop3A_431, %parallel_loop3A_832 : i32
        %parallel_loop3A_834 = arith.extui %parallel_loop3A_833 : i1 to i32
        %parallel_loop3A_835 = arith.subi %parallel_loop3A_831, %parallel_loop3A_834 : i32
        %parallel_loop3A_836 = arith.constant 0 : i32
        %parallel_loop3A_837 = arith.cmpi sgt, %parallel_loop3A_827, %parallel_loop3A_836 : i32
        %parallel_loop3A_838 = arith.extui %parallel_loop3A_837 : i1 to i32
        %parallel_loop3A_839 = arith.constant 0 : i32
        %parallel_loop3A_840 = arith.cmpi slt, %parallel_loop3A_827, %parallel_loop3A_839 : i32
        %parallel_loop3A_841 = arith.extui %parallel_loop3A_840 : i1 to i32
        %parallel_loop3A_842 = arith.subi %parallel_loop3A_838, %parallel_loop3A_841 : i32
        %parallel_loop3A_843 = arith.cmpi ne, %parallel_loop3A_835, %parallel_loop3A_842 : i32
        %parallel_loop3A_844 = arith.remsi %parallel_loop3A_431, %parallel_loop3A_827 : i32
        %parallel_loop3A_845 = arith.constant 0 : i32
        %parallel_loop3A_846 = arith.cmpi ne, %parallel_loop3A_844, %parallel_loop3A_845 : i32
        %parallel_loop3A_847 = arith.andi %parallel_loop3A_843, %parallel_loop3A_846 : i1
        %parallel_loop3A_848 = arith.constant 1 : i32
        %parallel_loop3A_849 = arith.subi %parallel_loop3A_828, %parallel_loop3A_848 : i32
        %parallel_loop3A_850 = arith.select %parallel_loop3A_847, %parallel_loop3A_849, %parallel_loop3A_828 : i32
        %parallel_loop3A_851 = arith.constant 8 : i32
        %parallel_loop3A_852 = arith.constant 0 : i32
        %parallel_loop3A_853 = arith.cmpi eq, %parallel_loop3A_851, %parallel_loop3A_852 : i32
        %parallel_loop3A_854 = arith.constant 1 : i32
        %parallel_loop3A_855 = arith.select %parallel_loop3A_853, %parallel_loop3A_854, %parallel_loop3A_851 : i32
        %parallel_loop3A_856 = arith.remsi %parallel_loop3A_431, %parallel_loop3A_855 : i32
        %parallel_loop3A_857 = arith.constant 0 : i32
        %parallel_loop3A_858 = arith.cmpi ne, %parallel_loop3A_856, %parallel_loop3A_857 : i32
        %parallel_loop3A_859 = arith.constant 0 : i32
        %parallel_loop3A_860 = arith.cmpi slt, %parallel_loop3A_856, %parallel_loop3A_859 : i32
        %parallel_loop3A_861 = arith.constant 0 : i32
        %parallel_loop3A_862 = arith.cmpi slt, %parallel_loop3A_855, %parallel_loop3A_861 : i32
        %parallel_loop3A_863 = arith.xori %parallel_loop3A_860, %parallel_loop3A_862 : i1
        %parallel_loop3A_864 = arith.andi %parallel_loop3A_863, %parallel_loop3A_858 : i1
        %parallel_loop3A_865 = arith.addi %parallel_loop3A_856, %parallel_loop3A_855 : i32
        %parallel_loop3A_866 = arith.select %parallel_loop3A_864, %parallel_loop3A_865, %parallel_loop3A_856 : i32
        %parallel_loop3A_867 = arith.constant 0 : i32
        %parallel_loop3A_868 = arith.index_cast %parallel_loop3A_867 : i32 to index
        %parallel_loop3A_869 = arith.index_cast %parallel_loop3A_850 : i32 to index
        %parallel_loop3A_870 = arith.index_cast %parallel_loop3A_866 : i32 to index
        %parallel_loop3A_871 = arith.constant 112 : index
        %parallel_loop3A_872 = tpu.vector_load %arg15[%parallel_loop3A_868, %parallel_loop3A_869, %parallel_loop3A_870, %parallel_loop3A_871] {strides = array<i32>} : memref<2x20x8x128xf32, #tpu.memory_space<vmem>>, vector<16xf32>,
        tpu.vector_store %arg15[%parallel_loop3A_868, %parallel_loop3A_869, %parallel_loop3A_870, %parallel_loop3A_871], %parallel_loop3A_826 {strides = array<i32>} : memref<2x20x8x128xf32, #tpu.memory_space<vmem>>, vector<16xf32>,
        %parallel_loop3A_873 = arith.constant 2 : i32
        %parallel_loop3A_874 = arith.muli %parallel_loop3A_873, %parallel_loop3A_431 : i32
        %parallel_loop3A_875 = arith.constant 0 : i32
        %parallel_loop3A_876 = arith.addi %parallel_loop3A_874, %parallel_loop3A_875 : i32
        %parallel_loop3A_877 = vector.broadcast %parallel_loop3A_876 : i32 to vector<16xi32>
        %parallel_loop3A_878 = arith.constant 64 : i32
        %parallel_loop3A_879 = vector.broadcast %parallel_loop3A_878 : i32 to vector<16xi32>
        %parallel_loop3A_880 = arith.addi %parallel_loop3A_879, %iota3A : vector<16xi32>
        %parallel_loop3A_881 = arith.constant 8 : i32
        %parallel_loop3A_882 = vector.broadcast %parallel_loop3A_881 : i32 to vector<16xi32>
        %parallel_loop3A_883 = arith.divsi %parallel_loop3A_880, %parallel_loop3A_882 : vector<16xi32>
        %parallel_loop3A_884 = arith.constant 0 : i32
        %parallel_loop3A_885 = vector.broadcast %parallel_loop3A_884 : i32 to vector<16xi32>
        %parallel_loop3A_886 = arith.cmpi sgt, %parallel_loop3A_880, %parallel_loop3A_885 : vector<16xi32>
        %parallel_loop3A_887 = arith.extui %parallel_loop3A_886 : vector<16xi1> to vector<16xi32>
        %parallel_loop3A_888 = arith.constant 0 : i32
        %parallel_loop3A_889 = vector.broadcast %parallel_loop3A_888 : i32 to vector<16xi32>
        %parallel_loop3A_890 = arith.cmpi slt, %parallel_loop3A_880, %parallel_loop3A_889 : vector<16xi32>
        %parallel_loop3A_891 = arith.extui %parallel_loop3A_890 : vector<16xi1> to vector<16xi32>
        %parallel_loop3A_892 = arith.subi %parallel_loop3A_887, %parallel_loop3A_891 : vector<16xi32>
        %parallel_loop3A_893 = arith.constant 0 : i32
        %parallel_loop3A_894 = arith.cmpi sgt, %parallel_loop3A_881, %parallel_loop3A_893 : i32
        %parallel_loop3A_895 = arith.extui %parallel_loop3A_894 : i1 to i32
        %parallel_loop3A_896 = arith.constant 0 : i32
        %parallel_loop3A_897 = arith.cmpi slt, %parallel_loop3A_881, %parallel_loop3A_896 : i32
        %parallel_loop3A_898 = arith.extui %parallel_loop3A_897 : i1 to i32
        %parallel_loop3A_899 = arith.subi %parallel_loop3A_895, %parallel_loop3A_898 : i32
        %parallel_loop3A_900 = vector.broadcast %parallel_loop3A_899 : i32 to vector<16xi32>
        %parallel_loop3A_901 = arith.cmpi ne, %parallel_loop3A_892, %parallel_loop3A_900 : vector<16xi32>
        %parallel_loop3A_902 = vector.broadcast %parallel_loop3A_881 : i32 to vector<16xi32>
        %parallel_loop3A_903 = arith.remsi %parallel_loop3A_880, %parallel_loop3A_902 : vector<16xi32>
        %parallel_loop3A_904 = arith.constant 0 : i32
        %parallel_loop3A_905 = vector.broadcast %parallel_loop3A_904 : i32 to vector<16xi32>
        %parallel_loop3A_906 = arith.cmpi ne, %parallel_loop3A_903, %parallel_loop3A_905 : vector<16xi32>
        %parallel_loop3A_907 = arith.andi %parallel_loop3A_901, %parallel_loop3A_906 : vector<16xi1>
        %parallel_loop3A_908 = arith.constant 1 : i32
        %parallel_loop3A_909 = vector.broadcast %parallel_loop3A_908 : i32 to vector<16xi32>
        %parallel_loop3A_910 = arith.subi %parallel_loop3A_883, %parallel_loop3A_909 : vector<16xi32>
        %parallel_loop3A_911 = arith.select %parallel_loop3A_907, %parallel_loop3A_910, %parallel_loop3A_883 : vector<16xi1>, vector<16xi32>
        %parallel_loop3A_912 = arith.constant 64 : i32
        %parallel_loop3A_913 = vector.broadcast %parallel_loop3A_912 : i32 to vector<16xi32>
        %parallel_loop3A_914 = arith.addi %parallel_loop3A_913, %iota3A : vector<16xi32>
        %parallel_loop3A_915 = arith.constant 8 : i32
        %parallel_loop3A_916 = arith.constant 0 : i32
        %parallel_loop3A_917 = arith.cmpi eq, %parallel_loop3A_915, %parallel_loop3A_916 : i32
        %parallel_loop3A_918 = arith.constant 1 : i32
        %parallel_loop3A_919 = arith.select %parallel_loop3A_917, %parallel_loop3A_918, %parallel_loop3A_915 : i32
        %parallel_loop3A_920 = vector.broadcast %parallel_loop3A_919 : i32 to vector<16xi32>
        %parallel_loop3A_921 = arith.remsi %parallel_loop3A_914, %parallel_loop3A_920 : vector<16xi32>
        %parallel_loop3A_922 = arith.constant 0 : i32
        %parallel_loop3A_923 = vector.broadcast %parallel_loop3A_922 : i32 to vector<16xi32>
        %parallel_loop3A_924 = arith.cmpi ne, %parallel_loop3A_921, %parallel_loop3A_923 : vector<16xi32>
        %parallel_loop3A_925 = arith.constant 0 : i32
        %parallel_loop3A_926 = vector.broadcast %parallel_loop3A_925 : i32 to vector<16xi32>
        %parallel_loop3A_927 = arith.cmpi slt, %parallel_loop3A_921, %parallel_loop3A_926 : vector<16xi32>
        %parallel_loop3A_928 = arith.constant 0 : i32
        %parallel_loop3A_929 = arith.cmpi slt, %parallel_loop3A_919, %parallel_loop3A_928 : i32
        %parallel_loop3A_930 = vector.broadcast %parallel_loop3A_929 : i1 to vector<16xi1>
        %parallel_loop3A_931 = vector.broadcast %parallel_loop3A_930 : vector<16xi1> to vector<16xi1>
        %parallel_loop3A_932 = arith.xori %parallel_loop3A_927, %parallel_loop3A_931 : vector<16xi1>
        %parallel_loop3A_933 = arith.andi %parallel_loop3A_932, %parallel_loop3A_924 : vector<16xi1>
        %parallel_loop3A_934 = vector.broadcast %parallel_loop3A_919 : i32 to vector<16xi32>
        %parallel_loop3A_935 = arith.addi %parallel_loop3A_921, %parallel_loop3A_934 : vector<16xi32>
        %parallel_loop3A_936 = arith.select %parallel_loop3A_933, %parallel_loop3A_935, %parallel_loop3A_921 : vector<16xi1>, vector<16xi32>
        %parallel_loop3A_937 = arith.constant 0 : i32
        %parallel_loop3A_938 = arith.index_cast %parallel_loop3A_937 : i32 to index
        %parallel_loop3A_939 = arith.index_cast %parallel_loop3A_876 : i32 to index
        %parallel_loop3A_940 = arith.constant 64 : index
        %parallel_loop3A_941 = tpu.vector_load %arg12[%parallel_loop3A_938, %parallel_loop3A_939, %parallel_loop3A_940] {strides = array<i32>} : memref<2x128x128xf32, #tpu.memory_space<vmem>>, vector<16xf32>,
        %parallel_loop3A_942 = arith.constant 0 : i32
        %parallel_loop3A_943 = arith.constant 0 : i32
        %parallel_loop3A_944 = arith.constant 0 : i32
        %parallel_loop3A_945 = arith.constant 0 : i32
        %parallel_loop3A_946 = tpu.memref_slice %arg15[%parallel_loop3A_942, %parallel_loop3A_943, %parallel_loop3A_944, %parallel_loop3A_945] : memref<2x20x8x128xf32, #tpu.memory_space<vmem>> -> memref<1x20x8x128xf32, #tpu.memory_space<vmem>>
        %parallel_loop3A_947 = tpu.memref_squeeze %parallel_loop3A_946 : memref<1x20x8x128xf32, #tpu.memory_space<vmem>> -> memref<20x8x128xf32, #tpu.memory_space<vmem>>
        tpu.vector_store_idx %parallel_loop3A_947[%parallel_loop3A_911, %parallel_loop3A_936, %parallel_loop3A_877], %parallel_loop3A_941 : memref<20x8x128xf32, #tpu.memory_space<vmem>>[vector<16xi32>, vector<16xi32>, vector<16xi32>], vector<16xf32>,
        %parallel_loop3A_948 = arith.constant 80 : i32
        %parallel_loop3A_949 = vector.broadcast %parallel_loop3A_948 : i32 to vector<16xi32>
        %parallel_loop3A_950 = arith.addi %parallel_loop3A_949, %iota3A : vector<16xi32>
        %parallel_loop3A_951 = arith.constant 8 : i32
        %parallel_loop3A_952 = vector.broadcast %parallel_loop3A_951 : i32 to vector<16xi32>
        %parallel_loop3A_953 = arith.divsi %parallel_loop3A_950, %parallel_loop3A_952 : vector<16xi32>
        %parallel_loop3A_954 = arith.constant 0 : i32
        %parallel_loop3A_955 = vector.broadcast %parallel_loop3A_954 : i32 to vector<16xi32>
        %parallel_loop3A_956 = arith.cmpi sgt, %parallel_loop3A_950, %parallel_loop3A_955 : vector<16xi32>
        %parallel_loop3A_957 = arith.extui %parallel_loop3A_956 : vector<16xi1> to vector<16xi32>
        %parallel_loop3A_958 = arith.constant 0 : i32
        %parallel_loop3A_959 = vector.broadcast %parallel_loop3A_958 : i32 to vector<16xi32>
        %parallel_loop3A_960 = arith.cmpi slt, %parallel_loop3A_950, %parallel_loop3A_959 : vector<16xi32>
        %parallel_loop3A_961 = arith.extui %parallel_loop3A_960 : vector<16xi1> to vector<16xi32>
        %parallel_loop3A_962 = arith.subi %parallel_loop3A_957, %parallel_loop3A_961 : vector<16xi32>
        %parallel_loop3A_963 = arith.constant 0 : i32
        %parallel_loop3A_964 = arith.cmpi sgt, %parallel_loop3A_951, %parallel_loop3A_963 : i32
        %parallel_loop3A_965 = arith.extui %parallel_loop3A_964 : i1 to i32
        %parallel_loop3A_966 = arith.constant 0 : i32
        %parallel_loop3A_967 = arith.cmpi slt, %parallel_loop3A_951, %parallel_loop3A_966 : i32
        %parallel_loop3A_968 = arith.extui %parallel_loop3A_967 : i1 to i32
        %parallel_loop3A_969 = arith.subi %parallel_loop3A_965, %parallel_loop3A_968 : i32
        %parallel_loop3A_970 = vector.broadcast %parallel_loop3A_969 : i32 to vector<16xi32>
        %parallel_loop3A_971 = arith.cmpi ne, %parallel_loop3A_962, %parallel_loop3A_970 : vector<16xi32>
        %parallel_loop3A_972 = vector.broadcast %parallel_loop3A_951 : i32 to vector<16xi32>
        %parallel_loop3A_973 = arith.remsi %parallel_loop3A_950, %parallel_loop3A_972 : vector<16xi32>
        %parallel_loop3A_974 = arith.constant 0 : i32
        %parallel_loop3A_975 = vector.broadcast %parallel_loop3A_974 : i32 to vector<16xi32>
        %parallel_loop3A_976 = arith.cmpi ne, %parallel_loop3A_973, %parallel_loop3A_975 : vector<16xi32>
        %parallel_loop3A_977 = arith.andi %parallel_loop3A_971, %parallel_loop3A_976 : vector<16xi1>
        %parallel_loop3A_978 = arith.constant 1 : i32
        %parallel_loop3A_979 = vector.broadcast %parallel_loop3A_978 : i32 to vector<16xi32>
        %parallel_loop3A_980 = arith.subi %parallel_loop3A_953, %parallel_loop3A_979 : vector<16xi32>
        %parallel_loop3A_981 = arith.select %parallel_loop3A_977, %parallel_loop3A_980, %parallel_loop3A_953 : vector<16xi1>, vector<16xi32>
        %parallel_loop3A_982 = arith.constant 80 : i32
        %parallel_loop3A_983 = vector.broadcast %parallel_loop3A_982 : i32 to vector<16xi32>
        %parallel_loop3A_984 = arith.addi %parallel_loop3A_983, %iota3A : vector<16xi32>
        %parallel_loop3A_985 = arith.constant 8 : i32
        %parallel_loop3A_986 = arith.constant 0 : i32
        %parallel_loop3A_987 = arith.cmpi eq, %parallel_loop3A_985, %parallel_loop3A_986 : i32
        %parallel_loop3A_988 = arith.constant 1 : i32
        %parallel_loop3A_989 = arith.select %parallel_loop3A_987, %parallel_loop3A_988, %parallel_loop3A_985 : i32
        %parallel_loop3A_990 = vector.broadcast %parallel_loop3A_989 : i32 to vector<16xi32>
        %parallel_loop3A_991 = arith.remsi %parallel_loop3A_984, %parallel_loop3A_990 : vector<16xi32>
        %parallel_loop3A_992 = arith.constant 0 : i32
        %parallel_loop3A_993 = vector.broadcast %parallel_loop3A_992 : i32 to vector<16xi32>
        %parallel_loop3A_994 = arith.cmpi ne, %parallel_loop3A_991, %parallel_loop3A_993 : vector<16xi32>
        %parallel_loop3A_995 = arith.constant 0 : i32
        %parallel_loop3A_996 = vector.broadcast %parallel_loop3A_995 : i32 to vector<16xi32>
        %parallel_loop3A_997 = arith.cmpi slt, %parallel_loop3A_991, %parallel_loop3A_996 : vector<16xi32>
        %parallel_loop3A_998 = arith.constant 0 : i32
        %parallel_loop3A_999 = arith.cmpi slt, %parallel_loop3A_989, %parallel_loop3A_998 : i32
        %parallel_loop3A_1000 = vector.broadcast %parallel_loop3A_999 : i1 to vector<16xi1>
        %parallel_loop3A_1001 = vector.broadcast %parallel_loop3A_1000 : vector<16xi1> to vector<16xi1>
        %parallel_loop3A_1002 = arith.xori %parallel_loop3A_997, %parallel_loop3A_1001 : vector<16xi1>
        %parallel_loop3A_1003 = arith.andi %parallel_loop3A_1002, %parallel_loop3A_994 : vector<16xi1>
        %parallel_loop3A_1004 = vector.broadcast %parallel_loop3A_989 : i32 to vector<16xi32>
        %parallel_loop3A_1005 = arith.addi %parallel_loop3A_991, %parallel_loop3A_1004 : vector<16xi32>
        %parallel_loop3A_1006 = arith.select %parallel_loop3A_1003, %parallel_loop3A_1005, %parallel_loop3A_991 : vector<16xi1>, vector<16xi32>
        %parallel_loop3A_1007 = arith.constant 0 : i32
        %parallel_loop3A_1008 = arith.index_cast %parallel_loop3A_1007 : i32 to index
        %parallel_loop3A_1009 = arith.index_cast %parallel_loop3A_876 : i32 to index
        %parallel_loop3A_1010 = arith.constant 80 : index
        %parallel_loop3A_1011 = tpu.vector_load %arg12[%parallel_loop3A_1008, %parallel_loop3A_1009, %parallel_loop3A_1010] {strides = array<i32>} : memref<2x128x128xf32, #tpu.memory_space<vmem>>, vector<16xf32>,
        %parallel_loop3A_1012 = arith.constant 0 : i32
        %parallel_loop3A_1013 = arith.constant 0 : i32
        %parallel_loop3A_1014 = arith.constant 0 : i32
        %parallel_loop3A_1015 = arith.constant 0 : i32
        %parallel_loop3A_1016 = tpu.memref_slice %arg15[%parallel_loop3A_1012, %parallel_loop3A_1013, %parallel_loop3A_1014, %parallel_loop3A_1015] : memref<2x20x8x128xf32, #tpu.memory_space<vmem>> -> memref<1x20x8x128xf32, #tpu.memory_space<vmem>>
        %parallel_loop3A_1017 = tpu.memref_squeeze %parallel_loop3A_1016 : memref<1x20x8x128xf32, #tpu.memory_space<vmem>> -> memref<20x8x128xf32, #tpu.memory_space<vmem>>
        tpu.vector_store_idx %parallel_loop3A_1017[%parallel_loop3A_981, %parallel_loop3A_1006, %parallel_loop3A_877], %parallel_loop3A_1011 : memref<20x8x128xf32, #tpu.memory_space<vmem>>[vector<16xi32>, vector<16xi32>, vector<16xi32>], vector<16xf32>,
        %parallel_loop3A_1018 = arith.constant 96 : i32
        %parallel_loop3A_1019 = vector.broadcast %parallel_loop3A_1018 : i32 to vector<16xi32>
        %parallel_loop3A_1020 = arith.addi %parallel_loop3A_1019, %iota3A : vector<16xi32>
        %parallel_loop3A_1021 = arith.constant 8 : i32
        %parallel_loop3A_1022 = vector.broadcast %parallel_loop3A_1021 : i32 to vector<16xi32>
        %parallel_loop3A_1023 = arith.divsi %parallel_loop3A_1020, %parallel_loop3A_1022 : vector<16xi32>
        %parallel_loop3A_1024 = arith.constant 0 : i32
        %parallel_loop3A_1025 = vector.broadcast %parallel_loop3A_1024 : i32 to vector<16xi32>
        %parallel_loop3A_1026 = arith.cmpi sgt, %parallel_loop3A_1020, %parallel_loop3A_1025 : vector<16xi32>
        %parallel_loop3A_1027 = arith.extui %parallel_loop3A_1026 : vector<16xi1> to vector<16xi32>
        %parallel_loop3A_1028 = arith.constant 0 : i32
        %parallel_loop3A_1029 = vector.broadcast %parallel_loop3A_1028 : i32 to vector<16xi32>
        %parallel_loop3A_1030 = arith.cmpi slt, %parallel_loop3A_1020, %parallel_loop3A_1029 : vector<16xi32>
        %parallel_loop3A_1031 = arith.extui %parallel_loop3A_1030 : vector<16xi1> to vector<16xi32>
        %parallel_loop3A_1032 = arith.subi %parallel_loop3A_1027, %parallel_loop3A_1031 : vector<16xi32>
        %parallel_loop3A_1033 = arith.constant 0 : i32
        %parallel_loop3A_1034 = arith.cmpi sgt, %parallel_loop3A_1021, %parallel_loop3A_1033 : i32
        %parallel_loop3A_1035 = arith.extui %parallel_loop3A_1034 : i1 to i32
        %parallel_loop3A_1036 = arith.constant 0 : i32
        %parallel_loop3A_1037 = arith.cmpi slt, %parallel_loop3A_1021, %parallel_loop3A_1036 : i32
        %parallel_loop3A_1038 = arith.extui %parallel_loop3A_1037 : i1 to i32
        %parallel_loop3A_1039 = arith.subi %parallel_loop3A_1035, %parallel_loop3A_1038 : i32
        %parallel_loop3A_1040 = vector.broadcast %parallel_loop3A_1039 : i32 to vector<16xi32>
        %parallel_loop3A_1041 = arith.cmpi ne, %parallel_loop3A_1032, %parallel_loop3A_1040 : vector<16xi32>
        %parallel_loop3A_1042 = vector.broadcast %parallel_loop3A_1021 : i32 to vector<16xi32>
        %parallel_loop3A_1043 = arith.remsi %parallel_loop3A_1020, %parallel_loop3A_1042 : vector<16xi32>
        %parallel_loop3A_1044 = arith.constant 0 : i32
        %parallel_loop3A_1045 = vector.broadcast %parallel_loop3A_1044 : i32 to vector<16xi32>
        %parallel_loop3A_1046 = arith.cmpi ne, %parallel_loop3A_1043, %parallel_loop3A_1045 : vector<16xi32>
        %parallel_loop3A_1047 = arith.andi %parallel_loop3A_1041, %parallel_loop3A_1046 : vector<16xi1>
        %parallel_loop3A_1048 = arith.constant 1 : i32
        %parallel_loop3A_1049 = vector.broadcast %parallel_loop3A_1048 : i32 to vector<16xi32>
        %parallel_loop3A_1050 = arith.subi %parallel_loop3A_1023, %parallel_loop3A_1049 : vector<16xi32>
        %parallel_loop3A_1051 = arith.select %parallel_loop3A_1047, %parallel_loop3A_1050, %parallel_loop3A_1023 : vector<16xi1>, vector<16xi32>
        %parallel_loop3A_1052 = arith.constant 96 : i32
        %parallel_loop3A_1053 = vector.broadcast %parallel_loop3A_1052 : i32 to vector<16xi32>
        %parallel_loop3A_1054 = arith.addi %parallel_loop3A_1053, %iota3A : vector<16xi32>
        %parallel_loop3A_1055 = arith.constant 8 : i32
        %parallel_loop3A_1056 = arith.constant 0 : i32
        %parallel_loop3A_1057 = arith.cmpi eq, %parallel_loop3A_1055, %parallel_loop3A_1056 : i32
        %parallel_loop3A_1058 = arith.constant 1 : i32
        %parallel_loop3A_1059 = arith.select %parallel_loop3A_1057, %parallel_loop3A_1058, %parallel_loop3A_1055 : i32
        %parallel_loop3A_1060 = vector.broadcast %parallel_loop3A_1059 : i32 to vector<16xi32>
        %parallel_loop3A_1061 = arith.remsi %parallel_loop3A_1054, %parallel_loop3A_1060 : vector<16xi32>
        %parallel_loop3A_1062 = arith.constant 0 : i32
        %parallel_loop3A_1063 = vector.broadcast %parallel_loop3A_1062 : i32 to vector<16xi32>
        %parallel_loop3A_1064 = arith.cmpi ne, %parallel_loop3A_1061, %parallel_loop3A_1063 : vector<16xi32>
        %parallel_loop3A_1065 = arith.constant 0 : i32
        %parallel_loop3A_1066 = vector.broadcast %parallel_loop3A_1065 : i32 to vector<16xi32>
        %parallel_loop3A_1067 = arith.cmpi slt, %parallel_loop3A_1061, %parallel_loop3A_1066 : vector<16xi32>
        %parallel_loop3A_1068 = arith.constant 0 : i32
        %parallel_loop3A_1069 = arith.cmpi slt, %parallel_loop3A_1059, %parallel_loop3A_1068 : i32
        %parallel_loop3A_1070 = vector.broadcast %parallel_loop3A_1069 : i1 to vector<16xi1>
        %parallel_loop3A_1071 = vector.broadcast %parallel_loop3A_1070 : vector<16xi1> to vector<16xi1>
        %parallel_loop3A_1072 = arith.xori %parallel_loop3A_1067, %parallel_loop3A_1071 : vector<16xi1>
        %parallel_loop3A_1073 = arith.andi %parallel_loop3A_1072, %parallel_loop3A_1064 : vector<16xi1>
        %parallel_loop3A_1074 = vector.broadcast %parallel_loop3A_1059 : i32 to vector<16xi32>
        %parallel_loop3A_1075 = arith.addi %parallel_loop3A_1061, %parallel_loop3A_1074 : vector<16xi32>
        %parallel_loop3A_1076 = arith.select %parallel_loop3A_1073, %parallel_loop3A_1075, %parallel_loop3A_1061 : vector<16xi1>, vector<16xi32>
        %parallel_loop3A_1077 = arith.constant 0 : i32
        %parallel_loop3A_1078 = arith.index_cast %parallel_loop3A_1077 : i32 to index
        %parallel_loop3A_1079 = arith.index_cast %parallel_loop3A_876 : i32 to index
        %parallel_loop3A_1080 = arith.constant 96 : index
        %parallel_loop3A_1081 = tpu.vector_load %arg12[%parallel_loop3A_1078, %parallel_loop3A_1079, %parallel_loop3A_1080] {strides = array<i32>} : memref<2x128x128xf32, #tpu.memory_space<vmem>>, vector<16xf32>,
        %parallel_loop3A_1082 = arith.constant 0 : i32
        %parallel_loop3A_1083 = arith.constant 0 : i32
        %parallel_loop3A_1084 = arith.constant 0 : i32
        %parallel_loop3A_1085 = arith.constant 0 : i32
        %parallel_loop3A_1086 = tpu.memref_slice %arg15[%parallel_loop3A_1082, %parallel_loop3A_1083, %parallel_loop3A_1084, %parallel_loop3A_1085] : memref<2x20x8x128xf32, #tpu.memory_space<vmem>> -> memref<1x20x8x128xf32, #tpu.memory_space<vmem>>
        %parallel_loop3A_1087 = tpu.memref_squeeze %parallel_loop3A_1086 : memref<1x20x8x128xf32, #tpu.memory_space<vmem>> -> memref<20x8x128xf32, #tpu.memory_space<vmem>>
        tpu.vector_store_idx %parallel_loop3A_1087[%parallel_loop3A_1051, %parallel_loop3A_1076, %parallel_loop3A_877], %parallel_loop3A_1081 : memref<20x8x128xf32, #tpu.memory_space<vmem>>[vector<16xi32>, vector<16xi32>, vector<16xi32>], vector<16xf32>,
        %parallel_loop3A_1088 = arith.constant 112 : i32
        %parallel_loop3A_1089 = vector.broadcast %parallel_loop3A_1088 : i32 to vector<16xi32>
        %parallel_loop3A_1090 = arith.addi %parallel_loop3A_1089, %iota3A : vector<16xi32>
        %parallel_loop3A_1091 = arith.constant 8 : i32
        %parallel_loop3A_1092 = vector.broadcast %parallel_loop3A_1091 : i32 to vector<16xi32>
        %parallel_loop3A_1093 = arith.divsi %parallel_loop3A_1090, %parallel_loop3A_1092 : vector<16xi32>
        %parallel_loop3A_1094 = arith.constant 0 : i32
        %parallel_loop3A_1095 = vector.broadcast %parallel_loop3A_1094 : i32 to vector<16xi32>
        %parallel_loop3A_1096 = arith.cmpi sgt, %parallel_loop3A_1090, %parallel_loop3A_1095 : vector<16xi32>
        %parallel_loop3A_1097 = arith.extui %parallel_loop3A_1096 : vector<16xi1> to vector<16xi32>
        %parallel_loop3A_1098 = arith.constant 0 : i32
        %parallel_loop3A_1099 = vector.broadcast %parallel_loop3A_1098 : i32 to vector<16xi32>
        %parallel_loop3A_1100 = arith.cmpi slt, %parallel_loop3A_1090, %parallel_loop3A_1099 : vector<16xi32>
        %parallel_loop3A_1101 = arith.extui %parallel_loop3A_1100 : vector<16xi1> to vector<16xi32>
        %parallel_loop3A_1102 = arith.subi %parallel_loop3A_1097, %parallel_loop3A_1101 : vector<16xi32>
        %parallel_loop3A_1103 = arith.constant 0 : i32
        %parallel_loop3A_1104 = arith.cmpi sgt, %parallel_loop3A_1091, %parallel_loop3A_1103 : i32
        %parallel_loop3A_1105 = arith.extui %parallel_loop3A_1104 : i1 to i32
        %parallel_loop3A_1106 = arith.constant 0 : i32
        %parallel_loop3A_1107 = arith.cmpi slt, %parallel_loop3A_1091, %parallel_loop3A_1106 : i32
        %parallel_loop3A_1108 = arith.extui %parallel_loop3A_1107 : i1 to i32
        %parallel_loop3A_1109 = arith.subi %parallel_loop3A_1105, %parallel_loop3A_1108 : i32
        %parallel_loop3A_1110 = vector.broadcast %parallel_loop3A_1109 : i32 to vector<16xi32>
        %parallel_loop3A_1111 = arith.cmpi ne, %parallel_loop3A_1102, %parallel_loop3A_1110 : vector<16xi32>
        %parallel_loop3A_1112 = vector.broadcast %parallel_loop3A_1091 : i32 to vector<16xi32>
        %parallel_loop3A_1113 = arith.remsi %parallel_loop3A_1090, %parallel_loop3A_1112 : vector<16xi32>
        %parallel_loop3A_1114 = arith.constant 0 : i32
        %parallel_loop3A_1115 = vector.broadcast %parallel_loop3A_1114 : i32 to vector<16xi32>
        %parallel_loop3A_1116 = arith.cmpi ne, %parallel_loop3A_1113, %parallel_loop3A_1115 : vector<16xi32>
        %parallel_loop3A_1117 = arith.andi %parallel_loop3A_1111, %parallel_loop3A_1116 : vector<16xi1>
        %parallel_loop3A_1118 = arith.constant 1 : i32
        %parallel_loop3A_1119 = vector.broadcast %parallel_loop3A_1118 : i32 to vector<16xi32>
        %parallel_loop3A_1120 = arith.subi %parallel_loop3A_1093, %parallel_loop3A_1119 : vector<16xi32>
        %parallel_loop3A_1121 = arith.select %parallel_loop3A_1117, %parallel_loop3A_1120, %parallel_loop3A_1093 : vector<16xi1>, vector<16xi32>
        %parallel_loop3A_1122 = arith.constant 112 : i32
        %parallel_loop3A_1123 = vector.broadcast %parallel_loop3A_1122 : i32 to vector<16xi32>
        %parallel_loop3A_1124 = arith.addi %parallel_loop3A_1123, %iota3A : vector<16xi32>
        %parallel_loop3A_1125 = arith.constant 8 : i32
        %parallel_loop3A_1126 = arith.constant 0 : i32
        %parallel_loop3A_1127 = arith.cmpi eq, %parallel_loop3A_1125, %parallel_loop3A_1126 : i32
        %parallel_loop3A_1128 = arith.constant 1 : i32
        %parallel_loop3A_1129 = arith.select %parallel_loop3A_1127, %parallel_loop3A_1128, %parallel_loop3A_1125 : i32
        %parallel_loop3A_1130 = vector.broadcast %parallel_loop3A_1129 : i32 to vector<16xi32>
        %parallel_loop3A_1131 = arith.remsi %parallel_loop3A_1124, %parallel_loop3A_1130 : vector<16xi32>
        %parallel_loop3A_1132 = arith.constant 0 : i32
        %parallel_loop3A_1133 = vector.broadcast %parallel_loop3A_1132 : i32 to vector<16xi32>
        %parallel_loop3A_1134 = arith.cmpi ne, %parallel_loop3A_1131, %parallel_loop3A_1133 : vector<16xi32>
        %parallel_loop3A_1135 = arith.constant 0 : i32
        %parallel_loop3A_1136 = vector.broadcast %parallel_loop3A_1135 : i32 to vector<16xi32>
        %parallel_loop3A_1137 = arith.cmpi slt, %parallel_loop3A_1131, %parallel_loop3A_1136 : vector<16xi32>
        %parallel_loop3A_1138 = arith.constant 0 : i32
        %parallel_loop3A_1139 = arith.cmpi slt, %parallel_loop3A_1129, %parallel_loop3A_1138 : i32
        %parallel_loop3A_1140 = vector.broadcast %parallel_loop3A_1139 : i1 to vector<16xi1>
        %parallel_loop3A_1141 = vector.broadcast %parallel_loop3A_1140 : vector<16xi1> to vector<16xi1>
        %parallel_loop3A_1142 = arith.xori %parallel_loop3A_1137, %parallel_loop3A_1141 : vector<16xi1>
        %parallel_loop3A_1143 = arith.andi %parallel_loop3A_1142, %parallel_loop3A_1134 : vector<16xi1>
        %parallel_loop3A_1144 = vector.broadcast %parallel_loop3A_1129 : i32 to vector<16xi32>
        %parallel_loop3A_1145 = arith.addi %parallel_loop3A_1131, %parallel_loop3A_1144 : vector<16xi32>
        %parallel_loop3A_1146 = arith.select %parallel_loop3A_1143, %parallel_loop3A_1145, %parallel_loop3A_1131 : vector<16xi1>, vector<16xi32>
        %parallel_loop3A_1147 = arith.constant 0 : i32
        %parallel_loop3A_1148 = arith.index_cast %parallel_loop3A_1147 : i32 to index
        %parallel_loop3A_1149 = arith.index_cast %parallel_loop3A_876 : i32 to index
        %parallel_loop3A_1150 = arith.constant 112 : index
        %parallel_loop3A_1151 = tpu.vector_load %arg12[%parallel_loop3A_1148, %parallel_loop3A_1149, %parallel_loop3A_1150] {strides = array<i32>} : memref<2x128x128xf32, #tpu.memory_space<vmem>>, vector<16xf32>,
        %parallel_loop3A_1152 = arith.constant 0 : i32
        %parallel_loop3A_1153 = arith.constant 0 : i32
        %parallel_loop3A_1154 = arith.constant 0 : i32
        %parallel_loop3A_1155 = arith.constant 0 : i32
        %parallel_loop3A_1156 = tpu.memref_slice %arg15[%parallel_loop3A_1152, %parallel_loop3A_1153, %parallel_loop3A_1154, %parallel_loop3A_1155] : memref<2x20x8x128xf32, #tpu.memory_space<vmem>> -> memref<1x20x8x128xf32, #tpu.memory_space<vmem>>
        %parallel_loop3A_1157 = tpu.memref_squeeze %parallel_loop3A_1156 : memref<1x20x8x128xf32, #tpu.memory_space<vmem>> -> memref<20x8x128xf32, #tpu.memory_space<vmem>>
        tpu.vector_store_idx %parallel_loop3A_1157[%parallel_loop3A_1121, %parallel_loop3A_1146, %parallel_loop3A_877], %parallel_loop3A_1151 : memref<20x8x128xf32, #tpu.memory_space<vmem>>[vector<16xi32>, vector<16xi32>, vector<16xi32>], vector<16xf32>,
        %parallel_loop3A_1158 = arith.constant 2 : i32
        %parallel_loop3A_1159 = arith.muli %parallel_loop3A_1158, %parallel_loop3A_431 : i32
        %parallel_loop3A_1160 = arith.constant 1 : i32
        %parallel_loop3A_1161 = arith.addi %parallel_loop3A_1159, %parallel_loop3A_1160 : i32
        %parallel_loop3A_1162 = vector.broadcast %parallel_loop3A_1161 : i32 to vector<16xi32>
        %parallel_loop3A_1163 = arith.constant 64 : i32
        %parallel_loop3A_1164 = vector.broadcast %parallel_loop3A_1163 : i32 to vector<16xi32>
        %parallel_loop3A_1165 = arith.addi %parallel_loop3A_1164, %iota3A : vector<16xi32>
        %parallel_loop3A_1166 = arith.constant 8 : i32
        %parallel_loop3A_1167 = vector.broadcast %parallel_loop3A_1166 : i32 to vector<16xi32>
        %parallel_loop3A_1168 = arith.divsi %parallel_loop3A_1165, %parallel_loop3A_1167 : vector<16xi32>
        %parallel_loop3A_1169 = arith.constant 0 : i32
        %parallel_loop3A_1170 = vector.broadcast %parallel_loop3A_1169 : i32 to vector<16xi32>
        %parallel_loop3A_1171 = arith.cmpi sgt, %parallel_loop3A_1165, %parallel_loop3A_1170 : vector<16xi32>
        %parallel_loop3A_1172 = arith.extui %parallel_loop3A_1171 : vector<16xi1> to vector<16xi32>
        %parallel_loop3A_1173 = arith.constant 0 : i32
        %parallel_loop3A_1174 = vector.broadcast %parallel_loop3A_1173 : i32 to vector<16xi32>
        %parallel_loop3A_1175 = arith.cmpi slt, %parallel_loop3A_1165, %parallel_loop3A_1174 : vector<16xi32>
        %parallel_loop3A_1176 = arith.extui %parallel_loop3A_1175 : vector<16xi1> to vector<16xi32>
        %parallel_loop3A_1177 = arith.subi %parallel_loop3A_1172, %parallel_loop3A_1176 : vector<16xi32>
        %parallel_loop3A_1178 = arith.constant 0 : i32
        %parallel_loop3A_1179 = arith.cmpi sgt, %parallel_loop3A_1166, %parallel_loop3A_1178 : i32
        %parallel_loop3A_1180 = arith.extui %parallel_loop3A_1179 : i1 to i32
        %parallel_loop3A_1181 = arith.constant 0 : i32
        %parallel_loop3A_1182 = arith.cmpi slt, %parallel_loop3A_1166, %parallel_loop3A_1181 : i32
        %parallel_loop3A_1183 = arith.extui %parallel_loop3A_1182 : i1 to i32
        %parallel_loop3A_1184 = arith.subi %parallel_loop3A_1180, %parallel_loop3A_1183 : i32
        %parallel_loop3A_1185 = vector.broadcast %parallel_loop3A_1184 : i32 to vector<16xi32>
        %parallel_loop3A_1186 = arith.cmpi ne, %parallel_loop3A_1177, %parallel_loop3A_1185 : vector<16xi32>
        %parallel_loop3A_1187 = vector.broadcast %parallel_loop3A_1166 : i32 to vector<16xi32>
        %parallel_loop3A_1188 = arith.remsi %parallel_loop3A_1165, %parallel_loop3A_1187 : vector<16xi32>
        %parallel_loop3A_1189 = arith.constant 0 : i32
        %parallel_loop3A_1190 = vector.broadcast %parallel_loop3A_1189 : i32 to vector<16xi32>
        %parallel_loop3A_1191 = arith.cmpi ne, %parallel_loop3A_1188, %parallel_loop3A_1190 : vector<16xi32>
        %parallel_loop3A_1192 = arith.andi %parallel_loop3A_1186, %parallel_loop3A_1191 : vector<16xi1>
        %parallel_loop3A_1193 = arith.constant 1 : i32
        %parallel_loop3A_1194 = vector.broadcast %parallel_loop3A_1193 : i32 to vector<16xi32>
        %parallel_loop3A_1195 = arith.subi %parallel_loop3A_1168, %parallel_loop3A_1194 : vector<16xi32>
        %parallel_loop3A_1196 = arith.select %parallel_loop3A_1192, %parallel_loop3A_1195, %parallel_loop3A_1168 : vector<16xi1>, vector<16xi32>
        %parallel_loop3A_1197 = arith.constant 64 : i32
        %parallel_loop3A_1198 = vector.broadcast %parallel_loop3A_1197 : i32 to vector<16xi32>
        %parallel_loop3A_1199 = arith.addi %parallel_loop3A_1198, %iota3A : vector<16xi32>
        %parallel_loop3A_1200 = arith.constant 8 : i32
        %parallel_loop3A_1201 = arith.constant 0 : i32
        %parallel_loop3A_1202 = arith.cmpi eq, %parallel_loop3A_1200, %parallel_loop3A_1201 : i32
        %parallel_loop3A_1203 = arith.constant 1 : i32
        %parallel_loop3A_1204 = arith.select %parallel_loop3A_1202, %parallel_loop3A_1203, %parallel_loop3A_1200 : i32
        %parallel_loop3A_1205 = vector.broadcast %parallel_loop3A_1204 : i32 to vector<16xi32>
        %parallel_loop3A_1206 = arith.remsi %parallel_loop3A_1199, %parallel_loop3A_1205 : vector<16xi32>
        %parallel_loop3A_1207 = arith.constant 0 : i32
        %parallel_loop3A_1208 = vector.broadcast %parallel_loop3A_1207 : i32 to vector<16xi32>
        %parallel_loop3A_1209 = arith.cmpi ne, %parallel_loop3A_1206, %parallel_loop3A_1208 : vector<16xi32>
        %parallel_loop3A_1210 = arith.constant 0 : i32
        %parallel_loop3A_1211 = vector.broadcast %parallel_loop3A_1210 : i32 to vector<16xi32>
        %parallel_loop3A_1212 = arith.cmpi slt, %parallel_loop3A_1206, %parallel_loop3A_1211 : vector<16xi32>
        %parallel_loop3A_1213 = arith.constant 0 : i32
        %parallel_loop3A_1214 = arith.cmpi slt, %parallel_loop3A_1204, %parallel_loop3A_1213 : i32
        %parallel_loop3A_1215 = vector.broadcast %parallel_loop3A_1214 : i1 to vector<16xi1>
        %parallel_loop3A_1216 = vector.broadcast %parallel_loop3A_1215 : vector<16xi1> to vector<16xi1>
        %parallel_loop3A_1217 = arith.xori %parallel_loop3A_1212, %parallel_loop3A_1216 : vector<16xi1>
        %parallel_loop3A_1218 = arith.andi %parallel_loop3A_1217, %parallel_loop3A_1209 : vector<16xi1>
        %parallel_loop3A_1219 = vector.broadcast %parallel_loop3A_1204 : i32 to vector<16xi32>
        %parallel_loop3A_1220 = arith.addi %parallel_loop3A_1206, %parallel_loop3A_1219 : vector<16xi32>
        %parallel_loop3A_1221 = arith.select %parallel_loop3A_1218, %parallel_loop3A_1220, %parallel_loop3A_1206 : vector<16xi1>, vector<16xi32>
        %parallel_loop3A_1222 = arith.constant 0 : i32
        %parallel_loop3A_1223 = arith.index_cast %parallel_loop3A_1222 : i32 to index
        %parallel_loop3A_1224 = arith.index_cast %parallel_loop3A_1161 : i32 to index
        %parallel_loop3A_1225 = arith.constant 64 : index
        %parallel_loop3A_1226 = tpu.vector_load %arg12[%parallel_loop3A_1223, %parallel_loop3A_1224, %parallel_loop3A_1225] {strides = array<i32>} : memref<2x128x128xf32, #tpu.memory_space<vmem>>, vector<16xf32>,
        %parallel_loop3A_1227 = arith.constant 0 : i32
        %parallel_loop3A_1228 = arith.constant 0 : i32
        %parallel_loop3A_1229 = arith.constant 0 : i32
        %parallel_loop3A_1230 = arith.constant 0 : i32
        %parallel_loop3A_1231 = tpu.memref_slice %arg15[%parallel_loop3A_1227, %parallel_loop3A_1228, %parallel_loop3A_1229, %parallel_loop3A_1230] : memref<2x20x8x128xf32, #tpu.memory_space<vmem>> -> memref<1x20x8x128xf32, #tpu.memory_space<vmem>>
        %parallel_loop3A_1232 = tpu.memref_squeeze %parallel_loop3A_1231 : memref<1x20x8x128xf32, #tpu.memory_space<vmem>> -> memref<20x8x128xf32, #tpu.memory_space<vmem>>
        tpu.vector_store_idx %parallel_loop3A_1232[%parallel_loop3A_1196, %parallel_loop3A_1221, %parallel_loop3A_1162], %parallel_loop3A_1226 : memref<20x8x128xf32, #tpu.memory_space<vmem>>[vector<16xi32>, vector<16xi32>, vector<16xi32>], vector<16xf32>,
        %parallel_loop3A_1233 = arith.constant 80 : i32
        %parallel_loop3A_1234 = vector.broadcast %parallel_loop3A_1233 : i32 to vector<16xi32>
        %parallel_loop3A_1235 = arith.addi %parallel_loop3A_1234, %iota3A : vector<16xi32>
        %parallel_loop3A_1236 = arith.constant 8 : i32
        %parallel_loop3A_1237 = vector.broadcast %parallel_loop3A_1236 : i32 to vector<16xi32>
        %parallel_loop3A_1238 = arith.divsi %parallel_loop3A_1235, %parallel_loop3A_1237 : vector<16xi32>
        %parallel_loop3A_1239 = arith.constant 0 : i32
        %parallel_loop3A_1240 = vector.broadcast %parallel_loop3A_1239 : i32 to vector<16xi32>
        %parallel_loop3A_1241 = arith.cmpi sgt, %parallel_loop3A_1235, %parallel_loop3A_1240 : vector<16xi32>
        %parallel_loop3A_1242 = arith.extui %parallel_loop3A_1241 : vector<16xi1> to vector<16xi32>
        %parallel_loop3A_1243 = arith.constant 0 : i32
        %parallel_loop3A_1244 = vector.broadcast %parallel_loop3A_1243 : i32 to vector<16xi32>
        %parallel_loop3A_1245 = arith.cmpi slt, %parallel_loop3A_1235, %parallel_loop3A_1244 : vector<16xi32>
        %parallel_loop3A_1246 = arith.extui %parallel_loop3A_1245 : vector<16xi1> to vector<16xi32>
        %parallel_loop3A_1247 = arith.subi %parallel_loop3A_1242, %parallel_loop3A_1246 : vector<16xi32>
        %parallel_loop3A_1248 = arith.constant 0 : i32
        %parallel_loop3A_1249 = arith.cmpi sgt, %parallel_loop3A_1236, %parallel_loop3A_1248 : i32
        %parallel_loop3A_1250 = arith.extui %parallel_loop3A_1249 : i1 to i32
        %parallel_loop3A_1251 = arith.constant 0 : i32
        %parallel_loop3A_1252 = arith.cmpi slt, %parallel_loop3A_1236, %parallel_loop3A_1251 : i32
        %parallel_loop3A_1253 = arith.extui %parallel_loop3A_1252 : i1 to i32
        %parallel_loop3A_1254 = arith.subi %parallel_loop3A_1250, %parallel_loop3A_1253 : i32
        %parallel_loop3A_1255 = vector.broadcast %parallel_loop3A_1254 : i32 to vector<16xi32>
        %parallel_loop3A_1256 = arith.cmpi ne, %parallel_loop3A_1247, %parallel_loop3A_1255 : vector<16xi32>
        %parallel_loop3A_1257 = vector.broadcast %parallel_loop3A_1236 : i32 to vector<16xi32>
        %parallel_loop3A_1258 = arith.remsi %parallel_loop3A_1235, %parallel_loop3A_1257 : vector<16xi32>
        %parallel_loop3A_1259 = arith.constant 0 : i32
        %parallel_loop3A_1260 = vector.broadcast %parallel_loop3A_1259 : i32 to vector<16xi32>
        %parallel_loop3A_1261 = arith.cmpi ne, %parallel_loop3A_1258, %parallel_loop3A_1260 : vector<16xi32>
        %parallel_loop3A_1262 = arith.andi %parallel_loop3A_1256, %parallel_loop3A_1261 : vector<16xi1>
        %parallel_loop3A_1263 = arith.constant 1 : i32
        %parallel_loop3A_1264 = vector.broadcast %parallel_loop3A_1263 : i32 to vector<16xi32>
        %parallel_loop3A_1265 = arith.subi %parallel_loop3A_1238, %parallel_loop3A_1264 : vector<16xi32>
        %parallel_loop3A_1266 = arith.select %parallel_loop3A_1262, %parallel_loop3A_1265, %parallel_loop3A_1238 : vector<16xi1>, vector<16xi32>
        %parallel_loop3A_1267 = arith.constant 80 : i32
        %parallel_loop3A_1268 = vector.broadcast %parallel_loop3A_1267 : i32 to vector<16xi32>
        %parallel_loop3A_1269 = arith.addi %parallel_loop3A_1268, %iota3A : vector<16xi32>
        %parallel_loop3A_1270 = arith.constant 8 : i32
        %parallel_loop3A_1271 = arith.constant 0 : i32
        %parallel_loop3A_1272 = arith.cmpi eq, %parallel_loop3A_1270, %parallel_loop3A_1271 : i32
        %parallel_loop3A_1273 = arith.constant 1 : i32
        %parallel_loop3A_1274 = arith.select %parallel_loop3A_1272, %parallel_loop3A_1273, %parallel_loop3A_1270 : i32
        %parallel_loop3A_1275 = vector.broadcast %parallel_loop3A_1274 : i32 to vector<16xi32>
        %parallel_loop3A_1276 = arith.remsi %parallel_loop3A_1269, %parallel_loop3A_1275 : vector<16xi32>
        %parallel_loop3A_1277 = arith.constant 0 : i32
        %parallel_loop3A_1278 = vector.broadcast %parallel_loop3A_1277 : i32 to vector<16xi32>
        %parallel_loop3A_1279 = arith.cmpi ne, %parallel_loop3A_1276, %parallel_loop3A_1278 : vector<16xi32>
        %parallel_loop3A_1280 = arith.constant 0 : i32
        %parallel_loop3A_1281 = vector.broadcast %parallel_loop3A_1280 : i32 to vector<16xi32>
        %parallel_loop3A_1282 = arith.cmpi slt, %parallel_loop3A_1276, %parallel_loop3A_1281 : vector<16xi32>
        %parallel_loop3A_1283 = arith.constant 0 : i32
        %parallel_loop3A_1284 = arith.cmpi slt, %parallel_loop3A_1274, %parallel_loop3A_1283 : i32
        %parallel_loop3A_1285 = vector.broadcast %parallel_loop3A_1284 : i1 to vector<16xi1>
        %parallel_loop3A_1286 = vector.broadcast %parallel_loop3A_1285 : vector<16xi1> to vector<16xi1>
        %parallel_loop3A_1287 = arith.xori %parallel_loop3A_1282, %parallel_loop3A_1286 : vector<16xi1>
        %parallel_loop3A_1288 = arith.andi %parallel_loop3A_1287, %parallel_loop3A_1279 : vector<16xi1>
        %parallel_loop3A_1289 = vector.broadcast %parallel_loop3A_1274 : i32 to vector<16xi32>
        %parallel_loop3A_1290 = arith.addi %parallel_loop3A_1276, %parallel_loop3A_1289 : vector<16xi32>
        %parallel_loop3A_1291 = arith.select %parallel_loop3A_1288, %parallel_loop3A_1290, %parallel_loop3A_1276 : vector<16xi1>, vector<16xi32>
        %parallel_loop3A_1292 = arith.constant 0 : i32
        %parallel_loop3A_1293 = arith.index_cast %parallel_loop3A_1292 : i32 to index
        %parallel_loop3A_1294 = arith.index_cast %parallel_loop3A_1161 : i32 to index
        %parallel_loop3A_1295 = arith.constant 80 : index
        %parallel_loop3A_1296 = tpu.vector_load %arg12[%parallel_loop3A_1293, %parallel_loop3A_1294, %parallel_loop3A_1295] {strides = array<i32>} : memref<2x128x128xf32, #tpu.memory_space<vmem>>, vector<16xf32>,
        %parallel_loop3A_1297 = arith.constant 0 : i32
        %parallel_loop3A_1298 = arith.constant 0 : i32
        %parallel_loop3A_1299 = arith.constant 0 : i32
        %parallel_loop3A_1300 = arith.constant 0 : i32
        %parallel_loop3A_1301 = tpu.memref_slice %arg15[%parallel_loop3A_1297, %parallel_loop3A_1298, %parallel_loop3A_1299, %parallel_loop3A_1300] : memref<2x20x8x128xf32, #tpu.memory_space<vmem>> -> memref<1x20x8x128xf32, #tpu.memory_space<vmem>>
        %parallel_loop3A_1302 = tpu.memref_squeeze %parallel_loop3A_1301 : memref<1x20x8x128xf32, #tpu.memory_space<vmem>> -> memref<20x8x128xf32, #tpu.memory_space<vmem>>
        tpu.vector_store_idx %parallel_loop3A_1302[%parallel_loop3A_1266, %parallel_loop3A_1291, %parallel_loop3A_1162], %parallel_loop3A_1296 : memref<20x8x128xf32, #tpu.memory_space<vmem>>[vector<16xi32>, vector<16xi32>, vector<16xi32>], vector<16xf32>,
        %parallel_loop3A_1303 = arith.constant 96 : i32
        %parallel_loop3A_1304 = vector.broadcast %parallel_loop3A_1303 : i32 to vector<16xi32>
        %parallel_loop3A_1305 = arith.addi %parallel_loop3A_1304, %iota3A : vector<16xi32>
        %parallel_loop3A_1306 = arith.constant 8 : i32
        %parallel_loop3A_1307 = vector.broadcast %parallel_loop3A_1306 : i32 to vector<16xi32>
        %parallel_loop3A_1308 = arith.divsi %parallel_loop3A_1305, %parallel_loop3A_1307 : vector<16xi32>
        %parallel_loop3A_1309 = arith.constant 0 : i32
        %parallel_loop3A_1310 = vector.broadcast %parallel_loop3A_1309 : i32 to vector<16xi32>
        %parallel_loop3A_1311 = arith.cmpi sgt, %parallel_loop3A_1305, %parallel_loop3A_1310 : vector<16xi32>
        %parallel_loop3A_1312 = arith.extui %parallel_loop3A_1311 : vector<16xi1> to vector<16xi32>
        %parallel_loop3A_1313 = arith.constant 0 : i32
        %parallel_loop3A_1314 = vector.broadcast %parallel_loop3A_1313 : i32 to vector<16xi32>
        %parallel_loop3A_1315 = arith.cmpi slt, %parallel_loop3A_1305, %parallel_loop3A_1314 : vector<16xi32>
        %parallel_loop3A_1316 = arith.extui %parallel_loop3A_1315 : vector<16xi1> to vector<16xi32>
        %parallel_loop3A_1317 = arith.subi %parallel_loop3A_1312, %parallel_loop3A_1316 : vector<16xi32>
        %parallel_loop3A_1318 = arith.constant 0 : i32
        %parallel_loop3A_1319 = arith.cmpi sgt, %parallel_loop3A_1306, %parallel_loop3A_1318 : i32
        %parallel_loop3A_1320 = arith.extui %parallel_loop3A_1319 : i1 to i32
        %parallel_loop3A_1321 = arith.constant 0 : i32
        %parallel_loop3A_1322 = arith.cmpi slt, %parallel_loop3A_1306, %parallel_loop3A_1321 : i32
        %parallel_loop3A_1323 = arith.extui %parallel_loop3A_1322 : i1 to i32
        %parallel_loop3A_1324 = arith.subi %parallel_loop3A_1320, %parallel_loop3A_1323 : i32
        %parallel_loop3A_1325 = vector.broadcast %parallel_loop3A_1324 : i32 to vector<16xi32>
        %parallel_loop3A_1326 = arith.cmpi ne, %parallel_loop3A_1317, %parallel_loop3A_1325 : vector<16xi32>
        %parallel_loop3A_1327 = vector.broadcast %parallel_loop3A_1306 : i32 to vector<16xi32>
        %parallel_loop3A_1328 = arith.remsi %parallel_loop3A_1305, %parallel_loop3A_1327 : vector<16xi32>
        %parallel_loop3A_1329 = arith.constant 0 : i32
        %parallel_loop3A_1330 = vector.broadcast %parallel_loop3A_1329 : i32 to vector<16xi32>
        %parallel_loop3A_1331 = arith.cmpi ne, %parallel_loop3A_1328, %parallel_loop3A_1330 : vector<16xi32>
        %parallel_loop3A_1332 = arith.andi %parallel_loop3A_1326, %parallel_loop3A_1331 : vector<16xi1>
        %parallel_loop3A_1333 = arith.constant 1 : i32
        %parallel_loop3A_1334 = vector.broadcast %parallel_loop3A_1333 : i32 to vector<16xi32>
        %parallel_loop3A_1335 = arith.subi %parallel_loop3A_1308, %parallel_loop3A_1334 : vector<16xi32>
        %parallel_loop3A_1336 = arith.select %parallel_loop3A_1332, %parallel_loop3A_1335, %parallel_loop3A_1308 : vector<16xi1>, vector<16xi32>
        %parallel_loop3A_1337 = arith.constant 96 : i32
        %parallel_loop3A_1338 = vector.broadcast %parallel_loop3A_1337 : i32 to vector<16xi32>
        %parallel_loop3A_1339 = arith.addi %parallel_loop3A_1338, %iota3A : vector<16xi32>
        %parallel_loop3A_1340 = arith.constant 8 : i32
        %parallel_loop3A_1341 = arith.constant 0 : i32
        %parallel_loop3A_1342 = arith.cmpi eq, %parallel_loop3A_1340, %parallel_loop3A_1341 : i32
        %parallel_loop3A_1343 = arith.constant 1 : i32
        %parallel_loop3A_1344 = arith.select %parallel_loop3A_1342, %parallel_loop3A_1343, %parallel_loop3A_1340 : i32
        %parallel_loop3A_1345 = vector.broadcast %parallel_loop3A_1344 : i32 to vector<16xi32>
        %parallel_loop3A_1346 = arith.remsi %parallel_loop3A_1339, %parallel_loop3A_1345 : vector<16xi32>
        %parallel_loop3A_1347 = arith.constant 0 : i32
        %parallel_loop3A_1348 = vector.broadcast %parallel_loop3A_1347 : i32 to vector<16xi32>
        %parallel_loop3A_1349 = arith.cmpi ne, %parallel_loop3A_1346, %parallel_loop3A_1348 : vector<16xi32>
        %parallel_loop3A_1350 = arith.constant 0 : i32
        %parallel_loop3A_1351 = vector.broadcast %parallel_loop3A_1350 : i32 to vector<16xi32>
        %parallel_loop3A_1352 = arith.cmpi slt, %parallel_loop3A_1346, %parallel_loop3A_1351 : vector<16xi32>
        %parallel_loop3A_1353 = arith.constant 0 : i32
        %parallel_loop3A_1354 = arith.cmpi slt, %parallel_loop3A_1344, %parallel_loop3A_1353 : i32
        %parallel_loop3A_1355 = vector.broadcast %parallel_loop3A_1354 : i1 to vector<16xi1>
        %parallel_loop3A_1356 = vector.broadcast %parallel_loop3A_1355 : vector<16xi1> to vector<16xi1>
        %parallel_loop3A_1357 = arith.xori %parallel_loop3A_1352, %parallel_loop3A_1356 : vector<16xi1>
        %parallel_loop3A_1358 = arith.andi %parallel_loop3A_1357, %parallel_loop3A_1349 : vector<16xi1>
        %parallel_loop3A_1359 = vector.broadcast %parallel_loop3A_1344 : i32 to vector<16xi32>
        %parallel_loop3A_1360 = arith.addi %parallel_loop3A_1346, %parallel_loop3A_1359 : vector<16xi32>
        %parallel_loop3A_1361 = arith.select %parallel_loop3A_1358, %parallel_loop3A_1360, %parallel_loop3A_1346 : vector<16xi1>, vector<16xi32>
        %parallel_loop3A_1362 = arith.constant 0 : i32
        %parallel_loop3A_1363 = arith.index_cast %parallel_loop3A_1362 : i32 to index
        %parallel_loop3A_1364 = arith.index_cast %parallel_loop3A_1161 : i32 to index
        %parallel_loop3A_1365 = arith.constant 96 : index
        %parallel_loop3A_1366 = tpu.vector_load %arg12[%parallel_loop3A_1363, %parallel_loop3A_1364, %parallel_loop3A_1365] {strides = array<i32>} : memref<2x128x128xf32, #tpu.memory_space<vmem>>, vector<16xf32>,
        %parallel_loop3A_1367 = arith.constant 0 : i32
        %parallel_loop3A_1368 = arith.constant 0 : i32
        %parallel_loop3A_1369 = arith.constant 0 : i32
        %parallel_loop3A_1370 = arith.constant 0 : i32
        %parallel_loop3A_1371 = tpu.memref_slice %arg15[%parallel_loop3A_1367, %parallel_loop3A_1368, %parallel_loop3A_1369, %parallel_loop3A_1370] : memref<2x20x8x128xf32, #tpu.memory_space<vmem>> -> memref<1x20x8x128xf32, #tpu.memory_space<vmem>>
        %parallel_loop3A_1372 = tpu.memref_squeeze %parallel_loop3A_1371 : memref<1x20x8x128xf32, #tpu.memory_space<vmem>> -> memref<20x8x128xf32, #tpu.memory_space<vmem>>
        tpu.vector_store_idx %parallel_loop3A_1372[%parallel_loop3A_1336, %parallel_loop3A_1361, %parallel_loop3A_1162], %parallel_loop3A_1366 : memref<20x8x128xf32, #tpu.memory_space<vmem>>[vector<16xi32>, vector<16xi32>, vector<16xi32>], vector<16xf32>,
        %parallel_loop3A_1373 = arith.constant 112 : i32
        %parallel_loop3A_1374 = vector.broadcast %parallel_loop3A_1373 : i32 to vector<16xi32>
        %parallel_loop3A_1375 = arith.addi %parallel_loop3A_1374, %iota3A : vector<16xi32>
        %parallel_loop3A_1376 = arith.constant 8 : i32
        %parallel_loop3A_1377 = vector.broadcast %parallel_loop3A_1376 : i32 to vector<16xi32>
        %parallel_loop3A_1378 = arith.divsi %parallel_loop3A_1375, %parallel_loop3A_1377 : vector<16xi32>
        %parallel_loop3A_1379 = arith.constant 0 : i32
        %parallel_loop3A_1380 = vector.broadcast %parallel_loop3A_1379 : i32 to vector<16xi32>
        %parallel_loop3A_1381 = arith.cmpi sgt, %parallel_loop3A_1375, %parallel_loop3A_1380 : vector<16xi32>
        %parallel_loop3A_1382 = arith.extui %parallel_loop3A_1381 : vector<16xi1> to vector<16xi32>
        %parallel_loop3A_1383 = arith.constant 0 : i32
        %parallel_loop3A_1384 = vector.broadcast %parallel_loop3A_1383 : i32 to vector<16xi32>
        %parallel_loop3A_1385 = arith.cmpi slt, %parallel_loop3A_1375, %parallel_loop3A_1384 : vector<16xi32>
        %parallel_loop3A_1386 = arith.extui %parallel_loop3A_1385 : vector<16xi1> to vector<16xi32>
        %parallel_loop3A_1387 = arith.subi %parallel_loop3A_1382, %parallel_loop3A_1386 : vector<16xi32>
        %parallel_loop3A_1388 = arith.constant 0 : i32
        %parallel_loop3A_1389 = arith.cmpi sgt, %parallel_loop3A_1376, %parallel_loop3A_1388 : i32
        %parallel_loop3A_1390 = arith.extui %parallel_loop3A_1389 : i1 to i32
        %parallel_loop3A_1391 = arith.constant 0 : i32
        %parallel_loop3A_1392 = arith.cmpi slt, %parallel_loop3A_1376, %parallel_loop3A_1391 : i32
        %parallel_loop3A_1393 = arith.extui %parallel_loop3A_1392 : i1 to i32
        %parallel_loop3A_1394 = arith.subi %parallel_loop3A_1390, %parallel_loop3A_1393 : i32
        %parallel_loop3A_1395 = vector.broadcast %parallel_loop3A_1394 : i32 to vector<16xi32>
        %parallel_loop3A_1396 = arith.cmpi ne, %parallel_loop3A_1387, %parallel_loop3A_1395 : vector<16xi32>
        %parallel_loop3A_1397 = vector.broadcast %parallel_loop3A_1376 : i32 to vector<16xi32>
        %parallel_loop3A_1398 = arith.remsi %parallel_loop3A_1375, %parallel_loop3A_1397 : vector<16xi32>
        %parallel_loop3A_1399 = arith.constant 0 : i32
        %parallel_loop3A_1400 = vector.broadcast %parallel_loop3A_1399 : i32 to vector<16xi32>
        %parallel_loop3A_1401 = arith.cmpi ne, %parallel_loop3A_1398, %parallel_loop3A_1400 : vector<16xi32>
        %parallel_loop3A_1402 = arith.andi %parallel_loop3A_1396, %parallel_loop3A_1401 : vector<16xi1>
        %parallel_loop3A_1403 = arith.constant 1 : i32
        %parallel_loop3A_1404 = vector.broadcast %parallel_loop3A_1403 : i32 to vector<16xi32>
        %parallel_loop3A_1405 = arith.subi %parallel_loop3A_1378, %parallel_loop3A_1404 : vector<16xi32>
        %parallel_loop3A_1406 = arith.select %parallel_loop3A_1402, %parallel_loop3A_1405, %parallel_loop3A_1378 : vector<16xi1>, vector<16xi32>
        %parallel_loop3A_1407 = arith.constant 112 : i32
        %parallel_loop3A_1408 = vector.broadcast %parallel_loop3A_1407 : i32 to vector<16xi32>
        %parallel_loop3A_1409 = arith.addi %parallel_loop3A_1408, %iota3A : vector<16xi32>
        %parallel_loop3A_1410 = arith.constant 8 : i32
        %parallel_loop3A_1411 = arith.constant 0 : i32
        %parallel_loop3A_1412 = arith.cmpi eq, %parallel_loop3A_1410, %parallel_loop3A_1411 : i32
        %parallel_loop3A_1413 = arith.constant 1 : i32
        %parallel_loop3A_1414 = arith.select %parallel_loop3A_1412, %parallel_loop3A_1413, %parallel_loop3A_1410 : i32
        %parallel_loop3A_1415 = vector.broadcast %parallel_loop3A_1414 : i32 to vector<16xi32>
        %parallel_loop3A_1416 = arith.remsi %parallel_loop3A_1409, %parallel_loop3A_1415 : vector<16xi32>
        %parallel_loop3A_1417 = arith.constant 0 : i32
        %parallel_loop3A_1418 = vector.broadcast %parallel_loop3A_1417 : i32 to vector<16xi32>
        %parallel_loop3A_1419 = arith.cmpi ne, %parallel_loop3A_1416, %parallel_loop3A_1418 : vector<16xi32>
        %parallel_loop3A_1420 = arith.constant 0 : i32
        %parallel_loop3A_1421 = vector.broadcast %parallel_loop3A_1420 : i32 to vector<16xi32>
        %parallel_loop3A_1422 = arith.cmpi slt, %parallel_loop3A_1416, %parallel_loop3A_1421 : vector<16xi32>
        %parallel_loop3A_1423 = arith.constant 0 : i32
        %parallel_loop3A_1424 = arith.cmpi slt, %parallel_loop3A_1414, %parallel_loop3A_1423 : i32
        %parallel_loop3A_1425 = vector.broadcast %parallel_loop3A_1424 : i1 to vector<16xi1>
        %parallel_loop3A_1426 = vector.broadcast %parallel_loop3A_1425 : vector<16xi1> to vector<16xi1>
        %parallel_loop3A_1427 = arith.xori %parallel_loop3A_1422, %parallel_loop3A_1426 : vector<16xi1>
        %parallel_loop3A_1428 = arith.andi %parallel_loop3A_1427, %parallel_loop3A_1419 : vector<16xi1>
        %parallel_loop3A_1429 = vector.broadcast %parallel_loop3A_1414 : i32 to vector<16xi32>
        %parallel_loop3A_1430 = arith.addi %parallel_loop3A_1416, %parallel_loop3A_1429 : vector<16xi32>
        %parallel_loop3A_1431 = arith.select %parallel_loop3A_1428, %parallel_loop3A_1430, %parallel_loop3A_1416 : vector<16xi1>, vector<16xi32>
        %parallel_loop3A_1432 = arith.constant 0 : i32
        %parallel_loop3A_1433 = arith.index_cast %parallel_loop3A_1432 : i32 to index
        %parallel_loop3A_1434 = arith.index_cast %parallel_loop3A_1161 : i32 to index
        %parallel_loop3A_1435 = arith.constant 112 : index
        %parallel_loop3A_1436 = tpu.vector_load %arg12[%parallel_loop3A_1433, %parallel_loop3A_1434, %parallel_loop3A_1435] {strides = array<i32>} : memref<2x128x128xf32, #tpu.memory_space<vmem>>, vector<16xf32>,
        %parallel_loop3A_1437 = arith.constant 0 : i32
        %parallel_loop3A_1438 = arith.constant 0 : i32
        %parallel_loop3A_1439 = arith.constant 0 : i32
        %parallel_loop3A_1440 = arith.constant 0 : i32
        %parallel_loop3A_1441 = tpu.memref_slice %arg15[%parallel_loop3A_1437, %parallel_loop3A_1438, %parallel_loop3A_1439, %parallel_loop3A_1440] : memref<2x20x8x128xf32, #tpu.memory_space<vmem>> -> memref<1x20x8x128xf32, #tpu.memory_space<vmem>>
        %parallel_loop3A_1442 = tpu.memref_squeeze %parallel_loop3A_1441 : memref<1x20x8x128xf32, #tpu.memory_space<vmem>> -> memref<20x8x128xf32, #tpu.memory_space<vmem>>
        tpu.vector_store_idx %parallel_loop3A_1442[%parallel_loop3A_1406, %parallel_loop3A_1431, %parallel_loop3A_1162], %parallel_loop3A_1436 : memref<20x8x128xf32, #tpu.memory_space<vmem>>[vector<16xi32>, vector<16xi32>, vector<16xi32>], vector<16xf32>,
      } {sc.loop_unroll_factor = 4 : i64, sc.parallel_access}
      %parallel_loop3A_236 = arith.constant 0 : i32
      %parallel_loop3A_237 = arith.constant 16 : i32
      %parallel_loop3A_238 = arith.constant 1 : i32
      scf.for %parallel_loop3A_431 = %parallel_loop3A_236 to %parallel_loop3A_237 step %parallel_loop3A_238  : i32 {
        %parallel_loop3A_432 = vector.broadcast %parallel_loop3A_431 : i32 to vector<16xi32>
        %parallel_loop3A_433 = arith.constant 0 : i32
        %parallel_loop3A_434 = vector.broadcast %parallel_loop3A_433 : i32 to vector<16xi32>
        %parallel_loop3A_435 = arith.addi %parallel_loop3A_434, %iota3A : vector<16xi32>
        %parallel_loop3A_436 = arith.constant 0 : i32
        %parallel_loop3A_437 = arith.constant 0 : i32
        %parallel_loop3A_438 = arith.constant 0 : i32
        %parallel_loop3A_439 = tpu.memref_slice %arg13[%parallel_loop3A_436, %parallel_loop3A_437, %parallel_loop3A_438] : memref<2x128x16xf32, #tpu.memory_space<vmem>> -> memref<1x128x16xf32, #tpu.memory_space<vmem>>
        %parallel_loop3A_440 = tpu.memref_squeeze %parallel_loop3A_439 : memref<1x128x16xf32, #tpu.memory_space<vmem>> -> memref<128x16xf32, #tpu.memory_space<vmem>>
        %parallel_loop3A_441 = tpu.vector_load_idx %parallel_loop3A_440[%parallel_loop3A_435, %parallel_loop3A_432] : memref<128x16xf32, #tpu.memory_space<vmem>>[vector<16xi32>, vector<16xi32>], vector<16xf32>,
        %parallel_loop3A_442 = arith.constant 8 : i32
        %parallel_loop3A_443 = arith.divsi %parallel_loop3A_431, %parallel_loop3A_442 : i32
        %parallel_loop3A_444 = arith.constant 0 : i32
        %parallel_loop3A_445 = arith.cmpi sgt, %parallel_loop3A_431, %parallel_loop3A_444 : i32
        %parallel_loop3A_446 = arith.extui %parallel_loop3A_445 : i1 to i32
        %parallel_loop3A_447 = arith.constant 0 : i32
        %parallel_loop3A_448 = arith.cmpi slt, %parallel_loop3A_431, %parallel_loop3A_447 : i32
        %parallel_loop3A_449 = arith.extui %parallel_loop3A_448 : i1 to i32
        %parallel_loop3A_450 = arith.subi %parallel_loop3A_446, %parallel_loop3A_449 : i32
        %parallel_loop3A_451 = arith.constant 0 : i32
        %parallel_loop3A_452 = arith.cmpi sgt, %parallel_loop3A_442, %parallel_loop3A_451 : i32
        %parallel_loop3A_453 = arith.extui %parallel_loop3A_452 : i1 to i32
        %parallel_loop3A_454 = arith.constant 0 : i32
        %parallel_loop3A_455 = arith.cmpi slt, %parallel_loop3A_442, %parallel_loop3A_454 : i32
        %parallel_loop3A_456 = arith.extui %parallel_loop3A_455 : i1 to i32
        %parallel_loop3A_457 = arith.subi %parallel_loop3A_453, %parallel_loop3A_456 : i32
        %parallel_loop3A_458 = arith.cmpi ne, %parallel_loop3A_450, %parallel_loop3A_457 : i32
        %parallel_loop3A_459 = arith.remsi %parallel_loop3A_431, %parallel_loop3A_442 : i32
        %parallel_loop3A_460 = arith.constant 0 : i32
        %parallel_loop3A_461 = arith.cmpi ne, %parallel_loop3A_459, %parallel_loop3A_460 : i32
        %parallel_loop3A_462 = arith.andi %parallel_loop3A_458, %parallel_loop3A_461 : i1
        %parallel_loop3A_463 = arith.constant 1 : i32
        %parallel_loop3A_464 = arith.subi %parallel_loop3A_443, %parallel_loop3A_463 : i32
        %parallel_loop3A_465 = arith.select %parallel_loop3A_462, %parallel_loop3A_464, %parallel_loop3A_443 : i32
        %parallel_loop3A_466 = arith.constant 16 : i32
        %parallel_loop3A_467 = arith.addi %parallel_loop3A_466, %parallel_loop3A_465 : i32
        %parallel_loop3A_468 = arith.constant 8 : i32
        %parallel_loop3A_469 = arith.constant 0 : i32
        %parallel_loop3A_470 = arith.cmpi eq, %parallel_loop3A_468, %parallel_loop3A_469 : i32
        %parallel_loop3A_471 = arith.constant 1 : i32
        %parallel_loop3A_472 = arith.select %parallel_loop3A_470, %parallel_loop3A_471, %parallel_loop3A_468 : i32
        %parallel_loop3A_473 = arith.remsi %parallel_loop3A_431, %parallel_loop3A_472 : i32
        %parallel_loop3A_474 = arith.constant 0 : i32
        %parallel_loop3A_475 = arith.cmpi ne, %parallel_loop3A_473, %parallel_loop3A_474 : i32
        %parallel_loop3A_476 = arith.constant 0 : i32
        %parallel_loop3A_477 = arith.cmpi slt, %parallel_loop3A_473, %parallel_loop3A_476 : i32
        %parallel_loop3A_478 = arith.constant 0 : i32
        %parallel_loop3A_479 = arith.cmpi slt, %parallel_loop3A_472, %parallel_loop3A_478 : i32
        %parallel_loop3A_480 = arith.xori %parallel_loop3A_477, %parallel_loop3A_479 : i1
        %parallel_loop3A_481 = arith.andi %parallel_loop3A_480, %parallel_loop3A_475 : i1
        %parallel_loop3A_482 = arith.addi %parallel_loop3A_473, %parallel_loop3A_472 : i32
        %parallel_loop3A_483 = arith.select %parallel_loop3A_481, %parallel_loop3A_482, %parallel_loop3A_473 : i32
        %parallel_loop3A_484 = arith.constant 0 : i32
        %parallel_loop3A_485 = arith.index_cast %parallel_loop3A_484 : i32 to index
        %parallel_loop3A_486 = arith.index_cast %parallel_loop3A_467 : i32 to index
        %parallel_loop3A_487 = arith.index_cast %parallel_loop3A_483 : i32 to index
        %parallel_loop3A_488 = arith.constant 0 : index
        %parallel_loop3A_489 = tpu.vector_load %arg15[%parallel_loop3A_485, %parallel_loop3A_486, %parallel_loop3A_487, %parallel_loop3A_488] {strides = array<i32>} : memref<2x20x8x128xf32, #tpu.memory_space<vmem>>, vector<16xf32>,
        tpu.vector_store %arg15[%parallel_loop3A_485, %parallel_loop3A_486, %parallel_loop3A_487, %parallel_loop3A_488], %parallel_loop3A_441 {strides = array<i32>} : memref<2x20x8x128xf32, #tpu.memory_space<vmem>>, vector<16xf32>,
        %parallel_loop3A_490 = arith.constant 16 : i32
        %parallel_loop3A_491 = vector.broadcast %parallel_loop3A_490 : i32 to vector<16xi32>
        %parallel_loop3A_492 = arith.addi %parallel_loop3A_491, %iota3A : vector<16xi32>
        %parallel_loop3A_493 = arith.constant 0 : i32
        %parallel_loop3A_494 = arith.constant 0 : i32
        %parallel_loop3A_495 = arith.constant 0 : i32
        %parallel_loop3A_496 = tpu.memref_slice %arg13[%parallel_loop3A_493, %parallel_loop3A_494, %parallel_loop3A_495] : memref<2x128x16xf32, #tpu.memory_space<vmem>> -> memref<1x128x16xf32, #tpu.memory_space<vmem>>
        %parallel_loop3A_497 = tpu.memref_squeeze %parallel_loop3A_496 : memref<1x128x16xf32, #tpu.memory_space<vmem>> -> memref<128x16xf32, #tpu.memory_space<vmem>>
        %parallel_loop3A_498 = tpu.vector_load_idx %parallel_loop3A_497[%parallel_loop3A_492, %parallel_loop3A_432] : memref<128x16xf32, #tpu.memory_space<vmem>>[vector<16xi32>, vector<16xi32>], vector<16xf32>,
        %parallel_loop3A_499 = arith.constant 8 : i32
        %parallel_loop3A_500 = arith.divsi %parallel_loop3A_431, %parallel_loop3A_499 : i32
        %parallel_loop3A_501 = arith.constant 0 : i32
        %parallel_loop3A_502 = arith.cmpi sgt, %parallel_loop3A_431, %parallel_loop3A_501 : i32
        %parallel_loop3A_503 = arith.extui %parallel_loop3A_502 : i1 to i32
        %parallel_loop3A_504 = arith.constant 0 : i32
        %parallel_loop3A_505 = arith.cmpi slt, %parallel_loop3A_431, %parallel_loop3A_504 : i32
        %parallel_loop3A_506 = arith.extui %parallel_loop3A_505 : i1 to i32
        %parallel_loop3A_507 = arith.subi %parallel_loop3A_503, %parallel_loop3A_506 : i32
        %parallel_loop3A_508 = arith.constant 0 : i32
        %parallel_loop3A_509 = arith.cmpi sgt, %parallel_loop3A_499, %parallel_loop3A_508 : i32
        %parallel_loop3A_510 = arith.extui %parallel_loop3A_509 : i1 to i32
        %parallel_loop3A_511 = arith.constant 0 : i32
        %parallel_loop3A_512 = arith.cmpi slt, %parallel_loop3A_499, %parallel_loop3A_511 : i32
        %parallel_loop3A_513 = arith.extui %parallel_loop3A_512 : i1 to i32
        %parallel_loop3A_514 = arith.subi %parallel_loop3A_510, %parallel_loop3A_513 : i32
        %parallel_loop3A_515 = arith.cmpi ne, %parallel_loop3A_507, %parallel_loop3A_514 : i32
        %parallel_loop3A_516 = arith.remsi %parallel_loop3A_431, %parallel_loop3A_499 : i32
        %parallel_loop3A_517 = arith.constant 0 : i32
        %parallel_loop3A_518 = arith.cmpi ne, %parallel_loop3A_516, %parallel_loop3A_517 : i32
        %parallel_loop3A_519 = arith.andi %parallel_loop3A_515, %parallel_loop3A_518 : i1
        %parallel_loop3A_520 = arith.constant 1 : i32
        %parallel_loop3A_521 = arith.subi %parallel_loop3A_500, %parallel_loop3A_520 : i32
        %parallel_loop3A_522 = arith.select %parallel_loop3A_519, %parallel_loop3A_521, %parallel_loop3A_500 : i32
        %parallel_loop3A_523 = arith.constant 16 : i32
        %parallel_loop3A_524 = arith.addi %parallel_loop3A_523, %parallel_loop3A_522 : i32
        %parallel_loop3A_525 = arith.constant 8 : i32
        %parallel_loop3A_526 = arith.constant 0 : i32
        %parallel_loop3A_527 = arith.cmpi eq, %parallel_loop3A_525, %parallel_loop3A_526 : i32
        %parallel_loop3A_528 = arith.constant 1 : i32
        %parallel_loop3A_529 = arith.select %parallel_loop3A_527, %parallel_loop3A_528, %parallel_loop3A_525 : i32
        %parallel_loop3A_530 = arith.remsi %parallel_loop3A_431, %parallel_loop3A_529 : i32
        %parallel_loop3A_531 = arith.constant 0 : i32
        %parallel_loop3A_532 = arith.cmpi ne, %parallel_loop3A_530, %parallel_loop3A_531 : i32
        %parallel_loop3A_533 = arith.constant 0 : i32
        %parallel_loop3A_534 = arith.cmpi slt, %parallel_loop3A_530, %parallel_loop3A_533 : i32
        %parallel_loop3A_535 = arith.constant 0 : i32
        %parallel_loop3A_536 = arith.cmpi slt, %parallel_loop3A_529, %parallel_loop3A_535 : i32
        %parallel_loop3A_537 = arith.xori %parallel_loop3A_534, %parallel_loop3A_536 : i1
        %parallel_loop3A_538 = arith.andi %parallel_loop3A_537, %parallel_loop3A_532 : i1
        %parallel_loop3A_539 = arith.addi %parallel_loop3A_530, %parallel_loop3A_529 : i32
        %parallel_loop3A_540 = arith.select %parallel_loop3A_538, %parallel_loop3A_539, %parallel_loop3A_530 : i32
        %parallel_loop3A_541 = arith.constant 0 : i32
        %parallel_loop3A_542 = arith.index_cast %parallel_loop3A_541 : i32 to index
        %parallel_loop3A_543 = arith.index_cast %parallel_loop3A_524 : i32 to index
        %parallel_loop3A_544 = arith.index_cast %parallel_loop3A_540 : i32 to index
        %parallel_loop3A_545 = arith.constant 16 : index
        %parallel_loop3A_546 = tpu.vector_load %arg15[%parallel_loop3A_542, %parallel_loop3A_543, %parallel_loop3A_544, %parallel_loop3A_545] {strides = array<i32>} : memref<2x20x8x128xf32, #tpu.memory_space<vmem>>, vector<16xf32>,
        tpu.vector_store %arg15[%parallel_loop3A_542, %parallel_loop3A_543, %parallel_loop3A_544, %parallel_loop3A_545], %parallel_loop3A_498 {strides = array<i32>} : memref<2x20x8x128xf32, #tpu.memory_space<vmem>>, vector<16xf32>,
        %parallel_loop3A_547 = arith.constant 32 : i32
        %parallel_loop3A_548 = vector.broadcast %parallel_loop3A_547 : i32 to vector<16xi32>
        %parallel_loop3A_549 = arith.addi %parallel_loop3A_548, %iota3A : vector<16xi32>
        %parallel_loop3A_550 = arith.constant 0 : i32
        %parallel_loop3A_551 = arith.constant 0 : i32
        %parallel_loop3A_552 = arith.constant 0 : i32
        %parallel_loop3A_553 = tpu.memref_slice %arg13[%parallel_loop3A_550, %parallel_loop3A_551, %parallel_loop3A_552] : memref<2x128x16xf32, #tpu.memory_space<vmem>> -> memref<1x128x16xf32, #tpu.memory_space<vmem>>
        %parallel_loop3A_554 = tpu.memref_squeeze %parallel_loop3A_553 : memref<1x128x16xf32, #tpu.memory_space<vmem>> -> memref<128x16xf32, #tpu.memory_space<vmem>>
        %parallel_loop3A_555 = tpu.vector_load_idx %parallel_loop3A_554[%parallel_loop3A_549, %parallel_loop3A_432] : memref<128x16xf32, #tpu.memory_space<vmem>>[vector<16xi32>, vector<16xi32>], vector<16xf32>,
        %parallel_loop3A_556 = arith.constant 8 : i32
        %parallel_loop3A_557 = arith.divsi %parallel_loop3A_431, %parallel_loop3A_556 : i32
        %parallel_loop3A_558 = arith.constant 0 : i32
        %parallel_loop3A_559 = arith.cmpi sgt, %parallel_loop3A_431, %parallel_loop3A_558 : i32
        %parallel_loop3A_560 = arith.extui %parallel_loop3A_559 : i1 to i32
        %parallel_loop3A_561 = arith.constant 0 : i32
        %parallel_loop3A_562 = arith.cmpi slt, %parallel_loop3A_431, %parallel_loop3A_561 : i32
        %parallel_loop3A_563 = arith.extui %parallel_loop3A_562 : i1 to i32
        %parallel_loop3A_564 = arith.subi %parallel_loop3A_560, %parallel_loop3A_563 : i32
        %parallel_loop3A_565 = arith.constant 0 : i32
        %parallel_loop3A_566 = arith.cmpi sgt, %parallel_loop3A_556, %parallel_loop3A_565 : i32
        %parallel_loop3A_567 = arith.extui %parallel_loop3A_566 : i1 to i32
        %parallel_loop3A_568 = arith.constant 0 : i32
        %parallel_loop3A_569 = arith.cmpi slt, %parallel_loop3A_556, %parallel_loop3A_568 : i32
        %parallel_loop3A_570 = arith.extui %parallel_loop3A_569 : i1 to i32
        %parallel_loop3A_571 = arith.subi %parallel_loop3A_567, %parallel_loop3A_570 : i32
        %parallel_loop3A_572 = arith.cmpi ne, %parallel_loop3A_564, %parallel_loop3A_571 : i32
        %parallel_loop3A_573 = arith.remsi %parallel_loop3A_431, %parallel_loop3A_556 : i32
        %parallel_loop3A_574 = arith.constant 0 : i32
        %parallel_loop3A_575 = arith.cmpi ne, %parallel_loop3A_573, %parallel_loop3A_574 : i32
        %parallel_loop3A_576 = arith.andi %parallel_loop3A_572, %parallel_loop3A_575 : i1
        %parallel_loop3A_577 = arith.constant 1 : i32
        %parallel_loop3A_578 = arith.subi %parallel_loop3A_557, %parallel_loop3A_577 : i32
        %parallel_loop3A_579 = arith.select %parallel_loop3A_576, %parallel_loop3A_578, %parallel_loop3A_557 : i32
        %parallel_loop3A_580 = arith.constant 16 : i32
        %parallel_loop3A_581 = arith.addi %parallel_loop3A_580, %parallel_loop3A_579 : i32
        %parallel_loop3A_582 = arith.constant 8 : i32
        %parallel_loop3A_583 = arith.constant 0 : i32
        %parallel_loop3A_584 = arith.cmpi eq, %parallel_loop3A_582, %parallel_loop3A_583 : i32
        %parallel_loop3A_585 = arith.constant 1 : i32
        %parallel_loop3A_586 = arith.select %parallel_loop3A_584, %parallel_loop3A_585, %parallel_loop3A_582 : i32
        %parallel_loop3A_587 = arith.remsi %parallel_loop3A_431, %parallel_loop3A_586 : i32
        %parallel_loop3A_588 = arith.constant 0 : i32
        %parallel_loop3A_589 = arith.cmpi ne, %parallel_loop3A_587, %parallel_loop3A_588 : i32
        %parallel_loop3A_590 = arith.constant 0 : i32
        %parallel_loop3A_591 = arith.cmpi slt, %parallel_loop3A_587, %parallel_loop3A_590 : i32
        %parallel_loop3A_592 = arith.constant 0 : i32
        %parallel_loop3A_593 = arith.cmpi slt, %parallel_loop3A_586, %parallel_loop3A_592 : i32
        %parallel_loop3A_594 = arith.xori %parallel_loop3A_591, %parallel_loop3A_593 : i1
        %parallel_loop3A_595 = arith.andi %parallel_loop3A_594, %parallel_loop3A_589 : i1
        %parallel_loop3A_596 = arith.addi %parallel_loop3A_587, %parallel_loop3A_586 : i32
        %parallel_loop3A_597 = arith.select %parallel_loop3A_595, %parallel_loop3A_596, %parallel_loop3A_587 : i32
        %parallel_loop3A_598 = arith.constant 0 : i32
        %parallel_loop3A_599 = arith.index_cast %parallel_loop3A_598 : i32 to index
        %parallel_loop3A_600 = arith.index_cast %parallel_loop3A_581 : i32 to index
        %parallel_loop3A_601 = arith.index_cast %parallel_loop3A_597 : i32 to index
        %parallel_loop3A_602 = arith.constant 32 : index
        %parallel_loop3A_603 = tpu.vector_load %arg15[%parallel_loop3A_599, %parallel_loop3A_600, %parallel_loop3A_601, %parallel_loop3A_602] {strides = array<i32>} : memref<2x20x8x128xf32, #tpu.memory_space<vmem>>, vector<16xf32>,
        tpu.vector_store %arg15[%parallel_loop3A_599, %parallel_loop3A_600, %parallel_loop3A_601, %parallel_loop3A_602], %parallel_loop3A_555 {strides = array<i32>} : memref<2x20x8x128xf32, #tpu.memory_space<vmem>>, vector<16xf32>,
        %parallel_loop3A_604 = arith.constant 48 : i32
        %parallel_loop3A_605 = vector.broadcast %parallel_loop3A_604 : i32 to vector<16xi32>
        %parallel_loop3A_606 = arith.addi %parallel_loop3A_605, %iota3A : vector<16xi32>
        %parallel_loop3A_607 = arith.constant 0 : i32
        %parallel_loop3A_608 = arith.constant 0 : i32
        %parallel_loop3A_609 = arith.constant 0 : i32
        %parallel_loop3A_610 = tpu.memref_slice %arg13[%parallel_loop3A_607, %parallel_loop3A_608, %parallel_loop3A_609] : memref<2x128x16xf32, #tpu.memory_space<vmem>> -> memref<1x128x16xf32, #tpu.memory_space<vmem>>
        %parallel_loop3A_611 = tpu.memref_squeeze %parallel_loop3A_610 : memref<1x128x16xf32, #tpu.memory_space<vmem>> -> memref<128x16xf32, #tpu.memory_space<vmem>>
        %parallel_loop3A_612 = tpu.vector_load_idx %parallel_loop3A_611[%parallel_loop3A_606, %parallel_loop3A_432] : memref<128x16xf32, #tpu.memory_space<vmem>>[vector<16xi32>, vector<16xi32>], vector<16xf32>,
        %parallel_loop3A_613 = arith.constant 8 : i32
        %parallel_loop3A_614 = arith.divsi %parallel_loop3A_431, %parallel_loop3A_613 : i32
        %parallel_loop3A_615 = arith.constant 0 : i32
        %parallel_loop3A_616 = arith.cmpi sgt, %parallel_loop3A_431, %parallel_loop3A_615 : i32
        %parallel_loop3A_617 = arith.extui %parallel_loop3A_616 : i1 to i32
        %parallel_loop3A_618 = arith.constant 0 : i32
        %parallel_loop3A_619 = arith.cmpi slt, %parallel_loop3A_431, %parallel_loop3A_618 : i32
        %parallel_loop3A_620 = arith.extui %parallel_loop3A_619 : i1 to i32
        %parallel_loop3A_621 = arith.subi %parallel_loop3A_617, %parallel_loop3A_620 : i32
        %parallel_loop3A_622 = arith.constant 0 : i32
        %parallel_loop3A_623 = arith.cmpi sgt, %parallel_loop3A_613, %parallel_loop3A_622 : i32
        %parallel_loop3A_624 = arith.extui %parallel_loop3A_623 : i1 to i32
        %parallel_loop3A_625 = arith.constant 0 : i32
        %parallel_loop3A_626 = arith.cmpi slt, %parallel_loop3A_613, %parallel_loop3A_625 : i32
        %parallel_loop3A_627 = arith.extui %parallel_loop3A_626 : i1 to i32
        %parallel_loop3A_628 = arith.subi %parallel_loop3A_624, %parallel_loop3A_627 : i32
        %parallel_loop3A_629 = arith.cmpi ne, %parallel_loop3A_621, %parallel_loop3A_628 : i32
        %parallel_loop3A_630 = arith.remsi %parallel_loop3A_431, %parallel_loop3A_613 : i32
        %parallel_loop3A_631 = arith.constant 0 : i32
        %parallel_loop3A_632 = arith.cmpi ne, %parallel_loop3A_630, %parallel_loop3A_631 : i32
        %parallel_loop3A_633 = arith.andi %parallel_loop3A_629, %parallel_loop3A_632 : i1
        %parallel_loop3A_634 = arith.constant 1 : i32
        %parallel_loop3A_635 = arith.subi %parallel_loop3A_614, %parallel_loop3A_634 : i32
        %parallel_loop3A_636 = arith.select %parallel_loop3A_633, %parallel_loop3A_635, %parallel_loop3A_614 : i32
        %parallel_loop3A_637 = arith.constant 16 : i32
        %parallel_loop3A_638 = arith.addi %parallel_loop3A_637, %parallel_loop3A_636 : i32
        %parallel_loop3A_639 = arith.constant 8 : i32
        %parallel_loop3A_640 = arith.constant 0 : i32
        %parallel_loop3A_641 = arith.cmpi eq, %parallel_loop3A_639, %parallel_loop3A_640 : i32
        %parallel_loop3A_642 = arith.constant 1 : i32
        %parallel_loop3A_643 = arith.select %parallel_loop3A_641, %parallel_loop3A_642, %parallel_loop3A_639 : i32
        %parallel_loop3A_644 = arith.remsi %parallel_loop3A_431, %parallel_loop3A_643 : i32
        %parallel_loop3A_645 = arith.constant 0 : i32
        %parallel_loop3A_646 = arith.cmpi ne, %parallel_loop3A_644, %parallel_loop3A_645 : i32
        %parallel_loop3A_647 = arith.constant 0 : i32
        %parallel_loop3A_648 = arith.cmpi slt, %parallel_loop3A_644, %parallel_loop3A_647 : i32
        %parallel_loop3A_649 = arith.constant 0 : i32
        %parallel_loop3A_650 = arith.cmpi slt, %parallel_loop3A_643, %parallel_loop3A_649 : i32
        %parallel_loop3A_651 = arith.xori %parallel_loop3A_648, %parallel_loop3A_650 : i1
        %parallel_loop3A_652 = arith.andi %parallel_loop3A_651, %parallel_loop3A_646 : i1
        %parallel_loop3A_653 = arith.addi %parallel_loop3A_644, %parallel_loop3A_643 : i32
        %parallel_loop3A_654 = arith.select %parallel_loop3A_652, %parallel_loop3A_653, %parallel_loop3A_644 : i32
        %parallel_loop3A_655 = arith.constant 0 : i32
        %parallel_loop3A_656 = arith.index_cast %parallel_loop3A_655 : i32 to index
        %parallel_loop3A_657 = arith.index_cast %parallel_loop3A_638 : i32 to index
        %parallel_loop3A_658 = arith.index_cast %parallel_loop3A_654 : i32 to index
        %parallel_loop3A_659 = arith.constant 48 : index
        %parallel_loop3A_660 = tpu.vector_load %arg15[%parallel_loop3A_656, %parallel_loop3A_657, %parallel_loop3A_658, %parallel_loop3A_659] {strides = array<i32>} : memref<2x20x8x128xf32, #tpu.memory_space<vmem>>, vector<16xf32>,
        tpu.vector_store %arg15[%parallel_loop3A_656, %parallel_loop3A_657, %parallel_loop3A_658, %parallel_loop3A_659], %parallel_loop3A_612 {strides = array<i32>} : memref<2x20x8x128xf32, #tpu.memory_space<vmem>>, vector<16xf32>,
        %parallel_loop3A_661 = arith.constant 64 : i32
        %parallel_loop3A_662 = vector.broadcast %parallel_loop3A_661 : i32 to vector<16xi32>
        %parallel_loop3A_663 = arith.addi %parallel_loop3A_662, %iota3A : vector<16xi32>
        %parallel_loop3A_664 = arith.constant 0 : i32
        %parallel_loop3A_665 = arith.constant 0 : i32
        %parallel_loop3A_666 = arith.constant 0 : i32
        %parallel_loop3A_667 = tpu.memref_slice %arg13[%parallel_loop3A_664, %parallel_loop3A_665, %parallel_loop3A_666] : memref<2x128x16xf32, #tpu.memory_space<vmem>> -> memref<1x128x16xf32, #tpu.memory_space<vmem>>
        %parallel_loop3A_668 = tpu.memref_squeeze %parallel_loop3A_667 : memref<1x128x16xf32, #tpu.memory_space<vmem>> -> memref<128x16xf32, #tpu.memory_space<vmem>>
        %parallel_loop3A_669 = tpu.vector_load_idx %parallel_loop3A_668[%parallel_loop3A_663, %parallel_loop3A_432] : memref<128x16xf32, #tpu.memory_space<vmem>>[vector<16xi32>, vector<16xi32>], vector<16xf32>,
        %parallel_loop3A_670 = arith.constant 8 : i32
        %parallel_loop3A_671 = arith.divsi %parallel_loop3A_431, %parallel_loop3A_670 : i32
        %parallel_loop3A_672 = arith.constant 0 : i32
        %parallel_loop3A_673 = arith.cmpi sgt, %parallel_loop3A_431, %parallel_loop3A_672 : i32
        %parallel_loop3A_674 = arith.extui %parallel_loop3A_673 : i1 to i32
        %parallel_loop3A_675 = arith.constant 0 : i32
        %parallel_loop3A_676 = arith.cmpi slt, %parallel_loop3A_431, %parallel_loop3A_675 : i32
        %parallel_loop3A_677 = arith.extui %parallel_loop3A_676 : i1 to i32
        %parallel_loop3A_678 = arith.subi %parallel_loop3A_674, %parallel_loop3A_677 : i32
        %parallel_loop3A_679 = arith.constant 0 : i32
        %parallel_loop3A_680 = arith.cmpi sgt, %parallel_loop3A_670, %parallel_loop3A_679 : i32
        %parallel_loop3A_681 = arith.extui %parallel_loop3A_680 : i1 to i32
        %parallel_loop3A_682 = arith.constant 0 : i32
        %parallel_loop3A_683 = arith.cmpi slt, %parallel_loop3A_670, %parallel_loop3A_682 : i32
        %parallel_loop3A_684 = arith.extui %parallel_loop3A_683 : i1 to i32
        %parallel_loop3A_685 = arith.subi %parallel_loop3A_681, %parallel_loop3A_684 : i32
        %parallel_loop3A_686 = arith.cmpi ne, %parallel_loop3A_678, %parallel_loop3A_685 : i32
        %parallel_loop3A_687 = arith.remsi %parallel_loop3A_431, %parallel_loop3A_670 : i32
        %parallel_loop3A_688 = arith.constant 0 : i32
        %parallel_loop3A_689 = arith.cmpi ne, %parallel_loop3A_687, %parallel_loop3A_688 : i32
        %parallel_loop3A_690 = arith.andi %parallel_loop3A_686, %parallel_loop3A_689 : i1
        %parallel_loop3A_691 = arith.constant 1 : i32
        %parallel_loop3A_692 = arith.subi %parallel_loop3A_671, %parallel_loop3A_691 : i32
        %parallel_loop3A_693 = arith.select %parallel_loop3A_690, %parallel_loop3A_692, %parallel_loop3A_671 : i32
        %parallel_loop3A_694 = arith.constant 16 : i32
        %parallel_loop3A_695 = arith.addi %parallel_loop3A_694, %parallel_loop3A_693 : i32
        %parallel_loop3A_696 = arith.constant 8 : i32
        %parallel_loop3A_697 = arith.constant 0 : i32
        %parallel_loop3A_698 = arith.cmpi eq, %parallel_loop3A_696, %parallel_loop3A_697 : i32
        %parallel_loop3A_699 = arith.constant 1 : i32
        %parallel_loop3A_700 = arith.select %parallel_loop3A_698, %parallel_loop3A_699, %parallel_loop3A_696 : i32
        %parallel_loop3A_701 = arith.remsi %parallel_loop3A_431, %parallel_loop3A_700 : i32
        %parallel_loop3A_702 = arith.constant 0 : i32
        %parallel_loop3A_703 = arith.cmpi ne, %parallel_loop3A_701, %parallel_loop3A_702 : i32
        %parallel_loop3A_704 = arith.constant 0 : i32
        %parallel_loop3A_705 = arith.cmpi slt, %parallel_loop3A_701, %parallel_loop3A_704 : i32
        %parallel_loop3A_706 = arith.constant 0 : i32
        %parallel_loop3A_707 = arith.cmpi slt, %parallel_loop3A_700, %parallel_loop3A_706 : i32
        %parallel_loop3A_708 = arith.xori %parallel_loop3A_705, %parallel_loop3A_707 : i1
        %parallel_loop3A_709 = arith.andi %parallel_loop3A_708, %parallel_loop3A_703 : i1
        %parallel_loop3A_710 = arith.addi %parallel_loop3A_701, %parallel_loop3A_700 : i32
        %parallel_loop3A_711 = arith.select %parallel_loop3A_709, %parallel_loop3A_710, %parallel_loop3A_701 : i32
        %parallel_loop3A_712 = arith.constant 0 : i32
        %parallel_loop3A_713 = arith.index_cast %parallel_loop3A_712 : i32 to index
        %parallel_loop3A_714 = arith.index_cast %parallel_loop3A_695 : i32 to index
        %parallel_loop3A_715 = arith.index_cast %parallel_loop3A_711 : i32 to index
        %parallel_loop3A_716 = arith.constant 64 : index
        %parallel_loop3A_717 = tpu.vector_load %arg15[%parallel_loop3A_713, %parallel_loop3A_714, %parallel_loop3A_715, %parallel_loop3A_716] {strides = array<i32>} : memref<2x20x8x128xf32, #tpu.memory_space<vmem>>, vector<16xf32>,
        tpu.vector_store %arg15[%parallel_loop3A_713, %parallel_loop3A_714, %parallel_loop3A_715, %parallel_loop3A_716], %parallel_loop3A_669 {strides = array<i32>} : memref<2x20x8x128xf32, #tpu.memory_space<vmem>>, vector<16xf32>,
        %parallel_loop3A_718 = arith.constant 80 : i32
        %parallel_loop3A_719 = vector.broadcast %parallel_loop3A_718 : i32 to vector<16xi32>
        %parallel_loop3A_720 = arith.addi %parallel_loop3A_719, %iota3A : vector<16xi32>
        %parallel_loop3A_721 = arith.constant 0 : i32
        %parallel_loop3A_722 = arith.constant 0 : i32
        %parallel_loop3A_723 = arith.constant 0 : i32
        %parallel_loop3A_724 = tpu.memref_slice %arg13[%parallel_loop3A_721, %parallel_loop3A_722, %parallel_loop3A_723] : memref<2x128x16xf32, #tpu.memory_space<vmem>> -> memref<1x128x16xf32, #tpu.memory_space<vmem>>
        %parallel_loop3A_725 = tpu.memref_squeeze %parallel_loop3A_724 : memref<1x128x16xf32, #tpu.memory_space<vmem>> -> memref<128x16xf32, #tpu.memory_space<vmem>>
        %parallel_loop3A_726 = tpu.vector_load_idx %parallel_loop3A_725[%parallel_loop3A_720, %parallel_loop3A_432] : memref<128x16xf32, #tpu.memory_space<vmem>>[vector<16xi32>, vector<16xi32>], vector<16xf32>,
        %parallel_loop3A_727 = arith.constant 8 : i32
        %parallel_loop3A_728 = arith.divsi %parallel_loop3A_431, %parallel_loop3A_727 : i32
        %parallel_loop3A_729 = arith.constant 0 : i32
        %parallel_loop3A_730 = arith.cmpi sgt, %parallel_loop3A_431, %parallel_loop3A_729 : i32
        %parallel_loop3A_731 = arith.extui %parallel_loop3A_730 : i1 to i32
        %parallel_loop3A_732 = arith.constant 0 : i32
        %parallel_loop3A_733 = arith.cmpi slt, %parallel_loop3A_431, %parallel_loop3A_732 : i32
        %parallel_loop3A_734 = arith.extui %parallel_loop3A_733 : i1 to i32
        %parallel_loop3A_735 = arith.subi %parallel_loop3A_731, %parallel_loop3A_734 : i32
        %parallel_loop3A_736 = arith.constant 0 : i32
        %parallel_loop3A_737 = arith.cmpi sgt, %parallel_loop3A_727, %parallel_loop3A_736 : i32
        %parallel_loop3A_738 = arith.extui %parallel_loop3A_737 : i1 to i32
        %parallel_loop3A_739 = arith.constant 0 : i32
        %parallel_loop3A_740 = arith.cmpi slt, %parallel_loop3A_727, %parallel_loop3A_739 : i32
        %parallel_loop3A_741 = arith.extui %parallel_loop3A_740 : i1 to i32
        %parallel_loop3A_742 = arith.subi %parallel_loop3A_738, %parallel_loop3A_741 : i32
        %parallel_loop3A_743 = arith.cmpi ne, %parallel_loop3A_735, %parallel_loop3A_742 : i32
        %parallel_loop3A_744 = arith.remsi %parallel_loop3A_431, %parallel_loop3A_727 : i32
        %parallel_loop3A_745 = arith.constant 0 : i32
        %parallel_loop3A_746 = arith.cmpi ne, %parallel_loop3A_744, %parallel_loop3A_745 : i32
        %parallel_loop3A_747 = arith.andi %parallel_loop3A_743, %parallel_loop3A_746 : i1
        %parallel_loop3A_748 = arith.constant 1 : i32
        %parallel_loop3A_749 = arith.subi %parallel_loop3A_728, %parallel_loop3A_748 : i32
        %parallel_loop3A_750 = arith.select %parallel_loop3A_747, %parallel_loop3A_749, %parallel_loop3A_728 : i32
        %parallel_loop3A_751 = arith.constant 16 : i32
        %parallel_loop3A_752 = arith.addi %parallel_loop3A_751, %parallel_loop3A_750 : i32
        %parallel_loop3A_753 = arith.constant 8 : i32
        %parallel_loop3A_754 = arith.constant 0 : i32
        %parallel_loop3A_755 = arith.cmpi eq, %parallel_loop3A_753, %parallel_loop3A_754 : i32
        %parallel_loop3A_756 = arith.constant 1 : i32
        %parallel_loop3A_757 = arith.select %parallel_loop3A_755, %parallel_loop3A_756, %parallel_loop3A_753 : i32
        %parallel_loop3A_758 = arith.remsi %parallel_loop3A_431, %parallel_loop3A_757 : i32
        %parallel_loop3A_759 = arith.constant 0 : i32
        %parallel_loop3A_760 = arith.cmpi ne, %parallel_loop3A_758, %parallel_loop3A_759 : i32
        %parallel_loop3A_761 = arith.constant 0 : i32
        %parallel_loop3A_762 = arith.cmpi slt, %parallel_loop3A_758, %parallel_loop3A_761 : i32
        %parallel_loop3A_763 = arith.constant 0 : i32
        %parallel_loop3A_764 = arith.cmpi slt, %parallel_loop3A_757, %parallel_loop3A_763 : i32
        %parallel_loop3A_765 = arith.xori %parallel_loop3A_762, %parallel_loop3A_764 : i1
        %parallel_loop3A_766 = arith.andi %parallel_loop3A_765, %parallel_loop3A_760 : i1
        %parallel_loop3A_767 = arith.addi %parallel_loop3A_758, %parallel_loop3A_757 : i32
        %parallel_loop3A_768 = arith.select %parallel_loop3A_766, %parallel_loop3A_767, %parallel_loop3A_758 : i32
        %parallel_loop3A_769 = arith.constant 0 : i32
        %parallel_loop3A_770 = arith.index_cast %parallel_loop3A_769 : i32 to index
        %parallel_loop3A_771 = arith.index_cast %parallel_loop3A_752 : i32 to index
        %parallel_loop3A_772 = arith.index_cast %parallel_loop3A_768 : i32 to index
        %parallel_loop3A_773 = arith.constant 80 : index
        %parallel_loop3A_774 = tpu.vector_load %arg15[%parallel_loop3A_770, %parallel_loop3A_771, %parallel_loop3A_772, %parallel_loop3A_773] {strides = array<i32>} : memref<2x20x8x128xf32, #tpu.memory_space<vmem>>, vector<16xf32>,
        tpu.vector_store %arg15[%parallel_loop3A_770, %parallel_loop3A_771, %parallel_loop3A_772, %parallel_loop3A_773], %parallel_loop3A_726 {strides = array<i32>} : memref<2x20x8x128xf32, #tpu.memory_space<vmem>>, vector<16xf32>,
        %parallel_loop3A_775 = arith.constant 96 : i32
        %parallel_loop3A_776 = vector.broadcast %parallel_loop3A_775 : i32 to vector<16xi32>
        %parallel_loop3A_777 = arith.addi %parallel_loop3A_776, %iota3A : vector<16xi32>
        %parallel_loop3A_778 = arith.constant 0 : i32
        %parallel_loop3A_779 = arith.constant 0 : i32
        %parallel_loop3A_780 = arith.constant 0 : i32
        %parallel_loop3A_781 = tpu.memref_slice %arg13[%parallel_loop3A_778, %parallel_loop3A_779, %parallel_loop3A_780] : memref<2x128x16xf32, #tpu.memory_space<vmem>> -> memref<1x128x16xf32, #tpu.memory_space<vmem>>
        %parallel_loop3A_782 = tpu.memref_squeeze %parallel_loop3A_781 : memref<1x128x16xf32, #tpu.memory_space<vmem>> -> memref<128x16xf32, #tpu.memory_space<vmem>>
        %parallel_loop3A_783 = tpu.vector_load_idx %parallel_loop3A_782[%parallel_loop3A_777, %parallel_loop3A_432] : memref<128x16xf32, #tpu.memory_space<vmem>>[vector<16xi32>, vector<16xi32>], vector<16xf32>,
        %parallel_loop3A_784 = arith.constant 8 : i32
        %parallel_loop3A_785 = arith.divsi %parallel_loop3A_431, %parallel_loop3A_784 : i32
        %parallel_loop3A_786 = arith.constant 0 : i32
        %parallel_loop3A_787 = arith.cmpi sgt, %parallel_loop3A_431, %parallel_loop3A_786 : i32
        %parallel_loop3A_788 = arith.extui %parallel_loop3A_787 : i1 to i32
        %parallel_loop3A_789 = arith.constant 0 : i32
        %parallel_loop3A_790 = arith.cmpi slt, %parallel_loop3A_431, %parallel_loop3A_789 : i32
        %parallel_loop3A_791 = arith.extui %parallel_loop3A_790 : i1 to i32
        %parallel_loop3A_792 = arith.subi %parallel_loop3A_788, %parallel_loop3A_791 : i32
        %parallel_loop3A_793 = arith.constant 0 : i32
        %parallel_loop3A_794 = arith.cmpi sgt, %parallel_loop3A_784, %parallel_loop3A_793 : i32
        %parallel_loop3A_795 = arith.extui %parallel_loop3A_794 : i1 to i32
        %parallel_loop3A_796 = arith.constant 0 : i32
        %parallel_loop3A_797 = arith.cmpi slt, %parallel_loop3A_784, %parallel_loop3A_796 : i32
        %parallel_loop3A_798 = arith.extui %parallel_loop3A_797 : i1 to i32
        %parallel_loop3A_799 = arith.subi %parallel_loop3A_795, %parallel_loop3A_798 : i32
        %parallel_loop3A_800 = arith.cmpi ne, %parallel_loop3A_792, %parallel_loop3A_799 : i32
        %parallel_loop3A_801 = arith.remsi %parallel_loop3A_431, %parallel_loop3A_784 : i32
        %parallel_loop3A_802 = arith.constant 0 : i32
        %parallel_loop3A_803 = arith.cmpi ne, %parallel_loop3A_801, %parallel_loop3A_802 : i32
        %parallel_loop3A_804 = arith.andi %parallel_loop3A_800, %parallel_loop3A_803 : i1
        %parallel_loop3A_805 = arith.constant 1 : i32
        %parallel_loop3A_806 = arith.subi %parallel_loop3A_785, %parallel_loop3A_805 : i32
        %parallel_loop3A_807 = arith.select %parallel_loop3A_804, %parallel_loop3A_806, %parallel_loop3A_785 : i32
        %parallel_loop3A_808 = arith.constant 16 : i32
        %parallel_loop3A_809 = arith.addi %parallel_loop3A_808, %parallel_loop3A_807 : i32
        %parallel_loop3A_810 = arith.constant 8 : i32
        %parallel_loop3A_811 = arith.constant 0 : i32
        %parallel_loop3A_812 = arith.cmpi eq, %parallel_loop3A_810, %parallel_loop3A_811 : i32
        %parallel_loop3A_813 = arith.constant 1 : i32
        %parallel_loop3A_814 = arith.select %parallel_loop3A_812, %parallel_loop3A_813, %parallel_loop3A_810 : i32
        %parallel_loop3A_815 = arith.remsi %parallel_loop3A_431, %parallel_loop3A_814 : i32
        %parallel_loop3A_816 = arith.constant 0 : i32
        %parallel_loop3A_817 = arith.cmpi ne, %parallel_loop3A_815, %parallel_loop3A_816 : i32
        %parallel_loop3A_818 = arith.constant 0 : i32
        %parallel_loop3A_819 = arith.cmpi slt, %parallel_loop3A_815, %parallel_loop3A_818 : i32
        %parallel_loop3A_820 = arith.constant 0 : i32
        %parallel_loop3A_821 = arith.cmpi slt, %parallel_loop3A_814, %parallel_loop3A_820 : i32
        %parallel_loop3A_822 = arith.xori %parallel_loop3A_819, %parallel_loop3A_821 : i1
        %parallel_loop3A_823 = arith.andi %parallel_loop3A_822, %parallel_loop3A_817 : i1
        %parallel_loop3A_824 = arith.addi %parallel_loop3A_815, %parallel_loop3A_814 : i32
        %parallel_loop3A_825 = arith.select %parallel_loop3A_823, %parallel_loop3A_824, %parallel_loop3A_815 : i32
        %parallel_loop3A_826 = arith.constant 0 : i32
        %parallel_loop3A_827 = arith.index_cast %parallel_loop3A_826 : i32 to index
        %parallel_loop3A_828 = arith.index_cast %parallel_loop3A_809 : i32 to index
        %parallel_loop3A_829 = arith.index_cast %parallel_loop3A_825 : i32 to index
        %parallel_loop3A_830 = arith.constant 96 : index
        %parallel_loop3A_831 = tpu.vector_load %arg15[%parallel_loop3A_827, %parallel_loop3A_828, %parallel_loop3A_829, %parallel_loop3A_830] {strides = array<i32>} : memref<2x20x8x128xf32, #tpu.memory_space<vmem>>, vector<16xf32>,
        tpu.vector_store %arg15[%parallel_loop3A_827, %parallel_loop3A_828, %parallel_loop3A_829, %parallel_loop3A_830], %parallel_loop3A_783 {strides = array<i32>} : memref<2x20x8x128xf32, #tpu.memory_space<vmem>>, vector<16xf32>,
        %parallel_loop3A_832 = arith.constant 112 : i32
        %parallel_loop3A_833 = vector.broadcast %parallel_loop3A_832 : i32 to vector<16xi32>
        %parallel_loop3A_834 = arith.addi %parallel_loop3A_833, %iota3A : vector<16xi32>
        %parallel_loop3A_835 = arith.constant 0 : i32
        %parallel_loop3A_836 = arith.constant 0 : i32
        %parallel_loop3A_837 = arith.constant 0 : i32
        %parallel_loop3A_838 = tpu.memref_slice %arg13[%parallel_loop3A_835, %parallel_loop3A_836, %parallel_loop3A_837] : memref<2x128x16xf32, #tpu.memory_space<vmem>> -> memref<1x128x16xf32, #tpu.memory_space<vmem>>
        %parallel_loop3A_839 = tpu.memref_squeeze %parallel_loop3A_838 : memref<1x128x16xf32, #tpu.memory_space<vmem>> -> memref<128x16xf32, #tpu.memory_space<vmem>>
        %parallel_loop3A_840 = tpu.vector_load_idx %parallel_loop3A_839[%parallel_loop3A_834, %parallel_loop3A_432] : memref<128x16xf32, #tpu.memory_space<vmem>>[vector<16xi32>, vector<16xi32>], vector<16xf32>,
        %parallel_loop3A_841 = arith.constant 8 : i32
        %parallel_loop3A_842 = arith.divsi %parallel_loop3A_431, %parallel_loop3A_841 : i32
        %parallel_loop3A_843 = arith.constant 0 : i32
        %parallel_loop3A_844 = arith.cmpi sgt, %parallel_loop3A_431, %parallel_loop3A_843 : i32
        %parallel_loop3A_845 = arith.extui %parallel_loop3A_844 : i1 to i32
        %parallel_loop3A_846 = arith.constant 0 : i32
        %parallel_loop3A_847 = arith.cmpi slt, %parallel_loop3A_431, %parallel_loop3A_846 : i32
        %parallel_loop3A_848 = arith.extui %parallel_loop3A_847 : i1 to i32
        %parallel_loop3A_849 = arith.subi %parallel_loop3A_845, %parallel_loop3A_848 : i32
        %parallel_loop3A_850 = arith.constant 0 : i32
        %parallel_loop3A_851 = arith.cmpi sgt, %parallel_loop3A_841, %parallel_loop3A_850 : i32
        %parallel_loop3A_852 = arith.extui %parallel_loop3A_851 : i1 to i32
        %parallel_loop3A_853 = arith.constant 0 : i32
        %parallel_loop3A_854 = arith.cmpi slt, %parallel_loop3A_841, %parallel_loop3A_853 : i32
        %parallel_loop3A_855 = arith.extui %parallel_loop3A_854 : i1 to i32
        %parallel_loop3A_856 = arith.subi %parallel_loop3A_852, %parallel_loop3A_855 : i32
        %parallel_loop3A_857 = arith.cmpi ne, %parallel_loop3A_849, %parallel_loop3A_856 : i32
        %parallel_loop3A_858 = arith.remsi %parallel_loop3A_431, %parallel_loop3A_841 : i32
        %parallel_loop3A_859 = arith.constant 0 : i32
        %parallel_loop3A_860 = arith.cmpi ne, %parallel_loop3A_858, %parallel_loop3A_859 : i32
        %parallel_loop3A_861 = arith.andi %parallel_loop3A_857, %parallel_loop3A_860 : i1
        %parallel_loop3A_862 = arith.constant 1 : i32
        %parallel_loop3A_863 = arith.subi %parallel_loop3A_842, %parallel_loop3A_862 : i32
        %parallel_loop3A_864 = arith.select %parallel_loop3A_861, %parallel_loop3A_863, %parallel_loop3A_842 : i32
        %parallel_loop3A_865 = arith.constant 16 : i32
        %parallel_loop3A_866 = arith.addi %parallel_loop3A_865, %parallel_loop3A_864 : i32
        %parallel_loop3A_867 = arith.constant 8 : i32
        %parallel_loop3A_868 = arith.constant 0 : i32
        %parallel_loop3A_869 = arith.cmpi eq, %parallel_loop3A_867, %parallel_loop3A_868 : i32
        %parallel_loop3A_870 = arith.constant 1 : i32
        %parallel_loop3A_871 = arith.select %parallel_loop3A_869, %parallel_loop3A_870, %parallel_loop3A_867 : i32
        %parallel_loop3A_872 = arith.remsi %parallel_loop3A_431, %parallel_loop3A_871 : i32
        %parallel_loop3A_873 = arith.constant 0 : i32
        %parallel_loop3A_874 = arith.cmpi ne, %parallel_loop3A_872, %parallel_loop3A_873 : i32
        %parallel_loop3A_875 = arith.constant 0 : i32
        %parallel_loop3A_876 = arith.cmpi slt, %parallel_loop3A_872, %parallel_loop3A_875 : i32
        %parallel_loop3A_877 = arith.constant 0 : i32
        %parallel_loop3A_878 = arith.cmpi slt, %parallel_loop3A_871, %parallel_loop3A_877 : i32
        %parallel_loop3A_879 = arith.xori %parallel_loop3A_876, %parallel_loop3A_878 : i1
        %parallel_loop3A_880 = arith.andi %parallel_loop3A_879, %parallel_loop3A_874 : i1
        %parallel_loop3A_881 = arith.addi %parallel_loop3A_872, %parallel_loop3A_871 : i32
        %parallel_loop3A_882 = arith.select %parallel_loop3A_880, %parallel_loop3A_881, %parallel_loop3A_872 : i32
        %parallel_loop3A_883 = arith.constant 0 : i32
        %parallel_loop3A_884 = arith.index_cast %parallel_loop3A_883 : i32 to index
        %parallel_loop3A_885 = arith.index_cast %parallel_loop3A_866 : i32 to index
        %parallel_loop3A_886 = arith.index_cast %parallel_loop3A_882 : i32 to index
        %parallel_loop3A_887 = arith.constant 112 : index
        %parallel_loop3A_888 = tpu.vector_load %arg15[%parallel_loop3A_884, %parallel_loop3A_885, %parallel_loop3A_886, %parallel_loop3A_887] {strides = array<i32>} : memref<2x20x8x128xf32, #tpu.memory_space<vmem>>, vector<16xf32>,
        tpu.vector_store %arg15[%parallel_loop3A_884, %parallel_loop3A_885, %parallel_loop3A_886, %parallel_loop3A_887], %parallel_loop3A_840 {strides = array<i32>} : memref<2x20x8x128xf32, #tpu.memory_space<vmem>>, vector<16xf32>,
      } {sc.loop_unroll_factor = 8 : i64, sc.parallel_access}
      %parallel_loop3A_239 = arith.constant 0 : i32
      %parallel_loop3A_240 = arith.constant 16 : i32
      %parallel_loop3A_241 = arith.constant 1 : i32
      scf.for %parallel_loop3A_431 = %parallel_loop3A_239 to %parallel_loop3A_240 step %parallel_loop3A_241  : i32 {
        %parallel_loop3A_432 = vector.broadcast %parallel_loop3A_431 : i32 to vector<16xi32>
        %parallel_loop3A_433 = arith.constant 0 : i32
        %parallel_loop3A_434 = vector.broadcast %parallel_loop3A_433 : i32 to vector<16xi32>
        %parallel_loop3A_435 = arith.addi %parallel_loop3A_434, %iota3A : vector<16xi32>
        %parallel_loop3A_436 = arith.constant 0 : i32
        %parallel_loop3A_437 = arith.constant 0 : i32
        %parallel_loop3A_438 = arith.constant 0 : i32
        %parallel_loop3A_439 = tpu.memref_slice %arg14[%parallel_loop3A_436, %parallel_loop3A_437, %parallel_loop3A_438] : memref<2x128x16xf32, #tpu.memory_space<vmem>> -> memref<1x128x16xf32, #tpu.memory_space<vmem>>
        %parallel_loop3A_440 = tpu.memref_squeeze %parallel_loop3A_439 : memref<1x128x16xf32, #tpu.memory_space<vmem>> -> memref<128x16xf32, #tpu.memory_space<vmem>>
        %parallel_loop3A_441 = tpu.vector_load_idx %parallel_loop3A_440[%parallel_loop3A_435, %parallel_loop3A_432] : memref<128x16xf32, #tpu.memory_space<vmem>>[vector<16xi32>, vector<16xi32>], vector<16xf32>,
        %parallel_loop3A_442 = arith.constant 8 : i32
        %parallel_loop3A_443 = arith.divsi %parallel_loop3A_431, %parallel_loop3A_442 : i32
        %parallel_loop3A_444 = arith.constant 0 : i32
        %parallel_loop3A_445 = arith.cmpi sgt, %parallel_loop3A_431, %parallel_loop3A_444 : i32
        %parallel_loop3A_446 = arith.extui %parallel_loop3A_445 : i1 to i32
        %parallel_loop3A_447 = arith.constant 0 : i32
        %parallel_loop3A_448 = arith.cmpi slt, %parallel_loop3A_431, %parallel_loop3A_447 : i32
        %parallel_loop3A_449 = arith.extui %parallel_loop3A_448 : i1 to i32
        %parallel_loop3A_450 = arith.subi %parallel_loop3A_446, %parallel_loop3A_449 : i32
        %parallel_loop3A_451 = arith.constant 0 : i32
        %parallel_loop3A_452 = arith.cmpi sgt, %parallel_loop3A_442, %parallel_loop3A_451 : i32
        %parallel_loop3A_453 = arith.extui %parallel_loop3A_452 : i1 to i32
        %parallel_loop3A_454 = arith.constant 0 : i32
        %parallel_loop3A_455 = arith.cmpi slt, %parallel_loop3A_442, %parallel_loop3A_454 : i32
        %parallel_loop3A_456 = arith.extui %parallel_loop3A_455 : i1 to i32
        %parallel_loop3A_457 = arith.subi %parallel_loop3A_453, %parallel_loop3A_456 : i32
        %parallel_loop3A_458 = arith.cmpi ne, %parallel_loop3A_450, %parallel_loop3A_457 : i32
        %parallel_loop3A_459 = arith.remsi %parallel_loop3A_431, %parallel_loop3A_442 : i32
        %parallel_loop3A_460 = arith.constant 0 : i32
        %parallel_loop3A_461 = arith.cmpi ne, %parallel_loop3A_459, %parallel_loop3A_460 : i32
        %parallel_loop3A_462 = arith.andi %parallel_loop3A_458, %parallel_loop3A_461 : i1
        %parallel_loop3A_463 = arith.constant 1 : i32
        %parallel_loop3A_464 = arith.subi %parallel_loop3A_443, %parallel_loop3A_463 : i32
        %parallel_loop3A_465 = arith.select %parallel_loop3A_462, %parallel_loop3A_464, %parallel_loop3A_443 : i32
        %parallel_loop3A_466 = arith.constant 18 : i32
        %parallel_loop3A_467 = arith.addi %parallel_loop3A_466, %parallel_loop3A_465 : i32
        %parallel_loop3A_468 = arith.constant 8 : i32
        %parallel_loop3A_469 = arith.constant 0 : i32
        %parallel_loop3A_470 = arith.cmpi eq, %parallel_loop3A_468, %parallel_loop3A_469 : i32
        %parallel_loop3A_471 = arith.constant 1 : i32
        %parallel_loop3A_472 = arith.select %parallel_loop3A_470, %parallel_loop3A_471, %parallel_loop3A_468 : i32
        %parallel_loop3A_473 = arith.remsi %parallel_loop3A_431, %parallel_loop3A_472 : i32
        %parallel_loop3A_474 = arith.constant 0 : i32
        %parallel_loop3A_475 = arith.cmpi ne, %parallel_loop3A_473, %parallel_loop3A_474 : i32
        %parallel_loop3A_476 = arith.constant 0 : i32
        %parallel_loop3A_477 = arith.cmpi slt, %parallel_loop3A_473, %parallel_loop3A_476 : i32
        %parallel_loop3A_478 = arith.constant 0 : i32
        %parallel_loop3A_479 = arith.cmpi slt, %parallel_loop3A_472, %parallel_loop3A_478 : i32
        %parallel_loop3A_480 = arith.xori %parallel_loop3A_477, %parallel_loop3A_479 : i1
        %parallel_loop3A_481 = arith.andi %parallel_loop3A_480, %parallel_loop3A_475 : i1
        %parallel_loop3A_482 = arith.addi %parallel_loop3A_473, %parallel_loop3A_472 : i32
        %parallel_loop3A_483 = arith.select %parallel_loop3A_481, %parallel_loop3A_482, %parallel_loop3A_473 : i32
        %parallel_loop3A_484 = arith.constant 0 : i32
        %parallel_loop3A_485 = arith.index_cast %parallel_loop3A_484 : i32 to index
        %parallel_loop3A_486 = arith.index_cast %parallel_loop3A_467 : i32 to index
        %parallel_loop3A_487 = arith.index_cast %parallel_loop3A_483 : i32 to index
        %parallel_loop3A_488 = arith.constant 0 : index
        %parallel_loop3A_489 = tpu.vector_load %arg15[%parallel_loop3A_485, %parallel_loop3A_486, %parallel_loop3A_487, %parallel_loop3A_488] {strides = array<i32>} : memref<2x20x8x128xf32, #tpu.memory_space<vmem>>, vector<16xf32>,
        tpu.vector_store %arg15[%parallel_loop3A_485, %parallel_loop3A_486, %parallel_loop3A_487, %parallel_loop3A_488], %parallel_loop3A_441 {strides = array<i32>} : memref<2x20x8x128xf32, #tpu.memory_space<vmem>>, vector<16xf32>,
        %parallel_loop3A_490 = arith.constant 16 : i32
        %parallel_loop3A_491 = vector.broadcast %parallel_loop3A_490 : i32 to vector<16xi32>
        %parallel_loop3A_492 = arith.addi %parallel_loop3A_491, %iota3A : vector<16xi32>
        %parallel_loop3A_493 = arith.constant 0 : i32
        %parallel_loop3A_494 = arith.constant 0 : i32
        %parallel_loop3A_495 = arith.constant 0 : i32
        %parallel_loop3A_496 = tpu.memref_slice %arg14[%parallel_loop3A_493, %parallel_loop3A_494, %parallel_loop3A_495] : memref<2x128x16xf32, #tpu.memory_space<vmem>> -> memref<1x128x16xf32, #tpu.memory_space<vmem>>
        %parallel_loop3A_497 = tpu.memref_squeeze %parallel_loop3A_496 : memref<1x128x16xf32, #tpu.memory_space<vmem>> -> memref<128x16xf32, #tpu.memory_space<vmem>>
        %parallel_loop3A_498 = tpu.vector_load_idx %parallel_loop3A_497[%parallel_loop3A_492, %parallel_loop3A_432] : memref<128x16xf32, #tpu.memory_space<vmem>>[vector<16xi32>, vector<16xi32>], vector<16xf32>,
        %parallel_loop3A_499 = arith.constant 8 : i32
        %parallel_loop3A_500 = arith.divsi %parallel_loop3A_431, %parallel_loop3A_499 : i32
        %parallel_loop3A_501 = arith.constant 0 : i32
        %parallel_loop3A_502 = arith.cmpi sgt, %parallel_loop3A_431, %parallel_loop3A_501 : i32
        %parallel_loop3A_503 = arith.extui %parallel_loop3A_502 : i1 to i32
        %parallel_loop3A_504 = arith.constant 0 : i32
        %parallel_loop3A_505 = arith.cmpi slt, %parallel_loop3A_431, %parallel_loop3A_504 : i32
        %parallel_loop3A_506 = arith.extui %parallel_loop3A_505 : i1 to i32
        %parallel_loop3A_507 = arith.subi %parallel_loop3A_503, %parallel_loop3A_506 : i32
        %parallel_loop3A_508 = arith.constant 0 : i32
        %parallel_loop3A_509 = arith.cmpi sgt, %parallel_loop3A_499, %parallel_loop3A_508 : i32
        %parallel_loop3A_510 = arith.extui %parallel_loop3A_509 : i1 to i32
        %parallel_loop3A_511 = arith.constant 0 : i32
        %parallel_loop3A_512 = arith.cmpi slt, %parallel_loop3A_499, %parallel_loop3A_511 : i32
        %parallel_loop3A_513 = arith.extui %parallel_loop3A_512 : i1 to i32
        %parallel_loop3A_514 = arith.subi %parallel_loop3A_510, %parallel_loop3A_513 : i32
        %parallel_loop3A_515 = arith.cmpi ne, %parallel_loop3A_507, %parallel_loop3A_514 : i32
        %parallel_loop3A_516 = arith.remsi %parallel_loop3A_431, %parallel_loop3A_499 : i32
        %parallel_loop3A_517 = arith.constant 0 : i32
        %parallel_loop3A_518 = arith.cmpi ne, %parallel_loop3A_516, %parallel_loop3A_517 : i32
        %parallel_loop3A_519 = arith.andi %parallel_loop3A_515, %parallel_loop3A_518 : i1
        %parallel_loop3A_520 = arith.constant 1 : i32
        %parallel_loop3A_521 = arith.subi %parallel_loop3A_500, %parallel_loop3A_520 : i32
        %parallel_loop3A_522 = arith.select %parallel_loop3A_519, %parallel_loop3A_521, %parallel_loop3A_500 : i32
        %parallel_loop3A_523 = arith.constant 18 : i32
        %parallel_loop3A_524 = arith.addi %parallel_loop3A_523, %parallel_loop3A_522 : i32
        %parallel_loop3A_525 = arith.constant 8 : i32
        %parallel_loop3A_526 = arith.constant 0 : i32
        %parallel_loop3A_527 = arith.cmpi eq, %parallel_loop3A_525, %parallel_loop3A_526 : i32
        %parallel_loop3A_528 = arith.constant 1 : i32
        %parallel_loop3A_529 = arith.select %parallel_loop3A_527, %parallel_loop3A_528, %parallel_loop3A_525 : i32
        %parallel_loop3A_530 = arith.remsi %parallel_loop3A_431, %parallel_loop3A_529 : i32
        %parallel_loop3A_531 = arith.constant 0 : i32
        %parallel_loop3A_532 = arith.cmpi ne, %parallel_loop3A_530, %parallel_loop3A_531 : i32
        %parallel_loop3A_533 = arith.constant 0 : i32
        %parallel_loop3A_534 = arith.cmpi slt, %parallel_loop3A_530, %parallel_loop3A_533 : i32
        %parallel_loop3A_535 = arith.constant 0 : i32
        %parallel_loop3A_536 = arith.cmpi slt, %parallel_loop3A_529, %parallel_loop3A_535 : i32
        %parallel_loop3A_537 = arith.xori %parallel_loop3A_534, %parallel_loop3A_536 : i1
        %parallel_loop3A_538 = arith.andi %parallel_loop3A_537, %parallel_loop3A_532 : i1
        %parallel_loop3A_539 = arith.addi %parallel_loop3A_530, %parallel_loop3A_529 : i32
        %parallel_loop3A_540 = arith.select %parallel_loop3A_538, %parallel_loop3A_539, %parallel_loop3A_530 : i32
        %parallel_loop3A_541 = arith.constant 0 : i32
        %parallel_loop3A_542 = arith.index_cast %parallel_loop3A_541 : i32 to index
        %parallel_loop3A_543 = arith.index_cast %parallel_loop3A_524 : i32 to index
        %parallel_loop3A_544 = arith.index_cast %parallel_loop3A_540 : i32 to index
        %parallel_loop3A_545 = arith.constant 16 : index
        %parallel_loop3A_546 = tpu.vector_load %arg15[%parallel_loop3A_542, %parallel_loop3A_543, %parallel_loop3A_544, %parallel_loop3A_545] {strides = array<i32>} : memref<2x20x8x128xf32, #tpu.memory_space<vmem>>, vector<16xf32>,
        tpu.vector_store %arg15[%parallel_loop3A_542, %parallel_loop3A_543, %parallel_loop3A_544, %parallel_loop3A_545], %parallel_loop3A_498 {strides = array<i32>} : memref<2x20x8x128xf32, #tpu.memory_space<vmem>>, vector<16xf32>,
        %parallel_loop3A_547 = arith.constant 32 : i32
        %parallel_loop3A_548 = vector.broadcast %parallel_loop3A_547 : i32 to vector<16xi32>
        %parallel_loop3A_549 = arith.addi %parallel_loop3A_548, %iota3A : vector<16xi32>
        %parallel_loop3A_550 = arith.constant 0 : i32
        %parallel_loop3A_551 = arith.constant 0 : i32
        %parallel_loop3A_552 = arith.constant 0 : i32
        %parallel_loop3A_553 = tpu.memref_slice %arg14[%parallel_loop3A_550, %parallel_loop3A_551, %parallel_loop3A_552] : memref<2x128x16xf32, #tpu.memory_space<vmem>> -> memref<1x128x16xf32, #tpu.memory_space<vmem>>
        %parallel_loop3A_554 = tpu.memref_squeeze %parallel_loop3A_553 : memref<1x128x16xf32, #tpu.memory_space<vmem>> -> memref<128x16xf32, #tpu.memory_space<vmem>>
        %parallel_loop3A_555 = tpu.vector_load_idx %parallel_loop3A_554[%parallel_loop3A_549, %parallel_loop3A_432] : memref<128x16xf32, #tpu.memory_space<vmem>>[vector<16xi32>, vector<16xi32>], vector<16xf32>,
        %parallel_loop3A_556 = arith.constant 8 : i32
        %parallel_loop3A_557 = arith.divsi %parallel_loop3A_431, %parallel_loop3A_556 : i32
        %parallel_loop3A_558 = arith.constant 0 : i32
        %parallel_loop3A_559 = arith.cmpi sgt, %parallel_loop3A_431, %parallel_loop3A_558 : i32
        %parallel_loop3A_560 = arith.extui %parallel_loop3A_559 : i1 to i32
        %parallel_loop3A_561 = arith.constant 0 : i32
        %parallel_loop3A_562 = arith.cmpi slt, %parallel_loop3A_431, %parallel_loop3A_561 : i32
        %parallel_loop3A_563 = arith.extui %parallel_loop3A_562 : i1 to i32
        %parallel_loop3A_564 = arith.subi %parallel_loop3A_560, %parallel_loop3A_563 : i32
        %parallel_loop3A_565 = arith.constant 0 : i32
        %parallel_loop3A_566 = arith.cmpi sgt, %parallel_loop3A_556, %parallel_loop3A_565 : i32
        %parallel_loop3A_567 = arith.extui %parallel_loop3A_566 : i1 to i32
        %parallel_loop3A_568 = arith.constant 0 : i32
        %parallel_loop3A_569 = arith.cmpi slt, %parallel_loop3A_556, %parallel_loop3A_568 : i32
        %parallel_loop3A_570 = arith.extui %parallel_loop3A_569 : i1 to i32
        %parallel_loop3A_571 = arith.subi %parallel_loop3A_567, %parallel_loop3A_570 : i32
        %parallel_loop3A_572 = arith.cmpi ne, %parallel_loop3A_564, %parallel_loop3A_571 : i32
        %parallel_loop3A_573 = arith.remsi %parallel_loop3A_431, %parallel_loop3A_556 : i32
        %parallel_loop3A_574 = arith.constant 0 : i32
        %parallel_loop3A_575 = arith.cmpi ne, %parallel_loop3A_573, %parallel_loop3A_574 : i32
        %parallel_loop3A_576 = arith.andi %parallel_loop3A_572, %parallel_loop3A_575 : i1
        %parallel_loop3A_577 = arith.constant 1 : i32
        %parallel_loop3A_578 = arith.subi %parallel_loop3A_557, %parallel_loop3A_577 : i32
        %parallel_loop3A_579 = arith.select %parallel_loop3A_576, %parallel_loop3A_578, %parallel_loop3A_557 : i32
        %parallel_loop3A_580 = arith.constant 18 : i32
        %parallel_loop3A_581 = arith.addi %parallel_loop3A_580, %parallel_loop3A_579 : i32
        %parallel_loop3A_582 = arith.constant 8 : i32
        %parallel_loop3A_583 = arith.constant 0 : i32
        %parallel_loop3A_584 = arith.cmpi eq, %parallel_loop3A_582, %parallel_loop3A_583 : i32
        %parallel_loop3A_585 = arith.constant 1 : i32
        %parallel_loop3A_586 = arith.select %parallel_loop3A_584, %parallel_loop3A_585, %parallel_loop3A_582 : i32
        %parallel_loop3A_587 = arith.remsi %parallel_loop3A_431, %parallel_loop3A_586 : i32
        %parallel_loop3A_588 = arith.constant 0 : i32
        %parallel_loop3A_589 = arith.cmpi ne, %parallel_loop3A_587, %parallel_loop3A_588 : i32
        %parallel_loop3A_590 = arith.constant 0 : i32
        %parallel_loop3A_591 = arith.cmpi slt, %parallel_loop3A_587, %parallel_loop3A_590 : i32
        %parallel_loop3A_592 = arith.constant 0 : i32
        %parallel_loop3A_593 = arith.cmpi slt, %parallel_loop3A_586, %parallel_loop3A_592 : i32
        %parallel_loop3A_594 = arith.xori %parallel_loop3A_591, %parallel_loop3A_593 : i1
        %parallel_loop3A_595 = arith.andi %parallel_loop3A_594, %parallel_loop3A_589 : i1
        %parallel_loop3A_596 = arith.addi %parallel_loop3A_587, %parallel_loop3A_586 : i32
        %parallel_loop3A_597 = arith.select %parallel_loop3A_595, %parallel_loop3A_596, %parallel_loop3A_587 : i32
        %parallel_loop3A_598 = arith.constant 0 : i32
        %parallel_loop3A_599 = arith.index_cast %parallel_loop3A_598 : i32 to index
        %parallel_loop3A_600 = arith.index_cast %parallel_loop3A_581 : i32 to index
        %parallel_loop3A_601 = arith.index_cast %parallel_loop3A_597 : i32 to index
        %parallel_loop3A_602 = arith.constant 32 : index
        %parallel_loop3A_603 = tpu.vector_load %arg15[%parallel_loop3A_599, %parallel_loop3A_600, %parallel_loop3A_601, %parallel_loop3A_602] {strides = array<i32>} : memref<2x20x8x128xf32, #tpu.memory_space<vmem>>, vector<16xf32>,
        tpu.vector_store %arg15[%parallel_loop3A_599, %parallel_loop3A_600, %parallel_loop3A_601, %parallel_loop3A_602], %parallel_loop3A_555 {strides = array<i32>} : memref<2x20x8x128xf32, #tpu.memory_space<vmem>>, vector<16xf32>,
        %parallel_loop3A_604 = arith.constant 48 : i32
        %parallel_loop3A_605 = vector.broadcast %parallel_loop3A_604 : i32 to vector<16xi32>
        %parallel_loop3A_606 = arith.addi %parallel_loop3A_605, %iota3A : vector<16xi32>
        %parallel_loop3A_607 = arith.constant 0 : i32
        %parallel_loop3A_608 = arith.constant 0 : i32
        %parallel_loop3A_609 = arith.constant 0 : i32
        %parallel_loop3A_610 = tpu.memref_slice %arg14[%parallel_loop3A_607, %parallel_loop3A_608, %parallel_loop3A_609] : memref<2x128x16xf32, #tpu.memory_space<vmem>> -> memref<1x128x16xf32, #tpu.memory_space<vmem>>
        %parallel_loop3A_611 = tpu.memref_squeeze %parallel_loop3A_610 : memref<1x128x16xf32, #tpu.memory_space<vmem>> -> memref<128x16xf32, #tpu.memory_space<vmem>>
        %parallel_loop3A_612 = tpu.vector_load_idx %parallel_loop3A_611[%parallel_loop3A_606, %parallel_loop3A_432] : memref<128x16xf32, #tpu.memory_space<vmem>>[vector<16xi32>, vector<16xi32>], vector<16xf32>,
        %parallel_loop3A_613 = arith.constant 8 : i32
        %parallel_loop3A_614 = arith.divsi %parallel_loop3A_431, %parallel_loop3A_613 : i32
        %parallel_loop3A_615 = arith.constant 0 : i32
        %parallel_loop3A_616 = arith.cmpi sgt, %parallel_loop3A_431, %parallel_loop3A_615 : i32
        %parallel_loop3A_617 = arith.extui %parallel_loop3A_616 : i1 to i32
        %parallel_loop3A_618 = arith.constant 0 : i32
        %parallel_loop3A_619 = arith.cmpi slt, %parallel_loop3A_431, %parallel_loop3A_618 : i32
        %parallel_loop3A_620 = arith.extui %parallel_loop3A_619 : i1 to i32
        %parallel_loop3A_621 = arith.subi %parallel_loop3A_617, %parallel_loop3A_620 : i32
        %parallel_loop3A_622 = arith.constant 0 : i32
        %parallel_loop3A_623 = arith.cmpi sgt, %parallel_loop3A_613, %parallel_loop3A_622 : i32
        %parallel_loop3A_624 = arith.extui %parallel_loop3A_623 : i1 to i32
        %parallel_loop3A_625 = arith.constant 0 : i32
        %parallel_loop3A_626 = arith.cmpi slt, %parallel_loop3A_613, %parallel_loop3A_625 : i32
        %parallel_loop3A_627 = arith.extui %parallel_loop3A_626 : i1 to i32
        %parallel_loop3A_628 = arith.subi %parallel_loop3A_624, %parallel_loop3A_627 : i32
        %parallel_loop3A_629 = arith.cmpi ne, %parallel_loop3A_621, %parallel_loop3A_628 : i32
        %parallel_loop3A_630 = arith.remsi %parallel_loop3A_431, %parallel_loop3A_613 : i32
        %parallel_loop3A_631 = arith.constant 0 : i32
        %parallel_loop3A_632 = arith.cmpi ne, %parallel_loop3A_630, %parallel_loop3A_631 : i32
        %parallel_loop3A_633 = arith.andi %parallel_loop3A_629, %parallel_loop3A_632 : i1
        %parallel_loop3A_634 = arith.constant 1 : i32
        %parallel_loop3A_635 = arith.subi %parallel_loop3A_614, %parallel_loop3A_634 : i32
        %parallel_loop3A_636 = arith.select %parallel_loop3A_633, %parallel_loop3A_635, %parallel_loop3A_614 : i32
        %parallel_loop3A_637 = arith.constant 18 : i32
        %parallel_loop3A_638 = arith.addi %parallel_loop3A_637, %parallel_loop3A_636 : i32
        %parallel_loop3A_639 = arith.constant 8 : i32
        %parallel_loop3A_640 = arith.constant 0 : i32
        %parallel_loop3A_641 = arith.cmpi eq, %parallel_loop3A_639, %parallel_loop3A_640 : i32
        %parallel_loop3A_642 = arith.constant 1 : i32
        %parallel_loop3A_643 = arith.select %parallel_loop3A_641, %parallel_loop3A_642, %parallel_loop3A_639 : i32
        %parallel_loop3A_644 = arith.remsi %parallel_loop3A_431, %parallel_loop3A_643 : i32
        %parallel_loop3A_645 = arith.constant 0 : i32
        %parallel_loop3A_646 = arith.cmpi ne, %parallel_loop3A_644, %parallel_loop3A_645 : i32
        %parallel_loop3A_647 = arith.constant 0 : i32
        %parallel_loop3A_648 = arith.cmpi slt, %parallel_loop3A_644, %parallel_loop3A_647 : i32
        %parallel_loop3A_649 = arith.constant 0 : i32
        %parallel_loop3A_650 = arith.cmpi slt, %parallel_loop3A_643, %parallel_loop3A_649 : i32
        %parallel_loop3A_651 = arith.xori %parallel_loop3A_648, %parallel_loop3A_650 : i1
        %parallel_loop3A_652 = arith.andi %parallel_loop3A_651, %parallel_loop3A_646 : i1
        %parallel_loop3A_653 = arith.addi %parallel_loop3A_644, %parallel_loop3A_643 : i32
        %parallel_loop3A_654 = arith.select %parallel_loop3A_652, %parallel_loop3A_653, %parallel_loop3A_644 : i32
        %parallel_loop3A_655 = arith.constant 0 : i32
        %parallel_loop3A_656 = arith.index_cast %parallel_loop3A_655 : i32 to index
        %parallel_loop3A_657 = arith.index_cast %parallel_loop3A_638 : i32 to index
        %parallel_loop3A_658 = arith.index_cast %parallel_loop3A_654 : i32 to index
        %parallel_loop3A_659 = arith.constant 48 : index
        %parallel_loop3A_660 = tpu.vector_load %arg15[%parallel_loop3A_656, %parallel_loop3A_657, %parallel_loop3A_658, %parallel_loop3A_659] {strides = array<i32>} : memref<2x20x8x128xf32, #tpu.memory_space<vmem>>, vector<16xf32>,
        tpu.vector_store %arg15[%parallel_loop3A_656, %parallel_loop3A_657, %parallel_loop3A_658, %parallel_loop3A_659], %parallel_loop3A_612 {strides = array<i32>} : memref<2x20x8x128xf32, #tpu.memory_space<vmem>>, vector<16xf32>,
        %parallel_loop3A_661 = arith.constant 64 : i32
        %parallel_loop3A_662 = vector.broadcast %parallel_loop3A_661 : i32 to vector<16xi32>
        %parallel_loop3A_663 = arith.addi %parallel_loop3A_662, %iota3A : vector<16xi32>
        %parallel_loop3A_664 = arith.constant 0 : i32
        %parallel_loop3A_665 = arith.constant 0 : i32
        %parallel_loop3A_666 = arith.constant 0 : i32
        %parallel_loop3A_667 = tpu.memref_slice %arg14[%parallel_loop3A_664, %parallel_loop3A_665, %parallel_loop3A_666] : memref<2x128x16xf32, #tpu.memory_space<vmem>> -> memref<1x128x16xf32, #tpu.memory_space<vmem>>
        %parallel_loop3A_668 = tpu.memref_squeeze %parallel_loop3A_667 : memref<1x128x16xf32, #tpu.memory_space<vmem>> -> memref<128x16xf32, #tpu.memory_space<vmem>>
        %parallel_loop3A_669 = tpu.vector_load_idx %parallel_loop3A_668[%parallel_loop3A_663, %parallel_loop3A_432] : memref<128x16xf32, #tpu.memory_space<vmem>>[vector<16xi32>, vector<16xi32>], vector<16xf32>,
        %parallel_loop3A_670 = arith.constant 8 : i32
        %parallel_loop3A_671 = arith.divsi %parallel_loop3A_431, %parallel_loop3A_670 : i32
        %parallel_loop3A_672 = arith.constant 0 : i32
        %parallel_loop3A_673 = arith.cmpi sgt, %parallel_loop3A_431, %parallel_loop3A_672 : i32
        %parallel_loop3A_674 = arith.extui %parallel_loop3A_673 : i1 to i32
        %parallel_loop3A_675 = arith.constant 0 : i32
        %parallel_loop3A_676 = arith.cmpi slt, %parallel_loop3A_431, %parallel_loop3A_675 : i32
        %parallel_loop3A_677 = arith.extui %parallel_loop3A_676 : i1 to i32
        %parallel_loop3A_678 = arith.subi %parallel_loop3A_674, %parallel_loop3A_677 : i32
        %parallel_loop3A_679 = arith.constant 0 : i32
        %parallel_loop3A_680 = arith.cmpi sgt, %parallel_loop3A_670, %parallel_loop3A_679 : i32
        %parallel_loop3A_681 = arith.extui %parallel_loop3A_680 : i1 to i32
        %parallel_loop3A_682 = arith.constant 0 : i32
        %parallel_loop3A_683 = arith.cmpi slt, %parallel_loop3A_670, %parallel_loop3A_682 : i32
        %parallel_loop3A_684 = arith.extui %parallel_loop3A_683 : i1 to i32
        %parallel_loop3A_685 = arith.subi %parallel_loop3A_681, %parallel_loop3A_684 : i32
        %parallel_loop3A_686 = arith.cmpi ne, %parallel_loop3A_678, %parallel_loop3A_685 : i32
        %parallel_loop3A_687 = arith.remsi %parallel_loop3A_431, %parallel_loop3A_670 : i32
        %parallel_loop3A_688 = arith.constant 0 : i32
        %parallel_loop3A_689 = arith.cmpi ne, %parallel_loop3A_687, %parallel_loop3A_688 : i32
        %parallel_loop3A_690 = arith.andi %parallel_loop3A_686, %parallel_loop3A_689 : i1
        %parallel_loop3A_691 = arith.constant 1 : i32
        %parallel_loop3A_692 = arith.subi %parallel_loop3A_671, %parallel_loop3A_691 : i32
        %parallel_loop3A_693 = arith.select %parallel_loop3A_690, %parallel_loop3A_692, %parallel_loop3A_671 : i32
        %parallel_loop3A_694 = arith.constant 18 : i32
        %parallel_loop3A_695 = arith.addi %parallel_loop3A_694, %parallel_loop3A_693 : i32
        %parallel_loop3A_696 = arith.constant 8 : i32
        %parallel_loop3A_697 = arith.constant 0 : i32
        %parallel_loop3A_698 = arith.cmpi eq, %parallel_loop3A_696, %parallel_loop3A_697 : i32
        %parallel_loop3A_699 = arith.constant 1 : i32
        %parallel_loop3A_700 = arith.select %parallel_loop3A_698, %parallel_loop3A_699, %parallel_loop3A_696 : i32
        %parallel_loop3A_701 = arith.remsi %parallel_loop3A_431, %parallel_loop3A_700 : i32
        %parallel_loop3A_702 = arith.constant 0 : i32
        %parallel_loop3A_703 = arith.cmpi ne, %parallel_loop3A_701, %parallel_loop3A_702 : i32
        %parallel_loop3A_704 = arith.constant 0 : i32
        %parallel_loop3A_705 = arith.cmpi slt, %parallel_loop3A_701, %parallel_loop3A_704 : i32
        %parallel_loop3A_706 = arith.constant 0 : i32
        %parallel_loop3A_707 = arith.cmpi slt, %parallel_loop3A_700, %parallel_loop3A_706 : i32
        %parallel_loop3A_708 = arith.xori %parallel_loop3A_705, %parallel_loop3A_707 : i1
        %parallel_loop3A_709 = arith.andi %parallel_loop3A_708, %parallel_loop3A_703 : i1
        %parallel_loop3A_710 = arith.addi %parallel_loop3A_701, %parallel_loop3A_700 : i32
        %parallel_loop3A_711 = arith.select %parallel_loop3A_709, %parallel_loop3A_710, %parallel_loop3A_701 : i32
        %parallel_loop3A_712 = arith.constant 0 : i32
        %parallel_loop3A_713 = arith.index_cast %parallel_loop3A_712 : i32 to index
        %parallel_loop3A_714 = arith.index_cast %parallel_loop3A_695 : i32 to index
        %parallel_loop3A_715 = arith.index_cast %parallel_loop3A_711 : i32 to index
        %parallel_loop3A_716 = arith.constant 64 : index
        %parallel_loop3A_717 = tpu.vector_load %arg15[%parallel_loop3A_713, %parallel_loop3A_714, %parallel_loop3A_715, %parallel_loop3A_716] {strides = array<i32>} : memref<2x20x8x128xf32, #tpu.memory_space<vmem>>, vector<16xf32>,
        tpu.vector_store %arg15[%parallel_loop3A_713, %parallel_loop3A_714, %parallel_loop3A_715, %parallel_loop3A_716], %parallel_loop3A_669 {strides = array<i32>} : memref<2x20x8x128xf32, #tpu.memory_space<vmem>>, vector<16xf32>,
        %parallel_loop3A_718 = arith.constant 80 : i32
        %parallel_loop3A_719 = vector.broadcast %parallel_loop3A_718 : i32 to vector<16xi32>
        %parallel_loop3A_720 = arith.addi %parallel_loop3A_719, %iota3A : vector<16xi32>
        %parallel_loop3A_721 = arith.constant 0 : i32
        %parallel_loop3A_722 = arith.constant 0 : i32
        %parallel_loop3A_723 = arith.constant 0 : i32
        %parallel_loop3A_724 = tpu.memref_slice %arg14[%parallel_loop3A_721, %parallel_loop3A_722, %parallel_loop3A_723] : memref<2x128x16xf32, #tpu.memory_space<vmem>> -> memref<1x128x16xf32, #tpu.memory_space<vmem>>
        %parallel_loop3A_725 = tpu.memref_squeeze %parallel_loop3A_724 : memref<1x128x16xf32, #tpu.memory_space<vmem>> -> memref<128x16xf32, #tpu.memory_space<vmem>>
        %parallel_loop3A_726 = tpu.vector_load_idx %parallel_loop3A_725[%parallel_loop3A_720, %parallel_loop3A_432] : memref<128x16xf32, #tpu.memory_space<vmem>>[vector<16xi32>, vector<16xi32>], vector<16xf32>,
        %parallel_loop3A_727 = arith.constant 8 : i32
        %parallel_loop3A_728 = arith.divsi %parallel_loop3A_431, %parallel_loop3A_727 : i32
        %parallel_loop3A_729 = arith.constant 0 : i32
        %parallel_loop3A_730 = arith.cmpi sgt, %parallel_loop3A_431, %parallel_loop3A_729 : i32
        %parallel_loop3A_731 = arith.extui %parallel_loop3A_730 : i1 to i32
        %parallel_loop3A_732 = arith.constant 0 : i32
        %parallel_loop3A_733 = arith.cmpi slt, %parallel_loop3A_431, %parallel_loop3A_732 : i32
        %parallel_loop3A_734 = arith.extui %parallel_loop3A_733 : i1 to i32
        %parallel_loop3A_735 = arith.subi %parallel_loop3A_731, %parallel_loop3A_734 : i32
        %parallel_loop3A_736 = arith.constant 0 : i32
        %parallel_loop3A_737 = arith.cmpi sgt, %parallel_loop3A_727, %parallel_loop3A_736 : i32
        %parallel_loop3A_738 = arith.extui %parallel_loop3A_737 : i1 to i32
        %parallel_loop3A_739 = arith.constant 0 : i32
        %parallel_loop3A_740 = arith.cmpi slt, %parallel_loop3A_727, %parallel_loop3A_739 : i32
        %parallel_loop3A_741 = arith.extui %parallel_loop3A_740 : i1 to i32
        %parallel_loop3A_742 = arith.subi %parallel_loop3A_738, %parallel_loop3A_741 : i32
        %parallel_loop3A_743 = arith.cmpi ne, %parallel_loop3A_735, %parallel_loop3A_742 : i32
        %parallel_loop3A_744 = arith.remsi %parallel_loop3A_431, %parallel_loop3A_727 : i32
        %parallel_loop3A_745 = arith.constant 0 : i32
        %parallel_loop3A_746 = arith.cmpi ne, %parallel_loop3A_744, %parallel_loop3A_745 : i32
        %parallel_loop3A_747 = arith.andi %parallel_loop3A_743, %parallel_loop3A_746 : i1
        %parallel_loop3A_748 = arith.constant 1 : i32
        %parallel_loop3A_749 = arith.subi %parallel_loop3A_728, %parallel_loop3A_748 : i32
        %parallel_loop3A_750 = arith.select %parallel_loop3A_747, %parallel_loop3A_749, %parallel_loop3A_728 : i32
        %parallel_loop3A_751 = arith.constant 18 : i32
        %parallel_loop3A_752 = arith.addi %parallel_loop3A_751, %parallel_loop3A_750 : i32
        %parallel_loop3A_753 = arith.constant 8 : i32
        %parallel_loop3A_754 = arith.constant 0 : i32
        %parallel_loop3A_755 = arith.cmpi eq, %parallel_loop3A_753, %parallel_loop3A_754 : i32
        %parallel_loop3A_756 = arith.constant 1 : i32
        %parallel_loop3A_757 = arith.select %parallel_loop3A_755, %parallel_loop3A_756, %parallel_loop3A_753 : i32
        %parallel_loop3A_758 = arith.remsi %parallel_loop3A_431, %parallel_loop3A_757 : i32
        %parallel_loop3A_759 = arith.constant 0 : i32
        %parallel_loop3A_760 = arith.cmpi ne, %parallel_loop3A_758, %parallel_loop3A_759 : i32
        %parallel_loop3A_761 = arith.constant 0 : i32
        %parallel_loop3A_762 = arith.cmpi slt, %parallel_loop3A_758, %parallel_loop3A_761 : i32
        %parallel_loop3A_763 = arith.constant 0 : i32
        %parallel_loop3A_764 = arith.cmpi slt, %parallel_loop3A_757, %parallel_loop3A_763 : i32
        %parallel_loop3A_765 = arith.xori %parallel_loop3A_762, %parallel_loop3A_764 : i1
        %parallel_loop3A_766 = arith.andi %parallel_loop3A_765, %parallel_loop3A_760 : i1
        %parallel_loop3A_767 = arith.addi %parallel_loop3A_758, %parallel_loop3A_757 : i32
        %parallel_loop3A_768 = arith.select %parallel_loop3A_766, %parallel_loop3A_767, %parallel_loop3A_758 : i32
        %parallel_loop3A_769 = arith.constant 0 : i32
        %parallel_loop3A_770 = arith.index_cast %parallel_loop3A_769 : i32 to index
        %parallel_loop3A_771 = arith.index_cast %parallel_loop3A_752 : i32 to index
        %parallel_loop3A_772 = arith.index_cast %parallel_loop3A_768 : i32 to index
        %parallel_loop3A_773 = arith.constant 80 : index
        %parallel_loop3A_774 = tpu.vector_load %arg15[%parallel_loop3A_770, %parallel_loop3A_771, %parallel_loop3A_772, %parallel_loop3A_773] {strides = array<i32>} : memref<2x20x8x128xf32, #tpu.memory_space<vmem>>, vector<16xf32>,
        tpu.vector_store %arg15[%parallel_loop3A_770, %parallel_loop3A_771, %parallel_loop3A_772, %parallel_loop3A_773], %parallel_loop3A_726 {strides = array<i32>} : memref<2x20x8x128xf32, #tpu.memory_space<vmem>>, vector<16xf32>,
        %parallel_loop3A_775 = arith.constant 96 : i32
        %parallel_loop3A_776 = vector.broadcast %parallel_loop3A_775 : i32 to vector<16xi32>
        %parallel_loop3A_777 = arith.addi %parallel_loop3A_776, %iota3A : vector<16xi32>
        %parallel_loop3A_778 = arith.constant 0 : i32
        %parallel_loop3A_779 = arith.constant 0 : i32
        %parallel_loop3A_780 = arith.constant 0 : i32
        %parallel_loop3A_781 = tpu.memref_slice %arg14[%parallel_loop3A_778, %parallel_loop3A_779, %parallel_loop3A_780] : memref<2x128x16xf32, #tpu.memory_space<vmem>> -> memref<1x128x16xf32, #tpu.memory_space<vmem>>
        %parallel_loop3A_782 = tpu.memref_squeeze %parallel_loop3A_781 : memref<1x128x16xf32, #tpu.memory_space<vmem>> -> memref<128x16xf32, #tpu.memory_space<vmem>>
        %parallel_loop3A_783 = tpu.vector_load_idx %parallel_loop3A_782[%parallel_loop3A_777, %parallel_loop3A_432] : memref<128x16xf32, #tpu.memory_space<vmem>>[vector<16xi32>, vector<16xi32>], vector<16xf32>,
        %parallel_loop3A_784 = arith.constant 8 : i32
        %parallel_loop3A_785 = arith.divsi %parallel_loop3A_431, %parallel_loop3A_784 : i32
        %parallel_loop3A_786 = arith.constant 0 : i32
        %parallel_loop3A_787 = arith.cmpi sgt, %parallel_loop3A_431, %parallel_loop3A_786 : i32
        %parallel_loop3A_788 = arith.extui %parallel_loop3A_787 : i1 to i32
        %parallel_loop3A_789 = arith.constant 0 : i32
        %parallel_loop3A_790 = arith.cmpi slt, %parallel_loop3A_431, %parallel_loop3A_789 : i32
        %parallel_loop3A_791 = arith.extui %parallel_loop3A_790 : i1 to i32
        %parallel_loop3A_792 = arith.subi %parallel_loop3A_788, %parallel_loop3A_791 : i32
        %parallel_loop3A_793 = arith.constant 0 : i32
        %parallel_loop3A_794 = arith.cmpi sgt, %parallel_loop3A_784, %parallel_loop3A_793 : i32
        %parallel_loop3A_795 = arith.extui %parallel_loop3A_794 : i1 to i32
        %parallel_loop3A_796 = arith.constant 0 : i32
        %parallel_loop3A_797 = arith.cmpi slt, %parallel_loop3A_784, %parallel_loop3A_796 : i32
        %parallel_loop3A_798 = arith.extui %parallel_loop3A_797 : i1 to i32
        %parallel_loop3A_799 = arith.subi %parallel_loop3A_795, %parallel_loop3A_798 : i32
        %parallel_loop3A_800 = arith.cmpi ne, %parallel_loop3A_792, %parallel_loop3A_799 : i32
        %parallel_loop3A_801 = arith.remsi %parallel_loop3A_431, %parallel_loop3A_784 : i32
        %parallel_loop3A_802 = arith.constant 0 : i32
        %parallel_loop3A_803 = arith.cmpi ne, %parallel_loop3A_801, %parallel_loop3A_802 : i32
        %parallel_loop3A_804 = arith.andi %parallel_loop3A_800, %parallel_loop3A_803 : i1
        %parallel_loop3A_805 = arith.constant 1 : i32
        %parallel_loop3A_806 = arith.subi %parallel_loop3A_785, %parallel_loop3A_805 : i32
        %parallel_loop3A_807 = arith.select %parallel_loop3A_804, %parallel_loop3A_806, %parallel_loop3A_785 : i32
        %parallel_loop3A_808 = arith.constant 18 : i32
        %parallel_loop3A_809 = arith.addi %parallel_loop3A_808, %parallel_loop3A_807 : i32
        %parallel_loop3A_810 = arith.constant 8 : i32
        %parallel_loop3A_811 = arith.constant 0 : i32
        %parallel_loop3A_812 = arith.cmpi eq, %parallel_loop3A_810, %parallel_loop3A_811 : i32
        %parallel_loop3A_813 = arith.constant 1 : i32
        %parallel_loop3A_814 = arith.select %parallel_loop3A_812, %parallel_loop3A_813, %parallel_loop3A_810 : i32
        %parallel_loop3A_815 = arith.remsi %parallel_loop3A_431, %parallel_loop3A_814 : i32
        %parallel_loop3A_816 = arith.constant 0 : i32
        %parallel_loop3A_817 = arith.cmpi ne, %parallel_loop3A_815, %parallel_loop3A_816 : i32
        %parallel_loop3A_818 = arith.constant 0 : i32
        %parallel_loop3A_819 = arith.cmpi slt, %parallel_loop3A_815, %parallel_loop3A_818 : i32
        %parallel_loop3A_820 = arith.constant 0 : i32
        %parallel_loop3A_821 = arith.cmpi slt, %parallel_loop3A_814, %parallel_loop3A_820 : i32
        %parallel_loop3A_822 = arith.xori %parallel_loop3A_819, %parallel_loop3A_821 : i1
        %parallel_loop3A_823 = arith.andi %parallel_loop3A_822, %parallel_loop3A_817 : i1
        %parallel_loop3A_824 = arith.addi %parallel_loop3A_815, %parallel_loop3A_814 : i32
        %parallel_loop3A_825 = arith.select %parallel_loop3A_823, %parallel_loop3A_824, %parallel_loop3A_815 : i32
        %parallel_loop3A_826 = arith.constant 0 : i32
        %parallel_loop3A_827 = arith.index_cast %parallel_loop3A_826 : i32 to index
        %parallel_loop3A_828 = arith.index_cast %parallel_loop3A_809 : i32 to index
        %parallel_loop3A_829 = arith.index_cast %parallel_loop3A_825 : i32 to index
        %parallel_loop3A_830 = arith.constant 96 : index
        %parallel_loop3A_831 = tpu.vector_load %arg15[%parallel_loop3A_827, %parallel_loop3A_828, %parallel_loop3A_829, %parallel_loop3A_830] {strides = array<i32>} : memref<2x20x8x128xf32, #tpu.memory_space<vmem>>, vector<16xf32>,
        tpu.vector_store %arg15[%parallel_loop3A_827, %parallel_loop3A_828, %parallel_loop3A_829, %parallel_loop3A_830], %parallel_loop3A_783 {strides = array<i32>} : memref<2x20x8x128xf32, #tpu.memory_space<vmem>>, vector<16xf32>,
        %parallel_loop3A_832 = arith.constant 112 : i32
        %parallel_loop3A_833 = vector.broadcast %parallel_loop3A_832 : i32 to vector<16xi32>
        %parallel_loop3A_834 = arith.addi %parallel_loop3A_833, %iota3A : vector<16xi32>
        %parallel_loop3A_835 = arith.constant 0 : i32
        %parallel_loop3A_836 = arith.constant 0 : i32
        %parallel_loop3A_837 = arith.constant 0 : i32
        %parallel_loop3A_838 = tpu.memref_slice %arg14[%parallel_loop3A_835, %parallel_loop3A_836, %parallel_loop3A_837] : memref<2x128x16xf32, #tpu.memory_space<vmem>> -> memref<1x128x16xf32, #tpu.memory_space<vmem>>
        %parallel_loop3A_839 = tpu.memref_squeeze %parallel_loop3A_838 : memref<1x128x16xf32, #tpu.memory_space<vmem>> -> memref<128x16xf32, #tpu.memory_space<vmem>>
        %parallel_loop3A_840 = tpu.vector_load_idx %parallel_loop3A_839[%parallel_loop3A_834, %parallel_loop3A_432] : memref<128x16xf32, #tpu.memory_space<vmem>>[vector<16xi32>, vector<16xi32>], vector<16xf32>,
        %parallel_loop3A_841 = arith.constant 8 : i32
        %parallel_loop3A_842 = arith.divsi %parallel_loop3A_431, %parallel_loop3A_841 : i32
        %parallel_loop3A_843 = arith.constant 0 : i32
        %parallel_loop3A_844 = arith.cmpi sgt, %parallel_loop3A_431, %parallel_loop3A_843 : i32
        %parallel_loop3A_845 = arith.extui %parallel_loop3A_844 : i1 to i32
        %parallel_loop3A_846 = arith.constant 0 : i32
        %parallel_loop3A_847 = arith.cmpi slt, %parallel_loop3A_431, %parallel_loop3A_846 : i32
        %parallel_loop3A_848 = arith.extui %parallel_loop3A_847 : i1 to i32
        %parallel_loop3A_849 = arith.subi %parallel_loop3A_845, %parallel_loop3A_848 : i32
        %parallel_loop3A_850 = arith.constant 0 : i32
        %parallel_loop3A_851 = arith.cmpi sgt, %parallel_loop3A_841, %parallel_loop3A_850 : i32
        %parallel_loop3A_852 = arith.extui %parallel_loop3A_851 : i1 to i32
        %parallel_loop3A_853 = arith.constant 0 : i32
        %parallel_loop3A_854 = arith.cmpi slt, %parallel_loop3A_841, %parallel_loop3A_853 : i32
        %parallel_loop3A_855 = arith.extui %parallel_loop3A_854 : i1 to i32
        %parallel_loop3A_856 = arith.subi %parallel_loop3A_852, %parallel_loop3A_855 : i32
        %parallel_loop3A_857 = arith.cmpi ne, %parallel_loop3A_849, %parallel_loop3A_856 : i32
        %parallel_loop3A_858 = arith.remsi %parallel_loop3A_431, %parallel_loop3A_841 : i32
        %parallel_loop3A_859 = arith.constant 0 : i32
        %parallel_loop3A_860 = arith.cmpi ne, %parallel_loop3A_858, %parallel_loop3A_859 : i32
        %parallel_loop3A_861 = arith.andi %parallel_loop3A_857, %parallel_loop3A_860 : i1
        %parallel_loop3A_862 = arith.constant 1 : i32
        %parallel_loop3A_863 = arith.subi %parallel_loop3A_842, %parallel_loop3A_862 : i32
        %parallel_loop3A_864 = arith.select %parallel_loop3A_861, %parallel_loop3A_863, %parallel_loop3A_842 : i32
        %parallel_loop3A_865 = arith.constant 18 : i32
        %parallel_loop3A_866 = arith.addi %parallel_loop3A_865, %parallel_loop3A_864 : i32
        %parallel_loop3A_867 = arith.constant 8 : i32
        %parallel_loop3A_868 = arith.constant 0 : i32
        %parallel_loop3A_869 = arith.cmpi eq, %parallel_loop3A_867, %parallel_loop3A_868 : i32
        %parallel_loop3A_870 = arith.constant 1 : i32
        %parallel_loop3A_871 = arith.select %parallel_loop3A_869, %parallel_loop3A_870, %parallel_loop3A_867 : i32
        %parallel_loop3A_872 = arith.remsi %parallel_loop3A_431, %parallel_loop3A_871 : i32
        %parallel_loop3A_873 = arith.constant 0 : i32
        %parallel_loop3A_874 = arith.cmpi ne, %parallel_loop3A_872, %parallel_loop3A_873 : i32
        %parallel_loop3A_875 = arith.constant 0 : i32
        %parallel_loop3A_876 = arith.cmpi slt, %parallel_loop3A_872, %parallel_loop3A_875 : i32
        %parallel_loop3A_877 = arith.constant 0 : i32
        %parallel_loop3A_878 = arith.cmpi slt, %parallel_loop3A_871, %parallel_loop3A_877 : i32
        %parallel_loop3A_879 = arith.xori %parallel_loop3A_876, %parallel_loop3A_878 : i1
        %parallel_loop3A_880 = arith.andi %parallel_loop3A_879, %parallel_loop3A_874 : i1
        %parallel_loop3A_881 = arith.addi %parallel_loop3A_872, %parallel_loop3A_871 : i32
        %parallel_loop3A_882 = arith.select %parallel_loop3A_880, %parallel_loop3A_881, %parallel_loop3A_872 : i32
        %parallel_loop3A_883 = arith.constant 0 : i32
        %parallel_loop3A_884 = arith.index_cast %parallel_loop3A_883 : i32 to index
        %parallel_loop3A_885 = arith.index_cast %parallel_loop3A_866 : i32 to index
        %parallel_loop3A_886 = arith.index_cast %parallel_loop3A_882 : i32 to index
        %parallel_loop3A_887 = arith.constant 112 : index
        %parallel_loop3A_888 = tpu.vector_load %arg15[%parallel_loop3A_884, %parallel_loop3A_885, %parallel_loop3A_886, %parallel_loop3A_887] {strides = array<i32>} : memref<2x20x8x128xf32, #tpu.memory_space<vmem>>, vector<16xf32>,
        tpu.vector_store %arg15[%parallel_loop3A_884, %parallel_loop3A_885, %parallel_loop3A_886, %parallel_loop3A_887], %parallel_loop3A_840 {strides = array<i32>} : memref<2x20x8x128xf32, #tpu.memory_space<vmem>>, vector<16xf32>,
      } {sc.loop_unroll_factor = 8 : i64, sc.parallel_access}
      %add3A_242 = arith.constant 2 : i32
      %add3A_243 = arith.addi %add3A_198, %add3A_242 : i32
      %lt3A_244 = arith.constant 50 : i32
      %lt3A_245 = arith.cmpi slt, %add3A_243, %lt3A_244 : i32
      %convert_element_type3A_246 = arith.extui %lt3A_245 : i1 to i32
      %cond3A_247 = arith.constant 0 : i32
      %cond3A_248 = arith.cmpi ne, %convert_element_type3A_246, %cond3A_247 : i32
      scf.if %cond3A_248 {
        %add3A_431 = arith.constant 2 : i32
        %add3A_432 = arith.addi %add3A_198, %add3A_431 : i32
        %dma_start3A_433 = arith.constant 0 : i32
        %dma_start3A_434 = arith.constant 0 : i32
        %dma_start3A_435 = arith.constant 0 : i32
        %dma_start3A_436 = tpu.memref_slice %arg12[%dma_start3A_433, %dma_start3A_434, %dma_start3A_435] : memref<2x128x128xf32, #tpu.memory_space<vmem>> -> memref<1x128x128xf32, #tpu.memory_space<vmem>>
        %dma_start3A_437 = tpu.memref_squeeze %dma_start3A_436 : memref<1x128x128xf32, #tpu.memory_space<vmem>> -> memref<128x128xf32, #tpu.memory_space<vmem>>
        %dma_start3A_438 = arith.constant 0 : i32
        %dma_start3A_439 = tpu.memref_slice %arg9[%add3A_432, %dma_start3A_438] : memref<50x128xi32, #tpu.memory_space<vmem>> -> memref<1x128xi32, #tpu.memory_space<vmem>>
        %dma_start3A_440 = tpu.memref_squeeze %dma_start3A_439 : memref<1x128xi32, #tpu.memory_space<vmem>> -> memref<128xi32, #tpu.memory_space<vmem>>
        %dma_start3A_441 = arith.constant 0 : i32
        %dma_start3A_442 = arith.constant 0 : i32
        %dma_start3A_443 = tpu.memref_slice %arg2[%dma_start3A_441, %dma_start3A_442] : memref<100000x128xf32, #tpu.memory_space<hbm>> -> memref<100000x128xf32, #tpu.memory_space<hbm>>
        tpu.enqueue_indirect_dma source(%dma_start3A_443 : memref<100000x128xf32, #tpu.memory_space<hbm>>) target(%dma_start3A_437 : memref<128x128xf32, #tpu.memory_space<vmem>>) offsets(%dma_start3A_440 : memref<128xi32, #tpu.memory_space<vmem>>) semaphore(%arg16 : memref<!tpu.dma_semaphore, #tpu.memory_space<semaphore_mem>>)
        %dma_start3A_444 = arith.constant 0 : i32
        %dma_start3A_445 = arith.constant 0 : i32
        %dma_start3A_446 = arith.constant 0 : i32
        %dma_start3A_447 = tpu.memref_slice %arg13[%dma_start3A_444, %dma_start3A_445, %dma_start3A_446] : memref<2x128x16xf32, #tpu.memory_space<vmem>> -> memref<1x128x16xf32, #tpu.memory_space<vmem>>
        %dma_start3A_448 = tpu.memref_squeeze %dma_start3A_447 : memref<1x128x16xf32, #tpu.memory_space<vmem>> -> memref<128x16xf32, #tpu.memory_space<vmem>>
        %dma_start3A_449 = arith.constant 0 : i32
        %dma_start3A_450 = tpu.memref_slice %arg10[%add3A_432, %dma_start3A_449] : memref<50x128xi32, #tpu.memory_space<vmem>> -> memref<1x128xi32, #tpu.memory_space<vmem>>
        %dma_start3A_451 = tpu.memref_squeeze %dma_start3A_450 : memref<1x128xi32, #tpu.memory_space<vmem>> -> memref<128xi32, #tpu.memory_space<vmem>>
        %dma_start3A_452 = arith.constant 0 : i32
        %dma_start3A_453 = arith.constant 0 : i32
        %dma_start3A_454 = tpu.memref_slice %arg3[%dma_start3A_452, %dma_start3A_453] : memref<513x16xf32, #tpu.memory_space<hbm>> -> memref<513x16xf32, #tpu.memory_space<hbm>>
        tpu.enqueue_indirect_dma source(%dma_start3A_454 : memref<513x16xf32, #tpu.memory_space<hbm>>) target(%dma_start3A_448 : memref<128x16xf32, #tpu.memory_space<vmem>>) offsets(%dma_start3A_451 : memref<128xi32, #tpu.memory_space<vmem>>) semaphore(%arg16 : memref<!tpu.dma_semaphore, #tpu.memory_space<semaphore_mem>>)
        %dma_start3A_455 = arith.constant 0 : i32
        %dma_start3A_456 = arith.constant 0 : i32
        %dma_start3A_457 = arith.constant 0 : i32
        %dma_start3A_458 = tpu.memref_slice %arg14[%dma_start3A_455, %dma_start3A_456, %dma_start3A_457] : memref<2x128x16xf32, #tpu.memory_space<vmem>> -> memref<1x128x16xf32, #tpu.memory_space<vmem>>
        %dma_start3A_459 = tpu.memref_squeeze %dma_start3A_458 : memref<1x128x16xf32, #tpu.memory_space<vmem>> -> memref<128x16xf32, #tpu.memory_space<vmem>>
        %dma_start3A_460 = arith.constant 0 : i32
        %dma_start3A_461 = tpu.memref_slice %arg11[%add3A_432, %dma_start3A_460] : memref<50x128xi32, #tpu.memory_space<vmem>> -> memref<1x128xi32, #tpu.memory_space<vmem>>
        %dma_start3A_462 = tpu.memref_squeeze %dma_start3A_461 : memref<1x128xi32, #tpu.memory_space<vmem>> -> memref<128xi32, #tpu.memory_space<vmem>>
        %dma_start3A_463 = arith.constant 0 : i32
        %dma_start3A_464 = arith.constant 0 : i32
        %dma_start3A_465 = tpu.memref_slice %arg4[%dma_start3A_463, %dma_start3A_464] : memref<513x16xf32, #tpu.memory_space<hbm>> -> memref<513x16xf32, #tpu.memory_space<hbm>>
        tpu.enqueue_indirect_dma source(%dma_start3A_465 : memref<513x16xf32, #tpu.memory_space<hbm>>) target(%dma_start3A_459 : memref<128x16xf32, #tpu.memory_space<vmem>>) offsets(%dma_start3A_462 : memref<128xi32, #tpu.memory_space<vmem>>) semaphore(%arg16 : memref<!tpu.dma_semaphore, #tpu.memory_space<semaphore_mem>>)
      } else {
      }
      %add3A_249 = arith.addi %mul3A_2, %add3A_198 : i32
      %jit3A_250 = arith.constant 8 : i32
      %div3A_251 = arith.divsi %add3A_249, %jit3A_250 : i32
      %sign3A_252 = arith.constant 0 : i32
      %sign3A_253 = arith.cmpi sgt, %add3A_249, %sign3A_252 : i32
      %sign3A_254 = arith.extui %sign3A_253 : i1 to i32
      %sign3A_255 = arith.constant 0 : i32
      %sign3A_256 = arith.cmpi slt, %add3A_249, %sign3A_255 : i32
      %sign3A_257 = arith.extui %sign3A_256 : i1 to i32
      %sign3A_258 = arith.subi %sign3A_254, %sign3A_257 : i32
      %sign3A_259 = arith.constant 0 : i32
      %sign3A_260 = arith.cmpi sgt, %jit3A_250, %sign3A_259 : i32
      %sign3A_261 = arith.extui %sign3A_260 : i1 to i32
      %sign3A_262 = arith.constant 0 : i32
      %sign3A_263 = arith.cmpi slt, %jit3A_250, %sign3A_262 : i32
      %sign3A_264 = arith.extui %sign3A_263 : i1 to i32
      %sign3A_265 = arith.subi %sign3A_261, %sign3A_264 : i32
      %ne3A_266 = arith.cmpi ne, %sign3A_258, %sign3A_265 : i32
      %rem3A_267 = arith.remsi %add3A_249, %jit3A_250 : i32
      %ne3A_268 = arith.constant 0 : i32
      %ne3A_269 = arith.cmpi ne, %rem3A_267, %ne3A_268 : i32
      %and3A_270 = arith.andi %ne3A_266, %ne3A_269 : i1
      %sub3A_271 = arith.constant 1 : i32
      %sub3A_272 = arith.subi %div3A_251, %sub3A_271 : i32
      %select_n3A_273 = arith.select %and3A_270, %sub3A_272, %div3A_251 : i32
      %jit3A_274 = arith.constant 8 : i32
      %eq3A_275 = arith.constant 0 : i32
      %eq3A_276 = arith.cmpi eq, %jit3A_274, %eq3A_275 : i32
      %jit3A_277 = arith.constant 1 : i32
      %select_n3A_278 = arith.select %eq3A_276, %jit3A_277, %jit3A_274 : i32
      %rem3A_279 = arith.remsi %add3A_249, %select_n3A_278 : i32
      %ne3A_280 = arith.constant 0 : i32
      %ne3A_281 = arith.cmpi ne, %rem3A_279, %ne3A_280 : i32
      %lt3A_282 = arith.constant 0 : i32
      %lt3A_283 = arith.cmpi slt, %rem3A_279, %lt3A_282 : i32
      %lt3A_284 = arith.constant 0 : i32
      %lt3A_285 = arith.cmpi slt, %select_n3A_278, %lt3A_284 : i32
      %ne3A_286 = arith.xori %lt3A_283, %lt3A_285 : i1
      %and3A_287 = arith.andi %ne3A_286, %ne3A_281 : i1
      %add3A_288 = arith.addi %rem3A_279, %select_n3A_278 : i32
      %select_n3A_289 = arith.select %and3A_287, %add3A_288, %rem3A_279 : i32
      %dma_start3A_290 = arith.constant 0 : i32
      %dma_start3A_291 = arith.constant 0 : i32
      %dma_start3A_292 = arith.constant 0 : i32
      %dma_start3A_293 = arith.constant 0 : i32
      %dma_start3A_294 = tpu.memref_slice %arg15[%dma_start3A_290, %dma_start3A_291, %dma_start3A_292, %dma_start3A_293] : memref<2x20x8x128xf32, #tpu.memory_space<vmem>> -> memref<1x20x8x128xf32, #tpu.memory_space<vmem>>
      %dma_start3A_295 = tpu.memref_squeeze %dma_start3A_294 : memref<1x20x8x128xf32, #tpu.memory_space<vmem>> -> memref<20x8x128xf32, #tpu.memory_space<vmem>>
      %dma_start3A_296 = arith.constant 0 : i32
      %dma_start3A_297 = arith.constant 0 : i32
      %dma_start3A_298 = arith.constant 0 : i32
      %dma_start3A_299 = tpu.memref_slice %arg8[%select_n3A_273, %dma_start3A_296, %select_n3A_289, %dma_start3A_297, %dma_start3A_298] : memref<200x20x8x8x128xf32, #tpu.memory_space<hbm>> -> memref<1x20x1x8x128xf32, #tpu.memory_space<hbm>>
      %dma_start3A_300 = tpu.memref_squeeze %dma_start3A_299 : memref<1x20x1x8x128xf32, #tpu.memory_space<hbm>> -> memref<20x8x128xf32, #tpu.memory_space<hbm>>
      %dma_start3A_301 = arith.constant 0 : i32
      %dma_start3A_302 = arith.constant 0 : i32
      %dma_start3A_303 = arith.constant 0 : i32
      %dma_start3A_304 = tpu.memref_slice %arg8[%select_n3A_273, %dma_start3A_301, %select_n3A_289, %dma_start3A_302, %dma_start3A_303] : memref<200x20x8x8x128xf32, #tpu.memory_space<hbm>> -> memref<1x20x1x8x128xf32, #tpu.memory_space<hbm>>
      %dma_start3A_305 = tpu.memref_squeeze %dma_start3A_304 : memref<1x20x1x8x128xf32, #tpu.memory_space<hbm>> -> memref<20x8x128xf32, #tpu.memory_space<hbm>>
      %dma_start3A_306 = arith.constant 0 : i32
      %dma_start3A_307 = arith.constant 0 : i32
      %dma_start3A_308 = arith.constant 0 : i32
      %dma_start3A_309 = tpu.memref_slice %arg15[%dma_start3A_290, %dma_start3A_306, %dma_start3A_307, %dma_start3A_308] : memref<2x20x8x128xf32, #tpu.memory_space<vmem>> -> memref<1x20x8x128xf32, #tpu.memory_space<vmem>>
      %dma_start3A_310 = tpu.memref_squeeze %dma_start3A_309 : memref<1x20x8x128xf32, #tpu.memory_space<vmem>> -> memref<20x8x128xf32, #tpu.memory_space<vmem>>
      tpu.enqueue_dma source(%dma_start3A_310 : memref<20x8x128xf32, #tpu.memory_space<vmem>>) target(%dma_start3A_305 : memref<20x8x128xf32, #tpu.memory_space<hbm>>) target_semaphore(%arg18 : memref<!tpu.dma_semaphore, #tpu.memory_space<semaphore_mem>>)
      %mul3A_311 = arith.constant 2 : i32
      %mul3A_312 = arith.muli %scan3A_194, %mul3A_311 : i32
      %add3A_313 = arith.constant 1 : i32
      %add3A_314 = arith.addi %mul3A_312, %add3A_313 : i32
      %dma_wait3A_315 = arith.constant 1 : i32
      %dma_wait3A_316 = arith.constant 0 : i32
      %dma_wait3A_317 = arith.constant 0 : i32
      %dma_wait3A_318 = tpu.memref_slice %arg12[%dma_wait3A_315, %dma_wait3A_316, %dma_wait3A_317] : memref<2x128x128xf32, #tpu.memory_space<vmem>> -> memref<1x128x128xf32, #tpu.memory_space<vmem>>
      %dma_wait3A_319 = tpu.memref_squeeze %dma_wait3A_318 : memref<1x128x128xf32, #tpu.memory_space<vmem>> -> memref<128x128xf32, #tpu.memory_space<vmem>>
      %dma_wait3A_320 = arith.constant 0 : i32
      %dma_wait3A_321 = tpu.memref_slice %arg9[%add3A_314, %dma_wait3A_320] : memref<50x128xi32, #tpu.memory_space<vmem>> -> memref<1x128xi32, #tpu.memory_space<vmem>>
      %dma_wait3A_322 = tpu.memref_squeeze %dma_wait3A_321 : memref<1x128xi32, #tpu.memory_space<vmem>> -> memref<128xi32, #tpu.memory_space<vmem>>
      %dma_wait3A_323 = arith.constant 0 : i32
      %dma_wait3A_324 = arith.constant 0 : i32
      %dma_wait3A_325 = tpu.memref_slice %arg2[%dma_wait3A_323, %dma_wait3A_324] : memref<100000x128xf32, #tpu.memory_space<hbm>> -> memref<100000x128xf32, #tpu.memory_space<hbm>>
      tpu.wait_indirect_dma semaphore(%arg17 : memref<!tpu.dma_semaphore, #tpu.memory_space<semaphore_mem>>) src(%dma_wait3A_325 : memref<100000x128xf32, #tpu.memory_space<hbm>>) dst(%dma_wait3A_319 : memref<128x128xf32, #tpu.memory_space<vmem>>)
      %dma_wait3A_326 = arith.constant 1 : i32
      %dma_wait3A_327 = arith.constant 0 : i32
      %dma_wait3A_328 = arith.constant 0 : i32
      %dma_wait3A_329 = tpu.memref_slice %arg13[%dma_wait3A_326, %dma_wait3A_327, %dma_wait3A_328] : memref<2x128x16xf32, #tpu.memory_space<vmem>> -> memref<1x128x16xf32, #tpu.memory_space<vmem>>
      %dma_wait3A_330 = tpu.memref_squeeze %dma_wait3A_329 : memref<1x128x16xf32, #tpu.memory_space<vmem>> -> memref<128x16xf32, #tpu.memory_space<vmem>>
      %dma_wait3A_331 = arith.constant 0 : i32
      %dma_wait3A_332 = tpu.memref_slice %arg10[%add3A_314, %dma_wait3A_331] : memref<50x128xi32, #tpu.memory_space<vmem>> -> memref<1x128xi32, #tpu.memory_space<vmem>>
      %dma_wait3A_333 = tpu.memref_squeeze %dma_wait3A_332 : memref<1x128xi32, #tpu.memory_space<vmem>> -> memref<128xi32, #tpu.memory_space<vmem>>
      %dma_wait3A_334 = arith.constant 0 : i32
      %dma_wait3A_335 = arith.constant 0 : i32
      %dma_wait3A_336 = tpu.memref_slice %arg3[%dma_wait3A_334, %dma_wait3A_335] : memref<513x16xf32, #tpu.memory_space<hbm>> -> memref<513x16xf32, #tpu.memory_space<hbm>>
      tpu.wait_indirect_dma semaphore(%arg17 : memref<!tpu.dma_semaphore, #tpu.memory_space<semaphore_mem>>) src(%dma_wait3A_336 : memref<513x16xf32, #tpu.memory_space<hbm>>) dst(%dma_wait3A_330 : memref<128x16xf32, #tpu.memory_space<vmem>>)
      %dma_wait3A_337 = arith.constant 1 : i32
      %dma_wait3A_338 = arith.constant 0 : i32
      %dma_wait3A_339 = arith.constant 0 : i32
      %dma_wait3A_340 = tpu.memref_slice %arg14[%dma_wait3A_337, %dma_wait3A_338, %dma_wait3A_339] : memref<2x128x16xf32, #tpu.memory_space<vmem>> -> memref<1x128x16xf32, #tpu.memory_space<vmem>>
      %dma_wait3A_341 = tpu.memref_squeeze %dma_wait3A_340 : memref<1x128x16xf32, #tpu.memory_space<vmem>> -> memref<128x16xf32, #tpu.memory_space<vmem>>
      %dma_wait3A_342 = arith.constant 0 : i32
      %dma_wait3A_343 = tpu.memref_slice %arg11[%add3A_314, %dma_wait3A_342] : memref<50x128xi32, #tpu.memory_space<vmem>> -> memref<1x128xi32, #tpu.memory_space<vmem>>
      %dma_wait3A_344 = tpu.memref_squeeze %dma_wait3A_343 : memref<1x128xi32, #tpu.memory_space<vmem>> -> memref<128xi32, #tpu.memory_space<vmem>>
      %dma_wait3A_345 = arith.constant 0 : i32
      %dma_wait3A_346 = arith.constant 0 : i32
      %dma_wait3A_347 = tpu.memref_slice %arg4[%dma_wait3A_345, %dma_wait3A_346] : memref<513x16xf32, #tpu.memory_space<hbm>> -> memref<513x16xf32, #tpu.memory_space<hbm>>
      tpu.wait_indirect_dma semaphore(%arg17 : memref<!tpu.dma_semaphore, #tpu.memory_space<semaphore_mem>>) src(%dma_wait3A_347 : memref<513x16xf32, #tpu.memory_space<hbm>>) dst(%dma_wait3A_341 : memref<128x16xf32, #tpu.memory_space<vmem>>)
      %ge3A_348 = arith.constant 1 : i32
      %ge3A_349 = arith.cmpi sge, %scan3A_194, %ge3A_348 : i32
      %convert_element_type3A_350 = arith.extui %ge3A_349 : i1 to i32
      %cond3A_351 = arith.constant 0 : i32
      %cond3A_352 = arith.cmpi ne, %convert_element_type3A_350, %cond3A_351 : i32
      scf.if %cond3A_352 {
        %sub3A_431 = arith.constant 2 : i32
        %sub3A_432 = arith.subi %add3A_314, %sub3A_431 : i32
        %add3A_433 = arith.addi %mul3A_2, %sub3A_432 : i32
        %jit3A_434 = arith.constant 8 : i32
        %div3A_435 = arith.divsi %add3A_433, %jit3A_434 : i32
        %sign3A_436 = arith.constant 0 : i32
        %sign3A_437 = arith.cmpi sgt, %add3A_433, %sign3A_436 : i32
        %sign3A_438 = arith.extui %sign3A_437 : i1 to i32
        %sign3A_439 = arith.constant 0 : i32
        %sign3A_440 = arith.cmpi slt, %add3A_433, %sign3A_439 : i32
        %sign3A_441 = arith.extui %sign3A_440 : i1 to i32
        %sign3A_442 = arith.subi %sign3A_438, %sign3A_441 : i32
        %sign3A_443 = arith.constant 0 : i32
        %sign3A_444 = arith.cmpi sgt, %jit3A_434, %sign3A_443 : i32
        %sign3A_445 = arith.extui %sign3A_444 : i1 to i32
        %sign3A_446 = arith.constant 0 : i32
        %sign3A_447 = arith.cmpi slt, %jit3A_434, %sign3A_446 : i32
        %sign3A_448 = arith.extui %sign3A_447 : i1 to i32
        %sign3A_449 = arith.subi %sign3A_445, %sign3A_448 : i32
        %ne3A_450 = arith.cmpi ne, %sign3A_442, %sign3A_449 : i32
        %rem3A_451 = arith.remsi %add3A_433, %jit3A_434 : i32
        %ne3A_452 = arith.constant 0 : i32
        %ne3A_453 = arith.cmpi ne, %rem3A_451, %ne3A_452 : i32
        %and3A_454 = arith.andi %ne3A_450, %ne3A_453 : i1
        %sub3A_455 = arith.constant 1 : i32
        %sub3A_456 = arith.subi %div3A_435, %sub3A_455 : i32
        %select_n3A_457 = arith.select %and3A_454, %sub3A_456, %div3A_435 : i32
        %jit3A_458 = arith.constant 8 : i32
        %eq3A_459 = arith.constant 0 : i32
        %eq3A_460 = arith.cmpi eq, %jit3A_458, %eq3A_459 : i32
        %jit3A_461 = arith.constant 1 : i32
        %select_n3A_462 = arith.select %eq3A_460, %jit3A_461, %jit3A_458 : i32
        %rem3A_463 = arith.remsi %add3A_433, %select_n3A_462 : i32
        %ne3A_464 = arith.constant 0 : i32
        %ne3A_465 = arith.cmpi ne, %rem3A_463, %ne3A_464 : i32
        %lt3A_466 = arith.constant 0 : i32
        %lt3A_467 = arith.cmpi slt, %rem3A_463, %lt3A_466 : i32
        %lt3A_468 = arith.constant 0 : i32
        %lt3A_469 = arith.cmpi slt, %select_n3A_462, %lt3A_468 : i32
        %ne3A_470 = arith.xori %lt3A_467, %lt3A_469 : i1
        %and3A_471 = arith.andi %ne3A_470, %ne3A_465 : i1
        %add3A_472 = arith.addi %rem3A_463, %select_n3A_462 : i32
        %select_n3A_473 = arith.select %and3A_471, %add3A_472, %rem3A_463 : i32
        %dma_wait3A_474 = arith.constant 1 : i32
        %dma_wait3A_475 = arith.constant 0 : i32
        %dma_wait3A_476 = arith.constant 0 : i32
        %dma_wait3A_477 = arith.constant 0 : i32
        %dma_wait3A_478 = tpu.memref_slice %arg15[%dma_wait3A_474, %dma_wait3A_475, %dma_wait3A_476, %dma_wait3A_477] : memref<2x20x8x128xf32, #tpu.memory_space<vmem>> -> memref<1x20x8x128xf32, #tpu.memory_space<vmem>>
        %dma_wait3A_479 = tpu.memref_squeeze %dma_wait3A_478 : memref<1x20x8x128xf32, #tpu.memory_space<vmem>> -> memref<20x8x128xf32, #tpu.memory_space<vmem>>
        %dma_wait3A_480 = arith.constant 0 : i32
        %dma_wait3A_481 = arith.constant 0 : i32
        %dma_wait3A_482 = arith.constant 0 : i32
        %dma_wait3A_483 = tpu.memref_slice %arg8[%select_n3A_457, %dma_wait3A_480, %select_n3A_473, %dma_wait3A_481, %dma_wait3A_482] : memref<200x20x8x8x128xf32, #tpu.memory_space<hbm>> -> memref<1x20x1x8x128xf32, #tpu.memory_space<hbm>>
        %dma_wait3A_484 = tpu.memref_squeeze %dma_wait3A_483 : memref<1x20x1x8x128xf32, #tpu.memory_space<hbm>> -> memref<20x8x128xf32, #tpu.memory_space<hbm>>
        %dma_wait3A_485 = arith.constant 0 : i32
        %dma_wait3A_486 = arith.constant 0 : i32
        %dma_wait3A_487 = arith.constant 0 : i32
        %dma_wait3A_488 = tpu.memref_slice %arg8[%select_n3A_457, %dma_wait3A_485, %select_n3A_473, %dma_wait3A_486, %dma_wait3A_487] : memref<200x20x8x8x128xf32, #tpu.memory_space<hbm>> -> memref<1x20x1x8x128xf32, #tpu.memory_space<hbm>>
        %dma_wait3A_489 = tpu.memref_squeeze %dma_wait3A_488 : memref<1x20x1x8x128xf32, #tpu.memory_space<hbm>> -> memref<20x8x128xf32, #tpu.memory_space<hbm>>
        %dma_wait3A_490 = arith.constant 0 : i32
        %dma_wait3A_491 = arith.constant 0 : i32
        %dma_wait3A_492 = arith.constant 0 : i32
        %dma_wait3A_493 = tpu.memref_slice %arg15[%dma_wait3A_474, %dma_wait3A_490, %dma_wait3A_491, %dma_wait3A_492] : memref<2x20x8x128xf32, #tpu.memory_space<vmem>> -> memref<1x20x8x128xf32, #tpu.memory_space<vmem>>
        %dma_wait3A_494 = tpu.memref_squeeze %dma_wait3A_493 : memref<1x20x8x128xf32, #tpu.memory_space<vmem>> -> memref<20x8x128xf32, #tpu.memory_space<vmem>>
        tpu.wait_dma2 semaphore(%arg19 : memref<!tpu.dma_semaphore, #tpu.memory_space<semaphore_mem>>) src(%dma_wait3A_494 : memref<20x8x128xf32, #tpu.memory_space<vmem>>) dst(%dma_wait3A_489 : memref<20x8x128xf32, #tpu.memory_space<hbm>>)
      } else {
      }
      %parallel_loop3A_353 = arith.constant 0 : i32
      %parallel_loop3A_354 = arith.constant 64 : i32
      %parallel_loop3A_355 = arith.constant 1 : i32
      scf.for %parallel_loop3A_431 = %parallel_loop3A_353 to %parallel_loop3A_354 step %parallel_loop3A_355  : i32 {
        %parallel_loop3A_432 = vector.broadcast %parallel_loop3A_431 : i32 to vector<16xi32>
        %parallel_loop3A_433 = arith.constant 0 : i32
        %parallel_loop3A_434 = vector.broadcast %parallel_loop3A_433 : i32 to vector<16xi32>
        %parallel_loop3A_435 = arith.addi %parallel_loop3A_434, %iota3A : vector<16xi32>
        %parallel_loop3A_436 = arith.constant 1 : i32
        %parallel_loop3A_437 = arith.constant 0 : i32
        %parallel_loop3A_438 = arith.constant 0 : i32
        %parallel_loop3A_439 = tpu.memref_slice %arg12[%parallel_loop3A_436, %parallel_loop3A_437, %parallel_loop3A_438] : memref<2x128x128xf32, #tpu.memory_space<vmem>> -> memref<1x128x128xf32, #tpu.memory_space<vmem>>
        %parallel_loop3A_440 = tpu.memref_squeeze %parallel_loop3A_439 : memref<1x128x128xf32, #tpu.memory_space<vmem>> -> memref<128x128xf32, #tpu.memory_space<vmem>>
        %parallel_loop3A_441 = tpu.vector_load_idx %parallel_loop3A_440[%parallel_loop3A_435, %parallel_loop3A_432] : memref<128x128xf32, #tpu.memory_space<vmem>>[vector<16xi32>, vector<16xi32>], vector<16xf32>,
        %parallel_loop3A_442 = arith.constant 8 : i32
        %parallel_loop3A_443 = arith.divsi %parallel_loop3A_431, %parallel_loop3A_442 : i32
        %parallel_loop3A_444 = arith.constant 0 : i32
        %parallel_loop3A_445 = arith.cmpi sgt, %parallel_loop3A_431, %parallel_loop3A_444 : i32
        %parallel_loop3A_446 = arith.extui %parallel_loop3A_445 : i1 to i32
        %parallel_loop3A_447 = arith.constant 0 : i32
        %parallel_loop3A_448 = arith.cmpi slt, %parallel_loop3A_431, %parallel_loop3A_447 : i32
        %parallel_loop3A_449 = arith.extui %parallel_loop3A_448 : i1 to i32
        %parallel_loop3A_450 = arith.subi %parallel_loop3A_446, %parallel_loop3A_449 : i32
        %parallel_loop3A_451 = arith.constant 0 : i32
        %parallel_loop3A_452 = arith.cmpi sgt, %parallel_loop3A_442, %parallel_loop3A_451 : i32
        %parallel_loop3A_453 = arith.extui %parallel_loop3A_452 : i1 to i32
        %parallel_loop3A_454 = arith.constant 0 : i32
        %parallel_loop3A_455 = arith.cmpi slt, %parallel_loop3A_442, %parallel_loop3A_454 : i32
        %parallel_loop3A_456 = arith.extui %parallel_loop3A_455 : i1 to i32
        %parallel_loop3A_457 = arith.subi %parallel_loop3A_453, %parallel_loop3A_456 : i32
        %parallel_loop3A_458 = arith.cmpi ne, %parallel_loop3A_450, %parallel_loop3A_457 : i32
        %parallel_loop3A_459 = arith.remsi %parallel_loop3A_431, %parallel_loop3A_442 : i32
        %parallel_loop3A_460 = arith.constant 0 : i32
        %parallel_loop3A_461 = arith.cmpi ne, %parallel_loop3A_459, %parallel_loop3A_460 : i32
        %parallel_loop3A_462 = arith.andi %parallel_loop3A_458, %parallel_loop3A_461 : i1
        %parallel_loop3A_463 = arith.constant 1 : i32
        %parallel_loop3A_464 = arith.subi %parallel_loop3A_443, %parallel_loop3A_463 : i32
        %parallel_loop3A_465 = arith.select %parallel_loop3A_462, %parallel_loop3A_464, %parallel_loop3A_443 : i32
        %parallel_loop3A_466 = arith.constant 8 : i32
        %parallel_loop3A_467 = arith.constant 0 : i32
        %parallel_loop3A_468 = arith.cmpi eq, %parallel_loop3A_466, %parallel_loop3A_467 : i32
        %parallel_loop3A_469 = arith.constant 1 : i32
        %parallel_loop3A_470 = arith.select %parallel_loop3A_468, %parallel_loop3A_469, %parallel_loop3A_466 : i32
        %parallel_loop3A_471 = arith.remsi %parallel_loop3A_431, %parallel_loop3A_470 : i32
        %parallel_loop3A_472 = arith.constant 0 : i32
        %parallel_loop3A_473 = arith.cmpi ne, %parallel_loop3A_471, %parallel_loop3A_472 : i32
        %parallel_loop3A_474 = arith.constant 0 : i32
        %parallel_loop3A_475 = arith.cmpi slt, %parallel_loop3A_471, %parallel_loop3A_474 : i32
        %parallel_loop3A_476 = arith.constant 0 : i32
        %parallel_loop3A_477 = arith.cmpi slt, %parallel_loop3A_470, %parallel_loop3A_476 : i32
        %parallel_loop3A_478 = arith.xori %parallel_loop3A_475, %parallel_loop3A_477 : i1
        %parallel_loop3A_479 = arith.andi %parallel_loop3A_478, %parallel_loop3A_473 : i1
        %parallel_loop3A_480 = arith.addi %parallel_loop3A_471, %parallel_loop3A_470 : i32
        %parallel_loop3A_481 = arith.select %parallel_loop3A_479, %parallel_loop3A_480, %parallel_loop3A_471 : i32
        %parallel_loop3A_482 = arith.constant 1 : i32
        %parallel_loop3A_483 = arith.index_cast %parallel_loop3A_482 : i32 to index
        %parallel_loop3A_484 = arith.index_cast %parallel_loop3A_465 : i32 to index
        %parallel_loop3A_485 = arith.index_cast %parallel_loop3A_481 : i32 to index
        %parallel_loop3A_486 = arith.constant 0 : index
        %parallel_loop3A_487 = tpu.vector_load %arg15[%parallel_loop3A_483, %parallel_loop3A_484, %parallel_loop3A_485, %parallel_loop3A_486] {strides = array<i32>} : memref<2x20x8x128xf32, #tpu.memory_space<vmem>>, vector<16xf32>,
        tpu.vector_store %arg15[%parallel_loop3A_483, %parallel_loop3A_484, %parallel_loop3A_485, %parallel_loop3A_486], %parallel_loop3A_441 {strides = array<i32>} : memref<2x20x8x128xf32, #tpu.memory_space<vmem>>, vector<16xf32>,
        %parallel_loop3A_488 = arith.constant 16 : i32
        %parallel_loop3A_489 = vector.broadcast %parallel_loop3A_488 : i32 to vector<16xi32>
        %parallel_loop3A_490 = arith.addi %parallel_loop3A_489, %iota3A : vector<16xi32>
        %parallel_loop3A_491 = arith.constant 1 : i32
        %parallel_loop3A_492 = arith.constant 0 : i32
        %parallel_loop3A_493 = arith.constant 0 : i32
        %parallel_loop3A_494 = tpu.memref_slice %arg12[%parallel_loop3A_491, %parallel_loop3A_492, %parallel_loop3A_493] : memref<2x128x128xf32, #tpu.memory_space<vmem>> -> memref<1x128x128xf32, #tpu.memory_space<vmem>>
        %parallel_loop3A_495 = tpu.memref_squeeze %parallel_loop3A_494 : memref<1x128x128xf32, #tpu.memory_space<vmem>> -> memref<128x128xf32, #tpu.memory_space<vmem>>
        %parallel_loop3A_496 = tpu.vector_load_idx %parallel_loop3A_495[%parallel_loop3A_490, %parallel_loop3A_432] : memref<128x128xf32, #tpu.memory_space<vmem>>[vector<16xi32>, vector<16xi32>], vector<16xf32>,
        %parallel_loop3A_497 = arith.constant 8 : i32
        %parallel_loop3A_498 = arith.divsi %parallel_loop3A_431, %parallel_loop3A_497 : i32
        %parallel_loop3A_499 = arith.constant 0 : i32
        %parallel_loop3A_500 = arith.cmpi sgt, %parallel_loop3A_431, %parallel_loop3A_499 : i32
        %parallel_loop3A_501 = arith.extui %parallel_loop3A_500 : i1 to i32
        %parallel_loop3A_502 = arith.constant 0 : i32
        %parallel_loop3A_503 = arith.cmpi slt, %parallel_loop3A_431, %parallel_loop3A_502 : i32
        %parallel_loop3A_504 = arith.extui %parallel_loop3A_503 : i1 to i32
        %parallel_loop3A_505 = arith.subi %parallel_loop3A_501, %parallel_loop3A_504 : i32
        %parallel_loop3A_506 = arith.constant 0 : i32
        %parallel_loop3A_507 = arith.cmpi sgt, %parallel_loop3A_497, %parallel_loop3A_506 : i32
        %parallel_loop3A_508 = arith.extui %parallel_loop3A_507 : i1 to i32
        %parallel_loop3A_509 = arith.constant 0 : i32
        %parallel_loop3A_510 = arith.cmpi slt, %parallel_loop3A_497, %parallel_loop3A_509 : i32
        %parallel_loop3A_511 = arith.extui %parallel_loop3A_510 : i1 to i32
        %parallel_loop3A_512 = arith.subi %parallel_loop3A_508, %parallel_loop3A_511 : i32
        %parallel_loop3A_513 = arith.cmpi ne, %parallel_loop3A_505, %parallel_loop3A_512 : i32
        %parallel_loop3A_514 = arith.remsi %parallel_loop3A_431, %parallel_loop3A_497 : i32
        %parallel_loop3A_515 = arith.constant 0 : i32
        %parallel_loop3A_516 = arith.cmpi ne, %parallel_loop3A_514, %parallel_loop3A_515 : i32
        %parallel_loop3A_517 = arith.andi %parallel_loop3A_513, %parallel_loop3A_516 : i1
        %parallel_loop3A_518 = arith.constant 1 : i32
        %parallel_loop3A_519 = arith.subi %parallel_loop3A_498, %parallel_loop3A_518 : i32
        %parallel_loop3A_520 = arith.select %parallel_loop3A_517, %parallel_loop3A_519, %parallel_loop3A_498 : i32
        %parallel_loop3A_521 = arith.constant 8 : i32
        %parallel_loop3A_522 = arith.constant 0 : i32
        %parallel_loop3A_523 = arith.cmpi eq, %parallel_loop3A_521, %parallel_loop3A_522 : i32
        %parallel_loop3A_524 = arith.constant 1 : i32
        %parallel_loop3A_525 = arith.select %parallel_loop3A_523, %parallel_loop3A_524, %parallel_loop3A_521 : i32
        %parallel_loop3A_526 = arith.remsi %parallel_loop3A_431, %parallel_loop3A_525 : i32
        %parallel_loop3A_527 = arith.constant 0 : i32
        %parallel_loop3A_528 = arith.cmpi ne, %parallel_loop3A_526, %parallel_loop3A_527 : i32
        %parallel_loop3A_529 = arith.constant 0 : i32
        %parallel_loop3A_530 = arith.cmpi slt, %parallel_loop3A_526, %parallel_loop3A_529 : i32
        %parallel_loop3A_531 = arith.constant 0 : i32
        %parallel_loop3A_532 = arith.cmpi slt, %parallel_loop3A_525, %parallel_loop3A_531 : i32
        %parallel_loop3A_533 = arith.xori %parallel_loop3A_530, %parallel_loop3A_532 : i1
        %parallel_loop3A_534 = arith.andi %parallel_loop3A_533, %parallel_loop3A_528 : i1
        %parallel_loop3A_535 = arith.addi %parallel_loop3A_526, %parallel_loop3A_525 : i32
        %parallel_loop3A_536 = arith.select %parallel_loop3A_534, %parallel_loop3A_535, %parallel_loop3A_526 : i32
        %parallel_loop3A_537 = arith.constant 1 : i32
        %parallel_loop3A_538 = arith.index_cast %parallel_loop3A_537 : i32 to index
        %parallel_loop3A_539 = arith.index_cast %parallel_loop3A_520 : i32 to index
        %parallel_loop3A_540 = arith.index_cast %parallel_loop3A_536 : i32 to index
        %parallel_loop3A_541 = arith.constant 16 : index
        %parallel_loop3A_542 = tpu.vector_load %arg15[%parallel_loop3A_538, %parallel_loop3A_539, %parallel_loop3A_540, %parallel_loop3A_541] {strides = array<i32>} : memref<2x20x8x128xf32, #tpu.memory_space<vmem>>, vector<16xf32>,
        tpu.vector_store %arg15[%parallel_loop3A_538, %parallel_loop3A_539, %parallel_loop3A_540, %parallel_loop3A_541], %parallel_loop3A_496 {strides = array<i32>} : memref<2x20x8x128xf32, #tpu.memory_space<vmem>>, vector<16xf32>,
        %parallel_loop3A_543 = arith.constant 32 : i32
        %parallel_loop3A_544 = vector.broadcast %parallel_loop3A_543 : i32 to vector<16xi32>
        %parallel_loop3A_545 = arith.addi %parallel_loop3A_544, %iota3A : vector<16xi32>
        %parallel_loop3A_546 = arith.constant 1 : i32
        %parallel_loop3A_547 = arith.constant 0 : i32
        %parallel_loop3A_548 = arith.constant 0 : i32
        %parallel_loop3A_549 = tpu.memref_slice %arg12[%parallel_loop3A_546, %parallel_loop3A_547, %parallel_loop3A_548] : memref<2x128x128xf32, #tpu.memory_space<vmem>> -> memref<1x128x128xf32, #tpu.memory_space<vmem>>
        %parallel_loop3A_550 = tpu.memref_squeeze %parallel_loop3A_549 : memref<1x128x128xf32, #tpu.memory_space<vmem>> -> memref<128x128xf32, #tpu.memory_space<vmem>>
        %parallel_loop3A_551 = tpu.vector_load_idx %parallel_loop3A_550[%parallel_loop3A_545, %parallel_loop3A_432] : memref<128x128xf32, #tpu.memory_space<vmem>>[vector<16xi32>, vector<16xi32>], vector<16xf32>,
        %parallel_loop3A_552 = arith.constant 8 : i32
        %parallel_loop3A_553 = arith.divsi %parallel_loop3A_431, %parallel_loop3A_552 : i32
        %parallel_loop3A_554 = arith.constant 0 : i32
        %parallel_loop3A_555 = arith.cmpi sgt, %parallel_loop3A_431, %parallel_loop3A_554 : i32
        %parallel_loop3A_556 = arith.extui %parallel_loop3A_555 : i1 to i32
        %parallel_loop3A_557 = arith.constant 0 : i32
        %parallel_loop3A_558 = arith.cmpi slt, %parallel_loop3A_431, %parallel_loop3A_557 : i32
        %parallel_loop3A_559 = arith.extui %parallel_loop3A_558 : i1 to i32
        %parallel_loop3A_560 = arith.subi %parallel_loop3A_556, %parallel_loop3A_559 : i32
        %parallel_loop3A_561 = arith.constant 0 : i32
        %parallel_loop3A_562 = arith.cmpi sgt, %parallel_loop3A_552, %parallel_loop3A_561 : i32
        %parallel_loop3A_563 = arith.extui %parallel_loop3A_562 : i1 to i32
        %parallel_loop3A_564 = arith.constant 0 : i32
        %parallel_loop3A_565 = arith.cmpi slt, %parallel_loop3A_552, %parallel_loop3A_564 : i32
        %parallel_loop3A_566 = arith.extui %parallel_loop3A_565 : i1 to i32
        %parallel_loop3A_567 = arith.subi %parallel_loop3A_563, %parallel_loop3A_566 : i32
        %parallel_loop3A_568 = arith.cmpi ne, %parallel_loop3A_560, %parallel_loop3A_567 : i32
        %parallel_loop3A_569 = arith.remsi %parallel_loop3A_431, %parallel_loop3A_552 : i32
        %parallel_loop3A_570 = arith.constant 0 : i32
        %parallel_loop3A_571 = arith.cmpi ne, %parallel_loop3A_569, %parallel_loop3A_570 : i32
        %parallel_loop3A_572 = arith.andi %parallel_loop3A_568, %parallel_loop3A_571 : i1
        %parallel_loop3A_573 = arith.constant 1 : i32
        %parallel_loop3A_574 = arith.subi %parallel_loop3A_553, %parallel_loop3A_573 : i32
        %parallel_loop3A_575 = arith.select %parallel_loop3A_572, %parallel_loop3A_574, %parallel_loop3A_553 : i32
        %parallel_loop3A_576 = arith.constant 8 : i32
        %parallel_loop3A_577 = arith.constant 0 : i32
        %parallel_loop3A_578 = arith.cmpi eq, %parallel_loop3A_576, %parallel_loop3A_577 : i32
        %parallel_loop3A_579 = arith.constant 1 : i32
        %parallel_loop3A_580 = arith.select %parallel_loop3A_578, %parallel_loop3A_579, %parallel_loop3A_576 : i32
        %parallel_loop3A_581 = arith.remsi %parallel_loop3A_431, %parallel_loop3A_580 : i32
        %parallel_loop3A_582 = arith.constant 0 : i32
        %parallel_loop3A_583 = arith.cmpi ne, %parallel_loop3A_581, %parallel_loop3A_582 : i32
        %parallel_loop3A_584 = arith.constant 0 : i32
        %parallel_loop3A_585 = arith.cmpi slt, %parallel_loop3A_581, %parallel_loop3A_584 : i32
        %parallel_loop3A_586 = arith.constant 0 : i32
        %parallel_loop3A_587 = arith.cmpi slt, %parallel_loop3A_580, %parallel_loop3A_586 : i32
        %parallel_loop3A_588 = arith.xori %parallel_loop3A_585, %parallel_loop3A_587 : i1
        %parallel_loop3A_589 = arith.andi %parallel_loop3A_588, %parallel_loop3A_583 : i1
        %parallel_loop3A_590 = arith.addi %parallel_loop3A_581, %parallel_loop3A_580 : i32
        %parallel_loop3A_591 = arith.select %parallel_loop3A_589, %parallel_loop3A_590, %parallel_loop3A_581 : i32
        %parallel_loop3A_592 = arith.constant 1 : i32
        %parallel_loop3A_593 = arith.index_cast %parallel_loop3A_592 : i32 to index
        %parallel_loop3A_594 = arith.index_cast %parallel_loop3A_575 : i32 to index
        %parallel_loop3A_595 = arith.index_cast %parallel_loop3A_591 : i32 to index
        %parallel_loop3A_596 = arith.constant 32 : index
        %parallel_loop3A_597 = tpu.vector_load %arg15[%parallel_loop3A_593, %parallel_loop3A_594, %parallel_loop3A_595, %parallel_loop3A_596] {strides = array<i32>} : memref<2x20x8x128xf32, #tpu.memory_space<vmem>>, vector<16xf32>,
        tpu.vector_store %arg15[%parallel_loop3A_593, %parallel_loop3A_594, %parallel_loop3A_595, %parallel_loop3A_596], %parallel_loop3A_551 {strides = array<i32>} : memref<2x20x8x128xf32, #tpu.memory_space<vmem>>, vector<16xf32>,
        %parallel_loop3A_598 = arith.constant 48 : i32
        %parallel_loop3A_599 = vector.broadcast %parallel_loop3A_598 : i32 to vector<16xi32>
        %parallel_loop3A_600 = arith.addi %parallel_loop3A_599, %iota3A : vector<16xi32>
        %parallel_loop3A_601 = arith.constant 1 : i32
        %parallel_loop3A_602 = arith.constant 0 : i32
        %parallel_loop3A_603 = arith.constant 0 : i32
        %parallel_loop3A_604 = tpu.memref_slice %arg12[%parallel_loop3A_601, %parallel_loop3A_602, %parallel_loop3A_603] : memref<2x128x128xf32, #tpu.memory_space<vmem>> -> memref<1x128x128xf32, #tpu.memory_space<vmem>>
        %parallel_loop3A_605 = tpu.memref_squeeze %parallel_loop3A_604 : memref<1x128x128xf32, #tpu.memory_space<vmem>> -> memref<128x128xf32, #tpu.memory_space<vmem>>
        %parallel_loop3A_606 = tpu.vector_load_idx %parallel_loop3A_605[%parallel_loop3A_600, %parallel_loop3A_432] : memref<128x128xf32, #tpu.memory_space<vmem>>[vector<16xi32>, vector<16xi32>], vector<16xf32>,
        %parallel_loop3A_607 = arith.constant 8 : i32
        %parallel_loop3A_608 = arith.divsi %parallel_loop3A_431, %parallel_loop3A_607 : i32
        %parallel_loop3A_609 = arith.constant 0 : i32
        %parallel_loop3A_610 = arith.cmpi sgt, %parallel_loop3A_431, %parallel_loop3A_609 : i32
        %parallel_loop3A_611 = arith.extui %parallel_loop3A_610 : i1 to i32
        %parallel_loop3A_612 = arith.constant 0 : i32
        %parallel_loop3A_613 = arith.cmpi slt, %parallel_loop3A_431, %parallel_loop3A_612 : i32
        %parallel_loop3A_614 = arith.extui %parallel_loop3A_613 : i1 to i32
        %parallel_loop3A_615 = arith.subi %parallel_loop3A_611, %parallel_loop3A_614 : i32
        %parallel_loop3A_616 = arith.constant 0 : i32
        %parallel_loop3A_617 = arith.cmpi sgt, %parallel_loop3A_607, %parallel_loop3A_616 : i32
        %parallel_loop3A_618 = arith.extui %parallel_loop3A_617 : i1 to i32
        %parallel_loop3A_619 = arith.constant 0 : i32
        %parallel_loop3A_620 = arith.cmpi slt, %parallel_loop3A_607, %parallel_loop3A_619 : i32
        %parallel_loop3A_621 = arith.extui %parallel_loop3A_620 : i1 to i32
        %parallel_loop3A_622 = arith.subi %parallel_loop3A_618, %parallel_loop3A_621 : i32
        %parallel_loop3A_623 = arith.cmpi ne, %parallel_loop3A_615, %parallel_loop3A_622 : i32
        %parallel_loop3A_624 = arith.remsi %parallel_loop3A_431, %parallel_loop3A_607 : i32
        %parallel_loop3A_625 = arith.constant 0 : i32
        %parallel_loop3A_626 = arith.cmpi ne, %parallel_loop3A_624, %parallel_loop3A_625 : i32
        %parallel_loop3A_627 = arith.andi %parallel_loop3A_623, %parallel_loop3A_626 : i1
        %parallel_loop3A_628 = arith.constant 1 : i32
        %parallel_loop3A_629 = arith.subi %parallel_loop3A_608, %parallel_loop3A_628 : i32
        %parallel_loop3A_630 = arith.select %parallel_loop3A_627, %parallel_loop3A_629, %parallel_loop3A_608 : i32
        %parallel_loop3A_631 = arith.constant 8 : i32
        %parallel_loop3A_632 = arith.constant 0 : i32
        %parallel_loop3A_633 = arith.cmpi eq, %parallel_loop3A_631, %parallel_loop3A_632 : i32
        %parallel_loop3A_634 = arith.constant 1 : i32
        %parallel_loop3A_635 = arith.select %parallel_loop3A_633, %parallel_loop3A_634, %parallel_loop3A_631 : i32
        %parallel_loop3A_636 = arith.remsi %parallel_loop3A_431, %parallel_loop3A_635 : i32
        %parallel_loop3A_637 = arith.constant 0 : i32
        %parallel_loop3A_638 = arith.cmpi ne, %parallel_loop3A_636, %parallel_loop3A_637 : i32
        %parallel_loop3A_639 = arith.constant 0 : i32
        %parallel_loop3A_640 = arith.cmpi slt, %parallel_loop3A_636, %parallel_loop3A_639 : i32
        %parallel_loop3A_641 = arith.constant 0 : i32
        %parallel_loop3A_642 = arith.cmpi slt, %parallel_loop3A_635, %parallel_loop3A_641 : i32
        %parallel_loop3A_643 = arith.xori %parallel_loop3A_640, %parallel_loop3A_642 : i1
        %parallel_loop3A_644 = arith.andi %parallel_loop3A_643, %parallel_loop3A_638 : i1
        %parallel_loop3A_645 = arith.addi %parallel_loop3A_636, %parallel_loop3A_635 : i32
        %parallel_loop3A_646 = arith.select %parallel_loop3A_644, %parallel_loop3A_645, %parallel_loop3A_636 : i32
        %parallel_loop3A_647 = arith.constant 1 : i32
        %parallel_loop3A_648 = arith.index_cast %parallel_loop3A_647 : i32 to index
        %parallel_loop3A_649 = arith.index_cast %parallel_loop3A_630 : i32 to index
        %parallel_loop3A_650 = arith.index_cast %parallel_loop3A_646 : i32 to index
        %parallel_loop3A_651 = arith.constant 48 : index
        %parallel_loop3A_652 = tpu.vector_load %arg15[%parallel_loop3A_648, %parallel_loop3A_649, %parallel_loop3A_650, %parallel_loop3A_651] {strides = array<i32>} : memref<2x20x8x128xf32, #tpu.memory_space<vmem>>, vector<16xf32>,
        tpu.vector_store %arg15[%parallel_loop3A_648, %parallel_loop3A_649, %parallel_loop3A_650, %parallel_loop3A_651], %parallel_loop3A_606 {strides = array<i32>} : memref<2x20x8x128xf32, #tpu.memory_space<vmem>>, vector<16xf32>,
        %parallel_loop3A_653 = arith.constant 64 : i32
        %parallel_loop3A_654 = vector.broadcast %parallel_loop3A_653 : i32 to vector<16xi32>
        %parallel_loop3A_655 = arith.addi %parallel_loop3A_654, %iota3A : vector<16xi32>
        %parallel_loop3A_656 = arith.constant 1 : i32
        %parallel_loop3A_657 = arith.constant 0 : i32
        %parallel_loop3A_658 = arith.constant 0 : i32
        %parallel_loop3A_659 = tpu.memref_slice %arg12[%parallel_loop3A_656, %parallel_loop3A_657, %parallel_loop3A_658] : memref<2x128x128xf32, #tpu.memory_space<vmem>> -> memref<1x128x128xf32, #tpu.memory_space<vmem>>
        %parallel_loop3A_660 = tpu.memref_squeeze %parallel_loop3A_659 : memref<1x128x128xf32, #tpu.memory_space<vmem>> -> memref<128x128xf32, #tpu.memory_space<vmem>>
        %parallel_loop3A_661 = tpu.vector_load_idx %parallel_loop3A_660[%parallel_loop3A_655, %parallel_loop3A_432] : memref<128x128xf32, #tpu.memory_space<vmem>>[vector<16xi32>, vector<16xi32>], vector<16xf32>,
        %parallel_loop3A_662 = arith.constant 8 : i32
        %parallel_loop3A_663 = arith.divsi %parallel_loop3A_431, %parallel_loop3A_662 : i32
        %parallel_loop3A_664 = arith.constant 0 : i32
        %parallel_loop3A_665 = arith.cmpi sgt, %parallel_loop3A_431, %parallel_loop3A_664 : i32
        %parallel_loop3A_666 = arith.extui %parallel_loop3A_665 : i1 to i32
        %parallel_loop3A_667 = arith.constant 0 : i32
        %parallel_loop3A_668 = arith.cmpi slt, %parallel_loop3A_431, %parallel_loop3A_667 : i32
        %parallel_loop3A_669 = arith.extui %parallel_loop3A_668 : i1 to i32
        %parallel_loop3A_670 = arith.subi %parallel_loop3A_666, %parallel_loop3A_669 : i32
        %parallel_loop3A_671 = arith.constant 0 : i32
        %parallel_loop3A_672 = arith.cmpi sgt, %parallel_loop3A_662, %parallel_loop3A_671 : i32
        %parallel_loop3A_673 = arith.extui %parallel_loop3A_672 : i1 to i32
        %parallel_loop3A_674 = arith.constant 0 : i32
        %parallel_loop3A_675 = arith.cmpi slt, %parallel_loop3A_662, %parallel_loop3A_674 : i32
        %parallel_loop3A_676 = arith.extui %parallel_loop3A_675 : i1 to i32
        %parallel_loop3A_677 = arith.subi %parallel_loop3A_673, %parallel_loop3A_676 : i32
        %parallel_loop3A_678 = arith.cmpi ne, %parallel_loop3A_670, %parallel_loop3A_677 : i32
        %parallel_loop3A_679 = arith.remsi %parallel_loop3A_431, %parallel_loop3A_662 : i32
        %parallel_loop3A_680 = arith.constant 0 : i32
        %parallel_loop3A_681 = arith.cmpi ne, %parallel_loop3A_679, %parallel_loop3A_680 : i32
        %parallel_loop3A_682 = arith.andi %parallel_loop3A_678, %parallel_loop3A_681 : i1
        %parallel_loop3A_683 = arith.constant 1 : i32
        %parallel_loop3A_684 = arith.subi %parallel_loop3A_663, %parallel_loop3A_683 : i32
        %parallel_loop3A_685 = arith.select %parallel_loop3A_682, %parallel_loop3A_684, %parallel_loop3A_663 : i32
        %parallel_loop3A_686 = arith.constant 8 : i32
        %parallel_loop3A_687 = arith.constant 0 : i32
        %parallel_loop3A_688 = arith.cmpi eq, %parallel_loop3A_686, %parallel_loop3A_687 : i32
        %parallel_loop3A_689 = arith.constant 1 : i32
        %parallel_loop3A_690 = arith.select %parallel_loop3A_688, %parallel_loop3A_689, %parallel_loop3A_686 : i32
        %parallel_loop3A_691 = arith.remsi %parallel_loop3A_431, %parallel_loop3A_690 : i32
        %parallel_loop3A_692 = arith.constant 0 : i32
        %parallel_loop3A_693 = arith.cmpi ne, %parallel_loop3A_691, %parallel_loop3A_692 : i32
        %parallel_loop3A_694 = arith.constant 0 : i32
        %parallel_loop3A_695 = arith.cmpi slt, %parallel_loop3A_691, %parallel_loop3A_694 : i32
        %parallel_loop3A_696 = arith.constant 0 : i32
        %parallel_loop3A_697 = arith.cmpi slt, %parallel_loop3A_690, %parallel_loop3A_696 : i32
        %parallel_loop3A_698 = arith.xori %parallel_loop3A_695, %parallel_loop3A_697 : i1
        %parallel_loop3A_699 = arith.andi %parallel_loop3A_698, %parallel_loop3A_693 : i1
        %parallel_loop3A_700 = arith.addi %parallel_loop3A_691, %parallel_loop3A_690 : i32
        %parallel_loop3A_701 = arith.select %parallel_loop3A_699, %parallel_loop3A_700, %parallel_loop3A_691 : i32
        %parallel_loop3A_702 = arith.constant 1 : i32
        %parallel_loop3A_703 = arith.index_cast %parallel_loop3A_702 : i32 to index
        %parallel_loop3A_704 = arith.index_cast %parallel_loop3A_685 : i32 to index
        %parallel_loop3A_705 = arith.index_cast %parallel_loop3A_701 : i32 to index
        %parallel_loop3A_706 = arith.constant 64 : index
        %parallel_loop3A_707 = tpu.vector_load %arg15[%parallel_loop3A_703, %parallel_loop3A_704, %parallel_loop3A_705, %parallel_loop3A_706] {strides = array<i32>} : memref<2x20x8x128xf32, #tpu.memory_space<vmem>>, vector<16xf32>,
        tpu.vector_store %arg15[%parallel_loop3A_703, %parallel_loop3A_704, %parallel_loop3A_705, %parallel_loop3A_706], %parallel_loop3A_661 {strides = array<i32>} : memref<2x20x8x128xf32, #tpu.memory_space<vmem>>, vector<16xf32>,
        %parallel_loop3A_708 = arith.constant 80 : i32
        %parallel_loop3A_709 = vector.broadcast %parallel_loop3A_708 : i32 to vector<16xi32>
        %parallel_loop3A_710 = arith.addi %parallel_loop3A_709, %iota3A : vector<16xi32>
        %parallel_loop3A_711 = arith.constant 1 : i32
        %parallel_loop3A_712 = arith.constant 0 : i32
        %parallel_loop3A_713 = arith.constant 0 : i32
        %parallel_loop3A_714 = tpu.memref_slice %arg12[%parallel_loop3A_711, %parallel_loop3A_712, %parallel_loop3A_713] : memref<2x128x128xf32, #tpu.memory_space<vmem>> -> memref<1x128x128xf32, #tpu.memory_space<vmem>>
        %parallel_loop3A_715 = tpu.memref_squeeze %parallel_loop3A_714 : memref<1x128x128xf32, #tpu.memory_space<vmem>> -> memref<128x128xf32, #tpu.memory_space<vmem>>
        %parallel_loop3A_716 = tpu.vector_load_idx %parallel_loop3A_715[%parallel_loop3A_710, %parallel_loop3A_432] : memref<128x128xf32, #tpu.memory_space<vmem>>[vector<16xi32>, vector<16xi32>], vector<16xf32>,
        %parallel_loop3A_717 = arith.constant 8 : i32
        %parallel_loop3A_718 = arith.divsi %parallel_loop3A_431, %parallel_loop3A_717 : i32
        %parallel_loop3A_719 = arith.constant 0 : i32
        %parallel_loop3A_720 = arith.cmpi sgt, %parallel_loop3A_431, %parallel_loop3A_719 : i32
        %parallel_loop3A_721 = arith.extui %parallel_loop3A_720 : i1 to i32
        %parallel_loop3A_722 = arith.constant 0 : i32
        %parallel_loop3A_723 = arith.cmpi slt, %parallel_loop3A_431, %parallel_loop3A_722 : i32
        %parallel_loop3A_724 = arith.extui %parallel_loop3A_723 : i1 to i32
        %parallel_loop3A_725 = arith.subi %parallel_loop3A_721, %parallel_loop3A_724 : i32
        %parallel_loop3A_726 = arith.constant 0 : i32
        %parallel_loop3A_727 = arith.cmpi sgt, %parallel_loop3A_717, %parallel_loop3A_726 : i32
        %parallel_loop3A_728 = arith.extui %parallel_loop3A_727 : i1 to i32
        %parallel_loop3A_729 = arith.constant 0 : i32
        %parallel_loop3A_730 = arith.cmpi slt, %parallel_loop3A_717, %parallel_loop3A_729 : i32
        %parallel_loop3A_731 = arith.extui %parallel_loop3A_730 : i1 to i32
        %parallel_loop3A_732 = arith.subi %parallel_loop3A_728, %parallel_loop3A_731 : i32
        %parallel_loop3A_733 = arith.cmpi ne, %parallel_loop3A_725, %parallel_loop3A_732 : i32
        %parallel_loop3A_734 = arith.remsi %parallel_loop3A_431, %parallel_loop3A_717 : i32
        %parallel_loop3A_735 = arith.constant 0 : i32
        %parallel_loop3A_736 = arith.cmpi ne, %parallel_loop3A_734, %parallel_loop3A_735 : i32
        %parallel_loop3A_737 = arith.andi %parallel_loop3A_733, %parallel_loop3A_736 : i1
        %parallel_loop3A_738 = arith.constant 1 : i32
        %parallel_loop3A_739 = arith.subi %parallel_loop3A_718, %parallel_loop3A_738 : i32
        %parallel_loop3A_740 = arith.select %parallel_loop3A_737, %parallel_loop3A_739, %parallel_loop3A_718 : i32
        %parallel_loop3A_741 = arith.constant 8 : i32
        %parallel_loop3A_742 = arith.constant 0 : i32
        %parallel_loop3A_743 = arith.cmpi eq, %parallel_loop3A_741, %parallel_loop3A_742 : i32
        %parallel_loop3A_744 = arith.constant 1 : i32
        %parallel_loop3A_745 = arith.select %parallel_loop3A_743, %parallel_loop3A_744, %parallel_loop3A_741 : i32
        %parallel_loop3A_746 = arith.remsi %parallel_loop3A_431, %parallel_loop3A_745 : i32
        %parallel_loop3A_747 = arith.constant 0 : i32
        %parallel_loop3A_748 = arith.cmpi ne, %parallel_loop3A_746, %parallel_loop3A_747 : i32
        %parallel_loop3A_749 = arith.constant 0 : i32
        %parallel_loop3A_750 = arith.cmpi slt, %parallel_loop3A_746, %parallel_loop3A_749 : i32
        %parallel_loop3A_751 = arith.constant 0 : i32
        %parallel_loop3A_752 = arith.cmpi slt, %parallel_loop3A_745, %parallel_loop3A_751 : i32
        %parallel_loop3A_753 = arith.xori %parallel_loop3A_750, %parallel_loop3A_752 : i1
        %parallel_loop3A_754 = arith.andi %parallel_loop3A_753, %parallel_loop3A_748 : i1
        %parallel_loop3A_755 = arith.addi %parallel_loop3A_746, %parallel_loop3A_745 : i32
        %parallel_loop3A_756 = arith.select %parallel_loop3A_754, %parallel_loop3A_755, %parallel_loop3A_746 : i32
        %parallel_loop3A_757 = arith.constant 1 : i32
        %parallel_loop3A_758 = arith.index_cast %parallel_loop3A_757 : i32 to index
        %parallel_loop3A_759 = arith.index_cast %parallel_loop3A_740 : i32 to index
        %parallel_loop3A_760 = arith.index_cast %parallel_loop3A_756 : i32 to index
        %parallel_loop3A_761 = arith.constant 80 : index
        %parallel_loop3A_762 = tpu.vector_load %arg15[%parallel_loop3A_758, %parallel_loop3A_759, %parallel_loop3A_760, %parallel_loop3A_761] {strides = array<i32>} : memref<2x20x8x128xf32, #tpu.memory_space<vmem>>, vector<16xf32>,
        tpu.vector_store %arg15[%parallel_loop3A_758, %parallel_loop3A_759, %parallel_loop3A_760, %parallel_loop3A_761], %parallel_loop3A_716 {strides = array<i32>} : memref<2x20x8x128xf32, #tpu.memory_space<vmem>>, vector<16xf32>,
        %parallel_loop3A_763 = arith.constant 96 : i32
        %parallel_loop3A_764 = vector.broadcast %parallel_loop3A_763 : i32 to vector<16xi32>
        %parallel_loop3A_765 = arith.addi %parallel_loop3A_764, %iota3A : vector<16xi32>
        %parallel_loop3A_766 = arith.constant 1 : i32
        %parallel_loop3A_767 = arith.constant 0 : i32
        %parallel_loop3A_768 = arith.constant 0 : i32
        %parallel_loop3A_769 = tpu.memref_slice %arg12[%parallel_loop3A_766, %parallel_loop3A_767, %parallel_loop3A_768] : memref<2x128x128xf32, #tpu.memory_space<vmem>> -> memref<1x128x128xf32, #tpu.memory_space<vmem>>
        %parallel_loop3A_770 = tpu.memref_squeeze %parallel_loop3A_769 : memref<1x128x128xf32, #tpu.memory_space<vmem>> -> memref<128x128xf32, #tpu.memory_space<vmem>>
        %parallel_loop3A_771 = tpu.vector_load_idx %parallel_loop3A_770[%parallel_loop3A_765, %parallel_loop3A_432] : memref<128x128xf32, #tpu.memory_space<vmem>>[vector<16xi32>, vector<16xi32>], vector<16xf32>,
        %parallel_loop3A_772 = arith.constant 8 : i32
        %parallel_loop3A_773 = arith.divsi %parallel_loop3A_431, %parallel_loop3A_772 : i32
        %parallel_loop3A_774 = arith.constant 0 : i32
        %parallel_loop3A_775 = arith.cmpi sgt, %parallel_loop3A_431, %parallel_loop3A_774 : i32
        %parallel_loop3A_776 = arith.extui %parallel_loop3A_775 : i1 to i32
        %parallel_loop3A_777 = arith.constant 0 : i32
        %parallel_loop3A_778 = arith.cmpi slt, %parallel_loop3A_431, %parallel_loop3A_777 : i32
        %parallel_loop3A_779 = arith.extui %parallel_loop3A_778 : i1 to i32
        %parallel_loop3A_780 = arith.subi %parallel_loop3A_776, %parallel_loop3A_779 : i32
        %parallel_loop3A_781 = arith.constant 0 : i32
        %parallel_loop3A_782 = arith.cmpi sgt, %parallel_loop3A_772, %parallel_loop3A_781 : i32
        %parallel_loop3A_783 = arith.extui %parallel_loop3A_782 : i1 to i32
        %parallel_loop3A_784 = arith.constant 0 : i32
        %parallel_loop3A_785 = arith.cmpi slt, %parallel_loop3A_772, %parallel_loop3A_784 : i32
        %parallel_loop3A_786 = arith.extui %parallel_loop3A_785 : i1 to i32
        %parallel_loop3A_787 = arith.subi %parallel_loop3A_783, %parallel_loop3A_786 : i32
        %parallel_loop3A_788 = arith.cmpi ne, %parallel_loop3A_780, %parallel_loop3A_787 : i32
        %parallel_loop3A_789 = arith.remsi %parallel_loop3A_431, %parallel_loop3A_772 : i32
        %parallel_loop3A_790 = arith.constant 0 : i32
        %parallel_loop3A_791 = arith.cmpi ne, %parallel_loop3A_789, %parallel_loop3A_790 : i32
        %parallel_loop3A_792 = arith.andi %parallel_loop3A_788, %parallel_loop3A_791 : i1
        %parallel_loop3A_793 = arith.constant 1 : i32
        %parallel_loop3A_794 = arith.subi %parallel_loop3A_773, %parallel_loop3A_793 : i32
        %parallel_loop3A_795 = arith.select %parallel_loop3A_792, %parallel_loop3A_794, %parallel_loop3A_773 : i32
        %parallel_loop3A_796 = arith.constant 8 : i32
        %parallel_loop3A_797 = arith.constant 0 : i32
        %parallel_loop3A_798 = arith.cmpi eq, %parallel_loop3A_796, %parallel_loop3A_797 : i32
        %parallel_loop3A_799 = arith.constant 1 : i32
        %parallel_loop3A_800 = arith.select %parallel_loop3A_798, %parallel_loop3A_799, %parallel_loop3A_796 : i32
        %parallel_loop3A_801 = arith.remsi %parallel_loop3A_431, %parallel_loop3A_800 : i32
        %parallel_loop3A_802 = arith.constant 0 : i32
        %parallel_loop3A_803 = arith.cmpi ne, %parallel_loop3A_801, %parallel_loop3A_802 : i32
        %parallel_loop3A_804 = arith.constant 0 : i32
        %parallel_loop3A_805 = arith.cmpi slt, %parallel_loop3A_801, %parallel_loop3A_804 : i32
        %parallel_loop3A_806 = arith.constant 0 : i32
        %parallel_loop3A_807 = arith.cmpi slt, %parallel_loop3A_800, %parallel_loop3A_806 : i32
        %parallel_loop3A_808 = arith.xori %parallel_loop3A_805, %parallel_loop3A_807 : i1
        %parallel_loop3A_809 = arith.andi %parallel_loop3A_808, %parallel_loop3A_803 : i1
        %parallel_loop3A_810 = arith.addi %parallel_loop3A_801, %parallel_loop3A_800 : i32
        %parallel_loop3A_811 = arith.select %parallel_loop3A_809, %parallel_loop3A_810, %parallel_loop3A_801 : i32
        %parallel_loop3A_812 = arith.constant 1 : i32
        %parallel_loop3A_813 = arith.index_cast %parallel_loop3A_812 : i32 to index
        %parallel_loop3A_814 = arith.index_cast %parallel_loop3A_795 : i32 to index
        %parallel_loop3A_815 = arith.index_cast %parallel_loop3A_811 : i32 to index
        %parallel_loop3A_816 = arith.constant 96 : index
        %parallel_loop3A_817 = tpu.vector_load %arg15[%parallel_loop3A_813, %parallel_loop3A_814, %parallel_loop3A_815, %parallel_loop3A_816] {strides = array<i32>} : memref<2x20x8x128xf32, #tpu.memory_space<vmem>>, vector<16xf32>,
        tpu.vector_store %arg15[%parallel_loop3A_813, %parallel_loop3A_814, %parallel_loop3A_815, %parallel_loop3A_816], %parallel_loop3A_771 {strides = array<i32>} : memref<2x20x8x128xf32, #tpu.memory_space<vmem>>, vector<16xf32>,
        %parallel_loop3A_818 = arith.constant 112 : i32
        %parallel_loop3A_819 = vector.broadcast %parallel_loop3A_818 : i32 to vector<16xi32>
        %parallel_loop3A_820 = arith.addi %parallel_loop3A_819, %iota3A : vector<16xi32>
        %parallel_loop3A_821 = arith.constant 1 : i32
        %parallel_loop3A_822 = arith.constant 0 : i32
        %parallel_loop3A_823 = arith.constant 0 : i32
        %parallel_loop3A_824 = tpu.memref_slice %arg12[%parallel_loop3A_821, %parallel_loop3A_822, %parallel_loop3A_823] : memref<2x128x128xf32, #tpu.memory_space<vmem>> -> memref<1x128x128xf32, #tpu.memory_space<vmem>>
        %parallel_loop3A_825 = tpu.memref_squeeze %parallel_loop3A_824 : memref<1x128x128xf32, #tpu.memory_space<vmem>> -> memref<128x128xf32, #tpu.memory_space<vmem>>
        %parallel_loop3A_826 = tpu.vector_load_idx %parallel_loop3A_825[%parallel_loop3A_820, %parallel_loop3A_432] : memref<128x128xf32, #tpu.memory_space<vmem>>[vector<16xi32>, vector<16xi32>], vector<16xf32>,
        %parallel_loop3A_827 = arith.constant 8 : i32
        %parallel_loop3A_828 = arith.divsi %parallel_loop3A_431, %parallel_loop3A_827 : i32
        %parallel_loop3A_829 = arith.constant 0 : i32
        %parallel_loop3A_830 = arith.cmpi sgt, %parallel_loop3A_431, %parallel_loop3A_829 : i32
        %parallel_loop3A_831 = arith.extui %parallel_loop3A_830 : i1 to i32
        %parallel_loop3A_832 = arith.constant 0 : i32
        %parallel_loop3A_833 = arith.cmpi slt, %parallel_loop3A_431, %parallel_loop3A_832 : i32
        %parallel_loop3A_834 = arith.extui %parallel_loop3A_833 : i1 to i32
        %parallel_loop3A_835 = arith.subi %parallel_loop3A_831, %parallel_loop3A_834 : i32
        %parallel_loop3A_836 = arith.constant 0 : i32
        %parallel_loop3A_837 = arith.cmpi sgt, %parallel_loop3A_827, %parallel_loop3A_836 : i32
        %parallel_loop3A_838 = arith.extui %parallel_loop3A_837 : i1 to i32
        %parallel_loop3A_839 = arith.constant 0 : i32
        %parallel_loop3A_840 = arith.cmpi slt, %parallel_loop3A_827, %parallel_loop3A_839 : i32
        %parallel_loop3A_841 = arith.extui %parallel_loop3A_840 : i1 to i32
        %parallel_loop3A_842 = arith.subi %parallel_loop3A_838, %parallel_loop3A_841 : i32
        %parallel_loop3A_843 = arith.cmpi ne, %parallel_loop3A_835, %parallel_loop3A_842 : i32
        %parallel_loop3A_844 = arith.remsi %parallel_loop3A_431, %parallel_loop3A_827 : i32
        %parallel_loop3A_845 = arith.constant 0 : i32
        %parallel_loop3A_846 = arith.cmpi ne, %parallel_loop3A_844, %parallel_loop3A_845 : i32
        %parallel_loop3A_847 = arith.andi %parallel_loop3A_843, %parallel_loop3A_846 : i1
        %parallel_loop3A_848 = arith.constant 1 : i32
        %parallel_loop3A_849 = arith.subi %parallel_loop3A_828, %parallel_loop3A_848 : i32
        %parallel_loop3A_850 = arith.select %parallel_loop3A_847, %parallel_loop3A_849, %parallel_loop3A_828 : i32
        %parallel_loop3A_851 = arith.constant 8 : i32
        %parallel_loop3A_852 = arith.constant 0 : i32
        %parallel_loop3A_853 = arith.cmpi eq, %parallel_loop3A_851, %parallel_loop3A_852 : i32
        %parallel_loop3A_854 = arith.constant 1 : i32
        %parallel_loop3A_855 = arith.select %parallel_loop3A_853, %parallel_loop3A_854, %parallel_loop3A_851 : i32
        %parallel_loop3A_856 = arith.remsi %parallel_loop3A_431, %parallel_loop3A_855 : i32
        %parallel_loop3A_857 = arith.constant 0 : i32
        %parallel_loop3A_858 = arith.cmpi ne, %parallel_loop3A_856, %parallel_loop3A_857 : i32
        %parallel_loop3A_859 = arith.constant 0 : i32
        %parallel_loop3A_860 = arith.cmpi slt, %parallel_loop3A_856, %parallel_loop3A_859 : i32
        %parallel_loop3A_861 = arith.constant 0 : i32
        %parallel_loop3A_862 = arith.cmpi slt, %parallel_loop3A_855, %parallel_loop3A_861 : i32
        %parallel_loop3A_863 = arith.xori %parallel_loop3A_860, %parallel_loop3A_862 : i1
        %parallel_loop3A_864 = arith.andi %parallel_loop3A_863, %parallel_loop3A_858 : i1
        %parallel_loop3A_865 = arith.addi %parallel_loop3A_856, %parallel_loop3A_855 : i32
        %parallel_loop3A_866 = arith.select %parallel_loop3A_864, %parallel_loop3A_865, %parallel_loop3A_856 : i32
        %parallel_loop3A_867 = arith.constant 1 : i32
        %parallel_loop3A_868 = arith.index_cast %parallel_loop3A_867 : i32 to index
        %parallel_loop3A_869 = arith.index_cast %parallel_loop3A_850 : i32 to index
        %parallel_loop3A_870 = arith.index_cast %parallel_loop3A_866 : i32 to index
        %parallel_loop3A_871 = arith.constant 112 : index
        %parallel_loop3A_872 = tpu.vector_load %arg15[%parallel_loop3A_868, %parallel_loop3A_869, %parallel_loop3A_870, %parallel_loop3A_871] {strides = array<i32>} : memref<2x20x8x128xf32, #tpu.memory_space<vmem>>, vector<16xf32>,
        tpu.vector_store %arg15[%parallel_loop3A_868, %parallel_loop3A_869, %parallel_loop3A_870, %parallel_loop3A_871], %parallel_loop3A_826 {strides = array<i32>} : memref<2x20x8x128xf32, #tpu.memory_space<vmem>>, vector<16xf32>,
        %parallel_loop3A_873 = arith.constant 2 : i32
        %parallel_loop3A_874 = arith.muli %parallel_loop3A_873, %parallel_loop3A_431 : i32
        %parallel_loop3A_875 = arith.constant 0 : i32
        %parallel_loop3A_876 = arith.addi %parallel_loop3A_874, %parallel_loop3A_875 : i32
        %parallel_loop3A_877 = vector.broadcast %parallel_loop3A_876 : i32 to vector<16xi32>
        %parallel_loop3A_878 = arith.constant 64 : i32
        %parallel_loop3A_879 = vector.broadcast %parallel_loop3A_878 : i32 to vector<16xi32>
        %parallel_loop3A_880 = arith.addi %parallel_loop3A_879, %iota3A : vector<16xi32>
        %parallel_loop3A_881 = arith.constant 8 : i32
        %parallel_loop3A_882 = vector.broadcast %parallel_loop3A_881 : i32 to vector<16xi32>
        %parallel_loop3A_883 = arith.divsi %parallel_loop3A_880, %parallel_loop3A_882 : vector<16xi32>
        %parallel_loop3A_884 = arith.constant 0 : i32
        %parallel_loop3A_885 = vector.broadcast %parallel_loop3A_884 : i32 to vector<16xi32>
        %parallel_loop3A_886 = arith.cmpi sgt, %parallel_loop3A_880, %parallel_loop3A_885 : vector<16xi32>
        %parallel_loop3A_887 = arith.extui %parallel_loop3A_886 : vector<16xi1> to vector<16xi32>
        %parallel_loop3A_888 = arith.constant 0 : i32
        %parallel_loop3A_889 = vector.broadcast %parallel_loop3A_888 : i32 to vector<16xi32>
        %parallel_loop3A_890 = arith.cmpi slt, %parallel_loop3A_880, %parallel_loop3A_889 : vector<16xi32>
        %parallel_loop3A_891 = arith.extui %parallel_loop3A_890 : vector<16xi1> to vector<16xi32>
        %parallel_loop3A_892 = arith.subi %parallel_loop3A_887, %parallel_loop3A_891 : vector<16xi32>
        %parallel_loop3A_893 = arith.constant 0 : i32
        %parallel_loop3A_894 = arith.cmpi sgt, %parallel_loop3A_881, %parallel_loop3A_893 : i32
        %parallel_loop3A_895 = arith.extui %parallel_loop3A_894 : i1 to i32
        %parallel_loop3A_896 = arith.constant 0 : i32
        %parallel_loop3A_897 = arith.cmpi slt, %parallel_loop3A_881, %parallel_loop3A_896 : i32
        %parallel_loop3A_898 = arith.extui %parallel_loop3A_897 : i1 to i32
        %parallel_loop3A_899 = arith.subi %parallel_loop3A_895, %parallel_loop3A_898 : i32
        %parallel_loop3A_900 = vector.broadcast %parallel_loop3A_899 : i32 to vector<16xi32>
        %parallel_loop3A_901 = arith.cmpi ne, %parallel_loop3A_892, %parallel_loop3A_900 : vector<16xi32>
        %parallel_loop3A_902 = vector.broadcast %parallel_loop3A_881 : i32 to vector<16xi32>
        %parallel_loop3A_903 = arith.remsi %parallel_loop3A_880, %parallel_loop3A_902 : vector<16xi32>
        %parallel_loop3A_904 = arith.constant 0 : i32
        %parallel_loop3A_905 = vector.broadcast %parallel_loop3A_904 : i32 to vector<16xi32>
        %parallel_loop3A_906 = arith.cmpi ne, %parallel_loop3A_903, %parallel_loop3A_905 : vector<16xi32>
        %parallel_loop3A_907 = arith.andi %parallel_loop3A_901, %parallel_loop3A_906 : vector<16xi1>
        %parallel_loop3A_908 = arith.constant 1 : i32
        %parallel_loop3A_909 = vector.broadcast %parallel_loop3A_908 : i32 to vector<16xi32>
        %parallel_loop3A_910 = arith.subi %parallel_loop3A_883, %parallel_loop3A_909 : vector<16xi32>
        %parallel_loop3A_911 = arith.select %parallel_loop3A_907, %parallel_loop3A_910, %parallel_loop3A_883 : vector<16xi1>, vector<16xi32>
        %parallel_loop3A_912 = arith.constant 64 : i32
        %parallel_loop3A_913 = vector.broadcast %parallel_loop3A_912 : i32 to vector<16xi32>
        %parallel_loop3A_914 = arith.addi %parallel_loop3A_913, %iota3A : vector<16xi32>
        %parallel_loop3A_915 = arith.constant 8 : i32
        %parallel_loop3A_916 = arith.constant 0 : i32
        %parallel_loop3A_917 = arith.cmpi eq, %parallel_loop3A_915, %parallel_loop3A_916 : i32
        %parallel_loop3A_918 = arith.constant 1 : i32
        %parallel_loop3A_919 = arith.select %parallel_loop3A_917, %parallel_loop3A_918, %parallel_loop3A_915 : i32
        %parallel_loop3A_920 = vector.broadcast %parallel_loop3A_919 : i32 to vector<16xi32>
        %parallel_loop3A_921 = arith.remsi %parallel_loop3A_914, %parallel_loop3A_920 : vector<16xi32>
        %parallel_loop3A_922 = arith.constant 0 : i32
        %parallel_loop3A_923 = vector.broadcast %parallel_loop3A_922 : i32 to vector<16xi32>
        %parallel_loop3A_924 = arith.cmpi ne, %parallel_loop3A_921, %parallel_loop3A_923 : vector<16xi32>
        %parallel_loop3A_925 = arith.constant 0 : i32
        %parallel_loop3A_926 = vector.broadcast %parallel_loop3A_925 : i32 to vector<16xi32>
        %parallel_loop3A_927 = arith.cmpi slt, %parallel_loop3A_921, %parallel_loop3A_926 : vector<16xi32>
        %parallel_loop3A_928 = arith.constant 0 : i32
        %parallel_loop3A_929 = arith.cmpi slt, %parallel_loop3A_919, %parallel_loop3A_928 : i32
        %parallel_loop3A_930 = vector.broadcast %parallel_loop3A_929 : i1 to vector<16xi1>
        %parallel_loop3A_931 = vector.broadcast %parallel_loop3A_930 : vector<16xi1> to vector<16xi1>
        %parallel_loop3A_932 = arith.xori %parallel_loop3A_927, %parallel_loop3A_931 : vector<16xi1>
        %parallel_loop3A_933 = arith.andi %parallel_loop3A_932, %parallel_loop3A_924 : vector<16xi1>
        %parallel_loop3A_934 = vector.broadcast %parallel_loop3A_919 : i32 to vector<16xi32>
        %parallel_loop3A_935 = arith.addi %parallel_loop3A_921, %parallel_loop3A_934 : vector<16xi32>
        %parallel_loop3A_936 = arith.select %parallel_loop3A_933, %parallel_loop3A_935, %parallel_loop3A_921 : vector<16xi1>, vector<16xi32>
        %parallel_loop3A_937 = arith.constant 1 : i32
        %parallel_loop3A_938 = arith.index_cast %parallel_loop3A_937 : i32 to index
        %parallel_loop3A_939 = arith.index_cast %parallel_loop3A_876 : i32 to index
        %parallel_loop3A_940 = arith.constant 64 : index
        %parallel_loop3A_941 = tpu.vector_load %arg12[%parallel_loop3A_938, %parallel_loop3A_939, %parallel_loop3A_940] {strides = array<i32>} : memref<2x128x128xf32, #tpu.memory_space<vmem>>, vector<16xf32>,
        %parallel_loop3A_942 = arith.constant 1 : i32
        %parallel_loop3A_943 = arith.constant 0 : i32
        %parallel_loop3A_944 = arith.constant 0 : i32
        %parallel_loop3A_945 = arith.constant 0 : i32
        %parallel_loop3A_946 = tpu.memref_slice %arg15[%parallel_loop3A_942, %parallel_loop3A_943, %parallel_loop3A_944, %parallel_loop3A_945] : memref<2x20x8x128xf32, #tpu.memory_space<vmem>> -> memref<1x20x8x128xf32, #tpu.memory_space<vmem>>
        %parallel_loop3A_947 = tpu.memref_squeeze %parallel_loop3A_946 : memref<1x20x8x128xf32, #tpu.memory_space<vmem>> -> memref<20x8x128xf32, #tpu.memory_space<vmem>>
        tpu.vector_store_idx %parallel_loop3A_947[%parallel_loop3A_911, %parallel_loop3A_936, %parallel_loop3A_877], %parallel_loop3A_941 : memref<20x8x128xf32, #tpu.memory_space<vmem>>[vector<16xi32>, vector<16xi32>, vector<16xi32>], vector<16xf32>,
        %parallel_loop3A_948 = arith.constant 80 : i32
        %parallel_loop3A_949 = vector.broadcast %parallel_loop3A_948 : i32 to vector<16xi32>
        %parallel_loop3A_950 = arith.addi %parallel_loop3A_949, %iota3A : vector<16xi32>
        %parallel_loop3A_951 = arith.constant 8 : i32
        %parallel_loop3A_952 = vector.broadcast %parallel_loop3A_951 : i32 to vector<16xi32>
        %parallel_loop3A_953 = arith.divsi %parallel_loop3A_950, %parallel_loop3A_952 : vector<16xi32>
        %parallel_loop3A_954 = arith.constant 0 : i32
        %parallel_loop3A_955 = vector.broadcast %parallel_loop3A_954 : i32 to vector<16xi32>
        %parallel_loop3A_956 = arith.cmpi sgt, %parallel_loop3A_950, %parallel_loop3A_955 : vector<16xi32>
        %parallel_loop3A_957 = arith.extui %parallel_loop3A_956 : vector<16xi1> to vector<16xi32>
        %parallel_loop3A_958 = arith.constant 0 : i32
        %parallel_loop3A_959 = vector.broadcast %parallel_loop3A_958 : i32 to vector<16xi32>
        %parallel_loop3A_960 = arith.cmpi slt, %parallel_loop3A_950, %parallel_loop3A_959 : vector<16xi32>
        %parallel_loop3A_961 = arith.extui %parallel_loop3A_960 : vector<16xi1> to vector<16xi32>
        %parallel_loop3A_962 = arith.subi %parallel_loop3A_957, %parallel_loop3A_961 : vector<16xi32>
        %parallel_loop3A_963 = arith.constant 0 : i32
        %parallel_loop3A_964 = arith.cmpi sgt, %parallel_loop3A_951, %parallel_loop3A_963 : i32
        %parallel_loop3A_965 = arith.extui %parallel_loop3A_964 : i1 to i32
        %parallel_loop3A_966 = arith.constant 0 : i32
        %parallel_loop3A_967 = arith.cmpi slt, %parallel_loop3A_951, %parallel_loop3A_966 : i32
        %parallel_loop3A_968 = arith.extui %parallel_loop3A_967 : i1 to i32
        %parallel_loop3A_969 = arith.subi %parallel_loop3A_965, %parallel_loop3A_968 : i32
        %parallel_loop3A_970 = vector.broadcast %parallel_loop3A_969 : i32 to vector<16xi32>
        %parallel_loop3A_971 = arith.cmpi ne, %parallel_loop3A_962, %parallel_loop3A_970 : vector<16xi32>
        %parallel_loop3A_972 = vector.broadcast %parallel_loop3A_951 : i32 to vector<16xi32>
        %parallel_loop3A_973 = arith.remsi %parallel_loop3A_950, %parallel_loop3A_972 : vector<16xi32>
        %parallel_loop3A_974 = arith.constant 0 : i32
        %parallel_loop3A_975 = vector.broadcast %parallel_loop3A_974 : i32 to vector<16xi32>
        %parallel_loop3A_976 = arith.cmpi ne, %parallel_loop3A_973, %parallel_loop3A_975 : vector<16xi32>
        %parallel_loop3A_977 = arith.andi %parallel_loop3A_971, %parallel_loop3A_976 : vector<16xi1>
        %parallel_loop3A_978 = arith.constant 1 : i32
        %parallel_loop3A_979 = vector.broadcast %parallel_loop3A_978 : i32 to vector<16xi32>
        %parallel_loop3A_980 = arith.subi %parallel_loop3A_953, %parallel_loop3A_979 : vector<16xi32>
        %parallel_loop3A_981 = arith.select %parallel_loop3A_977, %parallel_loop3A_980, %parallel_loop3A_953 : vector<16xi1>, vector<16xi32>
        %parallel_loop3A_982 = arith.constant 80 : i32
        %parallel_loop3A_983 = vector.broadcast %parallel_loop3A_982 : i32 to vector<16xi32>
        %parallel_loop3A_984 = arith.addi %parallel_loop3A_983, %iota3A : vector<16xi32>
        %parallel_loop3A_985 = arith.constant 8 : i32
        %parallel_loop3A_986 = arith.constant 0 : i32
        %parallel_loop3A_987 = arith.cmpi eq, %parallel_loop3A_985, %parallel_loop3A_986 : i32
        %parallel_loop3A_988 = arith.constant 1 : i32
        %parallel_loop3A_989 = arith.select %parallel_loop3A_987, %parallel_loop3A_988, %parallel_loop3A_985 : i32
        %parallel_loop3A_990 = vector.broadcast %parallel_loop3A_989 : i32 to vector<16xi32>
        %parallel_loop3A_991 = arith.remsi %parallel_loop3A_984, %parallel_loop3A_990 : vector<16xi32>
        %parallel_loop3A_992 = arith.constant 0 : i32
        %parallel_loop3A_993 = vector.broadcast %parallel_loop3A_992 : i32 to vector<16xi32>
        %parallel_loop3A_994 = arith.cmpi ne, %parallel_loop3A_991, %parallel_loop3A_993 : vector<16xi32>
        %parallel_loop3A_995 = arith.constant 0 : i32
        %parallel_loop3A_996 = vector.broadcast %parallel_loop3A_995 : i32 to vector<16xi32>
        %parallel_loop3A_997 = arith.cmpi slt, %parallel_loop3A_991, %parallel_loop3A_996 : vector<16xi32>
        %parallel_loop3A_998 = arith.constant 0 : i32
        %parallel_loop3A_999 = arith.cmpi slt, %parallel_loop3A_989, %parallel_loop3A_998 : i32
        %parallel_loop3A_1000 = vector.broadcast %parallel_loop3A_999 : i1 to vector<16xi1>
        %parallel_loop3A_1001 = vector.broadcast %parallel_loop3A_1000 : vector<16xi1> to vector<16xi1>
        %parallel_loop3A_1002 = arith.xori %parallel_loop3A_997, %parallel_loop3A_1001 : vector<16xi1>
        %parallel_loop3A_1003 = arith.andi %parallel_loop3A_1002, %parallel_loop3A_994 : vector<16xi1>
        %parallel_loop3A_1004 = vector.broadcast %parallel_loop3A_989 : i32 to vector<16xi32>
        %parallel_loop3A_1005 = arith.addi %parallel_loop3A_991, %parallel_loop3A_1004 : vector<16xi32>
        %parallel_loop3A_1006 = arith.select %parallel_loop3A_1003, %parallel_loop3A_1005, %parallel_loop3A_991 : vector<16xi1>, vector<16xi32>
        %parallel_loop3A_1007 = arith.constant 1 : i32
        %parallel_loop3A_1008 = arith.index_cast %parallel_loop3A_1007 : i32 to index
        %parallel_loop3A_1009 = arith.index_cast %parallel_loop3A_876 : i32 to index
        %parallel_loop3A_1010 = arith.constant 80 : index
        %parallel_loop3A_1011 = tpu.vector_load %arg12[%parallel_loop3A_1008, %parallel_loop3A_1009, %parallel_loop3A_1010] {strides = array<i32>} : memref<2x128x128xf32, #tpu.memory_space<vmem>>, vector<16xf32>,
        %parallel_loop3A_1012 = arith.constant 1 : i32
        %parallel_loop3A_1013 = arith.constant 0 : i32
        %parallel_loop3A_1014 = arith.constant 0 : i32
        %parallel_loop3A_1015 = arith.constant 0 : i32
        %parallel_loop3A_1016 = tpu.memref_slice %arg15[%parallel_loop3A_1012, %parallel_loop3A_1013, %parallel_loop3A_1014, %parallel_loop3A_1015] : memref<2x20x8x128xf32, #tpu.memory_space<vmem>> -> memref<1x20x8x128xf32, #tpu.memory_space<vmem>>
        %parallel_loop3A_1017 = tpu.memref_squeeze %parallel_loop3A_1016 : memref<1x20x8x128xf32, #tpu.memory_space<vmem>> -> memref<20x8x128xf32, #tpu.memory_space<vmem>>
        tpu.vector_store_idx %parallel_loop3A_1017[%parallel_loop3A_981, %parallel_loop3A_1006, %parallel_loop3A_877], %parallel_loop3A_1011 : memref<20x8x128xf32, #tpu.memory_space<vmem>>[vector<16xi32>, vector<16xi32>, vector<16xi32>], vector<16xf32>,
        %parallel_loop3A_1018 = arith.constant 96 : i32
        %parallel_loop3A_1019 = vector.broadcast %parallel_loop3A_1018 : i32 to vector<16xi32>
        %parallel_loop3A_1020 = arith.addi %parallel_loop3A_1019, %iota3A : vector<16xi32>
        %parallel_loop3A_1021 = arith.constant 8 : i32
        %parallel_loop3A_1022 = vector.broadcast %parallel_loop3A_1021 : i32 to vector<16xi32>
        %parallel_loop3A_1023 = arith.divsi %parallel_loop3A_1020, %parallel_loop3A_1022 : vector<16xi32>
        %parallel_loop3A_1024 = arith.constant 0 : i32
        %parallel_loop3A_1025 = vector.broadcast %parallel_loop3A_1024 : i32 to vector<16xi32>
        %parallel_loop3A_1026 = arith.cmpi sgt, %parallel_loop3A_1020, %parallel_loop3A_1025 : vector<16xi32>
        %parallel_loop3A_1027 = arith.extui %parallel_loop3A_1026 : vector<16xi1> to vector<16xi32>
        %parallel_loop3A_1028 = arith.constant 0 : i32
        %parallel_loop3A_1029 = vector.broadcast %parallel_loop3A_1028 : i32 to vector<16xi32>
        %parallel_loop3A_1030 = arith.cmpi slt, %parallel_loop3A_1020, %parallel_loop3A_1029 : vector<16xi32>
        %parallel_loop3A_1031 = arith.extui %parallel_loop3A_1030 : vector<16xi1> to vector<16xi32>
        %parallel_loop3A_1032 = arith.subi %parallel_loop3A_1027, %parallel_loop3A_1031 : vector<16xi32>
        %parallel_loop3A_1033 = arith.constant 0 : i32
        %parallel_loop3A_1034 = arith.cmpi sgt, %parallel_loop3A_1021, %parallel_loop3A_1033 : i32
        %parallel_loop3A_1035 = arith.extui %parallel_loop3A_1034 : i1 to i32
        %parallel_loop3A_1036 = arith.constant 0 : i32
        %parallel_loop3A_1037 = arith.cmpi slt, %parallel_loop3A_1021, %parallel_loop3A_1036 : i32
        %parallel_loop3A_1038 = arith.extui %parallel_loop3A_1037 : i1 to i32
        %parallel_loop3A_1039 = arith.subi %parallel_loop3A_1035, %parallel_loop3A_1038 : i32
        %parallel_loop3A_1040 = vector.broadcast %parallel_loop3A_1039 : i32 to vector<16xi32>
        %parallel_loop3A_1041 = arith.cmpi ne, %parallel_loop3A_1032, %parallel_loop3A_1040 : vector<16xi32>
        %parallel_loop3A_1042 = vector.broadcast %parallel_loop3A_1021 : i32 to vector<16xi32>
        %parallel_loop3A_1043 = arith.remsi %parallel_loop3A_1020, %parallel_loop3A_1042 : vector<16xi32>
        %parallel_loop3A_1044 = arith.constant 0 : i32
        %parallel_loop3A_1045 = vector.broadcast %parallel_loop3A_1044 : i32 to vector<16xi32>
        %parallel_loop3A_1046 = arith.cmpi ne, %parallel_loop3A_1043, %parallel_loop3A_1045 : vector<16xi32>
        %parallel_loop3A_1047 = arith.andi %parallel_loop3A_1041, %parallel_loop3A_1046 : vector<16xi1>
        %parallel_loop3A_1048 = arith.constant 1 : i32
        %parallel_loop3A_1049 = vector.broadcast %parallel_loop3A_1048 : i32 to vector<16xi32>
        %parallel_loop3A_1050 = arith.subi %parallel_loop3A_1023, %parallel_loop3A_1049 : vector<16xi32>
        %parallel_loop3A_1051 = arith.select %parallel_loop3A_1047, %parallel_loop3A_1050, %parallel_loop3A_1023 : vector<16xi1>, vector<16xi32>
        %parallel_loop3A_1052 = arith.constant 96 : i32
        %parallel_loop3A_1053 = vector.broadcast %parallel_loop3A_1052 : i32 to vector<16xi32>
        %parallel_loop3A_1054 = arith.addi %parallel_loop3A_1053, %iota3A : vector<16xi32>
        %parallel_loop3A_1055 = arith.constant 8 : i32
        %parallel_loop3A_1056 = arith.constant 0 : i32
        %parallel_loop3A_1057 = arith.cmpi eq, %parallel_loop3A_1055, %parallel_loop3A_1056 : i32
        %parallel_loop3A_1058 = arith.constant 1 : i32
        %parallel_loop3A_1059 = arith.select %parallel_loop3A_1057, %parallel_loop3A_1058, %parallel_loop3A_1055 : i32
        %parallel_loop3A_1060 = vector.broadcast %parallel_loop3A_1059 : i32 to vector<16xi32>
        %parallel_loop3A_1061 = arith.remsi %parallel_loop3A_1054, %parallel_loop3A_1060 : vector<16xi32>
        %parallel_loop3A_1062 = arith.constant 0 : i32
        %parallel_loop3A_1063 = vector.broadcast %parallel_loop3A_1062 : i32 to vector<16xi32>
        %parallel_loop3A_1064 = arith.cmpi ne, %parallel_loop3A_1061, %parallel_loop3A_1063 : vector<16xi32>
        %parallel_loop3A_1065 = arith.constant 0 : i32
        %parallel_loop3A_1066 = vector.broadcast %parallel_loop3A_1065 : i32 to vector<16xi32>
        %parallel_loop3A_1067 = arith.cmpi slt, %parallel_loop3A_1061, %parallel_loop3A_1066 : vector<16xi32>
        %parallel_loop3A_1068 = arith.constant 0 : i32
        %parallel_loop3A_1069 = arith.cmpi slt, %parallel_loop3A_1059, %parallel_loop3A_1068 : i32
        %parallel_loop3A_1070 = vector.broadcast %parallel_loop3A_1069 : i1 to vector<16xi1>
        %parallel_loop3A_1071 = vector.broadcast %parallel_loop3A_1070 : vector<16xi1> to vector<16xi1>
        %parallel_loop3A_1072 = arith.xori %parallel_loop3A_1067, %parallel_loop3A_1071 : vector<16xi1>
        %parallel_loop3A_1073 = arith.andi %parallel_loop3A_1072, %parallel_loop3A_1064 : vector<16xi1>
        %parallel_loop3A_1074 = vector.broadcast %parallel_loop3A_1059 : i32 to vector<16xi32>
        %parallel_loop3A_1075 = arith.addi %parallel_loop3A_1061, %parallel_loop3A_1074 : vector<16xi32>
        %parallel_loop3A_1076 = arith.select %parallel_loop3A_1073, %parallel_loop3A_1075, %parallel_loop3A_1061 : vector<16xi1>, vector<16xi32>
        %parallel_loop3A_1077 = arith.constant 1 : i32
        %parallel_loop3A_1078 = arith.index_cast %parallel_loop3A_1077 : i32 to index
        %parallel_loop3A_1079 = arith.index_cast %parallel_loop3A_876 : i32 to index
        %parallel_loop3A_1080 = arith.constant 96 : index
        %parallel_loop3A_1081 = tpu.vector_load %arg12[%parallel_loop3A_1078, %parallel_loop3A_1079, %parallel_loop3A_1080] {strides = array<i32>} : memref<2x128x128xf32, #tpu.memory_space<vmem>>, vector<16xf32>,
        %parallel_loop3A_1082 = arith.constant 1 : i32
        %parallel_loop3A_1083 = arith.constant 0 : i32
        %parallel_loop3A_1084 = arith.constant 0 : i32
        %parallel_loop3A_1085 = arith.constant 0 : i32
        %parallel_loop3A_1086 = tpu.memref_slice %arg15[%parallel_loop3A_1082, %parallel_loop3A_1083, %parallel_loop3A_1084, %parallel_loop3A_1085] : memref<2x20x8x128xf32, #tpu.memory_space<vmem>> -> memref<1x20x8x128xf32, #tpu.memory_space<vmem>>
        %parallel_loop3A_1087 = tpu.memref_squeeze %parallel_loop3A_1086 : memref<1x20x8x128xf32, #tpu.memory_space<vmem>> -> memref<20x8x128xf32, #tpu.memory_space<vmem>>
        tpu.vector_store_idx %parallel_loop3A_1087[%parallel_loop3A_1051, %parallel_loop3A_1076, %parallel_loop3A_877], %parallel_loop3A_1081 : memref<20x8x128xf32, #tpu.memory_space<vmem>>[vector<16xi32>, vector<16xi32>, vector<16xi32>], vector<16xf32>,
        %parallel_loop3A_1088 = arith.constant 112 : i32
        %parallel_loop3A_1089 = vector.broadcast %parallel_loop3A_1088 : i32 to vector<16xi32>
        %parallel_loop3A_1090 = arith.addi %parallel_loop3A_1089, %iota3A : vector<16xi32>
        %parallel_loop3A_1091 = arith.constant 8 : i32
        %parallel_loop3A_1092 = vector.broadcast %parallel_loop3A_1091 : i32 to vector<16xi32>
        %parallel_loop3A_1093 = arith.divsi %parallel_loop3A_1090, %parallel_loop3A_1092 : vector<16xi32>
        %parallel_loop3A_1094 = arith.constant 0 : i32
        %parallel_loop3A_1095 = vector.broadcast %parallel_loop3A_1094 : i32 to vector<16xi32>
        %parallel_loop3A_1096 = arith.cmpi sgt, %parallel_loop3A_1090, %parallel_loop3A_1095 : vector<16xi32>
        %parallel_loop3A_1097 = arith.extui %parallel_loop3A_1096 : vector<16xi1> to vector<16xi32>
        %parallel_loop3A_1098 = arith.constant 0 : i32
        %parallel_loop3A_1099 = vector.broadcast %parallel_loop3A_1098 : i32 to vector<16xi32>
        %parallel_loop3A_1100 = arith.cmpi slt, %parallel_loop3A_1090, %parallel_loop3A_1099 : vector<16xi32>
        %parallel_loop3A_1101 = arith.extui %parallel_loop3A_1100 : vector<16xi1> to vector<16xi32>
        %parallel_loop3A_1102 = arith.subi %parallel_loop3A_1097, %parallel_loop3A_1101 : vector<16xi32>
        %parallel_loop3A_1103 = arith.constant 0 : i32
        %parallel_loop3A_1104 = arith.cmpi sgt, %parallel_loop3A_1091, %parallel_loop3A_1103 : i32
        %parallel_loop3A_1105 = arith.extui %parallel_loop3A_1104 : i1 to i32
        %parallel_loop3A_1106 = arith.constant 0 : i32
        %parallel_loop3A_1107 = arith.cmpi slt, %parallel_loop3A_1091, %parallel_loop3A_1106 : i32
        %parallel_loop3A_1108 = arith.extui %parallel_loop3A_1107 : i1 to i32
        %parallel_loop3A_1109 = arith.subi %parallel_loop3A_1105, %parallel_loop3A_1108 : i32
        %parallel_loop3A_1110 = vector.broadcast %parallel_loop3A_1109 : i32 to vector<16xi32>
        %parallel_loop3A_1111 = arith.cmpi ne, %parallel_loop3A_1102, %parallel_loop3A_1110 : vector<16xi32>
        %parallel_loop3A_1112 = vector.broadcast %parallel_loop3A_1091 : i32 to vector<16xi32>
        %parallel_loop3A_1113 = arith.remsi %parallel_loop3A_1090, %parallel_loop3A_1112 : vector<16xi32>
        %parallel_loop3A_1114 = arith.constant 0 : i32
        %parallel_loop3A_1115 = vector.broadcast %parallel_loop3A_1114 : i32 to vector<16xi32>
        %parallel_loop3A_1116 = arith.cmpi ne, %parallel_loop3A_1113, %parallel_loop3A_1115 : vector<16xi32>
        %parallel_loop3A_1117 = arith.andi %parallel_loop3A_1111, %parallel_loop3A_1116 : vector<16xi1>
        %parallel_loop3A_1118 = arith.constant 1 : i32
        %parallel_loop3A_1119 = vector.broadcast %parallel_loop3A_1118 : i32 to vector<16xi32>
        %parallel_loop3A_1120 = arith.subi %parallel_loop3A_1093, %parallel_loop3A_1119 : vector<16xi32>
        %parallel_loop3A_1121 = arith.select %parallel_loop3A_1117, %parallel_loop3A_1120, %parallel_loop3A_1093 : vector<16xi1>, vector<16xi32>
        %parallel_loop3A_1122 = arith.constant 112 : i32
        %parallel_loop3A_1123 = vector.broadcast %parallel_loop3A_1122 : i32 to vector<16xi32>
        %parallel_loop3A_1124 = arith.addi %parallel_loop3A_1123, %iota3A : vector<16xi32>
        %parallel_loop3A_1125 = arith.constant 8 : i32
        %parallel_loop3A_1126 = arith.constant 0 : i32
        %parallel_loop3A_1127 = arith.cmpi eq, %parallel_loop3A_1125, %parallel_loop3A_1126 : i32
        %parallel_loop3A_1128 = arith.constant 1 : i32
        %parallel_loop3A_1129 = arith.select %parallel_loop3A_1127, %parallel_loop3A_1128, %parallel_loop3A_1125 : i32
        %parallel_loop3A_1130 = vector.broadcast %parallel_loop3A_1129 : i32 to vector<16xi32>
        %parallel_loop3A_1131 = arith.remsi %parallel_loop3A_1124, %parallel_loop3A_1130 : vector<16xi32>
        %parallel_loop3A_1132 = arith.constant 0 : i32
        %parallel_loop3A_1133 = vector.broadcast %parallel_loop3A_1132 : i32 to vector<16xi32>
        %parallel_loop3A_1134 = arith.cmpi ne, %parallel_loop3A_1131, %parallel_loop3A_1133 : vector<16xi32>
        %parallel_loop3A_1135 = arith.constant 0 : i32
        %parallel_loop3A_1136 = vector.broadcast %parallel_loop3A_1135 : i32 to vector<16xi32>
        %parallel_loop3A_1137 = arith.cmpi slt, %parallel_loop3A_1131, %parallel_loop3A_1136 : vector<16xi32>
        %parallel_loop3A_1138 = arith.constant 0 : i32
        %parallel_loop3A_1139 = arith.cmpi slt, %parallel_loop3A_1129, %parallel_loop3A_1138 : i32
        %parallel_loop3A_1140 = vector.broadcast %parallel_loop3A_1139 : i1 to vector<16xi1>
        %parallel_loop3A_1141 = vector.broadcast %parallel_loop3A_1140 : vector<16xi1> to vector<16xi1>
        %parallel_loop3A_1142 = arith.xori %parallel_loop3A_1137, %parallel_loop3A_1141 : vector<16xi1>
        %parallel_loop3A_1143 = arith.andi %parallel_loop3A_1142, %parallel_loop3A_1134 : vector<16xi1>
        %parallel_loop3A_1144 = vector.broadcast %parallel_loop3A_1129 : i32 to vector<16xi32>
        %parallel_loop3A_1145 = arith.addi %parallel_loop3A_1131, %parallel_loop3A_1144 : vector<16xi32>
        %parallel_loop3A_1146 = arith.select %parallel_loop3A_1143, %parallel_loop3A_1145, %parallel_loop3A_1131 : vector<16xi1>, vector<16xi32>
        %parallel_loop3A_1147 = arith.constant 1 : i32
        %parallel_loop3A_1148 = arith.index_cast %parallel_loop3A_1147 : i32 to index
        %parallel_loop3A_1149 = arith.index_cast %parallel_loop3A_876 : i32 to index
        %parallel_loop3A_1150 = arith.constant 112 : index
        %parallel_loop3A_1151 = tpu.vector_load %arg12[%parallel_loop3A_1148, %parallel_loop3A_1149, %parallel_loop3A_1150] {strides = array<i32>} : memref<2x128x128xf32, #tpu.memory_space<vmem>>, vector<16xf32>,
        %parallel_loop3A_1152 = arith.constant 1 : i32
        %parallel_loop3A_1153 = arith.constant 0 : i32
        %parallel_loop3A_1154 = arith.constant 0 : i32
        %parallel_loop3A_1155 = arith.constant 0 : i32
        %parallel_loop3A_1156 = tpu.memref_slice %arg15[%parallel_loop3A_1152, %parallel_loop3A_1153, %parallel_loop3A_1154, %parallel_loop3A_1155] : memref<2x20x8x128xf32, #tpu.memory_space<vmem>> -> memref<1x20x8x128xf32, #tpu.memory_space<vmem>>
        %parallel_loop3A_1157 = tpu.memref_squeeze %parallel_loop3A_1156 : memref<1x20x8x128xf32, #tpu.memory_space<vmem>> -> memref<20x8x128xf32, #tpu.memory_space<vmem>>
        tpu.vector_store_idx %parallel_loop3A_1157[%parallel_loop3A_1121, %parallel_loop3A_1146, %parallel_loop3A_877], %parallel_loop3A_1151 : memref<20x8x128xf32, #tpu.memory_space<vmem>>[vector<16xi32>, vector<16xi32>, vector<16xi32>], vector<16xf32>,
        %parallel_loop3A_1158 = arith.constant 2 : i32
        %parallel_loop3A_1159 = arith.muli %parallel_loop3A_1158, %parallel_loop3A_431 : i32
        %parallel_loop3A_1160 = arith.constant 1 : i32
        %parallel_loop3A_1161 = arith.addi %parallel_loop3A_1159, %parallel_loop3A_1160 : i32
        %parallel_loop3A_1162 = vector.broadcast %parallel_loop3A_1161 : i32 to vector<16xi32>
        %parallel_loop3A_1163 = arith.constant 64 : i32
        %parallel_loop3A_1164 = vector.broadcast %parallel_loop3A_1163 : i32 to vector<16xi32>
        %parallel_loop3A_1165 = arith.addi %parallel_loop3A_1164, %iota3A : vector<16xi32>
        %parallel_loop3A_1166 = arith.constant 8 : i32
        %parallel_loop3A_1167 = vector.broadcast %parallel_loop3A_1166 : i32 to vector<16xi32>
        %parallel_loop3A_1168 = arith.divsi %parallel_loop3A_1165, %parallel_loop3A_1167 : vector<16xi32>
        %parallel_loop3A_1169 = arith.constant 0 : i32
        %parallel_loop3A_1170 = vector.broadcast %parallel_loop3A_1169 : i32 to vector<16xi32>
        %parallel_loop3A_1171 = arith.cmpi sgt, %parallel_loop3A_1165, %parallel_loop3A_1170 : vector<16xi32>
        %parallel_loop3A_1172 = arith.extui %parallel_loop3A_1171 : vector<16xi1> to vector<16xi32>
        %parallel_loop3A_1173 = arith.constant 0 : i32
        %parallel_loop3A_1174 = vector.broadcast %parallel_loop3A_1173 : i32 to vector<16xi32>
        %parallel_loop3A_1175 = arith.cmpi slt, %parallel_loop3A_1165, %parallel_loop3A_1174 : vector<16xi32>
        %parallel_loop3A_1176 = arith.extui %parallel_loop3A_1175 : vector<16xi1> to vector<16xi32>
        %parallel_loop3A_1177 = arith.subi %parallel_loop3A_1172, %parallel_loop3A_1176 : vector<16xi32>
        %parallel_loop3A_1178 = arith.constant 0 : i32
        %parallel_loop3A_1179 = arith.cmpi sgt, %parallel_loop3A_1166, %parallel_loop3A_1178 : i32
        %parallel_loop3A_1180 = arith.extui %parallel_loop3A_1179 : i1 to i32
        %parallel_loop3A_1181 = arith.constant 0 : i32
        %parallel_loop3A_1182 = arith.cmpi slt, %parallel_loop3A_1166, %parallel_loop3A_1181 : i32
        %parallel_loop3A_1183 = arith.extui %parallel_loop3A_1182 : i1 to i32
        %parallel_loop3A_1184 = arith.subi %parallel_loop3A_1180, %parallel_loop3A_1183 : i32
        %parallel_loop3A_1185 = vector.broadcast %parallel_loop3A_1184 : i32 to vector<16xi32>
        %parallel_loop3A_1186 = arith.cmpi ne, %parallel_loop3A_1177, %parallel_loop3A_1185 : vector<16xi32>
        %parallel_loop3A_1187 = vector.broadcast %parallel_loop3A_1166 : i32 to vector<16xi32>
        %parallel_loop3A_1188 = arith.remsi %parallel_loop3A_1165, %parallel_loop3A_1187 : vector<16xi32>
        %parallel_loop3A_1189 = arith.constant 0 : i32
        %parallel_loop3A_1190 = vector.broadcast %parallel_loop3A_1189 : i32 to vector<16xi32>
        %parallel_loop3A_1191 = arith.cmpi ne, %parallel_loop3A_1188, %parallel_loop3A_1190 : vector<16xi32>
        %parallel_loop3A_1192 = arith.andi %parallel_loop3A_1186, %parallel_loop3A_1191 : vector<16xi1>
        %parallel_loop3A_1193 = arith.constant 1 : i32
        %parallel_loop3A_1194 = vector.broadcast %parallel_loop3A_1193 : i32 to vector<16xi32>
        %parallel_loop3A_1195 = arith.subi %parallel_loop3A_1168, %parallel_loop3A_1194 : vector<16xi32>
        %parallel_loop3A_1196 = arith.select %parallel_loop3A_1192, %parallel_loop3A_1195, %parallel_loop3A_1168 : vector<16xi1>, vector<16xi32>
        %parallel_loop3A_1197 = arith.constant 64 : i32
        %parallel_loop3A_1198 = vector.broadcast %parallel_loop3A_1197 : i32 to vector<16xi32>
        %parallel_loop3A_1199 = arith.addi %parallel_loop3A_1198, %iota3A : vector<16xi32>
        %parallel_loop3A_1200 = arith.constant 8 : i32
        %parallel_loop3A_1201 = arith.constant 0 : i32
        %parallel_loop3A_1202 = arith.cmpi eq, %parallel_loop3A_1200, %parallel_loop3A_1201 : i32
        %parallel_loop3A_1203 = arith.constant 1 : i32
        %parallel_loop3A_1204 = arith.select %parallel_loop3A_1202, %parallel_loop3A_1203, %parallel_loop3A_1200 : i32
        %parallel_loop3A_1205 = vector.broadcast %parallel_loop3A_1204 : i32 to vector<16xi32>
        %parallel_loop3A_1206 = arith.remsi %parallel_loop3A_1199, %parallel_loop3A_1205 : vector<16xi32>
        %parallel_loop3A_1207 = arith.constant 0 : i32
        %parallel_loop3A_1208 = vector.broadcast %parallel_loop3A_1207 : i32 to vector<16xi32>
        %parallel_loop3A_1209 = arith.cmpi ne, %parallel_loop3A_1206, %parallel_loop3A_1208 : vector<16xi32>
        %parallel_loop3A_1210 = arith.constant 0 : i32
        %parallel_loop3A_1211 = vector.broadcast %parallel_loop3A_1210 : i32 to vector<16xi32>
        %parallel_loop3A_1212 = arith.cmpi slt, %parallel_loop3A_1206, %parallel_loop3A_1211 : vector<16xi32>
        %parallel_loop3A_1213 = arith.constant 0 : i32
        %parallel_loop3A_1214 = arith.cmpi slt, %parallel_loop3A_1204, %parallel_loop3A_1213 : i32
        %parallel_loop3A_1215 = vector.broadcast %parallel_loop3A_1214 : i1 to vector<16xi1>
        %parallel_loop3A_1216 = vector.broadcast %parallel_loop3A_1215 : vector<16xi1> to vector<16xi1>
        %parallel_loop3A_1217 = arith.xori %parallel_loop3A_1212, %parallel_loop3A_1216 : vector<16xi1>
        %parallel_loop3A_1218 = arith.andi %parallel_loop3A_1217, %parallel_loop3A_1209 : vector<16xi1>
        %parallel_loop3A_1219 = vector.broadcast %parallel_loop3A_1204 : i32 to vector<16xi32>
        %parallel_loop3A_1220 = arith.addi %parallel_loop3A_1206, %parallel_loop3A_1219 : vector<16xi32>
        %parallel_loop3A_1221 = arith.select %parallel_loop3A_1218, %parallel_loop3A_1220, %parallel_loop3A_1206 : vector<16xi1>, vector<16xi32>
        %parallel_loop3A_1222 = arith.constant 1 : i32
        %parallel_loop3A_1223 = arith.index_cast %parallel_loop3A_1222 : i32 to index
        %parallel_loop3A_1224 = arith.index_cast %parallel_loop3A_1161 : i32 to index
        %parallel_loop3A_1225 = arith.constant 64 : index
        %parallel_loop3A_1226 = tpu.vector_load %arg12[%parallel_loop3A_1223, %parallel_loop3A_1224, %parallel_loop3A_1225] {strides = array<i32>} : memref<2x128x128xf32, #tpu.memory_space<vmem>>, vector<16xf32>,
        %parallel_loop3A_1227 = arith.constant 1 : i32
        %parallel_loop3A_1228 = arith.constant 0 : i32
        %parallel_loop3A_1229 = arith.constant 0 : i32
        %parallel_loop3A_1230 = arith.constant 0 : i32
        %parallel_loop3A_1231 = tpu.memref_slice %arg15[%parallel_loop3A_1227, %parallel_loop3A_1228, %parallel_loop3A_1229, %parallel_loop3A_1230] : memref<2x20x8x128xf32, #tpu.memory_space<vmem>> -> memref<1x20x8x128xf32, #tpu.memory_space<vmem>>
        %parallel_loop3A_1232 = tpu.memref_squeeze %parallel_loop3A_1231 : memref<1x20x8x128xf32, #tpu.memory_space<vmem>> -> memref<20x8x128xf32, #tpu.memory_space<vmem>>
        tpu.vector_store_idx %parallel_loop3A_1232[%parallel_loop3A_1196, %parallel_loop3A_1221, %parallel_loop3A_1162], %parallel_loop3A_1226 : memref<20x8x128xf32, #tpu.memory_space<vmem>>[vector<16xi32>, vector<16xi32>, vector<16xi32>], vector<16xf32>,
        %parallel_loop3A_1233 = arith.constant 80 : i32
        %parallel_loop3A_1234 = vector.broadcast %parallel_loop3A_1233 : i32 to vector<16xi32>
        %parallel_loop3A_1235 = arith.addi %parallel_loop3A_1234, %iota3A : vector<16xi32>
        %parallel_loop3A_1236 = arith.constant 8 : i32
        %parallel_loop3A_1237 = vector.broadcast %parallel_loop3A_1236 : i32 to vector<16xi32>
        %parallel_loop3A_1238 = arith.divsi %parallel_loop3A_1235, %parallel_loop3A_1237 : vector<16xi32>
        %parallel_loop3A_1239 = arith.constant 0 : i32
        %parallel_loop3A_1240 = vector.broadcast %parallel_loop3A_1239 : i32 to vector<16xi32>
        %parallel_loop3A_1241 = arith.cmpi sgt, %parallel_loop3A_1235, %parallel_loop3A_1240 : vector<16xi32>
        %parallel_loop3A_1242 = arith.extui %parallel_loop3A_1241 : vector<16xi1> to vector<16xi32>
        %parallel_loop3A_1243 = arith.constant 0 : i32
        %parallel_loop3A_1244 = vector.broadcast %parallel_loop3A_1243 : i32 to vector<16xi32>
        %parallel_loop3A_1245 = arith.cmpi slt, %parallel_loop3A_1235, %parallel_loop3A_1244 : vector<16xi32>
        %parallel_loop3A_1246 = arith.extui %parallel_loop3A_1245 : vector<16xi1> to vector<16xi32>
        %parallel_loop3A_1247 = arith.subi %parallel_loop3A_1242, %parallel_loop3A_1246 : vector<16xi32>
        %parallel_loop3A_1248 = arith.constant 0 : i32
        %parallel_loop3A_1249 = arith.cmpi sgt, %parallel_loop3A_1236, %parallel_loop3A_1248 : i32
        %parallel_loop3A_1250 = arith.extui %parallel_loop3A_1249 : i1 to i32
        %parallel_loop3A_1251 = arith.constant 0 : i32
        %parallel_loop3A_1252 = arith.cmpi slt, %parallel_loop3A_1236, %parallel_loop3A_1251 : i32
        %parallel_loop3A_1253 = arith.extui %parallel_loop3A_1252 : i1 to i32
        %parallel_loop3A_1254 = arith.subi %parallel_loop3A_1250, %parallel_loop3A_1253 : i32
        %parallel_loop3A_1255 = vector.broadcast %parallel_loop3A_1254 : i32 to vector<16xi32>
        %parallel_loop3A_1256 = arith.cmpi ne, %parallel_loop3A_1247, %parallel_loop3A_1255 : vector<16xi32>
        %parallel_loop3A_1257 = vector.broadcast %parallel_loop3A_1236 : i32 to vector<16xi32>
        %parallel_loop3A_1258 = arith.remsi %parallel_loop3A_1235, %parallel_loop3A_1257 : vector<16xi32>
        %parallel_loop3A_1259 = arith.constant 0 : i32
        %parallel_loop3A_1260 = vector.broadcast %parallel_loop3A_1259 : i32 to vector<16xi32>
        %parallel_loop3A_1261 = arith.cmpi ne, %parallel_loop3A_1258, %parallel_loop3A_1260 : vector<16xi32>
        %parallel_loop3A_1262 = arith.andi %parallel_loop3A_1256, %parallel_loop3A_1261 : vector<16xi1>
        %parallel_loop3A_1263 = arith.constant 1 : i32
        %parallel_loop3A_1264 = vector.broadcast %parallel_loop3A_1263 : i32 to vector<16xi32>
        %parallel_loop3A_1265 = arith.subi %parallel_loop3A_1238, %parallel_loop3A_1264 : vector<16xi32>
        %parallel_loop3A_1266 = arith.select %parallel_loop3A_1262, %parallel_loop3A_1265, %parallel_loop3A_1238 : vector<16xi1>, vector<16xi32>
        %parallel_loop3A_1267 = arith.constant 80 : i32
        %parallel_loop3A_1268 = vector.broadcast %parallel_loop3A_1267 : i32 to vector<16xi32>
        %parallel_loop3A_1269 = arith.addi %parallel_loop3A_1268, %iota3A : vector<16xi32>
        %parallel_loop3A_1270 = arith.constant 8 : i32
        %parallel_loop3A_1271 = arith.constant 0 : i32
        %parallel_loop3A_1272 = arith.cmpi eq, %parallel_loop3A_1270, %parallel_loop3A_1271 : i32
        %parallel_loop3A_1273 = arith.constant 1 : i32
        %parallel_loop3A_1274 = arith.select %parallel_loop3A_1272, %parallel_loop3A_1273, %parallel_loop3A_1270 : i32
        %parallel_loop3A_1275 = vector.broadcast %parallel_loop3A_1274 : i32 to vector<16xi32>
        %parallel_loop3A_1276 = arith.remsi %parallel_loop3A_1269, %parallel_loop3A_1275 : vector<16xi32>
        %parallel_loop3A_1277 = arith.constant 0 : i32
        %parallel_loop3A_1278 = vector.broadcast %parallel_loop3A_1277 : i32 to vector<16xi32>
        %parallel_loop3A_1279 = arith.cmpi ne, %parallel_loop3A_1276, %parallel_loop3A_1278 : vector<16xi32>
        %parallel_loop3A_1280 = arith.constant 0 : i32
        %parallel_loop3A_1281 = vector.broadcast %parallel_loop3A_1280 : i32 to vector<16xi32>
        %parallel_loop3A_1282 = arith.cmpi slt, %parallel_loop3A_1276, %parallel_loop3A_1281 : vector<16xi32>
        %parallel_loop3A_1283 = arith.constant 0 : i32
        %parallel_loop3A_1284 = arith.cmpi slt, %parallel_loop3A_1274, %parallel_loop3A_1283 : i32
        %parallel_loop3A_1285 = vector.broadcast %parallel_loop3A_1284 : i1 to vector<16xi1>
        %parallel_loop3A_1286 = vector.broadcast %parallel_loop3A_1285 : vector<16xi1> to vector<16xi1>
        %parallel_loop3A_1287 = arith.xori %parallel_loop3A_1282, %parallel_loop3A_1286 : vector<16xi1>
        %parallel_loop3A_1288 = arith.andi %parallel_loop3A_1287, %parallel_loop3A_1279 : vector<16xi1>
        %parallel_loop3A_1289 = vector.broadcast %parallel_loop3A_1274 : i32 to vector<16xi32>
        %parallel_loop3A_1290 = arith.addi %parallel_loop3A_1276, %parallel_loop3A_1289 : vector<16xi32>
        %parallel_loop3A_1291 = arith.select %parallel_loop3A_1288, %parallel_loop3A_1290, %parallel_loop3A_1276 : vector<16xi1>, vector<16xi32>
        %parallel_loop3A_1292 = arith.constant 1 : i32
        %parallel_loop3A_1293 = arith.index_cast %parallel_loop3A_1292 : i32 to index
        %parallel_loop3A_1294 = arith.index_cast %parallel_loop3A_1161 : i32 to index
        %parallel_loop3A_1295 = arith.constant 80 : index
        %parallel_loop3A_1296 = tpu.vector_load %arg12[%parallel_loop3A_1293, %parallel_loop3A_1294, %parallel_loop3A_1295] {strides = array<i32>} : memref<2x128x128xf32, #tpu.memory_space<vmem>>, vector<16xf32>,
        %parallel_loop3A_1297 = arith.constant 1 : i32
        %parallel_loop3A_1298 = arith.constant 0 : i32
        %parallel_loop3A_1299 = arith.constant 0 : i32
        %parallel_loop3A_1300 = arith.constant 0 : i32
        %parallel_loop3A_1301 = tpu.memref_slice %arg15[%parallel_loop3A_1297, %parallel_loop3A_1298, %parallel_loop3A_1299, %parallel_loop3A_1300] : memref<2x20x8x128xf32, #tpu.memory_space<vmem>> -> memref<1x20x8x128xf32, #tpu.memory_space<vmem>>
        %parallel_loop3A_1302 = tpu.memref_squeeze %parallel_loop3A_1301 : memref<1x20x8x128xf32, #tpu.memory_space<vmem>> -> memref<20x8x128xf32, #tpu.memory_space<vmem>>
        tpu.vector_store_idx %parallel_loop3A_1302[%parallel_loop3A_1266, %parallel_loop3A_1291, %parallel_loop3A_1162], %parallel_loop3A_1296 : memref<20x8x128xf32, #tpu.memory_space<vmem>>[vector<16xi32>, vector<16xi32>, vector<16xi32>], vector<16xf32>,
        %parallel_loop3A_1303 = arith.constant 96 : i32
        %parallel_loop3A_1304 = vector.broadcast %parallel_loop3A_1303 : i32 to vector<16xi32>
        %parallel_loop3A_1305 = arith.addi %parallel_loop3A_1304, %iota3A : vector<16xi32>
        %parallel_loop3A_1306 = arith.constant 8 : i32
        %parallel_loop3A_1307 = vector.broadcast %parallel_loop3A_1306 : i32 to vector<16xi32>
        %parallel_loop3A_1308 = arith.divsi %parallel_loop3A_1305, %parallel_loop3A_1307 : vector<16xi32>
        %parallel_loop3A_1309 = arith.constant 0 : i32
        %parallel_loop3A_1310 = vector.broadcast %parallel_loop3A_1309 : i32 to vector<16xi32>
        %parallel_loop3A_1311 = arith.cmpi sgt, %parallel_loop3A_1305, %parallel_loop3A_1310 : vector<16xi32>
        %parallel_loop3A_1312 = arith.extui %parallel_loop3A_1311 : vector<16xi1> to vector<16xi32>
        %parallel_loop3A_1313 = arith.constant 0 : i32
        %parallel_loop3A_1314 = vector.broadcast %parallel_loop3A_1313 : i32 to vector<16xi32>
        %parallel_loop3A_1315 = arith.cmpi slt, %parallel_loop3A_1305, %parallel_loop3A_1314 : vector<16xi32>
        %parallel_loop3A_1316 = arith.extui %parallel_loop3A_1315 : vector<16xi1> to vector<16xi32>
        %parallel_loop3A_1317 = arith.subi %parallel_loop3A_1312, %parallel_loop3A_1316 : vector<16xi32>
        %parallel_loop3A_1318 = arith.constant 0 : i32
        %parallel_loop3A_1319 = arith.cmpi sgt, %parallel_loop3A_1306, %parallel_loop3A_1318 : i32
        %parallel_loop3A_1320 = arith.extui %parallel_loop3A_1319 : i1 to i32
        %parallel_loop3A_1321 = arith.constant 0 : i32
        %parallel_loop3A_1322 = arith.cmpi slt, %parallel_loop3A_1306, %parallel_loop3A_1321 : i32
        %parallel_loop3A_1323 = arith.extui %parallel_loop3A_1322 : i1 to i32
        %parallel_loop3A_1324 = arith.subi %parallel_loop3A_1320, %parallel_loop3A_1323 : i32
        %parallel_loop3A_1325 = vector.broadcast %parallel_loop3A_1324 : i32 to vector<16xi32>
        %parallel_loop3A_1326 = arith.cmpi ne, %parallel_loop3A_1317, %parallel_loop3A_1325 : vector<16xi32>
        %parallel_loop3A_1327 = vector.broadcast %parallel_loop3A_1306 : i32 to vector<16xi32>
        %parallel_loop3A_1328 = arith.remsi %parallel_loop3A_1305, %parallel_loop3A_1327 : vector<16xi32>
        %parallel_loop3A_1329 = arith.constant 0 : i32
        %parallel_loop3A_1330 = vector.broadcast %parallel_loop3A_1329 : i32 to vector<16xi32>
        %parallel_loop3A_1331 = arith.cmpi ne, %parallel_loop3A_1328, %parallel_loop3A_1330 : vector<16xi32>
        %parallel_loop3A_1332 = arith.andi %parallel_loop3A_1326, %parallel_loop3A_1331 : vector<16xi1>
        %parallel_loop3A_1333 = arith.constant 1 : i32
        %parallel_loop3A_1334 = vector.broadcast %parallel_loop3A_1333 : i32 to vector<16xi32>
        %parallel_loop3A_1335 = arith.subi %parallel_loop3A_1308, %parallel_loop3A_1334 : vector<16xi32>
        %parallel_loop3A_1336 = arith.select %parallel_loop3A_1332, %parallel_loop3A_1335, %parallel_loop3A_1308 : vector<16xi1>, vector<16xi32>
        %parallel_loop3A_1337 = arith.constant 96 : i32
        %parallel_loop3A_1338 = vector.broadcast %parallel_loop3A_1337 : i32 to vector<16xi32>
        %parallel_loop3A_1339 = arith.addi %parallel_loop3A_1338, %iota3A : vector<16xi32>
        %parallel_loop3A_1340 = arith.constant 8 : i32
        %parallel_loop3A_1341 = arith.constant 0 : i32
        %parallel_loop3A_1342 = arith.cmpi eq, %parallel_loop3A_1340, %parallel_loop3A_1341 : i32
        %parallel_loop3A_1343 = arith.constant 1 : i32
        %parallel_loop3A_1344 = arith.select %parallel_loop3A_1342, %parallel_loop3A_1343, %parallel_loop3A_1340 : i32
        %parallel_loop3A_1345 = vector.broadcast %parallel_loop3A_1344 : i32 to vector<16xi32>
        %parallel_loop3A_1346 = arith.remsi %parallel_loop3A_1339, %parallel_loop3A_1345 : vector<16xi32>
        %parallel_loop3A_1347 = arith.constant 0 : i32
        %parallel_loop3A_1348 = vector.broadcast %parallel_loop3A_1347 : i32 to vector<16xi32>
        %parallel_loop3A_1349 = arith.cmpi ne, %parallel_loop3A_1346, %parallel_loop3A_1348 : vector<16xi32>
        %parallel_loop3A_1350 = arith.constant 0 : i32
        %parallel_loop3A_1351 = vector.broadcast %parallel_loop3A_1350 : i32 to vector<16xi32>
        %parallel_loop3A_1352 = arith.cmpi slt, %parallel_loop3A_1346, %parallel_loop3A_1351 : vector<16xi32>
        %parallel_loop3A_1353 = arith.constant 0 : i32
        %parallel_loop3A_1354 = arith.cmpi slt, %parallel_loop3A_1344, %parallel_loop3A_1353 : i32
        %parallel_loop3A_1355 = vector.broadcast %parallel_loop3A_1354 : i1 to vector<16xi1>
        %parallel_loop3A_1356 = vector.broadcast %parallel_loop3A_1355 : vector<16xi1> to vector<16xi1>
        %parallel_loop3A_1357 = arith.xori %parallel_loop3A_1352, %parallel_loop3A_1356 : vector<16xi1>
        %parallel_loop3A_1358 = arith.andi %parallel_loop3A_1357, %parallel_loop3A_1349 : vector<16xi1>
        %parallel_loop3A_1359 = vector.broadcast %parallel_loop3A_1344 : i32 to vector<16xi32>
        %parallel_loop3A_1360 = arith.addi %parallel_loop3A_1346, %parallel_loop3A_1359 : vector<16xi32>
        %parallel_loop3A_1361 = arith.select %parallel_loop3A_1358, %parallel_loop3A_1360, %parallel_loop3A_1346 : vector<16xi1>, vector<16xi32>
        %parallel_loop3A_1362 = arith.constant 1 : i32
        %parallel_loop3A_1363 = arith.index_cast %parallel_loop3A_1362 : i32 to index
        %parallel_loop3A_1364 = arith.index_cast %parallel_loop3A_1161 : i32 to index
        %parallel_loop3A_1365 = arith.constant 96 : index
        %parallel_loop3A_1366 = tpu.vector_load %arg12[%parallel_loop3A_1363, %parallel_loop3A_1364, %parallel_loop3A_1365] {strides = array<i32>} : memref<2x128x128xf32, #tpu.memory_space<vmem>>, vector<16xf32>,
        %parallel_loop3A_1367 = arith.constant 1 : i32
        %parallel_loop3A_1368 = arith.constant 0 : i32
        %parallel_loop3A_1369 = arith.constant 0 : i32
        %parallel_loop3A_1370 = arith.constant 0 : i32
        %parallel_loop3A_1371 = tpu.memref_slice %arg15[%parallel_loop3A_1367, %parallel_loop3A_1368, %parallel_loop3A_1369, %parallel_loop3A_1370] : memref<2x20x8x128xf32, #tpu.memory_space<vmem>> -> memref<1x20x8x128xf32, #tpu.memory_space<vmem>>
        %parallel_loop3A_1372 = tpu.memref_squeeze %parallel_loop3A_1371 : memref<1x20x8x128xf32, #tpu.memory_space<vmem>> -> memref<20x8x128xf32, #tpu.memory_space<vmem>>
        tpu.vector_store_idx %parallel_loop3A_1372[%parallel_loop3A_1336, %parallel_loop3A_1361, %parallel_loop3A_1162], %parallel_loop3A_1366 : memref<20x8x128xf32, #tpu.memory_space<vmem>>[vector<16xi32>, vector<16xi32>, vector<16xi32>], vector<16xf32>,
        %parallel_loop3A_1373 = arith.constant 112 : i32
        %parallel_loop3A_1374 = vector.broadcast %parallel_loop3A_1373 : i32 to vector<16xi32>
        %parallel_loop3A_1375 = arith.addi %parallel_loop3A_1374, %iota3A : vector<16xi32>
        %parallel_loop3A_1376 = arith.constant 8 : i32
        %parallel_loop3A_1377 = vector.broadcast %parallel_loop3A_1376 : i32 to vector<16xi32>
        %parallel_loop3A_1378 = arith.divsi %parallel_loop3A_1375, %parallel_loop3A_1377 : vector<16xi32>
        %parallel_loop3A_1379 = arith.constant 0 : i32
        %parallel_loop3A_1380 = vector.broadcast %parallel_loop3A_1379 : i32 to vector<16xi32>
        %parallel_loop3A_1381 = arith.cmpi sgt, %parallel_loop3A_1375, %parallel_loop3A_1380 : vector<16xi32>
        %parallel_loop3A_1382 = arith.extui %parallel_loop3A_1381 : vector<16xi1> to vector<16xi32>
        %parallel_loop3A_1383 = arith.constant 0 : i32
        %parallel_loop3A_1384 = vector.broadcast %parallel_loop3A_1383 : i32 to vector<16xi32>
        %parallel_loop3A_1385 = arith.cmpi slt, %parallel_loop3A_1375, %parallel_loop3A_1384 : vector<16xi32>
        %parallel_loop3A_1386 = arith.extui %parallel_loop3A_1385 : vector<16xi1> to vector<16xi32>
        %parallel_loop3A_1387 = arith.subi %parallel_loop3A_1382, %parallel_loop3A_1386 : vector<16xi32>
        %parallel_loop3A_1388 = arith.constant 0 : i32
        %parallel_loop3A_1389 = arith.cmpi sgt, %parallel_loop3A_1376, %parallel_loop3A_1388 : i32
        %parallel_loop3A_1390 = arith.extui %parallel_loop3A_1389 : i1 to i32
        %parallel_loop3A_1391 = arith.constant 0 : i32
        %parallel_loop3A_1392 = arith.cmpi slt, %parallel_loop3A_1376, %parallel_loop3A_1391 : i32
        %parallel_loop3A_1393 = arith.extui %parallel_loop3A_1392 : i1 to i32
        %parallel_loop3A_1394 = arith.subi %parallel_loop3A_1390, %parallel_loop3A_1393 : i32
        %parallel_loop3A_1395 = vector.broadcast %parallel_loop3A_1394 : i32 to vector<16xi32>
        %parallel_loop3A_1396 = arith.cmpi ne, %parallel_loop3A_1387, %parallel_loop3A_1395 : vector<16xi32>
        %parallel_loop3A_1397 = vector.broadcast %parallel_loop3A_1376 : i32 to vector<16xi32>
        %parallel_loop3A_1398 = arith.remsi %parallel_loop3A_1375, %parallel_loop3A_1397 : vector<16xi32>
        %parallel_loop3A_1399 = arith.constant 0 : i32
        %parallel_loop3A_1400 = vector.broadcast %parallel_loop3A_1399 : i32 to vector<16xi32>
        %parallel_loop3A_1401 = arith.cmpi ne, %parallel_loop3A_1398, %parallel_loop3A_1400 : vector<16xi32>
        %parallel_loop3A_1402 = arith.andi %parallel_loop3A_1396, %parallel_loop3A_1401 : vector<16xi1>
        %parallel_loop3A_1403 = arith.constant 1 : i32
        %parallel_loop3A_1404 = vector.broadcast %parallel_loop3A_1403 : i32 to vector<16xi32>
        %parallel_loop3A_1405 = arith.subi %parallel_loop3A_1378, %parallel_loop3A_1404 : vector<16xi32>
        %parallel_loop3A_1406 = arith.select %parallel_loop3A_1402, %parallel_loop3A_1405, %parallel_loop3A_1378 : vector<16xi1>, vector<16xi32>
        %parallel_loop3A_1407 = arith.constant 112 : i32
        %parallel_loop3A_1408 = vector.broadcast %parallel_loop3A_1407 : i32 to vector<16xi32>
        %parallel_loop3A_1409 = arith.addi %parallel_loop3A_1408, %iota3A : vector<16xi32>
        %parallel_loop3A_1410 = arith.constant 8 : i32
        %parallel_loop3A_1411 = arith.constant 0 : i32
        %parallel_loop3A_1412 = arith.cmpi eq, %parallel_loop3A_1410, %parallel_loop3A_1411 : i32
        %parallel_loop3A_1413 = arith.constant 1 : i32
        %parallel_loop3A_1414 = arith.select %parallel_loop3A_1412, %parallel_loop3A_1413, %parallel_loop3A_1410 : i32
        %parallel_loop3A_1415 = vector.broadcast %parallel_loop3A_1414 : i32 to vector<16xi32>
        %parallel_loop3A_1416 = arith.remsi %parallel_loop3A_1409, %parallel_loop3A_1415 : vector<16xi32>
        %parallel_loop3A_1417 = arith.constant 0 : i32
        %parallel_loop3A_1418 = vector.broadcast %parallel_loop3A_1417 : i32 to vector<16xi32>
        %parallel_loop3A_1419 = arith.cmpi ne, %parallel_loop3A_1416, %parallel_loop3A_1418 : vector<16xi32>
        %parallel_loop3A_1420 = arith.constant 0 : i32
        %parallel_loop3A_1421 = vector.broadcast %parallel_loop3A_1420 : i32 to vector<16xi32>
        %parallel_loop3A_1422 = arith.cmpi slt, %parallel_loop3A_1416, %parallel_loop3A_1421 : vector<16xi32>
        %parallel_loop3A_1423 = arith.constant 0 : i32
        %parallel_loop3A_1424 = arith.cmpi slt, %parallel_loop3A_1414, %parallel_loop3A_1423 : i32
        %parallel_loop3A_1425 = vector.broadcast %parallel_loop3A_1424 : i1 to vector<16xi1>
        %parallel_loop3A_1426 = vector.broadcast %parallel_loop3A_1425 : vector<16xi1> to vector<16xi1>
        %parallel_loop3A_1427 = arith.xori %parallel_loop3A_1422, %parallel_loop3A_1426 : vector<16xi1>
        %parallel_loop3A_1428 = arith.andi %parallel_loop3A_1427, %parallel_loop3A_1419 : vector<16xi1>
        %parallel_loop3A_1429 = vector.broadcast %parallel_loop3A_1414 : i32 to vector<16xi32>
        %parallel_loop3A_1430 = arith.addi %parallel_loop3A_1416, %parallel_loop3A_1429 : vector<16xi32>
        %parallel_loop3A_1431 = arith.select %parallel_loop3A_1428, %parallel_loop3A_1430, %parallel_loop3A_1416 : vector<16xi1>, vector<16xi32>
        %parallel_loop3A_1432 = arith.constant 1 : i32
        %parallel_loop3A_1433 = arith.index_cast %parallel_loop3A_1432 : i32 to index
        %parallel_loop3A_1434 = arith.index_cast %parallel_loop3A_1161 : i32 to index
        %parallel_loop3A_1435 = arith.constant 112 : index
        %parallel_loop3A_1436 = tpu.vector_load %arg12[%parallel_loop3A_1433, %parallel_loop3A_1434, %parallel_loop3A_1435] {strides = array<i32>} : memref<2x128x128xf32, #tpu.memory_space<vmem>>, vector<16xf32>,
        %parallel_loop3A_1437 = arith.constant 1 : i32
        %parallel_loop3A_1438 = arith.constant 0 : i32
        %parallel_loop3A_1439 = arith.constant 0 : i32
        %parallel_loop3A_1440 = arith.constant 0 : i32
        %parallel_loop3A_1441 = tpu.memref_slice %arg15[%parallel_loop3A_1437, %parallel_loop3A_1438, %parallel_loop3A_1439, %parallel_loop3A_1440] : memref<2x20x8x128xf32, #tpu.memory_space<vmem>> -> memref<1x20x8x128xf32, #tpu.memory_space<vmem>>
        %parallel_loop3A_1442 = tpu.memref_squeeze %parallel_loop3A_1441 : memref<1x20x8x128xf32, #tpu.memory_space<vmem>> -> memref<20x8x128xf32, #tpu.memory_space<vmem>>
        tpu.vector_store_idx %parallel_loop3A_1442[%parallel_loop3A_1406, %parallel_loop3A_1431, %parallel_loop3A_1162], %parallel_loop3A_1436 : memref<20x8x128xf32, #tpu.memory_space<vmem>>[vector<16xi32>, vector<16xi32>, vector<16xi32>], vector<16xf32>,
      } {sc.loop_unroll_factor = 4 : i64, sc.parallel_access}
      %parallel_loop3A_356 = arith.constant 0 : i32
      %parallel_loop3A_357 = arith.constant 16 : i32
      %parallel_loop3A_358 = arith.constant 1 : i32
      scf.for %parallel_loop3A_431 = %parallel_loop3A_356 to %parallel_loop3A_357 step %parallel_loop3A_358  : i32 {
        %parallel_loop3A_432 = vector.broadcast %parallel_loop3A_431 : i32 to vector<16xi32>
        %parallel_loop3A_433 = arith.constant 0 : i32
        %parallel_loop3A_434 = vector.broadcast %parallel_loop3A_433 : i32 to vector<16xi32>
        %parallel_loop3A_435 = arith.addi %parallel_loop3A_434, %iota3A : vector<16xi32>
        %parallel_loop3A_436 = arith.constant 1 : i32
        %parallel_loop3A_437 = arith.constant 0 : i32
        %parallel_loop3A_438 = arith.constant 0 : i32
        %parallel_loop3A_439 = tpu.memref_slice %arg13[%parallel_loop3A_436, %parallel_loop3A_437, %parallel_loop3A_438] : memref<2x128x16xf32, #tpu.memory_space<vmem>> -> memref<1x128x16xf32, #tpu.memory_space<vmem>>
        %parallel_loop3A_440 = tpu.memref_squeeze %parallel_loop3A_439 : memref<1x128x16xf32, #tpu.memory_space<vmem>> -> memref<128x16xf32, #tpu.memory_space<vmem>>
        %parallel_loop3A_441 = tpu.vector_load_idx %parallel_loop3A_440[%parallel_loop3A_435, %parallel_loop3A_432] : memref<128x16xf32, #tpu.memory_space<vmem>>[vector<16xi32>, vector<16xi32>], vector<16xf32>,
        %parallel_loop3A_442 = arith.constant 8 : i32
        %parallel_loop3A_443 = arith.divsi %parallel_loop3A_431, %parallel_loop3A_442 : i32
        %parallel_loop3A_444 = arith.constant 0 : i32
        %parallel_loop3A_445 = arith.cmpi sgt, %parallel_loop3A_431, %parallel_loop3A_444 : i32
        %parallel_loop3A_446 = arith.extui %parallel_loop3A_445 : i1 to i32
        %parallel_loop3A_447 = arith.constant 0 : i32
        %parallel_loop3A_448 = arith.cmpi slt, %parallel_loop3A_431, %parallel_loop3A_447 : i32
        %parallel_loop3A_449 = arith.extui %parallel_loop3A_448 : i1 to i32
        %parallel_loop3A_450 = arith.subi %parallel_loop3A_446, %parallel_loop3A_449 : i32
        %parallel_loop3A_451 = arith.constant 0 : i32
        %parallel_loop3A_452 = arith.cmpi sgt, %parallel_loop3A_442, %parallel_loop3A_451 : i32
        %parallel_loop3A_453 = arith.extui %parallel_loop3A_452 : i1 to i32
        %parallel_loop3A_454 = arith.constant 0 : i32
        %parallel_loop3A_455 = arith.cmpi slt, %parallel_loop3A_442, %parallel_loop3A_454 : i32
        %parallel_loop3A_456 = arith.extui %parallel_loop3A_455 : i1 to i32
        %parallel_loop3A_457 = arith.subi %parallel_loop3A_453, %parallel_loop3A_456 : i32
        %parallel_loop3A_458 = arith.cmpi ne, %parallel_loop3A_450, %parallel_loop3A_457 : i32
        %parallel_loop3A_459 = arith.remsi %parallel_loop3A_431, %parallel_loop3A_442 : i32
        %parallel_loop3A_460 = arith.constant 0 : i32
        %parallel_loop3A_461 = arith.cmpi ne, %parallel_loop3A_459, %parallel_loop3A_460 : i32
        %parallel_loop3A_462 = arith.andi %parallel_loop3A_458, %parallel_loop3A_461 : i1
        %parallel_loop3A_463 = arith.constant 1 : i32
        %parallel_loop3A_464 = arith.subi %parallel_loop3A_443, %parallel_loop3A_463 : i32
        %parallel_loop3A_465 = arith.select %parallel_loop3A_462, %parallel_loop3A_464, %parallel_loop3A_443 : i32
        %parallel_loop3A_466 = arith.constant 16 : i32
        %parallel_loop3A_467 = arith.addi %parallel_loop3A_466, %parallel_loop3A_465 : i32
        %parallel_loop3A_468 = arith.constant 8 : i32
        %parallel_loop3A_469 = arith.constant 0 : i32
        %parallel_loop3A_470 = arith.cmpi eq, %parallel_loop3A_468, %parallel_loop3A_469 : i32
        %parallel_loop3A_471 = arith.constant 1 : i32
        %parallel_loop3A_472 = arith.select %parallel_loop3A_470, %parallel_loop3A_471, %parallel_loop3A_468 : i32
        %parallel_loop3A_473 = arith.remsi %parallel_loop3A_431, %parallel_loop3A_472 : i32
        %parallel_loop3A_474 = arith.constant 0 : i32
        %parallel_loop3A_475 = arith.cmpi ne, %parallel_loop3A_473, %parallel_loop3A_474 : i32
        %parallel_loop3A_476 = arith.constant 0 : i32
        %parallel_loop3A_477 = arith.cmpi slt, %parallel_loop3A_473, %parallel_loop3A_476 : i32
        %parallel_loop3A_478 = arith.constant 0 : i32
        %parallel_loop3A_479 = arith.cmpi slt, %parallel_loop3A_472, %parallel_loop3A_478 : i32
        %parallel_loop3A_480 = arith.xori %parallel_loop3A_477, %parallel_loop3A_479 : i1
        %parallel_loop3A_481 = arith.andi %parallel_loop3A_480, %parallel_loop3A_475 : i1
        %parallel_loop3A_482 = arith.addi %parallel_loop3A_473, %parallel_loop3A_472 : i32
        %parallel_loop3A_483 = arith.select %parallel_loop3A_481, %parallel_loop3A_482, %parallel_loop3A_473 : i32
        %parallel_loop3A_484 = arith.constant 1 : i32
        %parallel_loop3A_485 = arith.index_cast %parallel_loop3A_484 : i32 to index
        %parallel_loop3A_486 = arith.index_cast %parallel_loop3A_467 : i32 to index
        %parallel_loop3A_487 = arith.index_cast %parallel_loop3A_483 : i32 to index
        %parallel_loop3A_488 = arith.constant 0 : index
        %parallel_loop3A_489 = tpu.vector_load %arg15[%parallel_loop3A_485, %parallel_loop3A_486, %parallel_loop3A_487, %parallel_loop3A_488] {strides = array<i32>} : memref<2x20x8x128xf32, #tpu.memory_space<vmem>>, vector<16xf32>,
        tpu.vector_store %arg15[%parallel_loop3A_485, %parallel_loop3A_486, %parallel_loop3A_487, %parallel_loop3A_488], %parallel_loop3A_441 {strides = array<i32>} : memref<2x20x8x128xf32, #tpu.memory_space<vmem>>, vector<16xf32>,
        %parallel_loop3A_490 = arith.constant 16 : i32
        %parallel_loop3A_491 = vector.broadcast %parallel_loop3A_490 : i32 to vector<16xi32>
        %parallel_loop3A_492 = arith.addi %parallel_loop3A_491, %iota3A : vector<16xi32>
        %parallel_loop3A_493 = arith.constant 1 : i32
        %parallel_loop3A_494 = arith.constant 0 : i32
        %parallel_loop3A_495 = arith.constant 0 : i32
        %parallel_loop3A_496 = tpu.memref_slice %arg13[%parallel_loop3A_493, %parallel_loop3A_494, %parallel_loop3A_495] : memref<2x128x16xf32, #tpu.memory_space<vmem>> -> memref<1x128x16xf32, #tpu.memory_space<vmem>>
        %parallel_loop3A_497 = tpu.memref_squeeze %parallel_loop3A_496 : memref<1x128x16xf32, #tpu.memory_space<vmem>> -> memref<128x16xf32, #tpu.memory_space<vmem>>
        %parallel_loop3A_498 = tpu.vector_load_idx %parallel_loop3A_497[%parallel_loop3A_492, %parallel_loop3A_432] : memref<128x16xf32, #tpu.memory_space<vmem>>[vector<16xi32>, vector<16xi32>], vector<16xf32>,
        %parallel_loop3A_499 = arith.constant 8 : i32
        %parallel_loop3A_500 = arith.divsi %parallel_loop3A_431, %parallel_loop3A_499 : i32
        %parallel_loop3A_501 = arith.constant 0 : i32
        %parallel_loop3A_502 = arith.cmpi sgt, %parallel_loop3A_431, %parallel_loop3A_501 : i32
        %parallel_loop3A_503 = arith.extui %parallel_loop3A_502 : i1 to i32
        %parallel_loop3A_504 = arith.constant 0 : i32
        %parallel_loop3A_505 = arith.cmpi slt, %parallel_loop3A_431, %parallel_loop3A_504 : i32
        %parallel_loop3A_506 = arith.extui %parallel_loop3A_505 : i1 to i32
        %parallel_loop3A_507 = arith.subi %parallel_loop3A_503, %parallel_loop3A_506 : i32
        %parallel_loop3A_508 = arith.constant 0 : i32
        %parallel_loop3A_509 = arith.cmpi sgt, %parallel_loop3A_499, %parallel_loop3A_508 : i32
        %parallel_loop3A_510 = arith.extui %parallel_loop3A_509 : i1 to i32
        %parallel_loop3A_511 = arith.constant 0 : i32
        %parallel_loop3A_512 = arith.cmpi slt, %parallel_loop3A_499, %parallel_loop3A_511 : i32
        %parallel_loop3A_513 = arith.extui %parallel_loop3A_512 : i1 to i32
        %parallel_loop3A_514 = arith.subi %parallel_loop3A_510, %parallel_loop3A_513 : i32
        %parallel_loop3A_515 = arith.cmpi ne, %parallel_loop3A_507, %parallel_loop3A_514 : i32
        %parallel_loop3A_516 = arith.remsi %parallel_loop3A_431, %parallel_loop3A_499 : i32
        %parallel_loop3A_517 = arith.constant 0 : i32
        %parallel_loop3A_518 = arith.cmpi ne, %parallel_loop3A_516, %parallel_loop3A_517 : i32
        %parallel_loop3A_519 = arith.andi %parallel_loop3A_515, %parallel_loop3A_518 : i1
        %parallel_loop3A_520 = arith.constant 1 : i32
        %parallel_loop3A_521 = arith.subi %parallel_loop3A_500, %parallel_loop3A_520 : i32
        %parallel_loop3A_522 = arith.select %parallel_loop3A_519, %parallel_loop3A_521, %parallel_loop3A_500 : i32
        %parallel_loop3A_523 = arith.constant 16 : i32
        %parallel_loop3A_524 = arith.addi %parallel_loop3A_523, %parallel_loop3A_522 : i32
        %parallel_loop3A_525 = arith.constant 8 : i32
        %parallel_loop3A_526 = arith.constant 0 : i32
        %parallel_loop3A_527 = arith.cmpi eq, %parallel_loop3A_525, %parallel_loop3A_526 : i32
        %parallel_loop3A_528 = arith.constant 1 : i32
        %parallel_loop3A_529 = arith.select %parallel_loop3A_527, %parallel_loop3A_528, %parallel_loop3A_525 : i32
        %parallel_loop3A_530 = arith.remsi %parallel_loop3A_431, %parallel_loop3A_529 : i32
        %parallel_loop3A_531 = arith.constant 0 : i32
        %parallel_loop3A_532 = arith.cmpi ne, %parallel_loop3A_530, %parallel_loop3A_531 : i32
        %parallel_loop3A_533 = arith.constant 0 : i32
        %parallel_loop3A_534 = arith.cmpi slt, %parallel_loop3A_530, %parallel_loop3A_533 : i32
        %parallel_loop3A_535 = arith.constant 0 : i32
        %parallel_loop3A_536 = arith.cmpi slt, %parallel_loop3A_529, %parallel_loop3A_535 : i32
        %parallel_loop3A_537 = arith.xori %parallel_loop3A_534, %parallel_loop3A_536 : i1
        %parallel_loop3A_538 = arith.andi %parallel_loop3A_537, %parallel_loop3A_532 : i1
        %parallel_loop3A_539 = arith.addi %parallel_loop3A_530, %parallel_loop3A_529 : i32
        %parallel_loop3A_540 = arith.select %parallel_loop3A_538, %parallel_loop3A_539, %parallel_loop3A_530 : i32
        %parallel_loop3A_541 = arith.constant 1 : i32
        %parallel_loop3A_542 = arith.index_cast %parallel_loop3A_541 : i32 to index
        %parallel_loop3A_543 = arith.index_cast %parallel_loop3A_524 : i32 to index
        %parallel_loop3A_544 = arith.index_cast %parallel_loop3A_540 : i32 to index
        %parallel_loop3A_545 = arith.constant 16 : index
        %parallel_loop3A_546 = tpu.vector_load %arg15[%parallel_loop3A_542, %parallel_loop3A_543, %parallel_loop3A_544, %parallel_loop3A_545] {strides = array<i32>} : memref<2x20x8x128xf32, #tpu.memory_space<vmem>>, vector<16xf32>,
        tpu.vector_store %arg15[%parallel_loop3A_542, %parallel_loop3A_543, %parallel_loop3A_544, %parallel_loop3A_545], %parallel_loop3A_498 {strides = array<i32>} : memref<2x20x8x128xf32, #tpu.memory_space<vmem>>, vector<16xf32>,
        %parallel_loop3A_547 = arith.constant 32 : i32
        %parallel_loop3A_548 = vector.broadcast %parallel_loop3A_547 : i32 to vector<16xi32>
        %parallel_loop3A_549 = arith.addi %parallel_loop3A_548, %iota3A : vector<16xi32>
        %parallel_loop3A_550 = arith.constant 1 : i32
        %parallel_loop3A_551 = arith.constant 0 : i32
        %parallel_loop3A_552 = arith.constant 0 : i32
        %parallel_loop3A_553 = tpu.memref_slice %arg13[%parallel_loop3A_550, %parallel_loop3A_551, %parallel_loop3A_552] : memref<2x128x16xf32, #tpu.memory_space<vmem>> -> memref<1x128x16xf32, #tpu.memory_space<vmem>>
        %parallel_loop3A_554 = tpu.memref_squeeze %parallel_loop3A_553 : memref<1x128x16xf32, #tpu.memory_space<vmem>> -> memref<128x16xf32, #tpu.memory_space<vmem>>
        %parallel_loop3A_555 = tpu.vector_load_idx %parallel_loop3A_554[%parallel_loop3A_549, %parallel_loop3A_432] : memref<128x16xf32, #tpu.memory_space<vmem>>[vector<16xi32>, vector<16xi32>], vector<16xf32>,
        %parallel_loop3A_556 = arith.constant 8 : i32
        %parallel_loop3A_557 = arith.divsi %parallel_loop3A_431, %parallel_loop3A_556 : i32
        %parallel_loop3A_558 = arith.constant 0 : i32
        %parallel_loop3A_559 = arith.cmpi sgt, %parallel_loop3A_431, %parallel_loop3A_558 : i32
        %parallel_loop3A_560 = arith.extui %parallel_loop3A_559 : i1 to i32
        %parallel_loop3A_561 = arith.constant 0 : i32
        %parallel_loop3A_562 = arith.cmpi slt, %parallel_loop3A_431, %parallel_loop3A_561 : i32
        %parallel_loop3A_563 = arith.extui %parallel_loop3A_562 : i1 to i32
        %parallel_loop3A_564 = arith.subi %parallel_loop3A_560, %parallel_loop3A_563 : i32
        %parallel_loop3A_565 = arith.constant 0 : i32
        %parallel_loop3A_566 = arith.cmpi sgt, %parallel_loop3A_556, %parallel_loop3A_565 : i32
        %parallel_loop3A_567 = arith.extui %parallel_loop3A_566 : i1 to i32
        %parallel_loop3A_568 = arith.constant 0 : i32
        %parallel_loop3A_569 = arith.cmpi slt, %parallel_loop3A_556, %parallel_loop3A_568 : i32
        %parallel_loop3A_570 = arith.extui %parallel_loop3A_569 : i1 to i32
        %parallel_loop3A_571 = arith.subi %parallel_loop3A_567, %parallel_loop3A_570 : i32
        %parallel_loop3A_572 = arith.cmpi ne, %parallel_loop3A_564, %parallel_loop3A_571 : i32
        %parallel_loop3A_573 = arith.remsi %parallel_loop3A_431, %parallel_loop3A_556 : i32
        %parallel_loop3A_574 = arith.constant 0 : i32
        %parallel_loop3A_575 = arith.cmpi ne, %parallel_loop3A_573, %parallel_loop3A_574 : i32
        %parallel_loop3A_576 = arith.andi %parallel_loop3A_572, %parallel_loop3A_575 : i1
        %parallel_loop3A_577 = arith.constant 1 : i32
        %parallel_loop3A_578 = arith.subi %parallel_loop3A_557, %parallel_loop3A_577 : i32
        %parallel_loop3A_579 = arith.select %parallel_loop3A_576, %parallel_loop3A_578, %parallel_loop3A_557 : i32
        %parallel_loop3A_580 = arith.constant 16 : i32
        %parallel_loop3A_581 = arith.addi %parallel_loop3A_580, %parallel_loop3A_579 : i32
        %parallel_loop3A_582 = arith.constant 8 : i32
        %parallel_loop3A_583 = arith.constant 0 : i32
        %parallel_loop3A_584 = arith.cmpi eq, %parallel_loop3A_582, %parallel_loop3A_583 : i32
        %parallel_loop3A_585 = arith.constant 1 : i32
        %parallel_loop3A_586 = arith.select %parallel_loop3A_584, %parallel_loop3A_585, %parallel_loop3A_582 : i32
        %parallel_loop3A_587 = arith.remsi %parallel_loop3A_431, %parallel_loop3A_586 : i32
        %parallel_loop3A_588 = arith.constant 0 : i32
        %parallel_loop3A_589 = arith.cmpi ne, %parallel_loop3A_587, %parallel_loop3A_588 : i32
        %parallel_loop3A_590 = arith.constant 0 : i32
        %parallel_loop3A_591 = arith.cmpi slt, %parallel_loop3A_587, %parallel_loop3A_590 : i32
        %parallel_loop3A_592 = arith.constant 0 : i32
        %parallel_loop3A_593 = arith.cmpi slt, %parallel_loop3A_586, %parallel_loop3A_592 : i32
        %parallel_loop3A_594 = arith.xori %parallel_loop3A_591, %parallel_loop3A_593 : i1
        %parallel_loop3A_595 = arith.andi %parallel_loop3A_594, %parallel_loop3A_589 : i1
        %parallel_loop3A_596 = arith.addi %parallel_loop3A_587, %parallel_loop3A_586 : i32
        %parallel_loop3A_597 = arith.select %parallel_loop3A_595, %parallel_loop3A_596, %parallel_loop3A_587 : i32
        %parallel_loop3A_598 = arith.constant 1 : i32
        %parallel_loop3A_599 = arith.index_cast %parallel_loop3A_598 : i32 to index
        %parallel_loop3A_600 = arith.index_cast %parallel_loop3A_581 : i32 to index
        %parallel_loop3A_601 = arith.index_cast %parallel_loop3A_597 : i32 to index
        %parallel_loop3A_602 = arith.constant 32 : index
        %parallel_loop3A_603 = tpu.vector_load %arg15[%parallel_loop3A_599, %parallel_loop3A_600, %parallel_loop3A_601, %parallel_loop3A_602] {strides = array<i32>} : memref<2x20x8x128xf32, #tpu.memory_space<vmem>>, vector<16xf32>,
        tpu.vector_store %arg15[%parallel_loop3A_599, %parallel_loop3A_600, %parallel_loop3A_601, %parallel_loop3A_602], %parallel_loop3A_555 {strides = array<i32>} : memref<2x20x8x128xf32, #tpu.memory_space<vmem>>, vector<16xf32>,
        %parallel_loop3A_604 = arith.constant 48 : i32
        %parallel_loop3A_605 = vector.broadcast %parallel_loop3A_604 : i32 to vector<16xi32>
        %parallel_loop3A_606 = arith.addi %parallel_loop3A_605, %iota3A : vector<16xi32>
        %parallel_loop3A_607 = arith.constant 1 : i32
        %parallel_loop3A_608 = arith.constant 0 : i32
        %parallel_loop3A_609 = arith.constant 0 : i32
        %parallel_loop3A_610 = tpu.memref_slice %arg13[%parallel_loop3A_607, %parallel_loop3A_608, %parallel_loop3A_609] : memref<2x128x16xf32, #tpu.memory_space<vmem>> -> memref<1x128x16xf32, #tpu.memory_space<vmem>>
        %parallel_loop3A_611 = tpu.memref_squeeze %parallel_loop3A_610 : memref<1x128x16xf32, #tpu.memory_space<vmem>> -> memref<128x16xf32, #tpu.memory_space<vmem>>
        %parallel_loop3A_612 = tpu.vector_load_idx %parallel_loop3A_611[%parallel_loop3A_606, %parallel_loop3A_432] : memref<128x16xf32, #tpu.memory_space<vmem>>[vector<16xi32>, vector<16xi32>], vector<16xf32>,
        %parallel_loop3A_613 = arith.constant 8 : i32
        %parallel_loop3A_614 = arith.divsi %parallel_loop3A_431, %parallel_loop3A_613 : i32
        %parallel_loop3A_615 = arith.constant 0 : i32
        %parallel_loop3A_616 = arith.cmpi sgt, %parallel_loop3A_431, %parallel_loop3A_615 : i32
        %parallel_loop3A_617 = arith.extui %parallel_loop3A_616 : i1 to i32
        %parallel_loop3A_618 = arith.constant 0 : i32
        %parallel_loop3A_619 = arith.cmpi slt, %parallel_loop3A_431, %parallel_loop3A_618 : i32
        %parallel_loop3A_620 = arith.extui %parallel_loop3A_619 : i1 to i32
        %parallel_loop3A_621 = arith.subi %parallel_loop3A_617, %parallel_loop3A_620 : i32
        %parallel_loop3A_622 = arith.constant 0 : i32
        %parallel_loop3A_623 = arith.cmpi sgt, %parallel_loop3A_613, %parallel_loop3A_622 : i32
        %parallel_loop3A_624 = arith.extui %parallel_loop3A_623 : i1 to i32
        %parallel_loop3A_625 = arith.constant 0 : i32
        %parallel_loop3A_626 = arith.cmpi slt, %parallel_loop3A_613, %parallel_loop3A_625 : i32
        %parallel_loop3A_627 = arith.extui %parallel_loop3A_626 : i1 to i32
        %parallel_loop3A_628 = arith.subi %parallel_loop3A_624, %parallel_loop3A_627 : i32
        %parallel_loop3A_629 = arith.cmpi ne, %parallel_loop3A_621, %parallel_loop3A_628 : i32
        %parallel_loop3A_630 = arith.remsi %parallel_loop3A_431, %parallel_loop3A_613 : i32
        %parallel_loop3A_631 = arith.constant 0 : i32
        %parallel_loop3A_632 = arith.cmpi ne, %parallel_loop3A_630, %parallel_loop3A_631 : i32
        %parallel_loop3A_633 = arith.andi %parallel_loop3A_629, %parallel_loop3A_632 : i1
        %parallel_loop3A_634 = arith.constant 1 : i32
        %parallel_loop3A_635 = arith.subi %parallel_loop3A_614, %parallel_loop3A_634 : i32
        %parallel_loop3A_636 = arith.select %parallel_loop3A_633, %parallel_loop3A_635, %parallel_loop3A_614 : i32
        %parallel_loop3A_637 = arith.constant 16 : i32
        %parallel_loop3A_638 = arith.addi %parallel_loop3A_637, %parallel_loop3A_636 : i32
        %parallel_loop3A_639 = arith.constant 8 : i32
        %parallel_loop3A_640 = arith.constant 0 : i32
        %parallel_loop3A_641 = arith.cmpi eq, %parallel_loop3A_639, %parallel_loop3A_640 : i32
        %parallel_loop3A_642 = arith.constant 1 : i32
        %parallel_loop3A_643 = arith.select %parallel_loop3A_641, %parallel_loop3A_642, %parallel_loop3A_639 : i32
        %parallel_loop3A_644 = arith.remsi %parallel_loop3A_431, %parallel_loop3A_643 : i32
        %parallel_loop3A_645 = arith.constant 0 : i32
        %parallel_loop3A_646 = arith.cmpi ne, %parallel_loop3A_644, %parallel_loop3A_645 : i32
        %parallel_loop3A_647 = arith.constant 0 : i32
        %parallel_loop3A_648 = arith.cmpi slt, %parallel_loop3A_644, %parallel_loop3A_647 : i32
        %parallel_loop3A_649 = arith.constant 0 : i32
        %parallel_loop3A_650 = arith.cmpi slt, %parallel_loop3A_643, %parallel_loop3A_649 : i32
        %parallel_loop3A_651 = arith.xori %parallel_loop3A_648, %parallel_loop3A_650 : i1
        %parallel_loop3A_652 = arith.andi %parallel_loop3A_651, %parallel_loop3A_646 : i1
        %parallel_loop3A_653 = arith.addi %parallel_loop3A_644, %parallel_loop3A_643 : i32
        %parallel_loop3A_654 = arith.select %parallel_loop3A_652, %parallel_loop3A_653, %parallel_loop3A_644 : i32
        %parallel_loop3A_655 = arith.constant 1 : i32
        %parallel_loop3A_656 = arith.index_cast %parallel_loop3A_655 : i32 to index
        %parallel_loop3A_657 = arith.index_cast %parallel_loop3A_638 : i32 to index
        %parallel_loop3A_658 = arith.index_cast %parallel_loop3A_654 : i32 to index
        %parallel_loop3A_659 = arith.constant 48 : index
        %parallel_loop3A_660 = tpu.vector_load %arg15[%parallel_loop3A_656, %parallel_loop3A_657, %parallel_loop3A_658, %parallel_loop3A_659] {strides = array<i32>} : memref<2x20x8x128xf32, #tpu.memory_space<vmem>>, vector<16xf32>,
        tpu.vector_store %arg15[%parallel_loop3A_656, %parallel_loop3A_657, %parallel_loop3A_658, %parallel_loop3A_659], %parallel_loop3A_612 {strides = array<i32>} : memref<2x20x8x128xf32, #tpu.memory_space<vmem>>, vector<16xf32>,
        %parallel_loop3A_661 = arith.constant 64 : i32
        %parallel_loop3A_662 = vector.broadcast %parallel_loop3A_661 : i32 to vector<16xi32>
        %parallel_loop3A_663 = arith.addi %parallel_loop3A_662, %iota3A : vector<16xi32>
        %parallel_loop3A_664 = arith.constant 1 : i32
        %parallel_loop3A_665 = arith.constant 0 : i32
        %parallel_loop3A_666 = arith.constant 0 : i32
        %parallel_loop3A_667 = tpu.memref_slice %arg13[%parallel_loop3A_664, %parallel_loop3A_665, %parallel_loop3A_666] : memref<2x128x16xf32, #tpu.memory_space<vmem>> -> memref<1x128x16xf32, #tpu.memory_space<vmem>>
        %parallel_loop3A_668 = tpu.memref_squeeze %parallel_loop3A_667 : memref<1x128x16xf32, #tpu.memory_space<vmem>> -> memref<128x16xf32, #tpu.memory_space<vmem>>
        %parallel_loop3A_669 = tpu.vector_load_idx %parallel_loop3A_668[%parallel_loop3A_663, %parallel_loop3A_432] : memref<128x16xf32, #tpu.memory_space<vmem>>[vector<16xi32>, vector<16xi32>], vector<16xf32>,
        %parallel_loop3A_670 = arith.constant 8 : i32
        %parallel_loop3A_671 = arith.divsi %parallel_loop3A_431, %parallel_loop3A_670 : i32
        %parallel_loop3A_672 = arith.constant 0 : i32
        %parallel_loop3A_673 = arith.cmpi sgt, %parallel_loop3A_431, %parallel_loop3A_672 : i32
        %parallel_loop3A_674 = arith.extui %parallel_loop3A_673 : i1 to i32
        %parallel_loop3A_675 = arith.constant 0 : i32
        %parallel_loop3A_676 = arith.cmpi slt, %parallel_loop3A_431, %parallel_loop3A_675 : i32
        %parallel_loop3A_677 = arith.extui %parallel_loop3A_676 : i1 to i32
        %parallel_loop3A_678 = arith.subi %parallel_loop3A_674, %parallel_loop3A_677 : i32
        %parallel_loop3A_679 = arith.constant 0 : i32
        %parallel_loop3A_680 = arith.cmpi sgt, %parallel_loop3A_670, %parallel_loop3A_679 : i32
        %parallel_loop3A_681 = arith.extui %parallel_loop3A_680 : i1 to i32
        %parallel_loop3A_682 = arith.constant 0 : i32
        %parallel_loop3A_683 = arith.cmpi slt, %parallel_loop3A_670, %parallel_loop3A_682 : i32
        %parallel_loop3A_684 = arith.extui %parallel_loop3A_683 : i1 to i32
        %parallel_loop3A_685 = arith.subi %parallel_loop3A_681, %parallel_loop3A_684 : i32
        %parallel_loop3A_686 = arith.cmpi ne, %parallel_loop3A_678, %parallel_loop3A_685 : i32
        %parallel_loop3A_687 = arith.remsi %parallel_loop3A_431, %parallel_loop3A_670 : i32
        %parallel_loop3A_688 = arith.constant 0 : i32
        %parallel_loop3A_689 = arith.cmpi ne, %parallel_loop3A_687, %parallel_loop3A_688 : i32
        %parallel_loop3A_690 = arith.andi %parallel_loop3A_686, %parallel_loop3A_689 : i1
        %parallel_loop3A_691 = arith.constant 1 : i32
        %parallel_loop3A_692 = arith.subi %parallel_loop3A_671, %parallel_loop3A_691 : i32
        %parallel_loop3A_693 = arith.select %parallel_loop3A_690, %parallel_loop3A_692, %parallel_loop3A_671 : i32
        %parallel_loop3A_694 = arith.constant 16 : i32
        %parallel_loop3A_695 = arith.addi %parallel_loop3A_694, %parallel_loop3A_693 : i32
        %parallel_loop3A_696 = arith.constant 8 : i32
        %parallel_loop3A_697 = arith.constant 0 : i32
        %parallel_loop3A_698 = arith.cmpi eq, %parallel_loop3A_696, %parallel_loop3A_697 : i32
        %parallel_loop3A_699 = arith.constant 1 : i32
        %parallel_loop3A_700 = arith.select %parallel_loop3A_698, %parallel_loop3A_699, %parallel_loop3A_696 : i32
        %parallel_loop3A_701 = arith.remsi %parallel_loop3A_431, %parallel_loop3A_700 : i32
        %parallel_loop3A_702 = arith.constant 0 : i32
        %parallel_loop3A_703 = arith.cmpi ne, %parallel_loop3A_701, %parallel_loop3A_702 : i32
        %parallel_loop3A_704 = arith.constant 0 : i32
        %parallel_loop3A_705 = arith.cmpi slt, %parallel_loop3A_701, %parallel_loop3A_704 : i32
        %parallel_loop3A_706 = arith.constant 0 : i32
        %parallel_loop3A_707 = arith.cmpi slt, %parallel_loop3A_700, %parallel_loop3A_706 : i32
        %parallel_loop3A_708 = arith.xori %parallel_loop3A_705, %parallel_loop3A_707 : i1
        %parallel_loop3A_709 = arith.andi %parallel_loop3A_708, %parallel_loop3A_703 : i1
        %parallel_loop3A_710 = arith.addi %parallel_loop3A_701, %parallel_loop3A_700 : i32
        %parallel_loop3A_711 = arith.select %parallel_loop3A_709, %parallel_loop3A_710, %parallel_loop3A_701 : i32
        %parallel_loop3A_712 = arith.constant 1 : i32
        %parallel_loop3A_713 = arith.index_cast %parallel_loop3A_712 : i32 to index
        %parallel_loop3A_714 = arith.index_cast %parallel_loop3A_695 : i32 to index
        %parallel_loop3A_715 = arith.index_cast %parallel_loop3A_711 : i32 to index
        %parallel_loop3A_716 = arith.constant 64 : index
        %parallel_loop3A_717 = tpu.vector_load %arg15[%parallel_loop3A_713, %parallel_loop3A_714, %parallel_loop3A_715, %parallel_loop3A_716] {strides = array<i32>} : memref<2x20x8x128xf32, #tpu.memory_space<vmem>>, vector<16xf32>,
        tpu.vector_store %arg15[%parallel_loop3A_713, %parallel_loop3A_714, %parallel_loop3A_715, %parallel_loop3A_716], %parallel_loop3A_669 {strides = array<i32>} : memref<2x20x8x128xf32, #tpu.memory_space<vmem>>, vector<16xf32>,
        %parallel_loop3A_718 = arith.constant 80 : i32
        %parallel_loop3A_719 = vector.broadcast %parallel_loop3A_718 : i32 to vector<16xi32>
        %parallel_loop3A_720 = arith.addi %parallel_loop3A_719, %iota3A : vector<16xi32>
        %parallel_loop3A_721 = arith.constant 1 : i32
        %parallel_loop3A_722 = arith.constant 0 : i32
        %parallel_loop3A_723 = arith.constant 0 : i32
        %parallel_loop3A_724 = tpu.memref_slice %arg13[%parallel_loop3A_721, %parallel_loop3A_722, %parallel_loop3A_723] : memref<2x128x16xf32, #tpu.memory_space<vmem>> -> memref<1x128x16xf32, #tpu.memory_space<vmem>>
        %parallel_loop3A_725 = tpu.memref_squeeze %parallel_loop3A_724 : memref<1x128x16xf32, #tpu.memory_space<vmem>> -> memref<128x16xf32, #tpu.memory_space<vmem>>
        %parallel_loop3A_726 = tpu.vector_load_idx %parallel_loop3A_725[%parallel_loop3A_720, %parallel_loop3A_432] : memref<128x16xf32, #tpu.memory_space<vmem>>[vector<16xi32>, vector<16xi32>], vector<16xf32>,
        %parallel_loop3A_727 = arith.constant 8 : i32
        %parallel_loop3A_728 = arith.divsi %parallel_loop3A_431, %parallel_loop3A_727 : i32
        %parallel_loop3A_729 = arith.constant 0 : i32
        %parallel_loop3A_730 = arith.cmpi sgt, %parallel_loop3A_431, %parallel_loop3A_729 : i32
        %parallel_loop3A_731 = arith.extui %parallel_loop3A_730 : i1 to i32
        %parallel_loop3A_732 = arith.constant 0 : i32
        %parallel_loop3A_733 = arith.cmpi slt, %parallel_loop3A_431, %parallel_loop3A_732 : i32
        %parallel_loop3A_734 = arith.extui %parallel_loop3A_733 : i1 to i32
        %parallel_loop3A_735 = arith.subi %parallel_loop3A_731, %parallel_loop3A_734 : i32
        %parallel_loop3A_736 = arith.constant 0 : i32
        %parallel_loop3A_737 = arith.cmpi sgt, %parallel_loop3A_727, %parallel_loop3A_736 : i32
        %parallel_loop3A_738 = arith.extui %parallel_loop3A_737 : i1 to i32
        %parallel_loop3A_739 = arith.constant 0 : i32
        %parallel_loop3A_740 = arith.cmpi slt, %parallel_loop3A_727, %parallel_loop3A_739 : i32
        %parallel_loop3A_741 = arith.extui %parallel_loop3A_740 : i1 to i32
        %parallel_loop3A_742 = arith.subi %parallel_loop3A_738, %parallel_loop3A_741 : i32
        %parallel_loop3A_743 = arith.cmpi ne, %parallel_loop3A_735, %parallel_loop3A_742 : i32
        %parallel_loop3A_744 = arith.remsi %parallel_loop3A_431, %parallel_loop3A_727 : i32
        %parallel_loop3A_745 = arith.constant 0 : i32
        %parallel_loop3A_746 = arith.cmpi ne, %parallel_loop3A_744, %parallel_loop3A_745 : i32
        %parallel_loop3A_747 = arith.andi %parallel_loop3A_743, %parallel_loop3A_746 : i1
        %parallel_loop3A_748 = arith.constant 1 : i32
        %parallel_loop3A_749 = arith.subi %parallel_loop3A_728, %parallel_loop3A_748 : i32
        %parallel_loop3A_750 = arith.select %parallel_loop3A_747, %parallel_loop3A_749, %parallel_loop3A_728 : i32
        %parallel_loop3A_751 = arith.constant 16 : i32
        %parallel_loop3A_752 = arith.addi %parallel_loop3A_751, %parallel_loop3A_750 : i32
        %parallel_loop3A_753 = arith.constant 8 : i32
        %parallel_loop3A_754 = arith.constant 0 : i32
        %parallel_loop3A_755 = arith.cmpi eq, %parallel_loop3A_753, %parallel_loop3A_754 : i32
        %parallel_loop3A_756 = arith.constant 1 : i32
        %parallel_loop3A_757 = arith.select %parallel_loop3A_755, %parallel_loop3A_756, %parallel_loop3A_753 : i32
        %parallel_loop3A_758 = arith.remsi %parallel_loop3A_431, %parallel_loop3A_757 : i32
        %parallel_loop3A_759 = arith.constant 0 : i32
        %parallel_loop3A_760 = arith.cmpi ne, %parallel_loop3A_758, %parallel_loop3A_759 : i32
        %parallel_loop3A_761 = arith.constant 0 : i32
        %parallel_loop3A_762 = arith.cmpi slt, %parallel_loop3A_758, %parallel_loop3A_761 : i32
        %parallel_loop3A_763 = arith.constant 0 : i32
        %parallel_loop3A_764 = arith.cmpi slt, %parallel_loop3A_757, %parallel_loop3A_763 : i32
        %parallel_loop3A_765 = arith.xori %parallel_loop3A_762, %parallel_loop3A_764 : i1
        %parallel_loop3A_766 = arith.andi %parallel_loop3A_765, %parallel_loop3A_760 : i1
        %parallel_loop3A_767 = arith.addi %parallel_loop3A_758, %parallel_loop3A_757 : i32
        %parallel_loop3A_768 = arith.select %parallel_loop3A_766, %parallel_loop3A_767, %parallel_loop3A_758 : i32
        %parallel_loop3A_769 = arith.constant 1 : i32
        %parallel_loop3A_770 = arith.index_cast %parallel_loop3A_769 : i32 to index
        %parallel_loop3A_771 = arith.index_cast %parallel_loop3A_752 : i32 to index
        %parallel_loop3A_772 = arith.index_cast %parallel_loop3A_768 : i32 to index
        %parallel_loop3A_773 = arith.constant 80 : index
        %parallel_loop3A_774 = tpu.vector_load %arg15[%parallel_loop3A_770, %parallel_loop3A_771, %parallel_loop3A_772, %parallel_loop3A_773] {strides = array<i32>} : memref<2x20x8x128xf32, #tpu.memory_space<vmem>>, vector<16xf32>,
        tpu.vector_store %arg15[%parallel_loop3A_770, %parallel_loop3A_771, %parallel_loop3A_772, %parallel_loop3A_773], %parallel_loop3A_726 {strides = array<i32>} : memref<2x20x8x128xf32, #tpu.memory_space<vmem>>, vector<16xf32>,
        %parallel_loop3A_775 = arith.constant 96 : i32
        %parallel_loop3A_776 = vector.broadcast %parallel_loop3A_775 : i32 to vector<16xi32>
        %parallel_loop3A_777 = arith.addi %parallel_loop3A_776, %iota3A : vector<16xi32>
        %parallel_loop3A_778 = arith.constant 1 : i32
        %parallel_loop3A_779 = arith.constant 0 : i32
        %parallel_loop3A_780 = arith.constant 0 : i32
        %parallel_loop3A_781 = tpu.memref_slice %arg13[%parallel_loop3A_778, %parallel_loop3A_779, %parallel_loop3A_780] : memref<2x128x16xf32, #tpu.memory_space<vmem>> -> memref<1x128x16xf32, #tpu.memory_space<vmem>>
        %parallel_loop3A_782 = tpu.memref_squeeze %parallel_loop3A_781 : memref<1x128x16xf32, #tpu.memory_space<vmem>> -> memref<128x16xf32, #tpu.memory_space<vmem>>
        %parallel_loop3A_783 = tpu.vector_load_idx %parallel_loop3A_782[%parallel_loop3A_777, %parallel_loop3A_432] : memref<128x16xf32, #tpu.memory_space<vmem>>[vector<16xi32>, vector<16xi32>], vector<16xf32>,
        %parallel_loop3A_784 = arith.constant 8 : i32
        %parallel_loop3A_785 = arith.divsi %parallel_loop3A_431, %parallel_loop3A_784 : i32
        %parallel_loop3A_786 = arith.constant 0 : i32
        %parallel_loop3A_787 = arith.cmpi sgt, %parallel_loop3A_431, %parallel_loop3A_786 : i32
        %parallel_loop3A_788 = arith.extui %parallel_loop3A_787 : i1 to i32
        %parallel_loop3A_789 = arith.constant 0 : i32
        %parallel_loop3A_790 = arith.cmpi slt, %parallel_loop3A_431, %parallel_loop3A_789 : i32
        %parallel_loop3A_791 = arith.extui %parallel_loop3A_790 : i1 to i32
        %parallel_loop3A_792 = arith.subi %parallel_loop3A_788, %parallel_loop3A_791 : i32
        %parallel_loop3A_793 = arith.constant 0 : i32
        %parallel_loop3A_794 = arith.cmpi sgt, %parallel_loop3A_784, %parallel_loop3A_793 : i32
        %parallel_loop3A_795 = arith.extui %parallel_loop3A_794 : i1 to i32
        %parallel_loop3A_796 = arith.constant 0 : i32
        %parallel_loop3A_797 = arith.cmpi slt, %parallel_loop3A_784, %parallel_loop3A_796 : i32
        %parallel_loop3A_798 = arith.extui %parallel_loop3A_797 : i1 to i32
        %parallel_loop3A_799 = arith.subi %parallel_loop3A_795, %parallel_loop3A_798 : i32
        %parallel_loop3A_800 = arith.cmpi ne, %parallel_loop3A_792, %parallel_loop3A_799 : i32
        %parallel_loop3A_801 = arith.remsi %parallel_loop3A_431, %parallel_loop3A_784 : i32
        %parallel_loop3A_802 = arith.constant 0 : i32
        %parallel_loop3A_803 = arith.cmpi ne, %parallel_loop3A_801, %parallel_loop3A_802 : i32
        %parallel_loop3A_804 = arith.andi %parallel_loop3A_800, %parallel_loop3A_803 : i1
        %parallel_loop3A_805 = arith.constant 1 : i32
        %parallel_loop3A_806 = arith.subi %parallel_loop3A_785, %parallel_loop3A_805 : i32
        %parallel_loop3A_807 = arith.select %parallel_loop3A_804, %parallel_loop3A_806, %parallel_loop3A_785 : i32
        %parallel_loop3A_808 = arith.constant 16 : i32
        %parallel_loop3A_809 = arith.addi %parallel_loop3A_808, %parallel_loop3A_807 : i32
        %parallel_loop3A_810 = arith.constant 8 : i32
        %parallel_loop3A_811 = arith.constant 0 : i32
        %parallel_loop3A_812 = arith.cmpi eq, %parallel_loop3A_810, %parallel_loop3A_811 : i32
        %parallel_loop3A_813 = arith.constant 1 : i32
        %parallel_loop3A_814 = arith.select %parallel_loop3A_812, %parallel_loop3A_813, %parallel_loop3A_810 : i32
        %parallel_loop3A_815 = arith.remsi %parallel_loop3A_431, %parallel_loop3A_814 : i32
        %parallel_loop3A_816 = arith.constant 0 : i32
        %parallel_loop3A_817 = arith.cmpi ne, %parallel_loop3A_815, %parallel_loop3A_816 : i32
        %parallel_loop3A_818 = arith.constant 0 : i32
        %parallel_loop3A_819 = arith.cmpi slt, %parallel_loop3A_815, %parallel_loop3A_818 : i32
        %parallel_loop3A_820 = arith.constant 0 : i32
        %parallel_loop3A_821 = arith.cmpi slt, %parallel_loop3A_814, %parallel_loop3A_820 : i32
        %parallel_loop3A_822 = arith.xori %parallel_loop3A_819, %parallel_loop3A_821 : i1
        %parallel_loop3A_823 = arith.andi %parallel_loop3A_822, %parallel_loop3A_817 : i1
        %parallel_loop3A_824 = arith.addi %parallel_loop3A_815, %parallel_loop3A_814 : i32
        %parallel_loop3A_825 = arith.select %parallel_loop3A_823, %parallel_loop3A_824, %parallel_loop3A_815 : i32
        %parallel_loop3A_826 = arith.constant 1 : i32
        %parallel_loop3A_827 = arith.index_cast %parallel_loop3A_826 : i32 to index
        %parallel_loop3A_828 = arith.index_cast %parallel_loop3A_809 : i32 to index
        %parallel_loop3A_829 = arith.index_cast %parallel_loop3A_825 : i32 to index
        %parallel_loop3A_830 = arith.constant 96 : index
        %parallel_loop3A_831 = tpu.vector_load %arg15[%parallel_loop3A_827, %parallel_loop3A_828, %parallel_loop3A_829, %parallel_loop3A_830] {strides = array<i32>} : memref<2x20x8x128xf32, #tpu.memory_space<vmem>>, vector<16xf32>,
        tpu.vector_store %arg15[%parallel_loop3A_827, %parallel_loop3A_828, %parallel_loop3A_829, %parallel_loop3A_830], %parallel_loop3A_783 {strides = array<i32>} : memref<2x20x8x128xf32, #tpu.memory_space<vmem>>, vector<16xf32>,
        %parallel_loop3A_832 = arith.constant 112 : i32
        %parallel_loop3A_833 = vector.broadcast %parallel_loop3A_832 : i32 to vector<16xi32>
        %parallel_loop3A_834 = arith.addi %parallel_loop3A_833, %iota3A : vector<16xi32>
        %parallel_loop3A_835 = arith.constant 1 : i32
        %parallel_loop3A_836 = arith.constant 0 : i32
        %parallel_loop3A_837 = arith.constant 0 : i32
        %parallel_loop3A_838 = tpu.memref_slice %arg13[%parallel_loop3A_835, %parallel_loop3A_836, %parallel_loop3A_837] : memref<2x128x16xf32, #tpu.memory_space<vmem>> -> memref<1x128x16xf32, #tpu.memory_space<vmem>>
        %parallel_loop3A_839 = tpu.memref_squeeze %parallel_loop3A_838 : memref<1x128x16xf32, #tpu.memory_space<vmem>> -> memref<128x16xf32, #tpu.memory_space<vmem>>
        %parallel_loop3A_840 = tpu.vector_load_idx %parallel_loop3A_839[%parallel_loop3A_834, %parallel_loop3A_432] : memref<128x16xf32, #tpu.memory_space<vmem>>[vector<16xi32>, vector<16xi32>], vector<16xf32>,
        %parallel_loop3A_841 = arith.constant 8 : i32
        %parallel_loop3A_842 = arith.divsi %parallel_loop3A_431, %parallel_loop3A_841 : i32
        %parallel_loop3A_843 = arith.constant 0 : i32
        %parallel_loop3A_844 = arith.cmpi sgt, %parallel_loop3A_431, %parallel_loop3A_843 : i32
        %parallel_loop3A_845 = arith.extui %parallel_loop3A_844 : i1 to i32
        %parallel_loop3A_846 = arith.constant 0 : i32
        %parallel_loop3A_847 = arith.cmpi slt, %parallel_loop3A_431, %parallel_loop3A_846 : i32
        %parallel_loop3A_848 = arith.extui %parallel_loop3A_847 : i1 to i32
        %parallel_loop3A_849 = arith.subi %parallel_loop3A_845, %parallel_loop3A_848 : i32
        %parallel_loop3A_850 = arith.constant 0 : i32
        %parallel_loop3A_851 = arith.cmpi sgt, %parallel_loop3A_841, %parallel_loop3A_850 : i32
        %parallel_loop3A_852 = arith.extui %parallel_loop3A_851 : i1 to i32
        %parallel_loop3A_853 = arith.constant 0 : i32
        %parallel_loop3A_854 = arith.cmpi slt, %parallel_loop3A_841, %parallel_loop3A_853 : i32
        %parallel_loop3A_855 = arith.extui %parallel_loop3A_854 : i1 to i32
        %parallel_loop3A_856 = arith.subi %parallel_loop3A_852, %parallel_loop3A_855 : i32
        %parallel_loop3A_857 = arith.cmpi ne, %parallel_loop3A_849, %parallel_loop3A_856 : i32
        %parallel_loop3A_858 = arith.remsi %parallel_loop3A_431, %parallel_loop3A_841 : i32
        %parallel_loop3A_859 = arith.constant 0 : i32
        %parallel_loop3A_860 = arith.cmpi ne, %parallel_loop3A_858, %parallel_loop3A_859 : i32
        %parallel_loop3A_861 = arith.andi %parallel_loop3A_857, %parallel_loop3A_860 : i1
        %parallel_loop3A_862 = arith.constant 1 : i32
        %parallel_loop3A_863 = arith.subi %parallel_loop3A_842, %parallel_loop3A_862 : i32
        %parallel_loop3A_864 = arith.select %parallel_loop3A_861, %parallel_loop3A_863, %parallel_loop3A_842 : i32
        %parallel_loop3A_865 = arith.constant 16 : i32
        %parallel_loop3A_866 = arith.addi %parallel_loop3A_865, %parallel_loop3A_864 : i32
        %parallel_loop3A_867 = arith.constant 8 : i32
        %parallel_loop3A_868 = arith.constant 0 : i32
        %parallel_loop3A_869 = arith.cmpi eq, %parallel_loop3A_867, %parallel_loop3A_868 : i32
        %parallel_loop3A_870 = arith.constant 1 : i32
        %parallel_loop3A_871 = arith.select %parallel_loop3A_869, %parallel_loop3A_870, %parallel_loop3A_867 : i32
        %parallel_loop3A_872 = arith.remsi %parallel_loop3A_431, %parallel_loop3A_871 : i32
        %parallel_loop3A_873 = arith.constant 0 : i32
        %parallel_loop3A_874 = arith.cmpi ne, %parallel_loop3A_872, %parallel_loop3A_873 : i32
        %parallel_loop3A_875 = arith.constant 0 : i32
        %parallel_loop3A_876 = arith.cmpi slt, %parallel_loop3A_872, %parallel_loop3A_875 : i32
        %parallel_loop3A_877 = arith.constant 0 : i32
        %parallel_loop3A_878 = arith.cmpi slt, %parallel_loop3A_871, %parallel_loop3A_877 : i32
        %parallel_loop3A_879 = arith.xori %parallel_loop3A_876, %parallel_loop3A_878 : i1
        %parallel_loop3A_880 = arith.andi %parallel_loop3A_879, %parallel_loop3A_874 : i1
        %parallel_loop3A_881 = arith.addi %parallel_loop3A_872, %parallel_loop3A_871 : i32
        %parallel_loop3A_882 = arith.select %parallel_loop3A_880, %parallel_loop3A_881, %parallel_loop3A_872 : i32
        %parallel_loop3A_883 = arith.constant 1 : i32
        %parallel_loop3A_884 = arith.index_cast %parallel_loop3A_883 : i32 to index
        %parallel_loop3A_885 = arith.index_cast %parallel_loop3A_866 : i32 to index
        %parallel_loop3A_886 = arith.index_cast %parallel_loop3A_882 : i32 to index
        %parallel_loop3A_887 = arith.constant 112 : index
        %parallel_loop3A_888 = tpu.vector_load %arg15[%parallel_loop3A_884, %parallel_loop3A_885, %parallel_loop3A_886, %parallel_loop3A_887] {strides = array<i32>} : memref<2x20x8x128xf32, #tpu.memory_space<vmem>>, vector<16xf32>,
        tpu.vector_store %arg15[%parallel_loop3A_884, %parallel_loop3A_885, %parallel_loop3A_886, %parallel_loop3A_887], %parallel_loop3A_840 {strides = array<i32>} : memref<2x20x8x128xf32, #tpu.memory_space<vmem>>, vector<16xf32>,
      } {sc.loop_unroll_factor = 8 : i64, sc.parallel_access}
      %parallel_loop3A_359 = arith.constant 0 : i32
      %parallel_loop3A_360 = arith.constant 16 : i32
      %parallel_loop3A_361 = arith.constant 1 : i32
      scf.for %parallel_loop3A_431 = %parallel_loop3A_359 to %parallel_loop3A_360 step %parallel_loop3A_361  : i32 {
        %parallel_loop3A_432 = vector.broadcast %parallel_loop3A_431 : i32 to vector<16xi32>
        %parallel_loop3A_433 = arith.constant 0 : i32
        %parallel_loop3A_434 = vector.broadcast %parallel_loop3A_433 : i32 to vector<16xi32>
        %parallel_loop3A_435 = arith.addi %parallel_loop3A_434, %iota3A : vector<16xi32>
        %parallel_loop3A_436 = arith.constant 1 : i32
        %parallel_loop3A_437 = arith.constant 0 : i32
        %parallel_loop3A_438 = arith.constant 0 : i32
        %parallel_loop3A_439 = tpu.memref_slice %arg14[%parallel_loop3A_436, %parallel_loop3A_437, %parallel_loop3A_438] : memref<2x128x16xf32, #tpu.memory_space<vmem>> -> memref<1x128x16xf32, #tpu.memory_space<vmem>>
        %parallel_loop3A_440 = tpu.memref_squeeze %parallel_loop3A_439 : memref<1x128x16xf32, #tpu.memory_space<vmem>> -> memref<128x16xf32, #tpu.memory_space<vmem>>
        %parallel_loop3A_441 = tpu.vector_load_idx %parallel_loop3A_440[%parallel_loop3A_435, %parallel_loop3A_432] : memref<128x16xf32, #tpu.memory_space<vmem>>[vector<16xi32>, vector<16xi32>], vector<16xf32>,
        %parallel_loop3A_442 = arith.constant 8 : i32
        %parallel_loop3A_443 = arith.divsi %parallel_loop3A_431, %parallel_loop3A_442 : i32
        %parallel_loop3A_444 = arith.constant 0 : i32
        %parallel_loop3A_445 = arith.cmpi sgt, %parallel_loop3A_431, %parallel_loop3A_444 : i32
        %parallel_loop3A_446 = arith.extui %parallel_loop3A_445 : i1 to i32
        %parallel_loop3A_447 = arith.constant 0 : i32
        %parallel_loop3A_448 = arith.cmpi slt, %parallel_loop3A_431, %parallel_loop3A_447 : i32
        %parallel_loop3A_449 = arith.extui %parallel_loop3A_448 : i1 to i32
        %parallel_loop3A_450 = arith.subi %parallel_loop3A_446, %parallel_loop3A_449 : i32
        %parallel_loop3A_451 = arith.constant 0 : i32
        %parallel_loop3A_452 = arith.cmpi sgt, %parallel_loop3A_442, %parallel_loop3A_451 : i32
        %parallel_loop3A_453 = arith.extui %parallel_loop3A_452 : i1 to i32
        %parallel_loop3A_454 = arith.constant 0 : i32
        %parallel_loop3A_455 = arith.cmpi slt, %parallel_loop3A_442, %parallel_loop3A_454 : i32
        %parallel_loop3A_456 = arith.extui %parallel_loop3A_455 : i1 to i32
        %parallel_loop3A_457 = arith.subi %parallel_loop3A_453, %parallel_loop3A_456 : i32
        %parallel_loop3A_458 = arith.cmpi ne, %parallel_loop3A_450, %parallel_loop3A_457 : i32
        %parallel_loop3A_459 = arith.remsi %parallel_loop3A_431, %parallel_loop3A_442 : i32
        %parallel_loop3A_460 = arith.constant 0 : i32
        %parallel_loop3A_461 = arith.cmpi ne, %parallel_loop3A_459, %parallel_loop3A_460 : i32
        %parallel_loop3A_462 = arith.andi %parallel_loop3A_458, %parallel_loop3A_461 : i1
        %parallel_loop3A_463 = arith.constant 1 : i32
        %parallel_loop3A_464 = arith.subi %parallel_loop3A_443, %parallel_loop3A_463 : i32
        %parallel_loop3A_465 = arith.select %parallel_loop3A_462, %parallel_loop3A_464, %parallel_loop3A_443 : i32
        %parallel_loop3A_466 = arith.constant 18 : i32
        %parallel_loop3A_467 = arith.addi %parallel_loop3A_466, %parallel_loop3A_465 : i32
        %parallel_loop3A_468 = arith.constant 8 : i32
        %parallel_loop3A_469 = arith.constant 0 : i32
        %parallel_loop3A_470 = arith.cmpi eq, %parallel_loop3A_468, %parallel_loop3A_469 : i32
        %parallel_loop3A_471 = arith.constant 1 : i32
        %parallel_loop3A_472 = arith.select %parallel_loop3A_470, %parallel_loop3A_471, %parallel_loop3A_468 : i32
        %parallel_loop3A_473 = arith.remsi %parallel_loop3A_431, %parallel_loop3A_472 : i32
        %parallel_loop3A_474 = arith.constant 0 : i32
        %parallel_loop3A_475 = arith.cmpi ne, %parallel_loop3A_473, %parallel_loop3A_474 : i32
        %parallel_loop3A_476 = arith.constant 0 : i32
        %parallel_loop3A_477 = arith.cmpi slt, %parallel_loop3A_473, %parallel_loop3A_476 : i32
        %parallel_loop3A_478 = arith.constant 0 : i32
        %parallel_loop3A_479 = arith.cmpi slt, %parallel_loop3A_472, %parallel_loop3A_478 : i32
        %parallel_loop3A_480 = arith.xori %parallel_loop3A_477, %parallel_loop3A_479 : i1
        %parallel_loop3A_481 = arith.andi %parallel_loop3A_480, %parallel_loop3A_475 : i1
        %parallel_loop3A_482 = arith.addi %parallel_loop3A_473, %parallel_loop3A_472 : i32
        %parallel_loop3A_483 = arith.select %parallel_loop3A_481, %parallel_loop3A_482, %parallel_loop3A_473 : i32
        %parallel_loop3A_484 = arith.constant 1 : i32
        %parallel_loop3A_485 = arith.index_cast %parallel_loop3A_484 : i32 to index
        %parallel_loop3A_486 = arith.index_cast %parallel_loop3A_467 : i32 to index
        %parallel_loop3A_487 = arith.index_cast %parallel_loop3A_483 : i32 to index
        %parallel_loop3A_488 = arith.constant 0 : index
        %parallel_loop3A_489 = tpu.vector_load %arg15[%parallel_loop3A_485, %parallel_loop3A_486, %parallel_loop3A_487, %parallel_loop3A_488] {strides = array<i32>} : memref<2x20x8x128xf32, #tpu.memory_space<vmem>>, vector<16xf32>,
        tpu.vector_store %arg15[%parallel_loop3A_485, %parallel_loop3A_486, %parallel_loop3A_487, %parallel_loop3A_488], %parallel_loop3A_441 {strides = array<i32>} : memref<2x20x8x128xf32, #tpu.memory_space<vmem>>, vector<16xf32>,
        %parallel_loop3A_490 = arith.constant 16 : i32
        %parallel_loop3A_491 = vector.broadcast %parallel_loop3A_490 : i32 to vector<16xi32>
        %parallel_loop3A_492 = arith.addi %parallel_loop3A_491, %iota3A : vector<16xi32>
        %parallel_loop3A_493 = arith.constant 1 : i32
        %parallel_loop3A_494 = arith.constant 0 : i32
        %parallel_loop3A_495 = arith.constant 0 : i32
        %parallel_loop3A_496 = tpu.memref_slice %arg14[%parallel_loop3A_493, %parallel_loop3A_494, %parallel_loop3A_495] : memref<2x128x16xf32, #tpu.memory_space<vmem>> -> memref<1x128x16xf32, #tpu.memory_space<vmem>>
        %parallel_loop3A_497 = tpu.memref_squeeze %parallel_loop3A_496 : memref<1x128x16xf32, #tpu.memory_space<vmem>> -> memref<128x16xf32, #tpu.memory_space<vmem>>
        %parallel_loop3A_498 = tpu.vector_load_idx %parallel_loop3A_497[%parallel_loop3A_492, %parallel_loop3A_432] : memref<128x16xf32, #tpu.memory_space<vmem>>[vector<16xi32>, vector<16xi32>], vector<16xf32>,
        %parallel_loop3A_499 = arith.constant 8 : i32
        %parallel_loop3A_500 = arith.divsi %parallel_loop3A_431, %parallel_loop3A_499 : i32
        %parallel_loop3A_501 = arith.constant 0 : i32
        %parallel_loop3A_502 = arith.cmpi sgt, %parallel_loop3A_431, %parallel_loop3A_501 : i32
        %parallel_loop3A_503 = arith.extui %parallel_loop3A_502 : i1 to i32
        %parallel_loop3A_504 = arith.constant 0 : i32
        %parallel_loop3A_505 = arith.cmpi slt, %parallel_loop3A_431, %parallel_loop3A_504 : i32
        %parallel_loop3A_506 = arith.extui %parallel_loop3A_505 : i1 to i32
        %parallel_loop3A_507 = arith.subi %parallel_loop3A_503, %parallel_loop3A_506 : i32
        %parallel_loop3A_508 = arith.constant 0 : i32
        %parallel_loop3A_509 = arith.cmpi sgt, %parallel_loop3A_499, %parallel_loop3A_508 : i32
        %parallel_loop3A_510 = arith.extui %parallel_loop3A_509 : i1 to i32
        %parallel_loop3A_511 = arith.constant 0 : i32
        %parallel_loop3A_512 = arith.cmpi slt, %parallel_loop3A_499, %parallel_loop3A_511 : i32
        %parallel_loop3A_513 = arith.extui %parallel_loop3A_512 : i1 to i32
        %parallel_loop3A_514 = arith.subi %parallel_loop3A_510, %parallel_loop3A_513 : i32
        %parallel_loop3A_515 = arith.cmpi ne, %parallel_loop3A_507, %parallel_loop3A_514 : i32
        %parallel_loop3A_516 = arith.remsi %parallel_loop3A_431, %parallel_loop3A_499 : i32
        %parallel_loop3A_517 = arith.constant 0 : i32
        %parallel_loop3A_518 = arith.cmpi ne, %parallel_loop3A_516, %parallel_loop3A_517 : i32
        %parallel_loop3A_519 = arith.andi %parallel_loop3A_515, %parallel_loop3A_518 : i1
        %parallel_loop3A_520 = arith.constant 1 : i32
        %parallel_loop3A_521 = arith.subi %parallel_loop3A_500, %parallel_loop3A_520 : i32
        %parallel_loop3A_522 = arith.select %parallel_loop3A_519, %parallel_loop3A_521, %parallel_loop3A_500 : i32
        %parallel_loop3A_523 = arith.constant 18 : i32
        %parallel_loop3A_524 = arith.addi %parallel_loop3A_523, %parallel_loop3A_522 : i32
        %parallel_loop3A_525 = arith.constant 8 : i32
        %parallel_loop3A_526 = arith.constant 0 : i32
        %parallel_loop3A_527 = arith.cmpi eq, %parallel_loop3A_525, %parallel_loop3A_526 : i32
        %parallel_loop3A_528 = arith.constant 1 : i32
        %parallel_loop3A_529 = arith.select %parallel_loop3A_527, %parallel_loop3A_528, %parallel_loop3A_525 : i32
        %parallel_loop3A_530 = arith.remsi %parallel_loop3A_431, %parallel_loop3A_529 : i32
        %parallel_loop3A_531 = arith.constant 0 : i32
        %parallel_loop3A_532 = arith.cmpi ne, %parallel_loop3A_530, %parallel_loop3A_531 : i32
        %parallel_loop3A_533 = arith.constant 0 : i32
        %parallel_loop3A_534 = arith.cmpi slt, %parallel_loop3A_530, %parallel_loop3A_533 : i32
        %parallel_loop3A_535 = arith.constant 0 : i32
        %parallel_loop3A_536 = arith.cmpi slt, %parallel_loop3A_529, %parallel_loop3A_535 : i32
        %parallel_loop3A_537 = arith.xori %parallel_loop3A_534, %parallel_loop3A_536 : i1
        %parallel_loop3A_538 = arith.andi %parallel_loop3A_537, %parallel_loop3A_532 : i1
        %parallel_loop3A_539 = arith.addi %parallel_loop3A_530, %parallel_loop3A_529 : i32
        %parallel_loop3A_540 = arith.select %parallel_loop3A_538, %parallel_loop3A_539, %parallel_loop3A_530 : i32
        %parallel_loop3A_541 = arith.constant 1 : i32
        %parallel_loop3A_542 = arith.index_cast %parallel_loop3A_541 : i32 to index
        %parallel_loop3A_543 = arith.index_cast %parallel_loop3A_524 : i32 to index
        %parallel_loop3A_544 = arith.index_cast %parallel_loop3A_540 : i32 to index
        %parallel_loop3A_545 = arith.constant 16 : index
        %parallel_loop3A_546 = tpu.vector_load %arg15[%parallel_loop3A_542, %parallel_loop3A_543, %parallel_loop3A_544, %parallel_loop3A_545] {strides = array<i32>} : memref<2x20x8x128xf32, #tpu.memory_space<vmem>>, vector<16xf32>,
        tpu.vector_store %arg15[%parallel_loop3A_542, %parallel_loop3A_543, %parallel_loop3A_544, %parallel_loop3A_545], %parallel_loop3A_498 {strides = array<i32>} : memref<2x20x8x128xf32, #tpu.memory_space<vmem>>, vector<16xf32>,
        %parallel_loop3A_547 = arith.constant 32 : i32
        %parallel_loop3A_548 = vector.broadcast %parallel_loop3A_547 : i32 to vector<16xi32>
        %parallel_loop3A_549 = arith.addi %parallel_loop3A_548, %iota3A : vector<16xi32>
        %parallel_loop3A_550 = arith.constant 1 : i32
        %parallel_loop3A_551 = arith.constant 0 : i32
        %parallel_loop3A_552 = arith.constant 0 : i32
        %parallel_loop3A_553 = tpu.memref_slice %arg14[%parallel_loop3A_550, %parallel_loop3A_551, %parallel_loop3A_552] : memref<2x128x16xf32, #tpu.memory_space<vmem>> -> memref<1x128x16xf32, #tpu.memory_space<vmem>>
        %parallel_loop3A_554 = tpu.memref_squeeze %parallel_loop3A_553 : memref<1x128x16xf32, #tpu.memory_space<vmem>> -> memref<128x16xf32, #tpu.memory_space<vmem>>
        %parallel_loop3A_555 = tpu.vector_load_idx %parallel_loop3A_554[%parallel_loop3A_549, %parallel_loop3A_432] : memref<128x16xf32, #tpu.memory_space<vmem>>[vector<16xi32>, vector<16xi32>], vector<16xf32>,
        %parallel_loop3A_556 = arith.constant 8 : i32
        %parallel_loop3A_557 = arith.divsi %parallel_loop3A_431, %parallel_loop3A_556 : i32
        %parallel_loop3A_558 = arith.constant 0 : i32
        %parallel_loop3A_559 = arith.cmpi sgt, %parallel_loop3A_431, %parallel_loop3A_558 : i32
        %parallel_loop3A_560 = arith.extui %parallel_loop3A_559 : i1 to i32
        %parallel_loop3A_561 = arith.constant 0 : i32
        %parallel_loop3A_562 = arith.cmpi slt, %parallel_loop3A_431, %parallel_loop3A_561 : i32
        %parallel_loop3A_563 = arith.extui %parallel_loop3A_562 : i1 to i32
        %parallel_loop3A_564 = arith.subi %parallel_loop3A_560, %parallel_loop3A_563 : i32
        %parallel_loop3A_565 = arith.constant 0 : i32
        %parallel_loop3A_566 = arith.cmpi sgt, %parallel_loop3A_556, %parallel_loop3A_565 : i32
        %parallel_loop3A_567 = arith.extui %parallel_loop3A_566 : i1 to i32
        %parallel_loop3A_568 = arith.constant 0 : i32
        %parallel_loop3A_569 = arith.cmpi slt, %parallel_loop3A_556, %parallel_loop3A_568 : i32
        %parallel_loop3A_570 = arith.extui %parallel_loop3A_569 : i1 to i32
        %parallel_loop3A_571 = arith.subi %parallel_loop3A_567, %parallel_loop3A_570 : i32
        %parallel_loop3A_572 = arith.cmpi ne, %parallel_loop3A_564, %parallel_loop3A_571 : i32
        %parallel_loop3A_573 = arith.remsi %parallel_loop3A_431, %parallel_loop3A_556 : i32
        %parallel_loop3A_574 = arith.constant 0 : i32
        %parallel_loop3A_575 = arith.cmpi ne, %parallel_loop3A_573, %parallel_loop3A_574 : i32
        %parallel_loop3A_576 = arith.andi %parallel_loop3A_572, %parallel_loop3A_575 : i1
        %parallel_loop3A_577 = arith.constant 1 : i32
        %parallel_loop3A_578 = arith.subi %parallel_loop3A_557, %parallel_loop3A_577 : i32
        %parallel_loop3A_579 = arith.select %parallel_loop3A_576, %parallel_loop3A_578, %parallel_loop3A_557 : i32
        %parallel_loop3A_580 = arith.constant 18 : i32
        %parallel_loop3A_581 = arith.addi %parallel_loop3A_580, %parallel_loop3A_579 : i32
        %parallel_loop3A_582 = arith.constant 8 : i32
        %parallel_loop3A_583 = arith.constant 0 : i32
        %parallel_loop3A_584 = arith.cmpi eq, %parallel_loop3A_582, %parallel_loop3A_583 : i32
        %parallel_loop3A_585 = arith.constant 1 : i32
        %parallel_loop3A_586 = arith.select %parallel_loop3A_584, %parallel_loop3A_585, %parallel_loop3A_582 : i32
        %parallel_loop3A_587 = arith.remsi %parallel_loop3A_431, %parallel_loop3A_586 : i32
        %parallel_loop3A_588 = arith.constant 0 : i32
        %parallel_loop3A_589 = arith.cmpi ne, %parallel_loop3A_587, %parallel_loop3A_588 : i32
        %parallel_loop3A_590 = arith.constant 0 : i32
        %parallel_loop3A_591 = arith.cmpi slt, %parallel_loop3A_587, %parallel_loop3A_590 : i32
        %parallel_loop3A_592 = arith.constant 0 : i32
        %parallel_loop3A_593 = arith.cmpi slt, %parallel_loop3A_586, %parallel_loop3A_592 : i32
        %parallel_loop3A_594 = arith.xori %parallel_loop3A_591, %parallel_loop3A_593 : i1
        %parallel_loop3A_595 = arith.andi %parallel_loop3A_594, %parallel_loop3A_589 : i1
        %parallel_loop3A_596 = arith.addi %parallel_loop3A_587, %parallel_loop3A_586 : i32
        %parallel_loop3A_597 = arith.select %parallel_loop3A_595, %parallel_loop3A_596, %parallel_loop3A_587 : i32
        %parallel_loop3A_598 = arith.constant 1 : i32
        %parallel_loop3A_599 = arith.index_cast %parallel_loop3A_598 : i32 to index
        %parallel_loop3A_600 = arith.index_cast %parallel_loop3A_581 : i32 to index
        %parallel_loop3A_601 = arith.index_cast %parallel_loop3A_597 : i32 to index
        %parallel_loop3A_602 = arith.constant 32 : index
        %parallel_loop3A_603 = tpu.vector_load %arg15[%parallel_loop3A_599, %parallel_loop3A_600, %parallel_loop3A_601, %parallel_loop3A_602] {strides = array<i32>} : memref<2x20x8x128xf32, #tpu.memory_space<vmem>>, vector<16xf32>,
        tpu.vector_store %arg15[%parallel_loop3A_599, %parallel_loop3A_600, %parallel_loop3A_601, %parallel_loop3A_602], %parallel_loop3A_555 {strides = array<i32>} : memref<2x20x8x128xf32, #tpu.memory_space<vmem>>, vector<16xf32>,
        %parallel_loop3A_604 = arith.constant 48 : i32
        %parallel_loop3A_605 = vector.broadcast %parallel_loop3A_604 : i32 to vector<16xi32>
        %parallel_loop3A_606 = arith.addi %parallel_loop3A_605, %iota3A : vector<16xi32>
        %parallel_loop3A_607 = arith.constant 1 : i32
        %parallel_loop3A_608 = arith.constant 0 : i32
        %parallel_loop3A_609 = arith.constant 0 : i32
        %parallel_loop3A_610 = tpu.memref_slice %arg14[%parallel_loop3A_607, %parallel_loop3A_608, %parallel_loop3A_609] : memref<2x128x16xf32, #tpu.memory_space<vmem>> -> memref<1x128x16xf32, #tpu.memory_space<vmem>>
        %parallel_loop3A_611 = tpu.memref_squeeze %parallel_loop3A_610 : memref<1x128x16xf32, #tpu.memory_space<vmem>> -> memref<128x16xf32, #tpu.memory_space<vmem>>
        %parallel_loop3A_612 = tpu.vector_load_idx %parallel_loop3A_611[%parallel_loop3A_606, %parallel_loop3A_432] : memref<128x16xf32, #tpu.memory_space<vmem>>[vector<16xi32>, vector<16xi32>], vector<16xf32>,
        %parallel_loop3A_613 = arith.constant 8 : i32
        %parallel_loop3A_614 = arith.divsi %parallel_loop3A_431, %parallel_loop3A_613 : i32
        %parallel_loop3A_615 = arith.constant 0 : i32
        %parallel_loop3A_616 = arith.cmpi sgt, %parallel_loop3A_431, %parallel_loop3A_615 : i32
        %parallel_loop3A_617 = arith.extui %parallel_loop3A_616 : i1 to i32
        %parallel_loop3A_618 = arith.constant 0 : i32
        %parallel_loop3A_619 = arith.cmpi slt, %parallel_loop3A_431, %parallel_loop3A_618 : i32
        %parallel_loop3A_620 = arith.extui %parallel_loop3A_619 : i1 to i32
        %parallel_loop3A_621 = arith.subi %parallel_loop3A_617, %parallel_loop3A_620 : i32
        %parallel_loop3A_622 = arith.constant 0 : i32
        %parallel_loop3A_623 = arith.cmpi sgt, %parallel_loop3A_613, %parallel_loop3A_622 : i32
        %parallel_loop3A_624 = arith.extui %parallel_loop3A_623 : i1 to i32
        %parallel_loop3A_625 = arith.constant 0 : i32
        %parallel_loop3A_626 = arith.cmpi slt, %parallel_loop3A_613, %parallel_loop3A_625 : i32
        %parallel_loop3A_627 = arith.extui %parallel_loop3A_626 : i1 to i32
        %parallel_loop3A_628 = arith.subi %parallel_loop3A_624, %parallel_loop3A_627 : i32
        %parallel_loop3A_629 = arith.cmpi ne, %parallel_loop3A_621, %parallel_loop3A_628 : i32
        %parallel_loop3A_630 = arith.remsi %parallel_loop3A_431, %parallel_loop3A_613 : i32
        %parallel_loop3A_631 = arith.constant 0 : i32
        %parallel_loop3A_632 = arith.cmpi ne, %parallel_loop3A_630, %parallel_loop3A_631 : i32
        %parallel_loop3A_633 = arith.andi %parallel_loop3A_629, %parallel_loop3A_632 : i1
        %parallel_loop3A_634 = arith.constant 1 : i32
        %parallel_loop3A_635 = arith.subi %parallel_loop3A_614, %parallel_loop3A_634 : i32
        %parallel_loop3A_636 = arith.select %parallel_loop3A_633, %parallel_loop3A_635, %parallel_loop3A_614 : i32
        %parallel_loop3A_637 = arith.constant 18 : i32
        %parallel_loop3A_638 = arith.addi %parallel_loop3A_637, %parallel_loop3A_636 : i32
        %parallel_loop3A_639 = arith.constant 8 : i32
        %parallel_loop3A_640 = arith.constant 0 : i32
        %parallel_loop3A_641 = arith.cmpi eq, %parallel_loop3A_639, %parallel_loop3A_640 : i32
        %parallel_loop3A_642 = arith.constant 1 : i32
        %parallel_loop3A_643 = arith.select %parallel_loop3A_641, %parallel_loop3A_642, %parallel_loop3A_639 : i32
        %parallel_loop3A_644 = arith.remsi %parallel_loop3A_431, %parallel_loop3A_643 : i32
        %parallel_loop3A_645 = arith.constant 0 : i32
        %parallel_loop3A_646 = arith.cmpi ne, %parallel_loop3A_644, %parallel_loop3A_645 : i32
        %parallel_loop3A_647 = arith.constant 0 : i32
        %parallel_loop3A_648 = arith.cmpi slt, %parallel_loop3A_644, %parallel_loop3A_647 : i32
        %parallel_loop3A_649 = arith.constant 0 : i32
        %parallel_loop3A_650 = arith.cmpi slt, %parallel_loop3A_643, %parallel_loop3A_649 : i32
        %parallel_loop3A_651 = arith.xori %parallel_loop3A_648, %parallel_loop3A_650 : i1
        %parallel_loop3A_652 = arith.andi %parallel_loop3A_651, %parallel_loop3A_646 : i1
        %parallel_loop3A_653 = arith.addi %parallel_loop3A_644, %parallel_loop3A_643 : i32
        %parallel_loop3A_654 = arith.select %parallel_loop3A_652, %parallel_loop3A_653, %parallel_loop3A_644 : i32
        %parallel_loop3A_655 = arith.constant 1 : i32
        %parallel_loop3A_656 = arith.index_cast %parallel_loop3A_655 : i32 to index
        %parallel_loop3A_657 = arith.index_cast %parallel_loop3A_638 : i32 to index
        %parallel_loop3A_658 = arith.index_cast %parallel_loop3A_654 : i32 to index
        %parallel_loop3A_659 = arith.constant 48 : index
        %parallel_loop3A_660 = tpu.vector_load %arg15[%parallel_loop3A_656, %parallel_loop3A_657, %parallel_loop3A_658, %parallel_loop3A_659] {strides = array<i32>} : memref<2x20x8x128xf32, #tpu.memory_space<vmem>>, vector<16xf32>,
        tpu.vector_store %arg15[%parallel_loop3A_656, %parallel_loop3A_657, %parallel_loop3A_658, %parallel_loop3A_659], %parallel_loop3A_612 {strides = array<i32>} : memref<2x20x8x128xf32, #tpu.memory_space<vmem>>, vector<16xf32>,
        %parallel_loop3A_661 = arith.constant 64 : i32
        %parallel_loop3A_662 = vector.broadcast %parallel_loop3A_661 : i32 to vector<16xi32>
        %parallel_loop3A_663 = arith.addi %parallel_loop3A_662, %iota3A : vector<16xi32>
        %parallel_loop3A_664 = arith.constant 1 : i32
        %parallel_loop3A_665 = arith.constant 0 : i32
        %parallel_loop3A_666 = arith.constant 0 : i32
        %parallel_loop3A_667 = tpu.memref_slice %arg14[%parallel_loop3A_664, %parallel_loop3A_665, %parallel_loop3A_666] : memref<2x128x16xf32, #tpu.memory_space<vmem>> -> memref<1x128x16xf32, #tpu.memory_space<vmem>>
        %parallel_loop3A_668 = tpu.memref_squeeze %parallel_loop3A_667 : memref<1x128x16xf32, #tpu.memory_space<vmem>> -> memref<128x16xf32, #tpu.memory_space<vmem>>
        %parallel_loop3A_669 = tpu.vector_load_idx %parallel_loop3A_668[%parallel_loop3A_663, %parallel_loop3A_432] : memref<128x16xf32, #tpu.memory_space<vmem>>[vector<16xi32>, vector<16xi32>], vector<16xf32>,
        %parallel_loop3A_670 = arith.constant 8 : i32
        %parallel_loop3A_671 = arith.divsi %parallel_loop3A_431, %parallel_loop3A_670 : i32
        %parallel_loop3A_672 = arith.constant 0 : i32
        %parallel_loop3A_673 = arith.cmpi sgt, %parallel_loop3A_431, %parallel_loop3A_672 : i32
        %parallel_loop3A_674 = arith.extui %parallel_loop3A_673 : i1 to i32
        %parallel_loop3A_675 = arith.constant 0 : i32
        %parallel_loop3A_676 = arith.cmpi slt, %parallel_loop3A_431, %parallel_loop3A_675 : i32
        %parallel_loop3A_677 = arith.extui %parallel_loop3A_676 : i1 to i32
        %parallel_loop3A_678 = arith.subi %parallel_loop3A_674, %parallel_loop3A_677 : i32
        %parallel_loop3A_679 = arith.constant 0 : i32
        %parallel_loop3A_680 = arith.cmpi sgt, %parallel_loop3A_670, %parallel_loop3A_679 : i32
        %parallel_loop3A_681 = arith.extui %parallel_loop3A_680 : i1 to i32
        %parallel_loop3A_682 = arith.constant 0 : i32
        %parallel_loop3A_683 = arith.cmpi slt, %parallel_loop3A_670, %parallel_loop3A_682 : i32
        %parallel_loop3A_684 = arith.extui %parallel_loop3A_683 : i1 to i32
        %parallel_loop3A_685 = arith.subi %parallel_loop3A_681, %parallel_loop3A_684 : i32
        %parallel_loop3A_686 = arith.cmpi ne, %parallel_loop3A_678, %parallel_loop3A_685 : i32
        %parallel_loop3A_687 = arith.remsi %parallel_loop3A_431, %parallel_loop3A_670 : i32
        %parallel_loop3A_688 = arith.constant 0 : i32
        %parallel_loop3A_689 = arith.cmpi ne, %parallel_loop3A_687, %parallel_loop3A_688 : i32
        %parallel_loop3A_690 = arith.andi %parallel_loop3A_686, %parallel_loop3A_689 : i1
        %parallel_loop3A_691 = arith.constant 1 : i32
        %parallel_loop3A_692 = arith.subi %parallel_loop3A_671, %parallel_loop3A_691 : i32
        %parallel_loop3A_693 = arith.select %parallel_loop3A_690, %parallel_loop3A_692, %parallel_loop3A_671 : i32
        %parallel_loop3A_694 = arith.constant 18 : i32
        %parallel_loop3A_695 = arith.addi %parallel_loop3A_694, %parallel_loop3A_693 : i32
        %parallel_loop3A_696 = arith.constant 8 : i32
        %parallel_loop3A_697 = arith.constant 0 : i32
        %parallel_loop3A_698 = arith.cmpi eq, %parallel_loop3A_696, %parallel_loop3A_697 : i32
        %parallel_loop3A_699 = arith.constant 1 : i32
        %parallel_loop3A_700 = arith.select %parallel_loop3A_698, %parallel_loop3A_699, %parallel_loop3A_696 : i32
        %parallel_loop3A_701 = arith.remsi %parallel_loop3A_431, %parallel_loop3A_700 : i32
        %parallel_loop3A_702 = arith.constant 0 : i32
        %parallel_loop3A_703 = arith.cmpi ne, %parallel_loop3A_701, %parallel_loop3A_702 : i32
        %parallel_loop3A_704 = arith.constant 0 : i32
        %parallel_loop3A_705 = arith.cmpi slt, %parallel_loop3A_701, %parallel_loop3A_704 : i32
        %parallel_loop3A_706 = arith.constant 0 : i32
        %parallel_loop3A_707 = arith.cmpi slt, %parallel_loop3A_700, %parallel_loop3A_706 : i32
        %parallel_loop3A_708 = arith.xori %parallel_loop3A_705, %parallel_loop3A_707 : i1
        %parallel_loop3A_709 = arith.andi %parallel_loop3A_708, %parallel_loop3A_703 : i1
        %parallel_loop3A_710 = arith.addi %parallel_loop3A_701, %parallel_loop3A_700 : i32
        %parallel_loop3A_711 = arith.select %parallel_loop3A_709, %parallel_loop3A_710, %parallel_loop3A_701 : i32
        %parallel_loop3A_712 = arith.constant 1 : i32
        %parallel_loop3A_713 = arith.index_cast %parallel_loop3A_712 : i32 to index
        %parallel_loop3A_714 = arith.index_cast %parallel_loop3A_695 : i32 to index
        %parallel_loop3A_715 = arith.index_cast %parallel_loop3A_711 : i32 to index
        %parallel_loop3A_716 = arith.constant 64 : index
        %parallel_loop3A_717 = tpu.vector_load %arg15[%parallel_loop3A_713, %parallel_loop3A_714, %parallel_loop3A_715, %parallel_loop3A_716] {strides = array<i32>} : memref<2x20x8x128xf32, #tpu.memory_space<vmem>>, vector<16xf32>,
        tpu.vector_store %arg15[%parallel_loop3A_713, %parallel_loop3A_714, %parallel_loop3A_715, %parallel_loop3A_716], %parallel_loop3A_669 {strides = array<i32>} : memref<2x20x8x128xf32, #tpu.memory_space<vmem>>, vector<16xf32>,
        %parallel_loop3A_718 = arith.constant 80 : i32
        %parallel_loop3A_719 = vector.broadcast %parallel_loop3A_718 : i32 to vector<16xi32>
        %parallel_loop3A_720 = arith.addi %parallel_loop3A_719, %iota3A : vector<16xi32>
        %parallel_loop3A_721 = arith.constant 1 : i32
        %parallel_loop3A_722 = arith.constant 0 : i32
        %parallel_loop3A_723 = arith.constant 0 : i32
        %parallel_loop3A_724 = tpu.memref_slice %arg14[%parallel_loop3A_721, %parallel_loop3A_722, %parallel_loop3A_723] : memref<2x128x16xf32, #tpu.memory_space<vmem>> -> memref<1x128x16xf32, #tpu.memory_space<vmem>>
        %parallel_loop3A_725 = tpu.memref_squeeze %parallel_loop3A_724 : memref<1x128x16xf32, #tpu.memory_space<vmem>> -> memref<128x16xf32, #tpu.memory_space<vmem>>
        %parallel_loop3A_726 = tpu.vector_load_idx %parallel_loop3A_725[%parallel_loop3A_720, %parallel_loop3A_432] : memref<128x16xf32, #tpu.memory_space<vmem>>[vector<16xi32>, vector<16xi32>], vector<16xf32>,
        %parallel_loop3A_727 = arith.constant 8 : i32
        %parallel_loop3A_728 = arith.divsi %parallel_loop3A_431, %parallel_loop3A_727 : i32
        %parallel_loop3A_729 = arith.constant 0 : i32
        %parallel_loop3A_730 = arith.cmpi sgt, %parallel_loop3A_431, %parallel_loop3A_729 : i32
        %parallel_loop3A_731 = arith.extui %parallel_loop3A_730 : i1 to i32
        %parallel_loop3A_732 = arith.constant 0 : i32
        %parallel_loop3A_733 = arith.cmpi slt, %parallel_loop3A_431, %parallel_loop3A_732 : i32
        %parallel_loop3A_734 = arith.extui %parallel_loop3A_733 : i1 to i32
        %parallel_loop3A_735 = arith.subi %parallel_loop3A_731, %parallel_loop3A_734 : i32
        %parallel_loop3A_736 = arith.constant 0 : i32
        %parallel_loop3A_737 = arith.cmpi sgt, %parallel_loop3A_727, %parallel_loop3A_736 : i32
        %parallel_loop3A_738 = arith.extui %parallel_loop3A_737 : i1 to i32
        %parallel_loop3A_739 = arith.constant 0 : i32
        %parallel_loop3A_740 = arith.cmpi slt, %parallel_loop3A_727, %parallel_loop3A_739 : i32
        %parallel_loop3A_741 = arith.extui %parallel_loop3A_740 : i1 to i32
        %parallel_loop3A_742 = arith.subi %parallel_loop3A_738, %parallel_loop3A_741 : i32
        %parallel_loop3A_743 = arith.cmpi ne, %parallel_loop3A_735, %parallel_loop3A_742 : i32
        %parallel_loop3A_744 = arith.remsi %parallel_loop3A_431, %parallel_loop3A_727 : i32
        %parallel_loop3A_745 = arith.constant 0 : i32
        %parallel_loop3A_746 = arith.cmpi ne, %parallel_loop3A_744, %parallel_loop3A_745 : i32
        %parallel_loop3A_747 = arith.andi %parallel_loop3A_743, %parallel_loop3A_746 : i1
        %parallel_loop3A_748 = arith.constant 1 : i32
        %parallel_loop3A_749 = arith.subi %parallel_loop3A_728, %parallel_loop3A_748 : i32
        %parallel_loop3A_750 = arith.select %parallel_loop3A_747, %parallel_loop3A_749, %parallel_loop3A_728 : i32
        %parallel_loop3A_751 = arith.constant 18 : i32
        %parallel_loop3A_752 = arith.addi %parallel_loop3A_751, %parallel_loop3A_750 : i32
        %parallel_loop3A_753 = arith.constant 8 : i32
        %parallel_loop3A_754 = arith.constant 0 : i32
        %parallel_loop3A_755 = arith.cmpi eq, %parallel_loop3A_753, %parallel_loop3A_754 : i32
        %parallel_loop3A_756 = arith.constant 1 : i32
        %parallel_loop3A_757 = arith.select %parallel_loop3A_755, %parallel_loop3A_756, %parallel_loop3A_753 : i32
        %parallel_loop3A_758 = arith.remsi %parallel_loop3A_431, %parallel_loop3A_757 : i32
        %parallel_loop3A_759 = arith.constant 0 : i32
        %parallel_loop3A_760 = arith.cmpi ne, %parallel_loop3A_758, %parallel_loop3A_759 : i32
        %parallel_loop3A_761 = arith.constant 0 : i32
        %parallel_loop3A_762 = arith.cmpi slt, %parallel_loop3A_758, %parallel_loop3A_761 : i32
        %parallel_loop3A_763 = arith.constant 0 : i32
        %parallel_loop3A_764 = arith.cmpi slt, %parallel_loop3A_757, %parallel_loop3A_763 : i32
        %parallel_loop3A_765 = arith.xori %parallel_loop3A_762, %parallel_loop3A_764 : i1
        %parallel_loop3A_766 = arith.andi %parallel_loop3A_765, %parallel_loop3A_760 : i1
        %parallel_loop3A_767 = arith.addi %parallel_loop3A_758, %parallel_loop3A_757 : i32
        %parallel_loop3A_768 = arith.select %parallel_loop3A_766, %parallel_loop3A_767, %parallel_loop3A_758 : i32
        %parallel_loop3A_769 = arith.constant 1 : i32
        %parallel_loop3A_770 = arith.index_cast %parallel_loop3A_769 : i32 to index
        %parallel_loop3A_771 = arith.index_cast %parallel_loop3A_752 : i32 to index
        %parallel_loop3A_772 = arith.index_cast %parallel_loop3A_768 : i32 to index
        %parallel_loop3A_773 = arith.constant 80 : index
        %parallel_loop3A_774 = tpu.vector_load %arg15[%parallel_loop3A_770, %parallel_loop3A_771, %parallel_loop3A_772, %parallel_loop3A_773] {strides = array<i32>} : memref<2x20x8x128xf32, #tpu.memory_space<vmem>>, vector<16xf32>,
        tpu.vector_store %arg15[%parallel_loop3A_770, %parallel_loop3A_771, %parallel_loop3A_772, %parallel_loop3A_773], %parallel_loop3A_726 {strides = array<i32>} : memref<2x20x8x128xf32, #tpu.memory_space<vmem>>, vector<16xf32>,
        %parallel_loop3A_775 = arith.constant 96 : i32
        %parallel_loop3A_776 = vector.broadcast %parallel_loop3A_775 : i32 to vector<16xi32>
        %parallel_loop3A_777 = arith.addi %parallel_loop3A_776, %iota3A : vector<16xi32>
        %parallel_loop3A_778 = arith.constant 1 : i32
        %parallel_loop3A_779 = arith.constant 0 : i32
        %parallel_loop3A_780 = arith.constant 0 : i32
        %parallel_loop3A_781 = tpu.memref_slice %arg14[%parallel_loop3A_778, %parallel_loop3A_779, %parallel_loop3A_780] : memref<2x128x16xf32, #tpu.memory_space<vmem>> -> memref<1x128x16xf32, #tpu.memory_space<vmem>>
        %parallel_loop3A_782 = tpu.memref_squeeze %parallel_loop3A_781 : memref<1x128x16xf32, #tpu.memory_space<vmem>> -> memref<128x16xf32, #tpu.memory_space<vmem>>
        %parallel_loop3A_783 = tpu.vector_load_idx %parallel_loop3A_782[%parallel_loop3A_777, %parallel_loop3A_432] : memref<128x16xf32, #tpu.memory_space<vmem>>[vector<16xi32>, vector<16xi32>], vector<16xf32>,
        %parallel_loop3A_784 = arith.constant 8 : i32
        %parallel_loop3A_785 = arith.divsi %parallel_loop3A_431, %parallel_loop3A_784 : i32
        %parallel_loop3A_786 = arith.constant 0 : i32
        %parallel_loop3A_787 = arith.cmpi sgt, %parallel_loop3A_431, %parallel_loop3A_786 : i32
        %parallel_loop3A_788 = arith.extui %parallel_loop3A_787 : i1 to i32
        %parallel_loop3A_789 = arith.constant 0 : i32
        %parallel_loop3A_790 = arith.cmpi slt, %parallel_loop3A_431, %parallel_loop3A_789 : i32
        %parallel_loop3A_791 = arith.extui %parallel_loop3A_790 : i1 to i32
        %parallel_loop3A_792 = arith.subi %parallel_loop3A_788, %parallel_loop3A_791 : i32
        %parallel_loop3A_793 = arith.constant 0 : i32
        %parallel_loop3A_794 = arith.cmpi sgt, %parallel_loop3A_784, %parallel_loop3A_793 : i32
        %parallel_loop3A_795 = arith.extui %parallel_loop3A_794 : i1 to i32
        %parallel_loop3A_796 = arith.constant 0 : i32
        %parallel_loop3A_797 = arith.cmpi slt, %parallel_loop3A_784, %parallel_loop3A_796 : i32
        %parallel_loop3A_798 = arith.extui %parallel_loop3A_797 : i1 to i32
        %parallel_loop3A_799 = arith.subi %parallel_loop3A_795, %parallel_loop3A_798 : i32
        %parallel_loop3A_800 = arith.cmpi ne, %parallel_loop3A_792, %parallel_loop3A_799 : i32
        %parallel_loop3A_801 = arith.remsi %parallel_loop3A_431, %parallel_loop3A_784 : i32
        %parallel_loop3A_802 = arith.constant 0 : i32
        %parallel_loop3A_803 = arith.cmpi ne, %parallel_loop3A_801, %parallel_loop3A_802 : i32
        %parallel_loop3A_804 = arith.andi %parallel_loop3A_800, %parallel_loop3A_803 : i1
        %parallel_loop3A_805 = arith.constant 1 : i32
        %parallel_loop3A_806 = arith.subi %parallel_loop3A_785, %parallel_loop3A_805 : i32
        %parallel_loop3A_807 = arith.select %parallel_loop3A_804, %parallel_loop3A_806, %parallel_loop3A_785 : i32
        %parallel_loop3A_808 = arith.constant 18 : i32
        %parallel_loop3A_809 = arith.addi %parallel_loop3A_808, %parallel_loop3A_807 : i32
        %parallel_loop3A_810 = arith.constant 8 : i32
        %parallel_loop3A_811 = arith.constant 0 : i32
        %parallel_loop3A_812 = arith.cmpi eq, %parallel_loop3A_810, %parallel_loop3A_811 : i32
        %parallel_loop3A_813 = arith.constant 1 : i32
        %parallel_loop3A_814 = arith.select %parallel_loop3A_812, %parallel_loop3A_813, %parallel_loop3A_810 : i32
        %parallel_loop3A_815 = arith.remsi %parallel_loop3A_431, %parallel_loop3A_814 : i32
        %parallel_loop3A_816 = arith.constant 0 : i32
        %parallel_loop3A_817 = arith.cmpi ne, %parallel_loop3A_815, %parallel_loop3A_816 : i32
        %parallel_loop3A_818 = arith.constant 0 : i32
        %parallel_loop3A_819 = arith.cmpi slt, %parallel_loop3A_815, %parallel_loop3A_818 : i32
        %parallel_loop3A_820 = arith.constant 0 : i32
        %parallel_loop3A_821 = arith.cmpi slt, %parallel_loop3A_814, %parallel_loop3A_820 : i32
        %parallel_loop3A_822 = arith.xori %parallel_loop3A_819, %parallel_loop3A_821 : i1
        %parallel_loop3A_823 = arith.andi %parallel_loop3A_822, %parallel_loop3A_817 : i1
        %parallel_loop3A_824 = arith.addi %parallel_loop3A_815, %parallel_loop3A_814 : i32
        %parallel_loop3A_825 = arith.select %parallel_loop3A_823, %parallel_loop3A_824, %parallel_loop3A_815 : i32
        %parallel_loop3A_826 = arith.constant 1 : i32
        %parallel_loop3A_827 = arith.index_cast %parallel_loop3A_826 : i32 to index
        %parallel_loop3A_828 = arith.index_cast %parallel_loop3A_809 : i32 to index
        %parallel_loop3A_829 = arith.index_cast %parallel_loop3A_825 : i32 to index
        %parallel_loop3A_830 = arith.constant 96 : index
        %parallel_loop3A_831 = tpu.vector_load %arg15[%parallel_loop3A_827, %parallel_loop3A_828, %parallel_loop3A_829, %parallel_loop3A_830] {strides = array<i32>} : memref<2x20x8x128xf32, #tpu.memory_space<vmem>>, vector<16xf32>,
        tpu.vector_store %arg15[%parallel_loop3A_827, %parallel_loop3A_828, %parallel_loop3A_829, %parallel_loop3A_830], %parallel_loop3A_783 {strides = array<i32>} : memref<2x20x8x128xf32, #tpu.memory_space<vmem>>, vector<16xf32>,
        %parallel_loop3A_832 = arith.constant 112 : i32
        %parallel_loop3A_833 = vector.broadcast %parallel_loop3A_832 : i32 to vector<16xi32>
        %parallel_loop3A_834 = arith.addi %parallel_loop3A_833, %iota3A : vector<16xi32>
        %parallel_loop3A_835 = arith.constant 1 : i32
        %parallel_loop3A_836 = arith.constant 0 : i32
        %parallel_loop3A_837 = arith.constant 0 : i32
        %parallel_loop3A_838 = tpu.memref_slice %arg14[%parallel_loop3A_835, %parallel_loop3A_836, %parallel_loop3A_837] : memref<2x128x16xf32, #tpu.memory_space<vmem>> -> memref<1x128x16xf32, #tpu.memory_space<vmem>>
        %parallel_loop3A_839 = tpu.memref_squeeze %parallel_loop3A_838 : memref<1x128x16xf32, #tpu.memory_space<vmem>> -> memref<128x16xf32, #tpu.memory_space<vmem>>
        %parallel_loop3A_840 = tpu.vector_load_idx %parallel_loop3A_839[%parallel_loop3A_834, %parallel_loop3A_432] : memref<128x16xf32, #tpu.memory_space<vmem>>[vector<16xi32>, vector<16xi32>], vector<16xf32>,
        %parallel_loop3A_841 = arith.constant 8 : i32
        %parallel_loop3A_842 = arith.divsi %parallel_loop3A_431, %parallel_loop3A_841 : i32
        %parallel_loop3A_843 = arith.constant 0 : i32
        %parallel_loop3A_844 = arith.cmpi sgt, %parallel_loop3A_431, %parallel_loop3A_843 : i32
        %parallel_loop3A_845 = arith.extui %parallel_loop3A_844 : i1 to i32
        %parallel_loop3A_846 = arith.constant 0 : i32
        %parallel_loop3A_847 = arith.cmpi slt, %parallel_loop3A_431, %parallel_loop3A_846 : i32
        %parallel_loop3A_848 = arith.extui %parallel_loop3A_847 : i1 to i32
        %parallel_loop3A_849 = arith.subi %parallel_loop3A_845, %parallel_loop3A_848 : i32
        %parallel_loop3A_850 = arith.constant 0 : i32
        %parallel_loop3A_851 = arith.cmpi sgt, %parallel_loop3A_841, %parallel_loop3A_850 : i32
        %parallel_loop3A_852 = arith.extui %parallel_loop3A_851 : i1 to i32
        %parallel_loop3A_853 = arith.constant 0 : i32
        %parallel_loop3A_854 = arith.cmpi slt, %parallel_loop3A_841, %parallel_loop3A_853 : i32
        %parallel_loop3A_855 = arith.extui %parallel_loop3A_854 : i1 to i32
        %parallel_loop3A_856 = arith.subi %parallel_loop3A_852, %parallel_loop3A_855 : i32
        %parallel_loop3A_857 = arith.cmpi ne, %parallel_loop3A_849, %parallel_loop3A_856 : i32
        %parallel_loop3A_858 = arith.remsi %parallel_loop3A_431, %parallel_loop3A_841 : i32
        %parallel_loop3A_859 = arith.constant 0 : i32
        %parallel_loop3A_860 = arith.cmpi ne, %parallel_loop3A_858, %parallel_loop3A_859 : i32
        %parallel_loop3A_861 = arith.andi %parallel_loop3A_857, %parallel_loop3A_860 : i1
        %parallel_loop3A_862 = arith.constant 1 : i32
        %parallel_loop3A_863 = arith.subi %parallel_loop3A_842, %parallel_loop3A_862 : i32
        %parallel_loop3A_864 = arith.select %parallel_loop3A_861, %parallel_loop3A_863, %parallel_loop3A_842 : i32
        %parallel_loop3A_865 = arith.constant 18 : i32
        %parallel_loop3A_866 = arith.addi %parallel_loop3A_865, %parallel_loop3A_864 : i32
        %parallel_loop3A_867 = arith.constant 8 : i32
        %parallel_loop3A_868 = arith.constant 0 : i32
        %parallel_loop3A_869 = arith.cmpi eq, %parallel_loop3A_867, %parallel_loop3A_868 : i32
        %parallel_loop3A_870 = arith.constant 1 : i32
        %parallel_loop3A_871 = arith.select %parallel_loop3A_869, %parallel_loop3A_870, %parallel_loop3A_867 : i32
        %parallel_loop3A_872 = arith.remsi %parallel_loop3A_431, %parallel_loop3A_871 : i32
        %parallel_loop3A_873 = arith.constant 0 : i32
        %parallel_loop3A_874 = arith.cmpi ne, %parallel_loop3A_872, %parallel_loop3A_873 : i32
        %parallel_loop3A_875 = arith.constant 0 : i32
        %parallel_loop3A_876 = arith.cmpi slt, %parallel_loop3A_872, %parallel_loop3A_875 : i32
        %parallel_loop3A_877 = arith.constant 0 : i32
        %parallel_loop3A_878 = arith.cmpi slt, %parallel_loop3A_871, %parallel_loop3A_877 : i32
        %parallel_loop3A_879 = arith.xori %parallel_loop3A_876, %parallel_loop3A_878 : i1
        %parallel_loop3A_880 = arith.andi %parallel_loop3A_879, %parallel_loop3A_874 : i1
        %parallel_loop3A_881 = arith.addi %parallel_loop3A_872, %parallel_loop3A_871 : i32
        %parallel_loop3A_882 = arith.select %parallel_loop3A_880, %parallel_loop3A_881, %parallel_loop3A_872 : i32
        %parallel_loop3A_883 = arith.constant 1 : i32
        %parallel_loop3A_884 = arith.index_cast %parallel_loop3A_883 : i32 to index
        %parallel_loop3A_885 = arith.index_cast %parallel_loop3A_866 : i32 to index
        %parallel_loop3A_886 = arith.index_cast %parallel_loop3A_882 : i32 to index
        %parallel_loop3A_887 = arith.constant 112 : index
        %parallel_loop3A_888 = tpu.vector_load %arg15[%parallel_loop3A_884, %parallel_loop3A_885, %parallel_loop3A_886, %parallel_loop3A_887] {strides = array<i32>} : memref<2x20x8x128xf32, #tpu.memory_space<vmem>>, vector<16xf32>,
        tpu.vector_store %arg15[%parallel_loop3A_884, %parallel_loop3A_885, %parallel_loop3A_886, %parallel_loop3A_887], %parallel_loop3A_840 {strides = array<i32>} : memref<2x20x8x128xf32, #tpu.memory_space<vmem>>, vector<16xf32>,
      } {sc.loop_unroll_factor = 8 : i64, sc.parallel_access}
      %add3A_362 = arith.constant 2 : i32
      %add3A_363 = arith.addi %add3A_314, %add3A_362 : i32
      %lt3A_364 = arith.constant 50 : i32
      %lt3A_365 = arith.cmpi slt, %add3A_363, %lt3A_364 : i32
      %convert_element_type3A_366 = arith.extui %lt3A_365 : i1 to i32
      %cond3A_367 = arith.constant 0 : i32
      %cond3A_368 = arith.cmpi ne, %convert_element_type3A_366, %cond3A_367 : i32
      scf.if %cond3A_368 {
        %add3A_431 = arith.constant 2 : i32
        %add3A_432 = arith.addi %add3A_314, %add3A_431 : i32
        %dma_start3A_433 = arith.constant 1 : i32
        %dma_start3A_434 = arith.constant 0 : i32
        %dma_start3A_435 = arith.constant 0 : i32
        %dma_start3A_436 = tpu.memref_slice %arg12[%dma_start3A_433, %dma_start3A_434, %dma_start3A_435] : memref<2x128x128xf32, #tpu.memory_space<vmem>> -> memref<1x128x128xf32, #tpu.memory_space<vmem>>
        %dma_start3A_437 = tpu.memref_squeeze %dma_start3A_436 : memref<1x128x128xf32, #tpu.memory_space<vmem>> -> memref<128x128xf32, #tpu.memory_space<vmem>>
        %dma_start3A_438 = arith.constant 0 : i32
        %dma_start3A_439 = tpu.memref_slice %arg9[%add3A_432, %dma_start3A_438] : memref<50x128xi32, #tpu.memory_space<vmem>> -> memref<1x128xi32, #tpu.memory_space<vmem>>
        %dma_start3A_440 = tpu.memref_squeeze %dma_start3A_439 : memref<1x128xi32, #tpu.memory_space<vmem>> -> memref<128xi32, #tpu.memory_space<vmem>>
        %dma_start3A_441 = arith.constant 0 : i32
        %dma_start3A_442 = arith.constant 0 : i32
        %dma_start3A_443 = tpu.memref_slice %arg2[%dma_start3A_441, %dma_start3A_442] : memref<100000x128xf32, #tpu.memory_space<hbm>> -> memref<100000x128xf32, #tpu.memory_space<hbm>>
        tpu.enqueue_indirect_dma source(%dma_start3A_443 : memref<100000x128xf32, #tpu.memory_space<hbm>>) target(%dma_start3A_437 : memref<128x128xf32, #tpu.memory_space<vmem>>) offsets(%dma_start3A_440 : memref<128xi32, #tpu.memory_space<vmem>>) semaphore(%arg17 : memref<!tpu.dma_semaphore, #tpu.memory_space<semaphore_mem>>)
        %dma_start3A_444 = arith.constant 1 : i32
        %dma_start3A_445 = arith.constant 0 : i32
        %dma_start3A_446 = arith.constant 0 : i32
        %dma_start3A_447 = tpu.memref_slice %arg13[%dma_start3A_444, %dma_start3A_445, %dma_start3A_446] : memref<2x128x16xf32, #tpu.memory_space<vmem>> -> memref<1x128x16xf32, #tpu.memory_space<vmem>>
        %dma_start3A_448 = tpu.memref_squeeze %dma_start3A_447 : memref<1x128x16xf32, #tpu.memory_space<vmem>> -> memref<128x16xf32, #tpu.memory_space<vmem>>
        %dma_start3A_449 = arith.constant 0 : i32
        %dma_start3A_450 = tpu.memref_slice %arg10[%add3A_432, %dma_start3A_449] : memref<50x128xi32, #tpu.memory_space<vmem>> -> memref<1x128xi32, #tpu.memory_space<vmem>>
        %dma_start3A_451 = tpu.memref_squeeze %dma_start3A_450 : memref<1x128xi32, #tpu.memory_space<vmem>> -> memref<128xi32, #tpu.memory_space<vmem>>
        %dma_start3A_452 = arith.constant 0 : i32
        %dma_start3A_453 = arith.constant 0 : i32
        %dma_start3A_454 = tpu.memref_slice %arg3[%dma_start3A_452, %dma_start3A_453] : memref<513x16xf32, #tpu.memory_space<hbm>> -> memref<513x16xf32, #tpu.memory_space<hbm>>
        tpu.enqueue_indirect_dma source(%dma_start3A_454 : memref<513x16xf32, #tpu.memory_space<hbm>>) target(%dma_start3A_448 : memref<128x16xf32, #tpu.memory_space<vmem>>) offsets(%dma_start3A_451 : memref<128xi32, #tpu.memory_space<vmem>>) semaphore(%arg17 : memref<!tpu.dma_semaphore, #tpu.memory_space<semaphore_mem>>)
        %dma_start3A_455 = arith.constant 1 : i32
        %dma_start3A_456 = arith.constant 0 : i32
        %dma_start3A_457 = arith.constant 0 : i32
        %dma_start3A_458 = tpu.memref_slice %arg14[%dma_start3A_455, %dma_start3A_456, %dma_start3A_457] : memref<2x128x16xf32, #tpu.memory_space<vmem>> -> memref<1x128x16xf32, #tpu.memory_space<vmem>>
        %dma_start3A_459 = tpu.memref_squeeze %dma_start3A_458 : memref<1x128x16xf32, #tpu.memory_space<vmem>> -> memref<128x16xf32, #tpu.memory_space<vmem>>
        %dma_start3A_460 = arith.constant 0 : i32
        %dma_start3A_461 = tpu.memref_slice %arg11[%add3A_432, %dma_start3A_460] : memref<50x128xi32, #tpu.memory_space<vmem>> -> memref<1x128xi32, #tpu.memory_space<vmem>>
        %dma_start3A_462 = tpu.memref_squeeze %dma_start3A_461 : memref<1x128xi32, #tpu.memory_space<vmem>> -> memref<128xi32, #tpu.memory_space<vmem>>
        %dma_start3A_463 = arith.constant 0 : i32
        %dma_start3A_464 = arith.constant 0 : i32
        %dma_start3A_465 = tpu.memref_slice %arg4[%dma_start3A_463, %dma_start3A_464] : memref<513x16xf32, #tpu.memory_space<hbm>> -> memref<513x16xf32, #tpu.memory_space<hbm>>
        tpu.enqueue_indirect_dma source(%dma_start3A_465 : memref<513x16xf32, #tpu.memory_space<hbm>>) target(%dma_start3A_459 : memref<128x16xf32, #tpu.memory_space<vmem>>) offsets(%dma_start3A_462 : memref<128xi32, #tpu.memory_space<vmem>>) semaphore(%arg17 : memref<!tpu.dma_semaphore, #tpu.memory_space<semaphore_mem>>)
      } else {
      }
      %add3A_369 = arith.addi %mul3A_2, %add3A_314 : i32
      %jit3A_370 = arith.constant 8 : i32
      %div3A_371 = arith.divsi %add3A_369, %jit3A_370 : i32
      %sign3A_372 = arith.constant 0 : i32
      %sign3A_373 = arith.cmpi sgt, %add3A_369, %sign3A_372 : i32
      %sign3A_374 = arith.extui %sign3A_373 : i1 to i32
      %sign3A_375 = arith.constant 0 : i32
      %sign3A_376 = arith.cmpi slt, %add3A_369, %sign3A_375 : i32
      %sign3A_377 = arith.extui %sign3A_376 : i1 to i32
      %sign3A_378 = arith.subi %sign3A_374, %sign3A_377 : i32
      %sign3A_379 = arith.constant 0 : i32
      %sign3A_380 = arith.cmpi sgt, %jit3A_370, %sign3A_379 : i32
      %sign3A_381 = arith.extui %sign3A_380 : i1 to i32
      %sign3A_382 = arith.constant 0 : i32
      %sign3A_383 = arith.cmpi slt, %jit3A_370, %sign3A_382 : i32
      %sign3A_384 = arith.extui %sign3A_383 : i1 to i32
      %sign3A_385 = arith.subi %sign3A_381, %sign3A_384 : i32
      %ne3A_386 = arith.cmpi ne, %sign3A_378, %sign3A_385 : i32
      %rem3A_387 = arith.remsi %add3A_369, %jit3A_370 : i32
      %ne3A_388 = arith.constant 0 : i32
      %ne3A_389 = arith.cmpi ne, %rem3A_387, %ne3A_388 : i32
      %and3A_390 = arith.andi %ne3A_386, %ne3A_389 : i1
      %sub3A_391 = arith.constant 1 : i32
      %sub3A_392 = arith.subi %div3A_371, %sub3A_391 : i32
      %select_n3A_393 = arith.select %and3A_390, %sub3A_392, %div3A_371 : i32
      %jit3A_394 = arith.constant 8 : i32
      %eq3A_395 = arith.constant 0 : i32
      %eq3A_396 = arith.cmpi eq, %jit3A_394, %eq3A_395 : i32
      %jit3A_397 = arith.constant 1 : i32
      %select_n3A_398 = arith.select %eq3A_396, %jit3A_397, %jit3A_394 : i32
      %rem3A_399 = arith.remsi %add3A_369, %select_n3A_398 : i32
      %ne3A_400 = arith.constant 0 : i32
      %ne3A_401 = arith.cmpi ne, %rem3A_399, %ne3A_400 : i32
      %lt3A_402 = arith.constant 0 : i32
      %lt3A_403 = arith.cmpi slt, %rem3A_399, %lt3A_402 : i32
      %lt3A_404 = arith.constant 0 : i32
      %lt3A_405 = arith.cmpi slt, %select_n3A_398, %lt3A_404 : i32
      %ne3A_406 = arith.xori %lt3A_403, %lt3A_405 : i1
      %and3A_407 = arith.andi %ne3A_406, %ne3A_401 : i1
      %add3A_408 = arith.addi %rem3A_399, %select_n3A_398 : i32
      %select_n3A_409 = arith.select %and3A_407, %add3A_408, %rem3A_399 : i32
      %dma_start3A_410 = arith.constant 1 : i32
      %dma_start3A_411 = arith.constant 0 : i32
      %dma_start3A_412 = arith.constant 0 : i32
      %dma_start3A_413 = arith.constant 0 : i32
      %dma_start3A_414 = tpu.memref_slice %arg15[%dma_start3A_410, %dma_start3A_411, %dma_start3A_412, %dma_start3A_413] : memref<2x20x8x128xf32, #tpu.memory_space<vmem>> -> memref<1x20x8x128xf32, #tpu.memory_space<vmem>>
      %dma_start3A_415 = tpu.memref_squeeze %dma_start3A_414 : memref<1x20x8x128xf32, #tpu.memory_space<vmem>> -> memref<20x8x128xf32, #tpu.memory_space<vmem>>
      %dma_start3A_416 = arith.constant 0 : i32
      %dma_start3A_417 = arith.constant 0 : i32
      %dma_start3A_418 = arith.constant 0 : i32
      %dma_start3A_419 = tpu.memref_slice %arg8[%select_n3A_393, %dma_start3A_416, %select_n3A_409, %dma_start3A_417, %dma_start3A_418] : memref<200x20x8x8x128xf32, #tpu.memory_space<hbm>> -> memref<1x20x1x8x128xf32, #tpu.memory_space<hbm>>
      %dma_start3A_420 = tpu.memref_squeeze %dma_start3A_419 : memref<1x20x1x8x128xf32, #tpu.memory_space<hbm>> -> memref<20x8x128xf32, #tpu.memory_space<hbm>>
      %dma_start3A_421 = arith.constant 0 : i32
      %dma_start3A_422 = arith.constant 0 : i32
      %dma_start3A_423 = arith.constant 0 : i32
      %dma_start3A_424 = tpu.memref_slice %arg8[%select_n3A_393, %dma_start3A_421, %select_n3A_409, %dma_start3A_422, %dma_start3A_423] : memref<200x20x8x8x128xf32, #tpu.memory_space<hbm>> -> memref<1x20x1x8x128xf32, #tpu.memory_space<hbm>>
      %dma_start3A_425 = tpu.memref_squeeze %dma_start3A_424 : memref<1x20x1x8x128xf32, #tpu.memory_space<hbm>> -> memref<20x8x128xf32, #tpu.memory_space<hbm>>
      %dma_start3A_426 = arith.constant 0 : i32
      %dma_start3A_427 = arith.constant 0 : i32
      %dma_start3A_428 = arith.constant 0 : i32
      %dma_start3A_429 = tpu.memref_slice %arg15[%dma_start3A_410, %dma_start3A_426, %dma_start3A_427, %dma_start3A_428] : memref<2x20x8x128xf32, #tpu.memory_space<vmem>> -> memref<1x20x8x128xf32, #tpu.memory_space<vmem>>
      %dma_start3A_430 = tpu.memref_squeeze %dma_start3A_429 : memref<1x20x8x128xf32, #tpu.memory_space<vmem>> -> memref<20x8x128xf32, #tpu.memory_space<vmem>>
      tpu.enqueue_dma source(%dma_start3A_430 : memref<20x8x128xf32, #tpu.memory_space<vmem>>) target(%dma_start3A_425 : memref<20x8x128xf32, #tpu.memory_space<hbm>>) target_semaphore(%arg19 : memref<!tpu.dma_semaphore, #tpu.memory_space<semaphore_mem>>)
    }
    %scan3A_78 = arith.constant 25 : i32
    %add3A_79 = arith.constant 48 : i32
    %add3A_80 = arith.addi %mul3A_2, %add3A_79 : i32
    %jit3A = arith.constant 8 : i32
    %div3A = arith.divsi %add3A_80, %jit3A : i32
    %sign3A = arith.constant 0 : i32
    %sign3A_81 = arith.cmpi sgt, %add3A_80, %sign3A : i32
    %sign3A_82 = arith.extui %sign3A_81 : i1 to i32
    %sign3A_83 = arith.constant 0 : i32
    %sign3A_84 = arith.cmpi slt, %add3A_80, %sign3A_83 : i32
    %sign3A_85 = arith.extui %sign3A_84 : i1 to i32
    %sign3A_86 = arith.subi %sign3A_82, %sign3A_85 : i32
    %sign3A_87 = arith.constant 0 : i32
    %sign3A_88 = arith.cmpi sgt, %jit3A, %sign3A_87 : i32
    %sign3A_89 = arith.extui %sign3A_88 : i1 to i32
    %sign3A_90 = arith.constant 0 : i32
    %sign3A_91 = arith.cmpi slt, %jit3A, %sign3A_90 : i32
    %sign3A_92 = arith.extui %sign3A_91 : i1 to i32
    %sign3A_93 = arith.subi %sign3A_89, %sign3A_92 : i32
    %ne3A = arith.cmpi ne, %sign3A_86, %sign3A_93 : i32
    %rem3A = arith.remsi %add3A_80, %jit3A : i32
    %ne3A_94 = arith.constant 0 : i32
    %ne3A_95 = arith.cmpi ne, %rem3A, %ne3A_94 : i32
    %and3A = arith.andi %ne3A, %ne3A_95 : i1
    %sub3A = arith.constant 1 : i32
    %sub3A_96 = arith.subi %div3A, %sub3A : i32
    %select_n3A = arith.select %and3A, %sub3A_96, %div3A : i32
    %jit3A_97 = arith.constant 8 : i32
    %eq3A = arith.constant 0 : i32
    %eq3A_98 = arith.cmpi eq, %jit3A_97, %eq3A : i32
    %jit3A_99 = arith.constant 1 : i32
    %select_n3A_100 = arith.select %eq3A_98, %jit3A_99, %jit3A_97 : i32
    %rem3A_101 = arith.remsi %add3A_80, %select_n3A_100 : i32
    %ne3A_102 = arith.constant 0 : i32
    %ne3A_103 = arith.cmpi ne, %rem3A_101, %ne3A_102 : i32
    %lt3A = arith.constant 0 : i32
    %lt3A_104 = arith.cmpi slt, %rem3A_101, %lt3A : i32
    %lt3A_105 = arith.constant 0 : i32
    %lt3A_106 = arith.cmpi slt, %select_n3A_100, %lt3A_105 : i32
    %ne3A_107 = arith.xori %lt3A_104, %lt3A_106 : i1
    %and3A_108 = arith.andi %ne3A_107, %ne3A_103 : i1
    %add3A_109 = arith.addi %rem3A_101, %select_n3A_100 : i32
    %select_n3A_110 = arith.select %and3A_108, %add3A_109, %rem3A_101 : i32
    %dma_wait3A = arith.constant 0 : i32
    %dma_wait3A_111 = arith.constant 0 : i32
    %dma_wait3A_112 = arith.constant 0 : i32
    %dma_wait3A_113 = arith.constant 0 : i32
    %dma_wait3A_114 = tpu.memref_slice %arg15[%dma_wait3A, %dma_wait3A_111, %dma_wait3A_112, %dma_wait3A_113] : memref<2x20x8x128xf32, #tpu.memory_space<vmem>> -> memref<1x20x8x128xf32, #tpu.memory_space<vmem>>
    %dma_wait3A_115 = tpu.memref_squeeze %dma_wait3A_114 : memref<1x20x8x128xf32, #tpu.memory_space<vmem>> -> memref<20x8x128xf32, #tpu.memory_space<vmem>>
    %dma_wait3A_116 = arith.constant 0 : i32
    %dma_wait3A_117 = arith.constant 0 : i32
    %dma_wait3A_118 = arith.constant 0 : i32
    %dma_wait3A_119 = tpu.memref_slice %arg8[%select_n3A, %dma_wait3A_116, %select_n3A_110, %dma_wait3A_117, %dma_wait3A_118] : memref<200x20x8x8x128xf32, #tpu.memory_space<hbm>> -> memref<1x20x1x8x128xf32, #tpu.memory_space<hbm>>
    %dma_wait3A_120 = tpu.memref_squeeze %dma_wait3A_119 : memref<1x20x1x8x128xf32, #tpu.memory_space<hbm>> -> memref<20x8x128xf32, #tpu.memory_space<hbm>>
    %dma_wait3A_121 = arith.constant 0 : i32
    %dma_wait3A_122 = arith.constant 0 : i32
    %dma_wait3A_123 = arith.constant 0 : i32
    %dma_wait3A_124 = tpu.memref_slice %arg8[%select_n3A, %dma_wait3A_121, %select_n3A_110, %dma_wait3A_122, %dma_wait3A_123] : memref<200x20x8x8x128xf32, #tpu.memory_space<hbm>> -> memref<1x20x1x8x128xf32, #tpu.memory_space<hbm>>
    %dma_wait3A_125 = tpu.memref_squeeze %dma_wait3A_124 : memref<1x20x1x8x128xf32, #tpu.memory_space<hbm>> -> memref<20x8x128xf32, #tpu.memory_space<hbm>>
    %dma_wait3A_126 = arith.constant 0 : i32
    %dma_wait3A_127 = arith.constant 0 : i32
    %dma_wait3A_128 = arith.constant 0 : i32
    %dma_wait3A_129 = tpu.memref_slice %arg15[%dma_wait3A, %dma_wait3A_126, %dma_wait3A_127, %dma_wait3A_128] : memref<2x20x8x128xf32, #tpu.memory_space<vmem>> -> memref<1x20x8x128xf32, #tpu.memory_space<vmem>>
    %dma_wait3A_130 = tpu.memref_squeeze %dma_wait3A_129 : memref<1x20x8x128xf32, #tpu.memory_space<vmem>> -> memref<20x8x128xf32, #tpu.memory_space<vmem>>
    tpu.wait_dma2 semaphore(%arg18 : memref<!tpu.dma_semaphore, #tpu.memory_space<semaphore_mem>>) src(%dma_wait3A_130 : memref<20x8x128xf32, #tpu.memory_space<vmem>>) dst(%dma_wait3A_125 : memref<20x8x128xf32, #tpu.memory_space<hbm>>)
    %add3A_131 = arith.constant 49 : i32
    %add3A_132 = arith.addi %mul3A_2, %add3A_131 : i32
    %jit3A_133 = arith.constant 8 : i32
    %div3A_134 = arith.divsi %add3A_132, %jit3A_133 : i32
    %sign3A_135 = arith.constant 0 : i32
    %sign3A_136 = arith.cmpi sgt, %add3A_132, %sign3A_135 : i32
    %sign3A_137 = arith.extui %sign3A_136 : i1 to i32
    %sign3A_138 = arith.constant 0 : i32
    %sign3A_139 = arith.cmpi slt, %add3A_132, %sign3A_138 : i32
    %sign3A_140 = arith.extui %sign3A_139 : i1 to i32
    %sign3A_141 = arith.subi %sign3A_137, %sign3A_140 : i32
    %sign3A_142 = arith.constant 0 : i32
    %sign3A_143 = arith.cmpi sgt, %jit3A_133, %sign3A_142 : i32
    %sign3A_144 = arith.extui %sign3A_143 : i1 to i32
    %sign3A_145 = arith.constant 0 : i32
    %sign3A_146 = arith.cmpi slt, %jit3A_133, %sign3A_145 : i32
    %sign3A_147 = arith.extui %sign3A_146 : i1 to i32
    %sign3A_148 = arith.subi %sign3A_144, %sign3A_147 : i32
    %ne3A_149 = arith.cmpi ne, %sign3A_141, %sign3A_148 : i32
    %rem3A_150 = arith.remsi %add3A_132, %jit3A_133 : i32
    %ne3A_151 = arith.constant 0 : i32
    %ne3A_152 = arith.cmpi ne, %rem3A_150, %ne3A_151 : i32
    %and3A_153 = arith.andi %ne3A_149, %ne3A_152 : i1
    %sub3A_154 = arith.constant 1 : i32
    %sub3A_155 = arith.subi %div3A_134, %sub3A_154 : i32
    %select_n3A_156 = arith.select %and3A_153, %sub3A_155, %div3A_134 : i32
    %jit3A_157 = arith.constant 8 : i32
    %eq3A_158 = arith.constant 0 : i32
    %eq3A_159 = arith.cmpi eq, %jit3A_157, %eq3A_158 : i32
    %jit3A_160 = arith.constant 1 : i32
    %select_n3A_161 = arith.select %eq3A_159, %jit3A_160, %jit3A_157 : i32
    %rem3A_162 = arith.remsi %add3A_132, %select_n3A_161 : i32
    %ne3A_163 = arith.constant 0 : i32
    %ne3A_164 = arith.cmpi ne, %rem3A_162, %ne3A_163 : i32
    %lt3A_165 = arith.constant 0 : i32
    %lt3A_166 = arith.cmpi slt, %rem3A_162, %lt3A_165 : i32
    %lt3A_167 = arith.constant 0 : i32
    %lt3A_168 = arith.cmpi slt, %select_n3A_161, %lt3A_167 : i32
    %ne3A_169 = arith.xori %lt3A_166, %lt3A_168 : i1
    %and3A_170 = arith.andi %ne3A_169, %ne3A_164 : i1
    %add3A_171 = arith.addi %rem3A_162, %select_n3A_161 : i32
    %select_n3A_172 = arith.select %and3A_170, %add3A_171, %rem3A_162 : i32
    %dma_wait3A_173 = arith.constant 1 : i32
    %dma_wait3A_174 = arith.constant 0 : i32
    %dma_wait3A_175 = arith.constant 0 : i32
    %dma_wait3A_176 = arith.constant 0 : i32
    %dma_wait3A_177 = tpu.memref_slice %arg15[%dma_wait3A_173, %dma_wait3A_174, %dma_wait3A_175, %dma_wait3A_176] : memref<2x20x8x128xf32, #tpu.memory_space<vmem>> -> memref<1x20x8x128xf32, #tpu.memory_space<vmem>>
    %dma_wait3A_178 = tpu.memref_squeeze %dma_wait3A_177 : memref<1x20x8x128xf32, #tpu.memory_space<vmem>> -> memref<20x8x128xf32, #tpu.memory_space<vmem>>
    %dma_wait3A_179 = arith.constant 0 : i32
    %dma_wait3A_180 = arith.constant 0 : i32
    %dma_wait3A_181 = arith.constant 0 : i32
    %dma_wait3A_182 = tpu.memref_slice %arg8[%select_n3A_156, %dma_wait3A_179, %select_n3A_172, %dma_wait3A_180, %dma_wait3A_181] : memref<200x20x8x8x128xf32, #tpu.memory_space<hbm>> -> memref<1x20x1x8x128xf32, #tpu.memory_space<hbm>>
    %dma_wait3A_183 = tpu.memref_squeeze %dma_wait3A_182 : memref<1x20x1x8x128xf32, #tpu.memory_space<hbm>> -> memref<20x8x128xf32, #tpu.memory_space<hbm>>
    %dma_wait3A_184 = arith.constant 0 : i32
    %dma_wait3A_185 = arith.constant 0 : i32
    %dma_wait3A_186 = arith.constant 0 : i32
    %dma_wait3A_187 = tpu.memref_slice %arg8[%select_n3A_156, %dma_wait3A_184, %select_n3A_172, %dma_wait3A_185, %dma_wait3A_186] : memref<200x20x8x8x128xf32, #tpu.memory_space<hbm>> -> memref<1x20x1x8x128xf32, #tpu.memory_space<hbm>>
    %dma_wait3A_188 = tpu.memref_squeeze %dma_wait3A_187 : memref<1x20x1x8x128xf32, #tpu.memory_space<hbm>> -> memref<20x8x128xf32, #tpu.memory_space<hbm>>
    %dma_wait3A_189 = arith.constant 0 : i32
    %dma_wait3A_190 = arith.constant 0 : i32
    %dma_wait3A_191 = arith.constant 0 : i32
    %dma_wait3A_192 = tpu.memref_slice %arg15[%dma_wait3A_173, %dma_wait3A_189, %dma_wait3A_190, %dma_wait3A_191] : memref<2x20x8x128xf32, #tpu.memory_space<vmem>> -> memref<1x20x8x128xf32, #tpu.memory_space<vmem>>
    %dma_wait3A_193 = tpu.memref_squeeze %dma_wait3A_192 : memref<1x20x8x128xf32, #tpu.memory_space<vmem>> -> memref<20x8x128xf32, #tpu.memory_space<vmem>>
    tpu.wait_dma2 semaphore(%arg19 : memref<!tpu.dma_semaphore, #tpu.memory_space<semaphore_mem>>) src(%dma_wait3A_193 : memref<20x8x128xf32, #tpu.memory_space<vmem>>) dst(%dma_wait3A_188 : memref<20x8x128xf32, #tpu.memory_space<hbm>>)
    return
  }
}

</mosaic_0001>

<sc_bundles>
// kernel: kernel.3.cloned.1.call-start
scs
__scs_entry_jumppad:
0x0: {  	(pc) =	sbr.rel $0x88, $3  }
0x1: {  	(tag) =	ssettag $0x0;
	lr =	simm.s32 $0x1  }
0x2: {  	[smem:$0x3F9B] =	sst lr;
	_ =	strace $0xD0000000  }
0x3: {  	_ = 	snop  }
0x4: {  	_ = 	snop  }
0x5: {  	_ = 	snop  }
0x6: {  	_ = 	snop  }
0x7: {  	_ = 	snop  }
__scs_overlays_trampoline_lowered:
0x8: {  	[smem:$0x3FAA] =	sst s0  }
0x9: {  	[smem:$0x3FAB] =	sst s1  }
0xa: {  	[smem:$0x3FAC] =	sst s2  }
0xb: {  	[smem:$0x3FAD] =	sst s3  }
0xc: {  	[smem:$0x3FAE] =	sst s4  }
0xd: {  	[smem:$0x3FAF] =	sst s5  }
0xe: {  	[smem:$0x3FB0] =	sst s6  }
0xf: {  	[smem:$0x3FB1] =	sst s7  }
0x10: {  	[smem:$0x3FB2] =	sst s8  }
0x11: {  	[smem:$0x3FB3] =	sst s9;
	s0 =	simm.s32 @!p0 $0x0  }
0x12: {  	s1 =	sld [smem:$0x3F99];
	s0 =	simm.s32 @p0 $0x1  }
0x13: {  	[smem:$0x3FB4] =	sst s0;
	s0 =	simm.s32 @!p1 $0x0  }
0x14: {  	s2 =	sld [smem:$0x3F98];
	s0 =	simm.s32 @p1 $0x1  }
0x15: {  	[smem:$0x3FB5] =	sst s0;
	s0 =	simm.s32 @!p2 $0x0  }
0x16: {  	s3 =	sld [smem:$0x3FDB];
	s0 =	simm.s32 @p2 $0x1  }
0x17: {  	s4 =	simm.s32 $0x1BF5;
	[smem:$0x3FB7] =	sst s0  }
0x18: {  	s0 =	sld [smem:$0x3F9A];
	_ =	swait.ge [sflag:s4], $0x0  }
0x19: {  	s7 =	sld [smem:$0x3F9B]  }
0x1a: {  	s8 =	sadd.s32 $0xFFFFE003, lr  }
0x1b: {  	s9 =	sadd.s32 $0xFFFFFEF7, lr;
	s5 =	simm.s32 $0xFFFFFFFF;
	p2 =	slt.u32 s8, $0xFFFFF086  }
0x1c: {  	p1 =	slt.u32 s9, $0xF7A;
	s5 =	simm.s32 @!p2 $0x0  }
0x1d: {  	s5 =	simm.s32 @p1 $0x1;
	p0 =	seq.s32 s7, s2  }
0x1e: {  	s7 =	smul.u32 @!p0 $0xF7A, s2;
	p2 =	seq.s32 @!p0 s5, $0x0  }
0x1f: {  	s9 =	smul.u32 $0xF7A, s1;
	s8 =	simm.s32 @!p0 $0x1BF5;
	p2 =	por !p2, p0  }
0x20: {  	[sflag:s8] =	ssyncset.s32 @!p0 $0xFFFFF086;
	s6 =	sadd.s32 @!p0 s3, s7;
	s7 =	simm.s32 @!p0 $0x108  }
0x21: {  	s3 =	sadd.s32 s3, s9;
	s6 =	sadd.s32 @!p0 $0x88, s6;
	s7 =	simm.s32 @p2 $0x1082  }
0x22: {  	[simem:s7], [sflag:s8] =	dma.local @!p0 [hbm:s6], $0xF7A  }
0x23: {  	s9 =	sor.u32 $0xD0000000, s2;
	s6 =	simm.s32 $0x108;
	_ =	swait.ge @!p0 [sflag:s8], $0x0  }
0x24: {  	s3 =	sadd.s32 $0x88, s3;
	s6 =	simm.s32 @!p1 $0x1082;
	[sflag:s4] =	ssyncset.s32 $0xFFFFF086  }
0x25: {  	[simem:s6], [sflag:s4] =	dma.local [hbm:s3], $0xF7A  }
0x26: {  	[smem:$0x3F9B] =	sst s1;
	(tag) =	ssettag s2;
	_ =	strace s9  }
0x27: {  	s1 =	sld [smem:$0x3FAB]  }
0x28: {  	s2 =	sld [smem:$0x3FAC]  }
0x29: {  	s4 =	sld [smem:$0x3FAE]  }
0x2a: {  	p0 =	seq.s32 s5, $0x0;
	s5 =	sld [smem:$0x3FAF]  }
0x2b: {  	s6 =	sld [smem:$0x3FB0]  }
0x2c: {  	s7 =	sld [smem:$0x3FB1]  }
0x2d: {  	s3 =	simm.s32 $0x108;
	s8 =	sld [smem:$0x3FB2]  }
0x2e: {  	s3 =	simm.s32 @!p0 $0x1082;
	s9 =	sld [smem:$0x3FB3]  }
0x2f: {  	lr =	sadd.s32 s0, s3;
	s0 =	sld [smem:$0x3FAA]  }
0x30: {  	s3 =	sld [smem:$0x3FAD]  }
0x31: {  	[smem:$0x3FB6] =	sst s10  }
0x32: {  	s10 =	sld [smem:$0x3FB4];
	_ =	sdelay $0x3  }
0x33: {  	p0 =	seq.s32 s10, $0x1;
	s10 =	sld [smem:$0x3FB6];
	_ =	sdelay $0x3  }
0x34: {  	[smem:$0x3FB6] =	sst s10  }
0x35: {  	s10 =	sld [smem:$0x3FB5];
	_ =	sdelay $0x3  }
0x36: {  	p1 =	seq.s32 s10, $0x1;
	s10 =	sld [smem:$0x3FB6];
	_ =	sdelay $0x3  }
0x37: {  	[smem:$0x3FB6] =	sst s10  }
0x38: {  	s10 =	sld [smem:$0x3FB7]  }
0x39: {  	_ = 	snop;
	(pc) =	sbr.ind lr, $3  }
0x3a: {  	_ = 	snop  }
0x3b: {  	_ = 	snop  }
0x3c: {  	p2 =	seq.s32 s10, $0x1;
	s10 =	sld [smem:$0x3FB6]  }
0x3d: {  	_ =	shalt  }
0x3e: {  	_ =	shalt  }
0x3f: {  	_ =	shalt  }
0x40: {  	_ =	shalt  }
0x41: {  	_ =	shalt  }
0x42: {  	_ =	shalt  }
0x43: {  	_ =	shalt  }
0x44: {  	_ =	shalt  }
0x45: {  	_ =	shalt  }
0x46: {  	_ =	shalt  }
0x47: {  	_ =	shalt  }
0x48: {  	_ =	shalt  }
0x49: {  	_ =	shalt  }
0x4a: {  	_ =	shalt  }
0x4b: {  	_ =	shalt  }
0x4c: {  	_ =	shalt  }
0x4d: {  	_ =	shalt  }
0x4e: {  	_ =	shalt  }
0x4f: {  	_ =	shalt  }
0x50: {  	_ =	shalt  }
0x51: {  	_ =	shalt  }
0x52: {  	_ =	shalt  }
0x53: {  	_ =	shalt  }
0x54: {  	_ =	shalt  }
0x55: {  	_ =	shalt  }
0x56: {  	_ =	shalt  }
0x57: {  	_ =	shalt  }
0x58: {  	_ =	shalt  }
0x59: {  	_ =	shalt  }
0x5a: {  	_ =	shalt  }
0x5b: {  	_ =	shalt  }
0x5c: {  	_ =	shalt  }
0x5d: {  	_ =	shalt  }
0x5e: {  	_ =	shalt  }
0x5f: {  	_ =	shalt  }
0x60: {  	_ =	shalt  }
0x61: {  	_ =	shalt  }
0x62: {  	_ =	shalt  }
0x63: {  	_ =	shalt  }
0x64: {  	_ =	shalt  }
0x65: {  	_ =	shalt  }
0x66: {  	_ =	shalt  }
0x67: {  	_ =	shalt  }
0x68: {  	_ =	shalt  }
0x69: {  	_ =	shalt  }
0x6a: {  	_ =	shalt  }
0x6b: {  	_ =	shalt  }
0x6c: {  	_ =	shalt  }
0x6d: {  	_ =	shalt  }
0x6e: {  	_ =	shalt  }
0x6f: {  	_ =	shalt  }
0x70: {  	_ =	shalt  }
0x71: {  	_ =	shalt  }
0x72: {  	_ =	shalt  }
0x73: {  	_ =	shalt  }
0x74: {  	_ =	shalt  }
0x75: {  	_ =	shalt  }
0x76: {  	_ =	shalt  }
0x77: {  	_ =	shalt  }
0x78: {  	_ =	shalt  }
0x79: {  	_ =	shalt  }
0x7a: {  	_ =	shalt  }
0x7b: {  	_ =	shalt  }
0x7c: {  	_ =	shalt  }
0x7d: {  	_ =	shalt  }
0x7e: {  	_ =	shalt  }
0x7f: {  	_ =	shalt  }
0x80: {  	_ =	shalt  }
0x81: {  	_ =	shalt  }
0x82: {  	_ =	shalt  }
0x83: {  	_ =	shalt  }
0x84: {  	_ =	shalt  }
0x85: {  	_ =	shalt  }
0x86: {  	_ =	shalt  }
0x87: {  	_ =	shalt  }
.Lfunc_end0:
.L_simem_size_0:
called_computation_lowered:
.L_overlay_start_0:
0x88: {  	s2 =	sld [smem:$0x3FD9]  }
0x89: {  	s3 =	sld [smem:$0x3FFE];
	_ =	sdelay $0x1  }
0x8a: {  	s1 =	srdreg.scid  }
0x8b: {  	s0 =	sand.u32 $0x1, s1  }
0x8c: {  	s17 =	sshll.u32 s0, $0xA;
	s2 =	sadd.s32 s3, s2  }
0x8d: {  	s2 =	sadd.s32 s2, s17  }
0x8e: {  	[smem:$0x3FC2] =	sst s2  }
0x8f: {  	_ = 	snop  }
0x90: {  	s2 =	sld [smem:$0x3FC9]  }
0x91: {  	s18 =	sld [smem:$0x3FD0];
	(tm) =	ssettm $0x1  }
0x92: {  	s4 =	sld [smem:$0x3FFB];
	_ =	sdelay $0x3  }
0x93: {  	_ =	strace s4  }
0x94: {  	s4 =	sld [smem:$0x3FFC];
	_ =	sdelay $0x3  }
0x95: {  	_ =	strace s4  }
0x96: {  	s4 =	sld [smem:$0x3FFD];
	_ =	sdelay $0x3  }
0x97: {  	_ =	strace s4  }
0x98: {  	_ =	strace $0x8FFFFFFF  }
0x99: {  	s19 =	sld [smem:$0x3FDB];
	_ =	sdelay $0x1  }
0x9a: {  	s5 =	simm.s32 $_scs_section_size  }
0x9b: {  	s6 =	simm.s32 $_size__tile_overlayer_lowered;
	s7 =	simm.s32 $_tile_overlayer_lowered  }
0x9c: {  	s22 =	simm.s32 $0x1BFF;
	s21 =	sshll.u32 s7, $0x1;
	s4 =	sadd.s32 s5, s19  }
0x9d: {  	s8 =	simm.s32 $0x0;
	s20 =	sshll.u32 s6, $0x1;
	s6 =	sadd.s32 s21, s4  }
0x9e: {  	[timem:s8], [sflag:s22] =	dma.local [hbm:s6], s20  }
0x9f: {  	_ =	swait.ge [sflag:s22], s20  }
0xa0: {  	s5 =	ssub.s32 $0x0, s20;
	[sflag:s22] =	ssyncset.done $0x0  }
0xa1: {  	[sflag:s22] =	ssyncadd.s32 s5;
	_ =	sdelay $0x1  }
0xa2: {  	s23 =	simm.s32 $0x1B8B  }
0xa3: {  	_ =	swait.ge [sflag:s23], $0x1  }
0xa4: {  	[sflag:s23] =	ssyncset.done $0x0  }
0xa5: {  	s25 =	simm.s32 $0x1B8E;
	s24 =	sld [smem:$0x3FFE];
	[sflag:s23] =	ssyncadd.s32 $0xFFFFFFFF  }
0xa6: {  	s26 =	simm.s32 $execute0_lowered;
	[smem:$0x3FD2] =	sst s25  }
0xa7: {  	s6 =	sshll.u32 s26, $0x1;
	_ =	strace $0x80000046;
	[dreg:$0x1] =	wrdreg $0xFFFFFFFF  }
0xa8: {  	s28 =	simm.s32 $_size_execute0_lowered;
	s4 =	sadd.s32 s4, s6;
	[dreg:$0x0] =	wrdreg $0x0  }
0xa9: {  	s6 =	sshll.u32 s28, $0x1;
	[dreg:$0x2] =	wrdreg s4  }
0xaa: {  	[dreg:$0x3] =	wrdreg s6  }
0xab: {  	[dreg:$0x4] =	wrdreg $0xC0  }
0xac: {  	_ =	task [dreg:s8], $0x5FFFF  }
0xad: {  	[dreg:$0x1] =	wrdreg $0xFFFFFFFF  }
0xae: {  	[dreg:$0x0] =	wrdreg $0x60  }
0xaf: {  	[dreg:$0x2] =	wrdreg s2  }
0xb0: {  	[dreg:$0x3] =	wrdreg s24  }
0xb1: {  	[dreg:$0x4] =	wrdreg s18  }
0xb2: {  	[dreg:$0x5] =	wrdreg $0x9  }
0xb3: {  	_ =	task.clear_ibuf [dreg:s8], $0x6FFFF;
	_ =	strace $0x90000046  }
0xb4: {  	s29 =	simm.s32 $0x9;
	_ =	strace $0x80000048  }
0xb5: {  	_ =	swait.ge [sflag:s29], $0x1  }
0xb6: {  	[sflag:s29] =	ssyncadd.s32 $0xFFFFFFFF  }
0xb7: {  	_ =	strace $0x90000048  }
0xb8: {  	_ =	sfence  }
0xb9: {  	s30 =	sld [smem:$0x0];
	_ =	sdelay $0x2  }
0xba: {  	s31 =	sshll.u32 s1, $0xD;
	s1 =	sshrl.u32 s1, $0x2  }
0xbb: {  	s3 =	sand.u32 $0x4000, s31;
	s1 =	sadd.s32 s1, s30  }
0xbc: {  	s0 =	sor.u32 s3, s0;
	s1 =	sshll.u32 s1, $0x11  }
0xbd: {  	s0 =	sor.u32 s1, s0  }
0xbe: {  	s0 =	sadd.s32 $0x8F2B, s0  }
0xbf: {  	[sflag:s0] =	ssyncadd.remote.s32 $0x1  }
0xc0: {  	_ =	sfence.sel $0xFFFF  }
0xc1: {  	[dreg:$0x0] =	wrdreg $0xFFFFFFFF;
	(pc) =	sbr.abs _section_cstart, $3  }
0xc2: {  	[dreg:$0x1] =	wrdreg $0xFFFFFFFF  }
0xc3: {  	_ =	task.clear_ibuf [dreg:s8], $0x2FFFF;
	_ =	strace $0x9FFFFFFF  }
0xc4: {  	(tm) =	ssettm $0x7FFFFFFF  }
0xc5: {  	_ =	shalt  }
tec
execute0_lowered:
.L_overlay_start_1:
0x0: {  	(tag) =	ssettag $0x1  }
0x1: {  	v33 =	vlaneseq.u32  }
0x2: {  	v0 =	vmul.u32 $0x80, v33  }
0x3: {  	v38 =	vmul.u32 $0x10, v33  }
0x4: {  	s22 =	simm.s32 $0x0;
	v9 =	vor.u32 $0x2803, v0  }
0x5: {  	[smem:$0x7FF] =	sst s22;
	[tilespmem:$0x1FCB0] =	vst v9;
	v9 =	vor.u32 $0x1, v38  }
0x6: {  	s1 =	rddreg [dreg:$0x1];
	v10 =	vor.u32 $0x3801, v0;
	_ =	strace $0x80000047;
	[tilespmem:$0x1FCC0] =	vst v9  }
0x7: {  	v18 =	vor.u32 $0x2003, v0;
	[tilespmem:$0x1FDE0] =	vst v10  }
0x8: {  	v25 =	vor.u32 $0x3003, v0;
	[tilespmem:$0x1FDF0] =	vst v18  }
0x9: {  	v14 =	vor.u32 $0x2004, v0;
	[tilespmem:$0x1FE00] =	vst v25  }
0xa: {  	v16 =	vor.u32 $0x2804, v0;
	[tilespmem:$0x1FE10] =	vst v14  }
0xb: {  	v20 =	vor.u32 $0x3004, v0;
	[tilespmem:$0x1FE20] =	vst v16  }
0xc: {  	v29 =	vor.u32 $0x3805, v0;
	[tilespmem:$0x1FE30] =	vst v20  }
0xd: {  	v30 =	vor.u32 $0x2006, v0;
	[tilespmem:$0x1FE40] =	vst v29  }
0xe: {  	v31 =	vor.u32 $0x2806, v0;
	[tilespmem:$0x1FE50] =	vst v30  }
0xf: {  	v32 =	vor.u32 $0x3006, v0;
	[tilespmem:$0x1FE60] =	vst v31  }
0x10: {  	[tilespmem:$0x1FE70] =	vst v32  }
0x11: {  	v39 =	vor.u32 $0x100, v38;
	[tilespmem:$0x1FE80] =	vst v38  }
0x12: {  	v40 =	vor.u32 $0x200, v38;
	[tilespmem:$0x1FE90] =	vst v39  }
0x13: {  	v41 =	vor.u32 $0x300, v38;
	[tilespmem:$0x1FEA0] =	vst v40  }
0x14: {  	v42 =	vor.u32 $0x400, v38;
	[tilespmem:$0x1FEB0] =	vst v41  }
0x15: {  	v43 =	vor.u32 $0x500, v38;
	[tilespmem:$0x1FEC0] =	vst v42  }
0x16: {  	v44 =	vor.u32 $0x600, v38;
	[tilespmem:$0x1FED0] =	vst v43  }
0x17: {  	v45 =	vor.u32 $0x700, v38;
	[tilespmem:$0x1FEE0] =	vst v44  }
0x18: {  	v17 =	vor.u32 $0x2, v38;
	[tilespmem:$0x1FEF0] =	vst v45  }
0x19: {  	v15 =	vor.u32 $0x3002, v0;
	[tilespmem:$0x1FF00] =	vst v17  }
0x1a: {  	v24 =	vor.u32 $0x3804, v0;
	[tilespmem:$0x1FF10] =	vst v15  }
0x1b: {  	v22 =	vor.u32 $0x2805, v0;
	[tilespmem:$0x1FF20] =	vst v24  }
0x1c: {  	v36 =	vor.u32 $0x3806, v0;
	[tilespmem:$0x1FF30] =	vst v22  }
0x1d: {  	v34 =	vor.u32 $0x3007, v0;
	[tilespmem:$0x1FF40] =	vst v36  }
0x1e: {  	v19 =	vor.u32 $0x3802, v0;
	[tilespmem:$0x1FF50] =	vst v34  }
0x1f: {  	v26 =	vor.u32 $0x2005, v0;
	[tilespmem:$0x1FF60] =	vst v19  }
0x20: {  	v13 =	vor.u32 $0x2007, v0;
	[tilespmem:$0x1FF70] =	vst v26  }
0x21: {  	v37 =	vor.u32 $0x2807, v0;
	[tilespmem:$0x1FF80] =	vst v13  }
0x22: {  	v28 =	vor.u32 $0x3005, v0;
	[tilespmem:$0x1FF90] =	vst v37  }
0x23: {  	v21 =	vor.u32 $0x3803, v0;
	[tilespmem:$0x1FFA0] =	vst v28  }
0x24: {  	v23 =	vor.u32 $0x3807, v0;
	[tilespmem:$0x1FFB0] =	vst v21  }
0x25: {  	v12 =	vor.u32 $0x3001, v0;
	[tilespmem:$0x1FFC0] =	vst v23  }
0x26: {  	v9 =	vor.u32 $0x101, v38;
	[tilespmem:$0x1FFD0] =	vst v12  }
0x27: {  	[tilespmem:$0x1FCD0] =	vst v9;
	v9 =	vor.u32 $0x201, v38  }
0x28: {  	[tilespmem:$0x1FCE0] =	vst v9;
	v9 =	vor.u32 $0x301, v38  }
0x29: {  	[tilespmem:$0x1FCF0] =	vst v9;
	v9 =	vor.u32 $0x401, v38  }
0x2a: {  	[tilespmem:$0x1FD00] =	vst v9;
	v9 =	vor.u32 $0x501, v38  }
0x2b: {  	[tilespmem:$0x1FD10] =	vst v9;
	v9 =	vor.u32 $0x601, v38  }
0x2c: {  	[tilespmem:$0x1FD20] =	vst v9;
	v9 =	vor.u32 $0x701, v38  }
0x2d: {  	[tilespmem:$0x1FD30] =	vst v9;
	v9 =	vor.u32 $0x102, v38  }
0x2e: {  	[tilespmem:$0x1FD40] =	vst v9;
	v9 =	vor.u32 $0x202, v38  }
0x2f: {  	s2 =	srdreg.scid;
	s0 =	stileid.u32;
	s16 =	simm.s32 $0x4B00;
	[tilespmem:$0x1FD50] =	vst v9;
	v9 =	vor.u32 $0x302, v38  }
0x30: {  	s17 =	simm.s32 $0xCB00;
	s18 =	simm.s32 $0xDB00;
	s19 =	simm.s32 $0x8B00;
	[tilespmem:$0x1FD60] =	vst v9;
	v9 =	vor.u32 $0x402, v38  }
0x31: {  	s21 =	simm.s32 $0xD300;
	s2 =	sand.u32 $0x1, s2;
	s4 =	sshll.u32 s0, $0x1;
	[tilespmem:$0x1FD70] =	vst v9;
	v9 =	vor.u32 $0x502, v38  }
0x32: {  	s28 =	simm.s32 $0x2000;
	s4 =	sor.u32 s2, s4;
	s2 =	ssub.s32 $0x2, s2;
	[tilespmem:$0x1FD80] =	vst v9;
	v9 =	vor.u32 $0x602, v38  }
0x33: {  	s29 =	simm.s32 $0x2;
	s7 =	smul.u32 $0x320, s4;
	s23 =	sshrl.u32 s2, $0x1;
	[tilespmem:$0x1FD90] =	vst v9;
	v9 =	vor.u32 $0x702, v38  }
0x34: {  	v8 =	vimm.s32 $0x0;
	vm0 =	vcmask $0x300;
	s30 =	simm.s32 $0x13B00;
	s5 =	sadd.s32 $0x400, s1;
	s2 =	ssub.s32 s2, s23;
	[tilespmem:$0x1FDA0] =	vst v9;
	v9 =	vor.u32 $0x3, v38  }
0x35: {  	v8 =	vsel vm0, $0x3, v8;
	s6 =	sadd.s32 $0xA00, s1;
	s1 =	sadd.s32 s7, s1;
	s31 =	smax.u32 s2, $0x1;
	[tilespmem:$0x1FDB0] =	vst v9;
	v9 =	vor.u32 $0x103, v38  }
0x36: {  	v1 =	vor.u32 $0x800, v0;
	v11 =	vor.u32 $0x2801, v0;
	s23 =	simm.s32 $0xE300;
	s24 =	sadd.s32 $0x1000, s1;
	[dreg:$0x7] =	wrdreg s31;
	[tilespmem:$0x1FDC0] =	vst v9;
	v9 =	vor.u32 $0x203, v38  }
0x37: {  	v2 =	vor.u32 $0x1000, v0;
	v3 =	vor.u32 $0x1800, v0;
	v27 =	vor.u32 $0x2002, v0;
	s7 =	smul.u32 $0x32, s4;
	[tilespmem:$0x1FFE0] =	vst v11;
	s25 =	sadd.s32 $0x7400, s1;
	[dreg:$0x4] =	wrdreg s24  }
0x38: {  	v4 =	vor.u32 $0x2000, v0;
	v5 =	vor.u32 $0x2800, v0;
	v6 =	vor.u32 $0x3000, v0;
	s2 =	simm.s32 $0x0;
	[tilespmem:$0x1FFF0] =	vst v27;
	s26 =	sadd.s32 $0xD800, s1;
	[dreg:$0x5] =	wrdreg s25  }
0x39: {  	v7 =	vor.u32 $0x3800, v0;
	v62 =	vor.u32 $0x2001, v0;
	v63 =	vor.u32 $0x2802, v0;
	[dreg:$0x6] =	wrdreg s26;
	s24 =	simm.s32 $0x1;
	s25 =	simm.s32 $0xEB00;
	[tilespmem:$0x1FDD0] =	vst v9;
	v9 =	vmovc v22  }
.LBB2_1:
0x3a: {  	[dreg:$0x8] =	wrdreg s2  }
0x3b: {  	s1 =	simm.s32 $0x0;
	s0 =	rddreg [dreg:$0x4];
	s13 =	simm.s32 $0x5  }
0x3c: {  	[tilespmem:s1], [sflag:$0x5] =	stream.linear.gather [hbm4b:s0+s1], $0x1900, $0x38;
	[tilespmem:$0x18B00] =	vst v63  }
0x3d: {  	_ =	swait.ge [sflag:s13], $0x1900  }
0x3e: {  	[sflag:s13] =	ssyncset.done $0x0  }
0x3f: {  	s3 =	simm.s32 $0x1900;
	s14 =	rddreg [dreg:$0x5];
	[sflag:s13] =	ssyncadd.s32 $0xFFFFE700  }
0x40: {  	[tilespmem:s3], [sflag:$0x5] =	stream.linear.gather [hbm4b:s14+s1], $0x1900, $0x38;
	[tilespmem:$0x18B00] =	vst v63  }
0x41: {  	_ =	swait.ge [sflag:s13], $0x1900  }
0x42: {  	[sflag:s13] =	ssyncset.done $0x0  }
0x43: {  	s4 =	simm.s32 $0x3200;
	s15 =	rddreg [dreg:$0x6];
	[sflag:s13] =	ssyncadd.s32 $0xFFFFE700  }
0x44: {  	[tilespmem:s4], [sflag:$0x5] =	stream.linear.gather [hbm4b:s15+s1], $0x1900, $0x38;
	[tilespmem:$0x18B00] =	vst v63  }
0x45: {  	_ =	swait.ge [sflag:s13], $0x1900  }
0x46: {  	[sflag:s13] =	ssyncset.done $0x0  }
0x47: {  	[sflag:s13] =	ssyncadd.s32 $0xFFFFE700  }
0x48: {  	s22 =	simm.s32 $0x80;
	s20 =	rddreg [dreg:$0x0]  }
0x49: {  	[tilespmem:s16], [sflag:$0x1] =	stream.indirect.gather [hbm4b:s20+s22], $0x80, s1, s22, $0xb8;
	[tilespmem:$0x18B00] =	vst v63  }
0x4a: {  	_ = 	snop  }
0x4b: {  	[tilespmem:s17], [sflag:$0x1] =	stream.indirect.gather [hbm4b:s5+s22], $0x10, s3, s22, $0xb8;
	[tilespmem:$0x18B00] =	vst v63  }
0x4c: {  	_ = 	snop  }
0x4d: {  	[tilespmem:s18], [sflag:$0x1] =	stream.indirect.gather [hbm4b:s6+s22], $0x10, s4, s22, $0xb8;
	[tilespmem:$0x18B00] =	vst v63  }
0x4e: {  	_ = 	snop  }
0x4f: {  	[tilespmem:s19], [sflag:$0x2] =	stream.indirect.gather [hbm4b:s20+s22], $0x80, s22, s22, $0xb8;
	[tilespmem:$0x18B00] =	vst v63  }
0x50: {  	s26 =	simm.s32 $0x1980  }
0x51: {  	[tilespmem:s21], [sflag:$0x2] =	stream.indirect.gather [hbm4b:s5+s22], $0x10, s26, s22, $0xb8;
	[tilespmem:$0x18B00] =	vst v63  }
0x52: {  	s31 =	simm.s32 $0x3280;
	s20 =	simm.s32 $0x0  }
0x53: {  	[tilespmem:s23], [sflag:$0x2] =	stream.indirect.gather [hbm4b:s6+s22], $0x10, s31, s22, $0xb8;
	[tilespmem:$0x18B00] =	vst v63  }
.LBB2_2:
0x54: {  	_ =	swait.ge [sflag:s24], $0x4000  }
0x55: {  	[sflag:s24] =	ssyncset.done $0x0  }
0x56: {  	s1 =	simm.s32 $0x1;
	[sflag:s24] =	ssyncadd.s32 $0xFFFFC000  }
0x57: {  	v38 =	vmov s1;
	_ =	swait.ge [sflag:s24], $0x800  }
0x58: {  	s2 =	simm.s32 $0x3;
	v38 =	vand.u32 $0x3D, v38;
	[sflag:s24] =	ssyncset.done $0x0  }
0x59: {  	s8 =	simm.s32 $0x2;
	v40 =	vmov s2;
	v38 =	vbroadcast v38, $0x0;
	[sflag:s24] =	ssyncadd.s32 $0xFFFFF800  }
0x5a: {  	v56 =	vmov s8;
	v40 =	vand.u32 $0x3F, v40;
	_ =	swait.ge [sflag:s24], $0x800  }
0x5b: {  	p0 =	seq.s32 s20, $0x0;
	s13 =	simm.s32 $0x0;
	v43 =	vand.u32 $0x3E, v56;
	v44 =	vbroadcast v40, $0x0;
	v39 =	vor.u32 v0, v38;
	[sflag:s24] =	ssyncset.done $0x0  }
0x5c: {  	s1 =	simm.s32 @!p0 $0x3;
	v41 =	vmov s13;
	v45 =	vbroadcast v43, $0x0;
	[sflag:s24] =	ssyncadd.s32 $0xFFFFF800  }
0x5d: {  	v41 =	vand.u32 $0x3C, v41;
	v57 =	vor.u32 v0, v44;
	_ =	swait.ge @!p0 [sflag:s1], $0x5000  }
0x5e: {  	v40 =	vbroadcast v41, $0x0;
	v46 =	vor.u32 v0, v45;
	[sflag:s1] =	ssyncset.done @!p0 $0x0  }
0x5f: {  	[sflag:s1] =	ssyncadd.s32 @!p0 $0xFFFFB000  }
0x60: {  	v58 =	vor.u32 v0, v40;
	v39 =	vld.idx.msk [tilespmem:v39+s16+$0x0], $0xffff  }
0x61: {  	v42 =	vor.u32 v1, v38  }
0x62: {  	s10 =	simm.s32 $0x80;
	s9 =	sand.u32 $0x1C00, s13;
	v41 =	vld.idx.msk [tilespmem:v57+s16+$0x0], $0xffff  }
0x63: {  	s2 =	sand.u32 $0x280, s10;
	v47 =	vor.u32 v1, v44;
	s1 =	sadd.s32 $0xEB00, s9;
	v46 =	vld.idx.msk [tilespmem:v46+s16+$0x0], $0xffff  }
0x64: {  	s4 =	simm.s32 $0x180;
	v49 =	vor.u32 v1, v45;
	s2 =	sadd.s32 s2, s1  }
0x65: {  	s4 =	sand.u32 $0x380, s4;
	s8 =	simm.s32 $0x100;
	v43 =	vld.idx.msk [tilespmem:v58+s16+$0x0], $0xffff;
	[tilespmem:s2+$0x0] =	vst v39  }
0x66: {  	s8 =	sand.u32 $0x300, s8;
	v48 =	vor.u32 v1, v40;
	s9 =	sadd.s32 s4, s1;
	v39 =	vld.idx.msk [tilespmem:v42+s16+$0x0], $0xffff  }
0x67: {  	v59 =	vor.u32 v2, v38;
	s10 =	sadd.s32 s8, s1;
	[tilespmem:s9+$0x0] =	vst v41  }
0x68: {  	[tilespmem:s10+$0x0] =	vst v46;
	v41 =	vld.idx.msk [tilespmem:v47+s16+$0x0], $0xffff  }
0x69: {  	v61 =	vor.u32 v2, v44;
	s4 =	simm.s32 $0xEB40;
	v35 =	vld.idx.msk [tilespmem:v49+s16+$0x0], $0xffff  }
0x6a: {  	v52 =	vor.u32 v2, v45;
	[tilespmem:s4+$0xFFFFFFC0] =	vst v43  }
0x6b: {  	v43 =	vld.idx.msk [tilespmem:v48+s16+$0x0], $0xffff;
	[tilespmem:s2+$0x10] =	vst v39  }
0x6c: {  	v33 =	vor.u32 v2, v40;
	v39 =	vld.idx.msk [tilespmem:v59+s16+$0x0], $0xffff  }
0x6d: {  	v60 =	vor.u32 v3, v38;
	[tilespmem:s9+$0x10] =	vst v41  }
0x6e: {  	[tilespmem:s10+$0x10] =	vst v35;
	v41 =	vld.idx.msk [tilespmem:v61+s16+$0x0], $0xffff  }
0x6f: {  	v54 =	vor.u32 v3, v44;
	v48 =	vld.idx.msk [tilespmem:v52+s16+$0x0], $0xffff  }
0x70: {  	v56 =	vor.u32 v3, v45;
	[tilespmem:s4+$0xFFFFFFD0] =	vst v43  }
0x71: {  	v46 =	vld.idx.msk [tilespmem:v33+s16+$0x0], $0xffff;
	[tilespmem:s2+$0x20] =	vst v39  }
0x72: {  	v55 =	vor.u32 v3, v40;
	v39 =	vld.idx.msk [tilespmem:v60+s16+$0x0], $0xffff  }
0x73: {  	v53 =	vor.u32 v4, v38;
	[tilespmem:s9+$0x20] =	vst v41  }
0x74: {  	[tilespmem:s10+$0x20] =	vst v48;
	v41 =	vld.idx.msk [tilespmem:v54+s16+$0x0], $0xffff  }
0x75: {  	v58 =	vor.u32 v4, v44;
	v48 =	vld.idx.msk [tilespmem:v56+s16+$0x0], $0xffff  }
0x76: {  	[tilespmem:s4+$0xFFFFFFE0] =	vst v46;
	v60 =	vor.u32 v4, v45  }
0x77: {  	v46 =	vld.idx.msk [tilespmem:v55+s16+$0x0], $0xffff;
	[tilespmem:s2+$0x30] =	vst v39  }
0x78: {  	v59 =	vor.u32 v4, v40;
	v39 =	vld.idx.msk [tilespmem:v53+s16+$0x0], $0xffff  }
0x79: {  	v57 =	vor.u32 v5, v38;
	[tilespmem:s9+$0x30] =	vst v41  }
0x7a: {  	[tilespmem:s10+$0x30] =	vst v48;
	v41 =	vld.idx.msk [tilespmem:v58+s16+$0x0], $0xffff  }
0x7b: {  	v33 =	vor.u32 v5, v44;
	v48 =	vld.idx.msk [tilespmem:v60+s16+$0x0], $0xffff  }
0x7c: {  	v52 =	vor.u32 v5, v45;
	[tilespmem:s4+$0xFFFFFFF0] =	vst v46  }
0x7d: {  	v46 =	vld.idx.msk [tilespmem:v59+s16+$0x0], $0xffff;
	[tilespmem:s2+$0x40] =	vst v39  }
0x7e: {  	v35 =	vor.u32 v5, v40;
	v39 =	vld.idx.msk [tilespmem:v57+s16+$0x0], $0xffff  }
0x7f: {  	v61 =	vor.u32 v6, v38;
	[tilespmem:s9+$0x40] =	vst v41  }
0x80: {  	[tilespmem:s10+$0x40] =	vst v48;
	v41 =	vld.idx.msk [tilespmem:v33+s16+$0x0], $0xffff  }
0x81: {  	s11 =	simm.s32 $0x5;
	v53 =	vor.u32 v6, v44;
	v48 =	vld.idx.msk [tilespmem:v52+s16+$0x0], $0xffff  }
0x82: {  	v54 =	vmov s11;
	v56 =	vor.u32 v6, v45;
	[tilespmem:s4+$0x0] =	vst v46  }
0x83: {  	v43 =	vand.u32 $0x3D, v54;
	v46 =	vld.idx.msk [tilespmem:v35+s16+$0x0], $0xffff;
	[tilespmem:s2+$0x50] =	vst v39  }
0x84: {  	v55 =	vor.u32 v6, v40;
	v43 =	vbroadcast v43, $0x0;
	v39 =	vld.idx.msk [tilespmem:v61+s16+$0x0], $0xffff  }
0x85: {  	v38 =	vor.u32 v7, v38;
	[tilespmem:s9+$0x50] =	vst v41  }
0x86: {  	v50 =	vor.u32 v0, v43;
	[tilespmem:s10+$0x50] =	vst v48;
	v51 =	vld.idx.msk [tilespmem:v53+s16+$0x0], $0xffff  }
0x87: {  	s12 =	simm.s32 $0x7;
	v44 =	vor.u32 v7, v44;
	v48 =	vld.idx.msk [tilespmem:v56+s16+$0x0], $0xffff  }
0x88: {  	s14 =	simm.s32 $0x4;
	v45 =	vor.u32 v7, v45;
	v57 =	vmov s12;
	[tilespmem:s4+$0x10] =	vst v46  }
0x89: {  	v59 =	vmov s14;
	v46 =	vld.idx.msk [tilespmem:v55+s16+$0x0], $0xffff;
	[tilespmem:s2+$0x60] =	vst v39;
	v39 =	vand.u32 $0x3F, v57  }
0x8a: {  	s22 =	simm.s32 $0x2;
	v40 =	vor.u32 v7, v40;
	v58 =	vld.idx.msk [tilespmem:v38+s16+$0x0], $0xffff;
	v38 =	vand.u32 $0x3C, v59;
	v42 =	vbroadcast v39, $0x0  }
0x8b: {  	s15 =	simm.s32 $0x6;
	v35 =	vld.idx.msk [tilespmem:v50+s16+$0x0], $0xffff;
	v57 =	vmov s22;
	[tilespmem:s9+$0x60] =	vst v51;
	v38 =	vbroadcast v38, $0x0  }
0x8c: {  	v60 =	vmov s15;
	[tilespmem:s10+$0x60] =	vst v48;
	v50 =	vshrl.u32 v57, $0x3;
	v44 =	vld.idx.msk [tilespmem:v44+s16+$0x0], $0xffff;
	v61 =	vor.u32 v0, v42  }
0x8d: {  	s11 =	simm.s32 $0x6;
	v39 =	vand.u32 $0x3E, v60;
	v45 =	vld.idx.msk [tilespmem:v45+s16+$0x0], $0xffff;
	v50 =	vshll.u32 v50, v8;
	v33 =	vor.u32 v0, v38  }
0x8e: {  	v54 =	vmov s11;
	[tilespmem:s4+$0x20] =	vst v46;
	v39 =	vbroadcast v39, $0x0;
	v50 =	vbroadcast v50, $0x0  }
0x8f: {  	s8 =	simm.s32 $0x200;
	v54 =	vshrl.u32 v54, $0x3;
	s14 =	simm.s32 $0x4D40;
	v40 =	vld.idx.msk [tilespmem:v40+s16+$0x0], $0xffff;
	[tilespmem:s2+$0x70] =	vst v58;
	v58 =	vor.u32 v1, v43  }
0x90: {  	s0 =	simm.s32 $0x280;
	s26 =	sand.u32 $0x1C00, s8;
	v54 =	vshll.u32 v54, v8;
	v53 =	vor.u32 v0, v39;
	v46 =	vadd.s32 v27, v50;
	v52 =	vld [tilespmem:s14+$0xFFFFFF00]  }
0x91: {  	s1 =	sadd.s32 $0xEB00, s26;
	s2 =	sand.u32 $0x280, s0;
	[tilespmem:s9+$0x70] =	vst v44;
	v44 =	vbroadcast v54, $0x0;
	v47 =	vld.idx.msk [tilespmem:v61+s16+$0x0], $0xffff  }
0x92: {  	s12 =	simm.s32 $0x4;
	v59 =	vor.u32 v1, v42;
	[tilespmem:s10+$0x70] =	vst v45;
	s2 =	sadd.s32 s2, s1;
	v49 =	vld.idx.msk [tilespmem:v33+s16+$0x0], $0xffff  }
0x93: {  	s3 =	simm.s32 $0x380;
	v55 =	vmov s12;
	v41 =	vor.u32 v1, v38;
	[tilespmem:s2+$0x0] =	vst v35;
	v35 =	vld [tilespmem:s14+$0x100];
	v56 =	vadd.s32 v30, v44  }
0x94: {  	s11 =	sand.u32 $0x380, s3;
	v60 =	vshrl.u32 v55, $0x3;
	[tilespmem:s4+$0x30] =	vst v40;
	v51 =	vld.idx.msk [tilespmem:v58+s16+$0x0], $0xffff  }
0x95: {  	s9 =	sadd.s32 s11, s1;
	v61 =	vor.u32 v2, v43;
	v53 =	vld.idx.msk [tilespmem:v53+s16+$0x0], $0xffff;
	v33 =	vshll.u32 v60, v8;
	[tilespmem:v46+s25+$0x0] =	vst.idx.msk $0xffff, v52  }
0x96: {  	s11 =	simm.s32 $0xED40;
	v45 =	vbroadcast v33, $0x0;
	v58 =	vadd.s32 v63, v50;
	[tilespmem:s9+$0x0] =	vst v47;
	v33 =	vld [tilespmem:s14+$0xFFFFFF10]  }
0x97: {  	s15 =	simm.s32 $0x300;
	v48 =	vld.idx.msk [tilespmem:v59+s16+$0x0], $0xffff;
	[tilespmem:s11+$0xFFFFFFC0] =	vst v49;
	v49 =	vor.u32 v1, v39  }
0x98: {  	s22 =	sand.u32 $0x300, s15;
	v46 =	vor.u32 v2, v42;
	[tilespmem:v56+s25+$0x0] =	vst.idx.msk $0xffff, v35;
	v41 =	vld.idx.msk [tilespmem:v41+s16+$0x0], $0xffff  }
0x99: {  	v57 =	vor.u32 v2, v38;
	s10 =	sadd.s32 s22, s1;
	v60 =	vadd.s32 v14, v45;
	v47 =	vld [tilespmem:s14+$0x0];
	[tilespmem:s2+$0x10] =	vst v51  }
0x9a: {  	[tilespmem:s10+$0x0] =	vst v53;
	v61 =	vld.idx.msk [tilespmem:v61+s16+$0x0], $0xffff  }
0x9b: {  	v35 =	vor.u32 v3, v43;
	v56 =	vld [tilespmem:s14+$0x110];
	[tilespmem:v58+s25+$0x0] =	vst.idx.msk $0xffff, v33;
	v58 =	vadd.s32 v31, v44  }
0x9c: {  	v59 =	vld.idx.msk [tilespmem:v49+s16+$0x0], $0xffff;
	[tilespmem:s9+$0x10] =	vst v48  }
0x9d: {  	v49 =	vor.u32 v2, v39;
	[tilespmem:s11+$0xFFFFFFD0] =	vst v41;
	v46 =	vld.idx.msk [tilespmem:v46+s16+$0x0], $0xffff  }
0x9e: {  	v54 =	vor.u32 v3, v42;
	[tilespmem:v60+s25+$0x0] =	vst.idx.msk $0xffff, v47;
	v48 =	vld.idx.msk [tilespmem:v57+s16+$0x0], $0xffff  }
0x9f: {  	v47 =	vor.u32 v3, v38;
	v60 =	vadd.s32 v16, v45;
	v51 =	vld [tilespmem:s14+$0x10];
	[tilespmem:s2+$0x20] =	vst v61  }
0xa0: {  	v52 =	vld.idx.msk [tilespmem:v35+s16+$0x0], $0xffff;
	[tilespmem:v58+s25+$0x0] =	vst.idx.msk $0xffff, v56  }
0xa1: {  	v61 =	vld [tilespmem:s14+$0xFFFFFF20];
	v35 =	vadd.s32 v15, v50;
	[tilespmem:s10+$0x10] =	vst v59  }
0xa2: {  	v57 =	vld.idx.msk [tilespmem:v49+s16+$0x0], $0xffff;
	[tilespmem:s9+$0x20] =	vst v46  }
0xa3: {  	v33 =	vor.u32 v4, v43;
	[tilespmem:s11+$0xFFFFFFE0] =	vst v48;
	v54 =	vld.idx.msk [tilespmem:v54+s16+$0x0], $0xffff  }
0xa4: {  	v59 =	vor.u32 v3, v39;
	[tilespmem:v60+s25+$0x0] =	vst.idx.msk $0xffff, v51;
	v47 =	vld.idx.msk [tilespmem:v47+s16+$0x0], $0xffff  }
0xa5: {  	v55 =	vor.u32 v4, v42;
	v40 =	vadd.s32 v20, v45;
	[tilespmem:s2+$0x30] =	vst v52;
	v52 =	vld [tilespmem:s14+$0x20]  }
0xa6: {  	v51 =	vor.u32 v4, v38;
	v49 =	vld [tilespmem:s14+$0x120];
	[tilespmem:v35+s25+$0x0] =	vst.idx.msk $0xffff, v61;
	v35 =	vadd.s32 v32, v44  }
0xa7: {  	s26 =	simm.s32 $0x0;
	v60 =	vadd.s32 v19, v50;
	v41 =	vld [tilespmem:s14+$0xFFFFFF30];
	[tilespmem:s10+$0x20] =	vst v57  }
0xa8: {  	v61 =	vmov s26;
	v53 =	vld.idx.msk [tilespmem:v33+s16+$0x0], $0xffff;
	[tilespmem:s9+$0x30] =	vst v54  }
0xa9: {  	v33 =	vor.u32 v5, v43;
	v50 =	vshrl.u32 v61, $0x3;
	v46 =	vld.idx.msk [tilespmem:v59+s16+$0x0], $0xffff;
	[tilespmem:s11+$0xFFFFFFF0] =	vst v47  }
0xaa: {  	v50 =	vshll.u32 v50, v8;
	v55 =	vld.idx.msk [tilespmem:v55+s16+$0x0], $0xffff;
	[tilespmem:v40+s25+$0x0] =	vst.idx.msk $0xffff, v52  }
0xab: {  	v58 =	vor.u32 v4, v39;
	v51 =	vld.idx.msk [tilespmem:v51+s16+$0x0], $0xffff;
	v52 =	vbroadcast v50, $0x0;
	[tilespmem:v35+s25+$0x0] =	vst.idx.msk $0xffff, v49  }
0xac: {  	v45 =	vadd.s32 v24, v45;
	v59 =	vor.u32 v5, v38;
	[tilespmem:v60+s25+$0x0] =	vst.idx.msk $0xffff, v41;
	v60 =	vld [tilespmem:s14+$0x30]  }
0xad: {  	s0 =	simm.s32 $0x5;
	v50 =	vld [tilespmem:s14+$0xFFFFFE00];
	[tilespmem:s2+$0x40] =	vst v53;
	v53 =	vor.u32 v5, v42;
	v48 =	vor.u32 v4, v52  }
0xae: {  	v61 =	vmov s0;
	v47 =	vld.idx.msk [tilespmem:v33+s16+$0x0], $0xffff;
	[tilespmem:s10+$0x30] =	vst v46  }
0xaf: {  	v44 =	vadd.s32 v36, v44;
	v33 =	vshrl.u32 v61, $0x3;
	v46 =	vld [tilespmem:s14+$0x130];
	[tilespmem:s9+$0x40] =	vst v55  }
0xb0: {  	s3 =	simm.s32 $0x7;
	v49 =	vor.u32 v6, v43;
	v40 =	vshll.u32 v33, v8;
	[tilespmem:s11+$0x0] =	vst v51;
	v51 =	vld.idx.msk [tilespmem:v58+s16+$0x0], $0xffff  }
0xb1: {  	v40 =	vbroadcast v40, $0x0;
	v56 =	vld.idx.msk [tilespmem:v59+s16+$0x0], $0xffff;
	[tilespmem:v45+s25+$0x0] =	vst.idx.msk $0xffff, v60;
	v59 =	vmov s3  }
0xb2: {  	v35 =	vor.u32 v5, v39;
	v53 =	vld.idx.msk [tilespmem:v53+s16+$0x0], $0xffff;
	[tilespmem:v48+s25+$0x0] =	vst.idx.msk $0xffff, v50;
	v41 =	vshrl.u32 v59, $0x3  }
0xb3: {  	v55 =	vadd.s32 v26, v40;
	v50 =	vld [tilespmem:s14+$0x80];
	[tilespmem:s2+$0x50] =	vst v47;
	v41 =	vshll.u32 v41, v8  }
0xb4: {  	v48 =	vor.u32 v5, v52;
	v47 =	vld [tilespmem:s14+$0xFFFFFE10];
	[tilespmem:v44+s25+$0x0] =	vst.idx.msk $0xffff, v46;
	v41 =	vbroadcast v41, $0x0  }
0xb5: {  	v49 =	vld.idx.msk [tilespmem:v49+s16+$0x0], $0xffff;
	[tilespmem:s10+$0x40] =	vst v51  }
0xb6: {  	v51 =	vld [tilespmem:s14+$0x180];
	[tilespmem:s11+$0x10] =	vst v56;
	v58 =	vadd.s32 v13, v41  }
0xb7: {  	v60 =	vor.u32 v6, v38;
	v35 =	vld.idx.msk [tilespmem:v35+s16+$0x0], $0xffff;
	[tilespmem:s9+$0x50] =	vst v53  }
0xb8: {  	[tilespmem:v55+s25+$0x0] =	vst.idx.msk $0xffff, v50  }
0xb9: {  	[tilespmem:v48+s25+$0x0] =	vst.idx.msk $0xffff, v47  }
0xba: {  	s4 =	simm.s32 $0x3;
	[tilespmem:s2+$0x60] =	vst v49  }
0xbb: {  	s12 =	simm.s32 $0x1;
	v61 =	vmov s4;
	v33 =	vor.u32 v7, v43;
	v45 =	vld [tilespmem:s14+$0xFFFFFF80];
	[tilespmem:v58+s25+$0x0] =	vst.idx.msk $0xffff, v51  }
0xbc: {  	v54 =	vmov s12;
	v44 =	vshrl.u32 v61, $0x3;
	v59 =	vld.idx.msk [tilespmem:v60+s16+$0x0], $0xffff;
	v60 =	vor.u32 v6, v42;
	[tilespmem:s10+$0x50] =	vst v35  }
0xbd: {  	v43 =	vshrl.u32 v54, $0x3;
	v61 =	vor.u32 v6, v39;
	v44 =	vshll.u32 v44, v8;
	v35 =	vld [tilespmem:$0x1FCB0]  }
0xbe: {  	v43 =	vshll.u32 v43, v8;
	v44 =	vbroadcast v44, $0x0;
	v46 =	vld [tilespmem:s14+$0x90]  }
0xbf: {  	v43 =	vbroadcast v43, $0x0;
	v53 =	vadd.s32 v9, v40;
	v48 =	vld [tilespmem:s14+$0xFFFFFE20]  }
0xc0: {  	s15 =	simm.s32 $0x9;
	v42 =	vor.u32 v7, v42;
	v55 =	vor.u32 v6, v52;
	v54 =	vadd.s32 v18, v44;
	v56 =	vld.idx.msk [tilespmem:v33+s16+$0x0], $0xffff  }
0xc1: {  	v22 =	vmovc v10;
	s31 =	simm.s32 $0x4D40;
	v17 =	vmovc v28;
	s22 =	sshll.u32 s20, $0x1;
	s26 =	simm.s32 $0xA;
	v52 =	vor.u32 v7, v52;
	v47 =	vmov s15;
	v49 =	vadd.s32 v62, v43;
	v57 =	vld.idx.msk [tilespmem:v60+s16+$0x0], $0xffff  }
0xc2: {  	v28 =	vmovc v9;
	s12 =	simm.s32 $0x8;
	s4 =	simm.s32 $0xF;
	s15 =	simm.s32 $0xED40;
	v51 =	vadd.s32 v37, v41;
	[tilespmem:s11+$0x20] =	vst v59;
	v59 =	vmov s26;
	v58 =	vld.idx.msk [tilespmem:v61+s16+$0x0], $0xffff;
	v50 =	vadd.s32 v35, v44  }
.LBB2_3:
0xc3: {  	_ = 	snop  }
0xc4: {  	v59 =	vshrl.u32 v59, $0x3  }
0xc5: {  	s3 =	sadd.s32 $0x1, s12;
	s26 =	smov.u32 s12;
	v59 =	vshll.u32 v59, v8;
	[tilespmem:v54+s25+$0x0] =	vst.idx.msk $0xffff, v45  }
0xc6: {  	v33 =	vmov s3;
	s0 =	sadd.s32 $0x2, s26;
	[tilespmem:v55+s25+$0x0] =	vst.idx.msk $0xffff, v48;
	v48 =	vbroadcast v59, $0x0;
	v59 =	vld [tilespmem:s14+$0xFFFFFF90]  }
0xc7: {  	v60 =	vmov s12;
	s31 =	sadd.s32 $0x400, s31;
	v15 =	vmovc v63;
	v45 =	vand.u32 $0x3D, v33;
	v33 =	vmov s0;
	[tilespmem:v53+s25+$0x0] =	vst.idx.msk $0xffff, v46;
	v63 =	vld [tilespmem:s14+$0xFFFFFE30]  }
0xc8: {  	v61 =	vld [tilespmem:s14+$0x190];
	s1 =	sadd.s32 $0x4, s12;
	p1 =	slt.u32 s12, $0x3C;
	v10 =	vmovc v62;
	v62 =	vor.u32 v7, v39;
	s12 =	sadd.s32 $0x3, s26;
	v45 =	vbroadcast v45, $0x0;
	v39 =	vand.u32 $0x3E, v33;
	[tilespmem:s2+$0x70] =	vst v56  }
0xc9: {  	v33 =	vmov s12;
	v39 =	vbroadcast v39, $0x0;
	[tilespmem:s9+$0x60] =	vst v57;
	v54 =	vld [tilespmem:s31+$0xFFFFFF00];
	v56 =	vadd.s32 v27, v48  }
0xca: {  	v53 =	vld [tilespmem:s14+$0xA0];
	v46 =	vand.u32 $0x3F, v33;
	v33 =	vand.u32 $0x3C, v60;
	[tilespmem:s10+$0x60] =	vst v58;
	v60 =	vor.u32 v0, v45  }
0xcb: {  	v55 =	vadd.s32 v17, v40;
	v46 =	vbroadcast v46, $0x0;
	v58 =	vld.idx.msk [tilespmem:v42+s16+$0x0], $0xffff;
	[tilespmem:v50+s25+$0x0] =	vst.idx.msk $0xffff, v59  }
0xcc: {  	v9 =	vadd.s32 v25, v44;
	v57 =	vbroadcast v33, $0x0;
	v33 =	vor.u32 v0, v39;
	[tilespmem:v52+s25+$0x0] =	vst.idx.msk $0xffff, v63;
	v59 =	vld [tilespmem:s14+$0xFFFFFFA0]  }
0xcd: {  	v52 =	vor.u32 v0, v46;
	v63 =	vld [tilespmem:s14+$0xFFFFFE80]  }
0xce: {  	v62 =	vld.idx.msk [tilespmem:v62+s16+$0x0], $0xffff;
	[tilespmem:v56+s25+$0x0] =	vst.idx.msk $0xffff, v54  }
0xcf: {  	[tilespmem:v51+s25+$0x0] =	vst.idx.msk $0xffff, v61;
	v51 =	vld.idx.msk [tilespmem:v60+s16+$0x0], $0xffff  }
0xd0: {  	s8 =	sadd.s32 $0x200, s8;
	[tilespmem:v55+s25+$0x0] =	vst.idx.msk $0xffff, v53;
	v54 =	vld [tilespmem:s14+$0x1A0]  }
0xd1: {  	s26 =	sand.u32 $0x1C00, s8;
	s0 =	sadd.s32 $0x80, s8;
	v50 =	vor.u32 v0, v57;
	[tilespmem:v9+s25+$0x0] =	vst.idx.msk $0xffff, v59;
	v9 =	vld.idx.msk [tilespmem:v33+s16+$0x0], $0xffff  }
0xd2: {  	s26 =	sadd.s32 $0xEB00, s26;
	s12 =	sadd.s32 $0xFFFFFFFF, s4;
	s3 =	sand.u32 $0x280, s0;
	v55 =	vor.u32 v1, v45;
	v52 =	vld.idx.msk [tilespmem:v52+s16+$0x0], $0xffff;
	[tilespmem:v49+s25+$0x0] =	vst.idx.msk $0xffff, v63;
	v49 =	vadd.s32 v34, v41  }
0xd3: {  	s0 =	sadd.s32 $0x100, s8;
	s2 =	sadd.s32 s3, s26;
	v61 =	vmov s12;
	v53 =	vadd.s32 v11, v43;
	[tilespmem:s9+$0x70] =	vst v58;
	v60 =	vld [tilespmem:s14+$0xFFFFFE90]  }
0xd4: {  	s0 =	sand.u32 $0x300, s0;
	v58 =	vshrl.u32 v61, $0x3;
	[tilespmem:s2+$0x0] =	vst v51  }
0xd5: {  	s12 =	sadd.s32 $0x180, s8;
	[tilespmem:s10+$0x70] =	vst v62;
	s10 =	sadd.s32 s0, s26;
	v59 =	vadd.s32 v21, v44;
	v51 =	vshll.u32 v58, v8;
	v58 =	vld [tilespmem:s14+$0xFFFFFFB0]  }
0xd6: {  	v33 =	vor.u32 v1, v46;
	s9 =	sand.u32 $0x380, s12;
	s12 =	sadd.s32 $0xFFFFFFFD, s4;
	v50 =	vld.idx.msk [tilespmem:v50+s16+$0x0], $0xffff;
	[tilespmem:s10+$0x0] =	vst v9  }
0xd7: {  	v61 =	vmov s12;
	v55 =	vld.idx.msk [tilespmem:v55+s16+$0x0], $0xffff;
	[tilespmem:v49+s25+$0x0] =	vst.idx.msk $0xffff, v54  }
0xd8: {  	s9 =	sadd.s32 s9, s26;
	v54 =	vshrl.u32 v61, $0x3;
	[tilespmem:v53+s25+$0x0] =	vst.idx.msk $0xffff, v60;
	v53 =	vld [tilespmem:s14+$0x1B0]  }
0xd9: {  	v49 =	vor.u32 v1, v57;
	[tilespmem:s9+$0x0] =	vst v52;
	v63 =	vshll.u32 v54, v8;
	v54 =	vld [tilespmem:s14+$0xFFFFFEA0]  }
0xda: {  	s11 =	sadd.s32 $0x200, s11;
	v41 =	vadd.s32 v23, v41;
	v44 =	vbroadcast v51, $0x0;
	v61 =	vld [tilespmem:s31+$0x100];
	[tilespmem:v59+s25+$0x0] =	vst.idx.msk $0xffff, v58  }
0xdb: {  	v51 =	vadd.s32 v12, v43;
	v60 =	vor.u32 v2, v45;
	v33 =	vld.idx.msk [tilespmem:v33+s16+$0x0], $0xffff;
	[tilespmem:s11+$0xFFFFFFC0] =	vst v50  }
0xdc: {  	v52 =	vbroadcast v63, $0x0;
	v63 =	vadd.s32 v30, v44;
	v50 =	vld [tilespmem:s31+$0x0];
	[tilespmem:s2+$0x10] =	vst v55  }
0xdd: {  	v55 =	vld [tilespmem:s31+$0xFFFFFF10]  }
0xde: {  	v59 =	vor.u32 v7, v38;
	v58 =	vadd.s32 v14, v52;
	v49 =	vld.idx.msk [tilespmem:v49+s16+$0x0], $0xffff  }
0xdf: {  	v40 =	vadd.s32 v29, v40;
	v56 =	vor.u32 v1, v39;
	[tilespmem:v41+s25+$0x0] =	vst.idx.msk $0xffff, v53;
	v41 =	vld [tilespmem:s14+$0xB0]  }
0xe0: {  	v62 =	vor.u32 v2, v46;
	v38 =	vmov v57;
	[tilespmem:v51+s25+$0x0] =	vst.idx.msk $0xffff, v54;
	v54 =	vld.idx.msk [tilespmem:v60+s16+$0x0], $0xffff  }
0xe1: {  	v51 =	vor.u32 v2, v38;
	[tilespmem:v63+s25+$0x0] =	vst.idx.msk $0xffff, v61;
	v63 =	vmov v15;
	v15 =	vld [tilespmem:$0x1FF10]  }
0xe2: {  	v43 =	vadd.s32 v22, v43;
	v53 =	vld [tilespmem:s14+$0xFFFFFEB0];
	[tilespmem:s9+$0x10] =	vst v33  }
0xe3: {  	v33 =	vld.idx.msk [tilespmem:v59+s16+$0x0], $0xffff;
	v57 =	vadd.s32 v63, v48;
	[tilespmem:v58+s25+$0x0] =	vst.idx.msk $0xffff, v50;
	v50 =	vor.u32 v3, v45  }
0xe4: {  	[tilespmem:s11+$0xFFFFFFD0] =	vst v49;
	v59 =	vld.idx.msk [tilespmem:v56+s16+$0x0], $0xffff  }
0xe5: {  	[tilespmem:v40+s25+$0x0] =	vst.idx.msk $0xffff, v41;
	v40 =	vld.idx.msk [tilespmem:v62+s16+$0x0], $0xffff  }
0xe6: {  	v51 =	vld.idx.msk [tilespmem:v51+s16+$0x0], $0xffff;
	[tilespmem:s2+$0x20] =	vst v54  }
0xe7: {  	v9 =	vor.u32 v2, v39;
	[tilespmem:v43+s25+$0x0] =	vst.idx.msk $0xffff, v53;
	v43 =	vld [tilespmem:s31+$0x10]  }
0xe8: {  	v61 =	vadd.s32 v16, v52;
	v41 =	vor.u32 v3, v38;
	v50 =	vld.idx.msk [tilespmem:v50+s16+$0x0], $0xffff;
	[tilespmem:v57+s25+$0x0] =	vst.idx.msk $0xffff, v55  }
0xe9: {  	v58 =	vadd.s32 v31, v44;
	v56 =	vld [tilespmem:s31+$0x110];
	v53 =	vor.u32 v3, v46;
	[tilespmem:s15+$0x30] =	vst v33  }
0xea: {  	[tilespmem:s10+$0x10] =	vst v59  }
0xeb: {  	v60 =	vadd.s32 v15, v48;
	v55 =	vor.u32 v4, v45;
	v33 =	vld [tilespmem:s31+$0xFFFFFF20];
	[tilespmem:s9+$0x20] =	vst v40  }
0xec: {  	v9 =	vld.idx.msk [tilespmem:v9+s16+$0x0], $0xffff;
	[tilespmem:s11+$0xFFFFFFE0] =	vst v51  }
0xed: {  	v41 =	vld.idx.msk [tilespmem:v41+s16+$0x0], $0xffff;
	[tilespmem:v61+s25+$0x0] =	vst.idx.msk $0xffff, v43  }
0xee: {  	v59 =	vor.u32 v3, v39;
	v53 =	vld.idx.msk [tilespmem:v53+s16+$0x0], $0xffff;
	[tilespmem:v58+s25+$0x0] =	vst.idx.msk $0xffff, v56  }
0xef: {  	v61 =	vor.u32 v4, v38;
	[tilespmem:s2+$0x30] =	vst v50;
	v50 =	vld [tilespmem:s31+$0x20]  }
0xf0: {  	v54 =	vld.idx.msk [tilespmem:v55+s16+$0x0], $0xffff;
	v55 =	vor.u32 v4, v46;
	[tilespmem:v60+s25+$0x0] =	vst.idx.msk $0xffff, v33;
	v60 =	vadd.s32 v20, v52  }
0xf1: {  	v51 =	vld [tilespmem:s31+$0x120]  }
0xf2: {  	s12 =	sadd.s32 $0xFFFFFFF9, s4;
	v56 =	vadd.s32 v32, v44;
	v49 =	vld [tilespmem:s31+$0xFFFFFF30];
	[tilespmem:s10+$0x20] =	vst v9  }
0xf3: {  	v48 =	vadd.s32 v19, v48;
	v9 =	vmov s12;
	v40 =	vld.idx.msk [tilespmem:v59+s16+$0x0], $0xffff;
	[tilespmem:s11+$0xFFFFFFF0] =	vst v41  }
0xf4: {  	v9 =	vshrl.u32 v9, $0x3;
	v41 =	vor.u32 v5, v45;
	[tilespmem:s9+$0x30] =	vst v53;
	v43 =	vld.idx.msk [tilespmem:v61+s16+$0x0], $0xffff  }
0xf5: {  	v9 =	vshll.u32 v9, v8;
	v61 =	vor.u32 v4, v39;
	v55 =	vld.idx.msk [tilespmem:v55+s16+$0x0], $0xffff;
	[tilespmem:v60+s25+$0x0] =	vst.idx.msk $0xffff, v50  }
0xf6: {  	v33 =	vor.u32 v5, v38;
	v9 =	vbroadcast v9, $0x0;
	[tilespmem:s2+$0x40] =	vst v54;
	v50 =	vld [tilespmem:s31+$0xFFFFFE00]  }
0xf7: {  	v52 =	vadd.s32 v24, v52;
	v54 =	vor.u32 v5, v46;
	[tilespmem:v56+s25+$0x0] =	vst.idx.msk $0xffff, v51;
	v60 =	vld [tilespmem:s31+$0x30]  }
0xf8: {  	v57 =	vor.u32 v4, v9;
	[tilespmem:v48+s25+$0x0] =	vst.idx.msk $0xffff, v49;
	v49 =	vld [tilespmem:s31+$0x130]  }
0xf9: {  	s26 =	sadd.s32 $0xFFFFFFFE, s4;
	v44 =	vadd.s32 v36, v44;
	[tilespmem:s10+$0x30] =	vst v40;
	v41 =	vld.idx.msk [tilespmem:v41+s16+$0x0], $0xffff  }
0xfa: {  	v58 =	vmov s26;
	[tilespmem:s11+$0x0] =	vst v43;
	v61 =	vld.idx.msk [tilespmem:v61+s16+$0x0], $0xffff  }
0xfb: {  	v40 =	vshrl.u32 v58, $0x3;
	v43 =	vor.u32 v6, v45;
	v33 =	vld.idx.msk [tilespmem:v33+s16+$0x0], $0xffff;
	[tilespmem:s9+$0x40] =	vst v55  }
0xfc: {  	v59 =	vmov s4;
	v53 =	vor.u32 v5, v39;
	v40 =	vshll.u32 v40, v8;
	v54 =	vld.idx.msk [tilespmem:v54+s16+$0x0], $0xffff;
	[tilespmem:v52+s25+$0x0] =	vst.idx.msk $0xffff, v60  }
0xfd: {  	v48 =	vshrl.u32 v59, $0x3;
	v56 =	vor.u32 v5, v9;
	v40 =	vbroadcast v40, $0x0;
	[tilespmem:v57+s25+$0x0] =	vst.idx.msk $0xffff, v50;
	v50 =	vld [tilespmem:s31+$0x80]  }
0xfe: {  	v52 =	vor.u32 v6, v38;
	v60 =	vshll.u32 v48, v8;
	[tilespmem:v44+s25+$0x0] =	vst.idx.msk $0xffff, v49;
	v55 =	vld [tilespmem:s31+$0xFFFFFE10]  }
0xff: {  	v57 =	vadd.s32 v26, v40;
	v49 =	vld [tilespmem:s31+$0x180];
	[tilespmem:s2+$0x50] =	vst v41;
	v41 =	vbroadcast v60, $0x0  }
0x100: {  	s3 =	sadd.s32 $0xFFFFFFFC, s4;
	v43 =	vld.idx.msk [tilespmem:v43+s16+$0x0], $0xffff;
	[tilespmem:s10+$0x40] =	vst v61  }
0x101: {  	v61 =	vmov s3;
	[tilespmem:s11+$0x10] =	vst v33;
	v33 =	vor.u32 v7, v45;
	v51 =	vld.idx.msk [tilespmem:v53+s16+$0x0], $0xffff;
	v58 =	vadd.s32 v13, v41  }
0x102: {  	v47 =	vshrl.u32 v47, $0x3;
	v59 =	vor.u32 v6, v46;
	v44 =	vshrl.u32 v61, $0x3;
	v45 =	vld [tilespmem:s31+$0xFFFFFF80];
	[tilespmem:s9+$0x50] =	vst v54  }
0x103: {  	v60 =	vor.u32 v6, v39;
	v52 =	vld.idx.msk [tilespmem:v52+s16+$0x0], $0xffff;
	v44 =	vshll.u32 v44, v8;
	[tilespmem:v56+s25+$0x0] =	vst.idx.msk $0xffff, v55  }
.Ltmp0:
0x104: {  	v47 =	vshll.u32 v47, v8;
	v44 =	vbroadcast v44, $0x0;
	[tilespmem:v57+s25+$0x0] =	vst.idx.msk $0xffff, v50;
	v48 =	vld [tilespmem:s31+$0xFFFFFE20];
	(pc) =	sbr.rel @p1 .LBB2_3-.Ltmp0, $4  }
0x105: {  	v42 =	vor.u32 v7, v46;
	s4 =	sadd.s32 $0x8, s4;
	v53 =	vadd.s32 v28, v40;
	v55 =	vor.u32 v6, v9;
	v46 =	vld [tilespmem:s31+$0x90];
	[tilespmem:s2+$0x60] =	vst v43  }
0x106: {  	s12 =	sadd.s32 $0xFFFFFFFA, s4;
	v43 =	vbroadcast v47, $0x0;
	v54 =	vadd.s32 v18, v44;
	v56 =	vld.idx.msk [tilespmem:v33+s16+$0x0], $0xffff;
	[tilespmem:v58+s25+$0x0] =	vst.idx.msk $0xffff, v49  }
0x107: {  	s26 =	sadd.s32 $0xFFFFFFFB, s4;
	v47 =	vmov s12;
	v50 =	vadd.s32 v35, v44;
	[tilespmem:s10+$0x50] =	vst v51;
	v51 =	vadd.s32 v37, v41;
	v57 =	vld.idx.msk [tilespmem:v59+s16+$0x0], $0xffff  }
0x108: {  	s14 =	smov.u32 s31;
	v62 =	vmovc v10;
	s15 =	smov.u32 s11;
	s12 =	smov.u32 s1;
	v49 =	vadd.s32 v10, v43;
	[tilespmem:s11+$0x20] =	vst v52;
	v59 =	vmov s26;
	v58 =	vld.idx.msk [tilespmem:v60+s16+$0x0], $0xffff;
	v52 =	vor.u32 v7, v9  }
0x109: {  	v9 =	vor.u32 v7, v39  }
0x10a: {  	v33 =	vor.u32 v7, v38;
	_ =	sdelay $0x1  }
0x10b: {  	[tilespmem:s9+$0x60] =	vst v57  }
0x10c: {  	s0 =	sadd.s32 $0xFFFFFFFF, s4;
	s1 =	sadd.s32 $0xFFFFFFFD, s4;
	[tilespmem:s10+$0x60] =	vst v58;
	v38 =	vld.idx.msk [tilespmem:v42+s16+$0x0], $0xffff  }
0x10d: {  	s12 =	sadd.s32 $0xFFFFFFF9, s4;
	v39 =	vmov s0;
	v61 =	vmov s1;
	v42 =	vshrl.u32 v59, $0x3;
	v9 =	vld.idx.msk [tilespmem:v9+s16+$0x0], $0xffff  }
0x10e: {  	v60 =	vmov s12;
	v39 =	vshrl.u32 v39, $0x3;
	v42 =	vshll.u32 v42, v8;
	v33 =	vld.idx.msk [tilespmem:v33+s16+$0x0], $0xffff  }
0x10f: {  	v39 =	vshll.u32 v39, v8;
	v57 =	vshrl.u32 v61, $0x3;
	v42 =	vbroadcast v42, $0x0  }
0x110: {  	s8 =	sadd.s32 $0x400, s31;
	[tilespmem:s2+$0x70] =	vst v56;
	v60 =	vshrl.u32 v60, $0x3;
	v39 =	vbroadcast v39, $0x0;
	v61 =	vshll.u32 v57, v8  }
0x111: {  	v58 =	vld [tilespmem:s8+$0xFFFFFF00];
	v59 =	vadd.s32 v27, v42;
	[tilespmem:s9+$0x70] =	vst v38;
	v38 =	vbroadcast v61, $0x0;
	v61 =	vshll.u32 v60, v8  }
0x112: {  	v57 =	vadd.s32 v30, v39;
	[tilespmem:s10+$0x70] =	vst v9;
	v9 =	vld [tilespmem:s8+$0x100];
	v56 =	vbroadcast v61, $0x0  }
0x113: {  	[tilespmem:s15+$0x30] =	vst v33;
	v60 =	vld [tilespmem:s8+$0x0];
	v33 =	vadd.s32 v14, v38  }
0x114: {  	[tilespmem:v55+s25+$0x0] =	vst.idx.msk $0xffff, v48;
	v27 =	vld [tilespmem:s8+$0xFFFFFE00];
	v30 =	vor.u32 v4, v56  }
0x115: {  	[tilespmem:v54+s25+$0x0] =	vst.idx.msk $0xffff, v45  }
0x116: {  	v45 =	vld [tilespmem:s14+$0xFFFFFE30];
	[tilespmem:v59+s25+$0x0] =	vst.idx.msk $0xffff, v58  }
0x117: {  	v61 =	vadd.s32 v63, v42;
	[tilespmem:v57+s25+$0x0] =	vst.idx.msk $0xffff, v9;
	v9 =	vld [tilespmem:s8+$0xFFFFFF10]  }
0x118: {  	v57 =	vadd.s32 v31, v39;
	[tilespmem:v33+s25+$0x0] =	vst.idx.msk $0xffff, v60;
	v33 =	vld [tilespmem:s8+$0x110]  }
0x119: {  	v31 =	vld [tilespmem:s8+$0x10];
	[tilespmem:v30+s25+$0x0] =	vst.idx.msk $0xffff, v27;
	v27 =	vadd.s32 v16, v38  }
0x11a: {  	[tilespmem:v53+s25+$0x0] =	vst.idx.msk $0xffff, v46;
	v53 =	vor.u32 v5, v56;
	v46 =	vld [tilespmem:s8+$0xFFFFFE10]  }
0x11b: {  	[tilespmem:v52+s25+$0x0] =	vst.idx.msk $0xffff, v45;
	v30 =	vld [tilespmem:s14+$0xFFFFFF90]  }
0x11c: {  	v60 =	vld [tilespmem:s14+$0x190];
	[tilespmem:v61+s25+$0x0] =	vst.idx.msk $0xffff, v9  }
0x11d: {  	v61 =	vadd.s32 v15, v42;
	v9 =	vld [tilespmem:s8+$0xFFFFFF20];
	[tilespmem:v57+s25+$0x0] =	vst.idx.msk $0xffff, v33  }
0x11e: {  	[tilespmem:v27+s25+$0x0] =	vst.idx.msk $0xffff, v31;
	v33 =	vld [tilespmem:s8+$0x120];
	v31 =	vadd.s32 v32, v39  }
0x11f: {  	v27 =	vadd.s32 v20, v38;
	v32 =	vld [tilespmem:s8+$0x20];
	[tilespmem:v53+s25+$0x0] =	vst.idx.msk $0xffff, v46  }
0x120: {  	[tilespmem:v50+s25+$0x0] =	vst.idx.msk $0xffff, v30;
	v50 =	vor.u32 v6, v56;
	v46 =	vld [tilespmem:s8+$0xFFFFFE20]  }
0x121: {  	[tilespmem:v51+s25+$0x0] =	vst.idx.msk $0xffff, v60;
	v30 =	vld [tilespmem:s14+$0xA0];
	v53 =	vadd.s32 v17, v40  }
0x122: {  	v60 =	vld [tilespmem:s14+$0xFFFFFE80];
	[tilespmem:v61+s25+$0x0] =	vst.idx.msk $0xffff, v9  }
0x123: {  	s26 =	sadd.s32 $0xFFFFFFFC, s4;
	v42 =	vadd.s32 v19, v42;
	v39 =	vadd.s32 v36, v39;
	v9 =	vshrl.u32 v47, $0x3;
	v61 =	vld [tilespmem:s8+$0xFFFFFF30];
	[tilespmem:v31+s25+$0x0] =	vst.idx.msk $0xffff, v33  }
0x124: {  	s31 =	sadd.s32 $0xFFFFFFFE, s4;
	v47 =	vadd.s32 v25, v44;
	v33 =	vadd.s32 v24, v38;
	v31 =	vmov s26;
	[tilespmem:v27+s25+$0x0] =	vst.idx.msk $0xffff, v32;
	v20 =	vld [tilespmem:s8+$0x130]  }
0x125: {  	v24 =	vmov s31;
	v27 =	vmov s4;
	v48 =	vshrl.u32 v31, $0x3;
	v32 =	vld [tilespmem:s8+$0x30];
	[tilespmem:v50+s25+$0x0] =	vst.idx.msk $0xffff, v46  }
0x126: {  	[tilespmem:v53+s25+$0x0] =	vst.idx.msk $0xffff, v30;
	v30 =	vshrl.u32 v27, $0x3;
	v48 =	vshll.u32 v48, v8;
	v50 =	vor.u32 v7, v56;
	v31 =	vld [tilespmem:s8+$0xFFFFFE30]  }
0x127: {  	v57 =	vld [tilespmem:s14+$0xFFFFFFA0];
	[tilespmem:v49+s25+$0x0] =	vst.idx.msk $0xffff, v60;
	v58 =	vshrl.u32 v24, $0x3;
	v46 =	vshll.u32 v30, v8;
	v48 =	vbroadcast v48, $0x0  }
0x128: {  	v59 =	vld [tilespmem:s14+$0x1A0];
	v60 =	vadd.s32 v34, v41;
	v45 =	vbroadcast v46, $0x0;
	[tilespmem:v42+s25+$0x0] =	vst.idx.msk $0xffff, v61;
	v61 =	vshll.u32 v58, v8  }
0x129: {  	v9 =	vshll.u32 v9, v8;
	v42 =	vbroadcast v61, $0x0;
	[tilespmem:v39+s25+$0x0] =	vst.idx.msk $0xffff, v20;
	v19 =	vld [tilespmem:s8+$0xFFFFFF80];
	v20 =	vadd.s32 v18, v48  }
0x12a: {  	v9 =	vbroadcast v9, $0x0;
	v46 =	vadd.s32 v13, v45;
	[tilespmem:v33+s25+$0x0] =	vst.idx.msk $0xffff, v32;
	v24 =	vld [tilespmem:s8+$0x180]  }
0x12b: {  	v27 =	vld [tilespmem:s8+$0x80];
	v30 =	vadd.s32 v26, v42;
	[tilespmem:v50+s25+$0x0] =	vst.idx.msk $0xffff, v31  }
0x12c: {  	[tilespmem:v47+s25+$0x0] =	vst.idx.msk $0xffff, v57;
	v31 =	vadd.s32 v62, v9;
	v50 =	vld [tilespmem:s8+$0xFFFFFE80]  }
0x12d: {  	v57 =	vadd.s32 v11, v43;
	[tilespmem:v60+s25+$0x0] =	vst.idx.msk $0xffff, v59;
	v58 =	vld [tilespmem:s14+$0xFFFFFE90]  }
0x12e: {  	v60 =	vadd.s32 v21, v44;
	v59 =	vld [tilespmem:s14+$0xFFFFFFB0];
	[tilespmem:v20+s25+$0x0] =	vst.idx.msk $0xffff, v19  }
0x12f: {  	v61 =	vadd.s32 v35, v48;
	[tilespmem:v46+s25+$0x0] =	vst.idx.msk $0xffff, v24;
	v38 =	vld [tilespmem:s8+$0xFFFFFF90]  }
0x130: {  	v62 =	vadd.s32 v37, v45;
	[tilespmem:v30+s25+$0x0] =	vst.idx.msk $0xffff, v27;
	v46 =	vld [tilespmem:s8+$0x190]  }
0x131: {  	v18 =	vadd.s32 v28, v42;
	v51 =	vld [tilespmem:s8+$0x90];
	[tilespmem:v31+s25+$0x0] =	vst.idx.msk $0xffff, v50  }
0x132: {  	[tilespmem:v57+s25+$0x0] =	vst.idx.msk $0xffff, v58;
	v19 =	vadd.s32 v11, v9;
	v50 =	vld [tilespmem:s8+$0xFFFFFE90]  }
0x133: {  	[tilespmem:v60+s25+$0x0] =	vst.idx.msk $0xffff, v59;
	v57 =	vld [tilespmem:s14+$0xB0];
	v58 =	vadd.s32 v29, v40  }
0x134: {  	v26 =	vadd.s32 v12, v43;
	v27 =	vld [tilespmem:s14+$0xFFFFFEA0];
	[tilespmem:v61+s25+$0x0] =	vst.idx.msk $0xffff, v38  }
0x135: {  	v28 =	vadd.s32 v25, v48;
	v33 =	vld [tilespmem:s8+$0xFFFFFFA0];
	[tilespmem:v62+s25+$0x0] =	vst.idx.msk $0xffff, v46  }
0x136: {  	v30 =	vadd.s32 v34, v45;
	[tilespmem:v18+s25+$0x0] =	vst.idx.msk $0xffff, v51;
	v39 =	vld [tilespmem:s8+$0x1A0]  }
0x137: {  	v31 =	vadd.s32 v17, v42;
	v52 =	vld [tilespmem:s8+$0xA0];
	[tilespmem:v19+s25+$0x0] =	vst.idx.msk $0xffff, v50  }
0x138: {  	v56 =	vadd.s32 v12, v9;
	[tilespmem:v58+s25+$0x0] =	vst.idx.msk $0xffff, v57;
	v47 =	vld [tilespmem:s8+$0xFFFFFEA0]  }
0x139: {  	v20 =	vld [tilespmem:s14+$0x1B0];
	v24 =	vadd.s32 v23, v41;
	[tilespmem:v26+s25+$0x0] =	vst.idx.msk $0xffff, v27  }
0x13a: {  	v59 =	vadd.s32 v22, v43;
	v49 =	vld [tilespmem:s14+$0xFFFFFEB0];
	[tilespmem:v28+s25+$0x0] =	vst.idx.msk $0xffff, v33  }
0x13b: {  	v60 =	vadd.s32 v21, v48;
	v33 =	vld [tilespmem:s8+$0xFFFFFFB0];
	[tilespmem:v30+s25+$0x0] =	vst.idx.msk $0xffff, v39  }
0x13c: {  	v45 =	vadd.s32 v23, v45;
	[tilespmem:v31+s25+$0x0] =	vst.idx.msk $0xffff, v52;
	v39 =	vld [tilespmem:s8+$0x1B0]  }
0x13d: {  	v42 =	vadd.s32 v29, v42;
	[tilespmem:v56+s25+$0x0] =	vst.idx.msk $0xffff, v47;
	v61 =	vld [tilespmem:s8+$0xB0]  }
0x13e: {  	v9 =	vadd.s32 v22, v9;
	[tilespmem:v24+s25+$0x0] =	vst.idx.msk $0xffff, v20;
	v62 =	vld [tilespmem:s8+$0xFFFFFEB0]  }
0x13f: {  	[tilespmem:v59+s25+$0x0] =	vst.idx.msk $0xffff, v49  }
0x140: {  	[tilespmem:v60+s25+$0x0] =	vst.idx.msk $0xffff, v33  }
0x141: {  	[tilespmem:v45+s25+$0x0] =	vst.idx.msk $0xffff, v39  }
0x142: {  	[tilespmem:v42+s25+$0x0] =	vst.idx.msk $0xffff, v61  }
0x143: {  	[tilespmem:v9+s25+$0x0] =	vst.idx.msk $0xffff, v62  }
0x144: {  	v40 =	vld [tilespmem:$0x1FED0]  }
0x145: {  	v41 =	vld [tilespmem:$0x1FEE0]  }
0x146: {  	v50 =	vld [tilespmem:$0x1FEF0]  }
0x147: {  	v51 =	vld [tilespmem:$0x1FF00]  }
0x148: {  	v52 =	vld [tilespmem:$0x1FD40]  }
0x149: {  	v53 =	vld [tilespmem:$0x1FDB0]  }
0x14a: {  	p1 =	por $0x1, $0x1;
	p2 =	por $0x1, $0x1;
	v35 =	vld [tilespmem:$0x1FE80]  }
.LBB2_5:
0x14b: {  	v9 =	vmov s13;
	v11 =	vld [tilespmem:$0x1FCC0]  }
0x14c: {  	v9 =	vshrl.u32 v9, $0x3  }
0x14d: {  	v9 =	vshll.u32 v9, $0x3  }
0x14e: {  	v49 =	vbroadcast v9, $0x0;
	_ =	sdelay $0x1  }
0x14f: {  	v33 =	vor.u32 v11, v49;
	v11 =	vld [tilespmem:$0x1FE90];
	_ =	sdelay $0x4  }
0x150: {  	v38 =	vor.u32 v11, v49;
	v11 =	vld [tilespmem:$0x1FCD0];
	_ =	sdelay $0x4  }
0x151: {  	v39 =	vor.u32 v11, v49;
	v11 =	vld [tilespmem:$0x1FEA0];
	_ =	sdelay $0x1  }
0x152: {  	v9 =	vor.u32 v35, v49;
	_ =	sdelay $0x2  }
0x153: {  	v59 =	vor.u32 v11, v49;
	v11 =	vld [tilespmem:$0x1FCE0];
	_ =	sdelay $0x1  }
0x154: {  	v9 =	vld.idx.msk [tilespmem:v9+s17+$0x0], $0xffff;
	_ =	sdelay $0x2  }
0x155: {  	s0 =	sshll.u32 s13, $0x7;
	v61 =	vor.u32 v11, v49;
	v11 =	vld [tilespmem:$0x1FEB0]  }
0x156: {  	s2 =	sand.u32 $0x3FFFFF80, s0;
	v33 =	vld.idx.msk [tilespmem:v33+s17+$0x0], $0xffff  }
0x157: {  	[tilespmem:s2+$0x12B00] =	vst v9  }
0x158: {  	v9 =	vld.idx.msk [tilespmem:v38+s17+$0x0], $0xffff;
	_ =	sdelay $0x1  }
0x159: {  	v62 =	vor.u32 v11, v49;
	v11 =	vld [tilespmem:$0x1FCF0]  }
0x15a: {  	[tilespmem:s2+$0x12B80] =	vst v33  }
0x15b: {  	v60 =	vld.idx.msk [tilespmem:v39+s17+$0x0], $0xffff  }
0x15c: {  	[tilespmem:s2+$0x12B10] =	vst v9  }
0x15d: {  	v9 =	vld.idx.msk [tilespmem:v59+s17+$0x0], $0xffff  }
0x15e: {  	v42 =	vor.u32 v11, v49;
	v11 =	vld [tilespmem:$0x1FEC0];
	_ =	sdelay $0x1  }
0x15f: {  	[tilespmem:s2+$0x12B90] =	vst v60  }
0x160: {  	v38 =	vld.idx.msk [tilespmem:v61+s17+$0x0], $0xffff;
	_ =	sdelay $0x1  }
0x161: {  	[tilespmem:s2+$0x12B20] =	vst v9;
	v43 =	vor.u32 v11, v49;
	v11 =	vld [tilespmem:$0x1FD00]  }
0x162: {  	v9 =	vld.idx.msk [tilespmem:v62+s17+$0x0], $0xffff;
	_ =	sdelay $0x1  }
0x163: {  	[tilespmem:s2+$0x12BA0] =	vst v38  }
0x164: {  	v38 =	vld.idx.msk [tilespmem:v42+s17+$0x0], $0xffff  }
0x165: {  	v44 =	vor.u32 v11, v49  }
0x166: {  	[tilespmem:s2+$0x12B30] =	vst v9;
	v11 =	vld [tilespmem:$0x1FD10]  }
0x167: {  	v9 =	vld.idx.msk [tilespmem:v43+s17+$0x0], $0xffff  }
0x168: {  	v45 =	vor.u32 v40, v49  }
0x169: {  	[tilespmem:s2+$0x12BB0] =	vst v38  }
0x16a: {  	v38 =	vld.idx.msk [tilespmem:v44+s17+$0x0], $0xffff  }
0x16b: {  	v46 =	vor.u32 v11, v49;
	v11 =	vld [tilespmem:$0x1FD20]  }
0x16c: {  	[tilespmem:s2+$0x12B40] =	vst v9  }
0x16d: {  	v9 =	vld.idx.msk [tilespmem:v45+s17+$0x0], $0xffff  }
0x16e: {  	v47 =	vor.u32 v41, v49;
	_ =	sdelay $0x1  }
0x16f: {  	[tilespmem:s2+$0x12BC0] =	vst v38;
	v48 =	vor.u32 v11, v49;
	v11 =	vld [tilespmem:$0x1FD30]  }
0x170: {  	v56 =	vor.u32 v51, v49;
	v38 =	vld.idx.msk [tilespmem:v46+s17+$0x0], $0xffff  }
0x171: {  	v57 =	vor.u32 v53, v49;
	[tilespmem:s2+$0x12B50] =	vst v9  }
0x172: {  	v9 =	vld.idx.msk [tilespmem:v47+s17+$0x0], $0xffff  }
0x173: {  	v54 =	vor.u32 v50, v49;
	_ =	sdelay $0x1  }
0x174: {  	v40 =	vld.idx.msk [tilespmem:v56+s17+$0x0], $0xffff;
	v55 =	vor.u32 v11, v49;
	v11 =	vor.u32 $0x5, v35;
	[tilespmem:s2+$0x12BD0] =	vst v38  }
0x175: {  	v17 =	vor.u32 $0x4, v35;
	v41 =	vld.idx.msk [tilespmem:v57+s17+$0x0], $0xffff;
	[tilespmem:$0x1FC40] =	vst v11  }
0x176: {  	v44 =	vor.u32 v52, v49;
	v58 =	vor.u32 v11, v49;
	v11 =	vor.u32 $0x6, v35;
	v38 =	vld.idx.msk [tilespmem:v48+s17+$0x0], $0xffff;
	[tilespmem:s2+$0x12B60] =	vst v9  }
0x177: {  	v9 =	vor.u32 v17, v49;
	[tilespmem:$0x1FC50] =	vst v11;
	v42 =	vor.u32 v11, v49;
	v11 =	vor.u32 $0x7, v35;
	v33 =	vld.idx.msk [tilespmem:v54+s17+$0x0], $0xffff  }
0x178: {  	[tilespmem:$0x1FC60] =	vst v11;
	v43 =	vor.u32 v11, v49;
	v11 =	vld [tilespmem:$0x1FDC0];
	_ =	sdelay $0x1  }
0x179: {  	v25 =	vld [tilespmem:$0x1FDA0];
	[tilespmem:s2+$0x12C00] =	vst v40  }
0x17a: {  	[tilespmem:s2+$0x12C80] =	vst v41;
	v44 =	vld.idx.msk [tilespmem:v44+s17+$0x0], $0xffff  }
0x17b: {  	[tilespmem:s2+$0x12BE0] =	vst v38;
	v9 =	vld.idx.msk [tilespmem:v9+s17+$0x0], $0xffff  }
0x17c: {  	v38 =	vld.idx.msk [tilespmem:v58+s17+$0x0], $0xffff;
	v45 =	vor.u32 v11, v49;
	v11 =	vor.u32 $0x104, v35;
	[tilespmem:s2+$0x12B70] =	vst v33  }
0x17d: {  	v42 =	vld.idx.msk [tilespmem:v42+s17+$0x0], $0xffff;
	[tilespmem:$0x1FC70] =	vst v11;
	v59 =	vor.u32 v11, v49;
	v11 =	vor.u32 $0x105, v35  }
0x17e: {  	v39 =	vld.idx.msk [tilespmem:v55+s17+$0x0], $0xffff;
	[tilespmem:$0x1FC80] =	vst v11;
	v60 =	vor.u32 v11, v49;
	v11 =	vor.u32 $0x106, v35  }
0x17f: {  	v43 =	vld.idx.msk [tilespmem:v43+s17+$0x0], $0xffff;
	[tilespmem:$0x1FC90] =	vst v11;
	v61 =	vor.u32 v11, v49;
	v11 =	vor.u32 $0x107, v35  }
0x180: {  	[tilespmem:$0x1FCA0] =	vst v11;
	v62 =	vor.u32 v11, v49;
	v11 =	vld [tilespmem:$0x1FD50]  }
0x181: {  	[tilespmem:s2+$0x12D00] =	vst v9;
	v9 =	vld [tilespmem:$0x1FDD0]  }
0x182: {  	v37 =	vor.u32 $0x204, v35;
	[tilespmem:s2+$0x12D80] =	vst v38;
	v33 =	vld.idx.msk [tilespmem:v59+s17+$0x0], $0xffff  }
0x183: {  	v20 =	vor.u32 $0x205, v35;
	v48 =	vor.u32 v37, v49;
	[tilespmem:s2+$0x12BF0] =	vst v39;
	v39 =	vld.idx.msk [tilespmem:v60+s17+$0x0], $0xffff  }
0x184: {  	v54 =	vor.u32 v20, v49;
	[tilespmem:s2+$0x12E00] =	vst v42;
	v45 =	vld.idx.msk [tilespmem:v45+s17+$0x0], $0xffff  }
0x185: {  	v40 =	vld.idx.msk [tilespmem:v61+s17+$0x0], $0xffff;
	v46 =	vor.u32 v11, v49  }
0x186: {  	[tilespmem:s2+$0x12E80] =	vst v43;
	v11 =	vld [tilespmem:$0x1FD60]  }
0x187: {  	v31 =	vor.u32 $0x206, v35;
	v9 =	vor.u32 v9, v49;
	v41 =	vld.idx.msk [tilespmem:v62+s17+$0x0], $0xffff;
	[tilespmem:s2+$0x12D10] =	vst v33  }
0x188: {  	v21 =	vor.u32 $0x304, v35;
	v55 =	vor.u32 v31, v49;
	v38 =	vld.idx.msk [tilespmem:v48+s17+$0x0], $0xffff;
	[tilespmem:s2+$0x12D90] =	vst v39  }
0x189: {  	v28 =	vor.u32 $0x207, v35;
	[tilespmem:s2+$0x12C10] =	vst v44;
	v59 =	vor.u32 v21, v49;
	v42 =	vld.idx.msk [tilespmem:v54+s17+$0x0], $0xffff  }
0x18a: {  	v56 =	vor.u32 v28, v49;
	v44 =	vld.idx.msk [tilespmem:v46+s17+$0x0], $0xffff  }
0x18b: {  	[tilespmem:s2+$0x12C90] =	vst v45;
	v57 =	vor.u32 v11, v49;
	v11 =	vld [tilespmem:$0x1FD70]  }
0x18c: {  	v60 =	vor.u32 $0x303, v35;
	[tilespmem:s2+$0x12E10] =	vst v40;
	v9 =	vld.idx.msk [tilespmem:v9+s17+$0x0], $0xffff  }
0x18d: {  	v36 =	vor.u32 $0x305, v35;
	v58 =	vor.u32 v60, v49;
	v43 =	vld.idx.msk [tilespmem:v55+s17+$0x0], $0xffff;
	[tilespmem:s2+$0x12D20] =	vst v38  }
0x18e: {  	v62 =	vor.u32 $0x306, v35;
	v40 =	vor.u32 v36, v49;
	[tilespmem:s2+$0x12E90] =	vst v41;
	v39 =	vld.idx.msk [tilespmem:v59+s17+$0x0], $0xffff  }
0x18f: {  	v41 =	vor.u32 v62, v49;
	[tilespmem:s2+$0x12C20] =	vst v44;
	v44 =	vld.idx.msk [tilespmem:v56+s17+$0x0], $0xffff  }
0x190: {  	v61 =	vor.u32 $0x307, v35;
	v46 =	vor.u32 v11, v49;
	v11 =	vld [tilespmem:$0x1FD80]  }
0x191: {  	[tilespmem:s2+$0x12CA0] =	vst v9;
	v9 =	vor.u32 v61, v49;
	v45 =	vld.idx.msk [tilespmem:v57+s17+$0x0], $0xffff  }
0x192: {  	v34 =	vor.u32 $0x403, v35;
	[tilespmem:s2+$0x12DA0] =	vst v42;
	v33 =	vld.idx.msk [tilespmem:v58+s17+$0x0], $0xffff  }
0x193: {  	v38 =	vor.u32 v34, v49;
	v56 =	vor.u32 $0x404, v35;
	v40 =	vld.idx.msk [tilespmem:v40+s17+$0x0], $0xffff;
	[tilespmem:s2+$0x12E20] =	vst v43  }
0x194: {  	v48 =	vor.u32 v56, v49;
	v57 =	vor.u32 $0x405, v35;
	v41 =	vld.idx.msk [tilespmem:v41+s17+$0x0], $0xffff  }
0x195: {  	v22 =	vor.u32 $0x406, v35;
	v43 =	vor.u32 v57, v49;
	[tilespmem:s2+$0x12EA0] =	vst v44;
	v58 =	vor.u32 v11, v49;
	v11 =	vld [tilespmem:$0x1FD90]  }
0x196: {  	v55 =	vor.u32 $0x407, v35;
	v44 =	vor.u32 v22, v49;
	[tilespmem:s2+$0x12C30] =	vst v45;
	v9 =	vld.idx.msk [tilespmem:v9+s17+$0x0], $0xffff  }
0x197: {  	v54 =	vor.u32 v55, v49;
	[tilespmem:s2+$0x12CB0] =	vst v33;
	v45 =	vld.idx.msk [tilespmem:v46+s17+$0x0], $0xffff  }
0x198: {  	v19 =	vor.u32 $0x503, v35;
	[tilespmem:s2+$0x12D30] =	vst v39;
	v38 =	vld.idx.msk [tilespmem:v38+s17+$0x0], $0xffff  }
0x199: {  	v24 =	vor.u32 $0x504, v35;
	v59 =	vor.u32 v19, v49;
	[tilespmem:s2+$0x12DB0] =	vst v40;
	v42 =	vld.idx.msk [tilespmem:v48+s17+$0x0], $0xffff  }
0x19a: {  	v12 =	vor.u32 $0x505, v35;
	v48 =	vor.u32 v24, v49;
	[tilespmem:s2+$0x12E30] =	vst v41;
	v43 =	vld.idx.msk [tilespmem:v43+s17+$0x0], $0xffff  }
0x19b: {  	v14 =	vor.u32 $0x506, v35;
	v41 =	vor.u32 v12, v49;
	v44 =	vld.idx.msk [tilespmem:v44+s17+$0x0], $0xffff;
	[tilespmem:s2+$0x12EB0] =	vst v9  }
0x19c: {  	v23 =	vor.u32 $0x507, v35;
	v9 =	vor.u32 v14, v49;
	[tilespmem:s2+$0x12C40] =	vst v45;
	v33 =	vld.idx.msk [tilespmem:v54+s17+$0x0], $0xffff  }
0x19d: {  	[tilespmem:s2+$0x12CC0] =	vst v38;
	v38 =	vor.u32 v23, v49;
	v45 =	vld.idx.msk [tilespmem:v58+s17+$0x0], $0xffff  }
0x19e: {  	[tilespmem:s2+$0x12D40] =	vst v42;
	v54 =	vor.u32 v11, v49;
	v39 =	vld.idx.msk [tilespmem:v59+s17+$0x0], $0xffff;
	v58 =	vor.u32 $0x603, v35  }
0x19f: {  	v40 =	vld.idx.msk [tilespmem:v48+s17+$0x0], $0xffff;
	[tilespmem:s2+$0x12DC0] =	vst v43;
	v59 =	vor.u32 $0x604, v35;
	v47 =	vor.u32 v58, v49  }
0x1a0: {  	v16 =	vor.u32 $0x605, v35;
	v41 =	vld.idx.msk [tilespmem:v41+s17+$0x0], $0xffff;
	v48 =	vor.u32 v59, v49;
	[tilespmem:s2+$0x12E40] =	vst v44  }
0x1a1: {  	v13 =	vor.u32 $0x606, v35;
	v42 =	vmov v50;
	v50 =	vor.u32 v16, v49;
	v9 =	vld.idx.msk [tilespmem:v9+s17+$0x0], $0xffff;
	[tilespmem:s2+$0x12EC0] =	vst v33  }
0x1a2: {  	v11 =	vor.u32 $0x607, v35;
	v33 =	vor.u32 v13, v49;
	[tilespmem:s2+$0x12C50] =	vst v45;
	v38 =	vld.idx.msk [tilespmem:v38+s17+$0x0], $0xffff  }
0x1a3: {  	v43 =	vmov v51;
	[tilespmem:s2+$0x12CD0] =	vst v39;
	v39 =	vor.u32 v11, v49;
	v51 =	vld.idx.msk [tilespmem:v54+s17+$0x0], $0xffff  }
0x1a4: {  	v46 =	vmovc v52;
	v52 =	vor.u32 v25, v49;
	v25 =	vor.u32 $0x703, v35;
	v44 =	vmov v53;
	[tilespmem:s2+$0x12D50] =	vst v40;
	v53 =	vld.idx.msk [tilespmem:v47+s17+$0x0], $0xffff  }
0x1a5: {  	v26 =	vor.u32 $0x704, v35;
	v40 =	vor.u32 v25, v49;
	[tilespmem:s2+$0x12DD0] =	vst v41;
	v54 =	vld.idx.msk [tilespmem:v48+s17+$0x0], $0xffff  }
0x1a6: {  	v27 =	vor.u32 $0x705, v35;
	v45 =	vor.u32 v26, v49;
	v50 =	vld.idx.msk [tilespmem:v50+s17+$0x0], $0xffff;
	[tilespmem:s2+$0x12E50] =	vst v9  }
0x1a7: {  	v30 =	vor.u32 $0x706, v35;
	v9 =	vor.u32 v27, v49;
	v33 =	vld.idx.msk [tilespmem:v33+s17+$0x0], $0xffff;
	[tilespmem:s2+$0x12ED0] =	vst v38  }
0x1a8: {  	v32 =	vor.u32 $0x707, v35;
	v47 =	vor.u32 v30, v49;
	[tilespmem:s2+$0x12C60] =	vst v51;
	v39 =	vld.idx.msk [tilespmem:v39+s17+$0x0], $0xffff  }
0x1a9: {  	v49 =	vor.u32 v32, v49;
	[tilespmem:s2+$0x12CE0] =	vst v53;
	v51 =	vld.idx.msk [tilespmem:v52+s17+$0x0], $0xffff  }
0x1aa: {  	[tilespmem:s2+$0x12D60] =	vst v54;
	v40 =	vld.idx.msk [tilespmem:v40+s17+$0x0], $0xffff  }
0x1ab: {  	[tilespmem:s2+$0x12DE0] =	vst v50;
	v41 =	vld.idx.msk [tilespmem:v45+s17+$0x0], $0xffff  }
0x1ac: {  	v9 =	vld.idx.msk [tilespmem:v9+s17+$0x0], $0xffff;
	[tilespmem:s2+$0x12E60] =	vst v33  }
0x1ad: {  	v33 =	vld.idx.msk [tilespmem:v47+s17+$0x0], $0xffff;
	[tilespmem:s2+$0x12EE0] =	vst v39  }
0x1ae: {  	p3 =	por p2, p2;
	[tilespmem:s2+$0x12C70] =	vst v51;
	v54 =	vld.idx.msk [tilespmem:v49+s17+$0x0], $0xffff  }
.Ltmp1:
0x1af: {  	[tilespmem:s2+$0x12CF0] =	vst v40;
	(pc) =	sbr.rel @p3 .LBB2_5-.Ltmp1, $4  }
0x1b0: {  	[tilespmem:s2+$0x12D70] =	vst v41  }
0x1b1: {  	[tilespmem:s2+$0x12DF0] =	vst v9  }
0x1b2: {  	v40 =	vld [tilespmem:$0x1FED0];
	[tilespmem:s2+$0x12E70] =	vst v33  }
0x1b3: {  	s1 =	simm.s32 $0x0;
	s13 =	simm.s32 $0x8;
	p2 =	por $0x0, $0x0;
	v53 =	vmovc v44;
	v50 =	vmov v42;
	v52 =	vmov v46;
	v51 =	vmov v43;
	v41 =	vld [tilespmem:$0x1FEE0];
	[tilespmem:s2+$0x12EF0] =	vst v54  }
0x1b4: {  	v18 =	vld [tilespmem:$0x1FDC0]  }
0x1b5: {  	v29 =	vld [tilespmem:$0x1FDD0]  }
0x1b6: {  	v54 =	vmov v34;
	v34 =	vld [tilespmem:$0x1FE90]  }
0x1b7: {  	v45 =	vmov v60;
	v60 =	vld [tilespmem:$0x1FEA0]  }
0x1b8: {  	v48 =	vmov v61;
	v61 =	vld [tilespmem:$0x1FEB0]  }
0x1b9: {  	v47 =	vmov v62;
	v62 =	vld [tilespmem:$0x1FEC0]  }
.LBB2_7:
0x1ba: {  	v9 =	vmov s1  }
0x1bb: {  	v9 =	vshrl.u32 v9, $0x3  }
0x1bc: {  	v33 =	vld [tilespmem:$0x1FCC0];
	v9 =	vshll.u32 v9, $0x3  }
0x1bd: {  	v49 =	vbroadcast v9, $0x0;
	_ =	sdelay $0x1  }
0x1be: {  	v9 =	vor.u32 v35, v49;
	_ =	sdelay $0x1  }
0x1bf: {  	v33 =	vor.u32 v33, v49;
	_ =	sdelay $0x1  }
0x1c0: {  	v39 =	vld [tilespmem:$0x1FCD0]  }
0x1c1: {  	v9 =	vld.idx.msk [tilespmem:v9+s18+$0x0], $0xffff  }
0x1c2: {  	v38 =	vor.u32 v34, v49  }
0x1c3: {  	v33 =	vld.idx.msk [tilespmem:v33+s18+$0x0], $0xffff  }
0x1c4: {  	s0 =	sshll.u32 s1, $0x7  }
0x1c5: {  	s2 =	sand.u32 $0x3FFFFF80, s0;
	v39 =	vor.u32 v39, v49  }
0x1c6: {  	v52 =	vld [tilespmem:$0x1FCE0];
	[tilespmem:s2+$0x13300] =	vst v9  }
0x1c7: {  	v9 =	vld.idx.msk [tilespmem:v38+s18+$0x0], $0xffff  }
0x1c8: {  	[tilespmem:s2+$0x13380] =	vst v33;
	v33 =	vor.u32 v60, v49;
	_ =	sdelay $0x1  }
0x1c9: {  	v38 =	vld.idx.msk [tilespmem:v39+s18+$0x0], $0xffff  }
0x1ca: {  	v39 =	vor.u32 v52, v49  }
0x1cb: {  	v52 =	vld [tilespmem:$0x1FCF0];
	[tilespmem:s2+$0x13310] =	vst v9  }
0x1cc: {  	v9 =	vld.idx.msk [tilespmem:v33+s18+$0x0], $0xffff  }
0x1cd: {  	v33 =	vor.u32 v61, v49  }
0x1ce: {  	[tilespmem:s2+$0x13390] =	vst v38  }
0x1cf: {  	v38 =	vld.idx.msk [tilespmem:v39+s18+$0x0], $0xffff  }
0x1d0: {  	v39 =	vor.u32 v52, v49  }
0x1d1: {  	v52 =	vld [tilespmem:$0x1FD00];
	[tilespmem:s2+$0x13320] =	vst v9  }
0x1d2: {  	v9 =	vld.idx.msk [tilespmem:v33+s18+$0x0], $0xffff  }
0x1d3: {  	v33 =	vor.u32 v62, v49  }
0x1d4: {  	[tilespmem:s2+$0x133A0] =	vst v38  }
0x1d5: {  	v38 =	vld.idx.msk [tilespmem:v39+s18+$0x0], $0xffff  }
0x1d6: {  	v39 =	vor.u32 v52, v49  }
0x1d7: {  	v52 =	vld [tilespmem:$0x1FD10];
	[tilespmem:s2+$0x13330] =	vst v9  }
0x1d8: {  	v9 =	vld.idx.msk [tilespmem:v33+s18+$0x0], $0xffff  }
0x1d9: {  	v33 =	vor.u32 v40, v49  }
0x1da: {  	[tilespmem:s2+$0x133B0] =	vst v38  }
0x1db: {  	v38 =	vld.idx.msk [tilespmem:v39+s18+$0x0], $0xffff  }
0x1dc: {  	v39 =	vor.u32 v52, v49  }
0x1dd: {  	v52 =	vld [tilespmem:$0x1FD20];
	v40 =	vor.u32 v51, v49;
	[tilespmem:s2+$0x13340] =	vst v9  }
0x1de: {  	v9 =	vld.idx.msk [tilespmem:v33+s18+$0x0], $0xffff  }
0x1df: {  	v33 =	vor.u32 v41, v49  }
0x1e0: {  	[tilespmem:s2+$0x133C0] =	vst v38  }
0x1e1: {  	v38 =	vld.idx.msk [tilespmem:v39+s18+$0x0], $0xffff  }
0x1e2: {  	v40 =	vld.idx.msk [tilespmem:v40+s18+$0x0], $0xffff;
	v39 =	vor.u32 v52, v49  }
0x1e3: {  	v52 =	vor.u32 v50, v49;
	v50 =	vld [tilespmem:$0x1FD30];
	[tilespmem:s2+$0x13350] =	vst v9  }
0x1e4: {  	v9 =	vld.idx.msk [tilespmem:v33+s18+$0x0], $0xffff;
	_ =	sdelay $0x1  }
0x1e5: {  	v51 =	vld [tilespmem:$0x1FC60];
	[tilespmem:s2+$0x133D0] =	vst v38  }
0x1e6: {  	v41 =	vor.u32 v53, v49;
	v38 =	vld.idx.msk [tilespmem:v39+s18+$0x0], $0xffff  }
0x1e7: {  	v53 =	vld [tilespmem:$0x1FC50];
	[tilespmem:s2+$0x13400] =	vst v40;
	v39 =	vor.u32 v50, v49  }
0x1e8: {  	v40 =	vld [tilespmem:$0x1FC90];
	[tilespmem:s2+$0x13360] =	vst v9;
	v9 =	vor.u32 v17, v49  }
0x1e9: {  	v33 =	vld.idx.msk [tilespmem:v52+s18+$0x0], $0xffff  }
0x1ea: {  	v51 =	vor.u32 v51, v49;
	v52 =	vld [tilespmem:$0x1FC40]  }
0x1eb: {  	v41 =	vld.idx.msk [tilespmem:v41+s18+$0x0], $0xffff;
	[tilespmem:s2+$0x133E0] =	vst v38  }
0x1ec: {  	v39 =	vld.idx.msk [tilespmem:v39+s18+$0x0], $0xffff  }
0x1ed: {  	v9 =	vld.idx.msk [tilespmem:v9+s18+$0x0], $0xffff  }
0x1ee: {  	v50 =	vor.u32 v53, v49;
	[tilespmem:s2+$0x13370] =	vst v33;
	v33 =	vld [tilespmem:$0x1FC70]  }
0x1ef: {  	v51 =	vld.idx.msk [tilespmem:v51+s18+$0x0], $0xffff;
	v38 =	vor.u32 v52, v49  }
0x1f0: {  	[tilespmem:s2+$0x13480] =	vst v41;
	v41 =	vld [tilespmem:$0x1FCA0]  }
0x1f1: {  	v52 =	vor.u32 v46, v49;
	[tilespmem:s2+$0x133F0] =	vst v39;
	v39 =	vld [tilespmem:$0x1FC80]  }
0x1f2: {  	v53 =	vor.u32 v18, v49;
	[tilespmem:s2+$0x13500] =	vst v9;
	v9 =	vld [tilespmem:$0x1FD50]  }
0x1f3: {  	v50 =	vld.idx.msk [tilespmem:v50+s18+$0x0], $0xffff;
	v33 =	vor.u32 v33, v49  }
0x1f4: {  	v40 =	vor.u32 v40, v49;
	v38 =	vld.idx.msk [tilespmem:v38+s18+$0x0], $0xffff  }
0x1f5: {  	v41 =	vor.u32 v41, v49  }
0x1f6: {  	v39 =	vor.u32 v39, v49;
	v52 =	vld.idx.msk [tilespmem:v52+s18+$0x0], $0xffff  }
0x1f7: {  	[tilespmem:s2+$0x13680] =	vst v51;
	v53 =	vld.idx.msk [tilespmem:v53+s18+$0x0], $0xffff;
	v9 =	vor.u32 v9, v49  }
0x1f8: {  	[tilespmem:s2+$0x13600] =	vst v50;
	v33 =	vld.idx.msk [tilespmem:v33+s18+$0x0], $0xffff  }
0x1f9: {  	v40 =	vld.idx.msk [tilespmem:v40+s18+$0x0], $0xffff;
	[tilespmem:s2+$0x13580] =	vst v38;
	v38 =	vor.u32 v29, v49  }
0x1fa: {  	v50 =	vor.u32 v37, v49;
	v41 =	vld.idx.msk [tilespmem:v41+s18+$0x0], $0xffff  }
0x1fb: {  	[tilespmem:s2+$0x13410] =	vst v52;
	v39 =	vld.idx.msk [tilespmem:v39+s18+$0x0], $0xffff  }
0x1fc: {  	v51 =	vor.u32 v20, v49;
	[tilespmem:s2+$0x13490] =	vst v53;
	v9 =	vld.idx.msk [tilespmem:v9+s18+$0x0], $0xffff  }
0x1fd: {  	v52 =	vor.u32 v31, v49;
	[tilespmem:s2+$0x13510] =	vst v33;
	v33 =	vld [tilespmem:$0x1FD60]  }
0x1fe: {  	v53 =	vor.u32 v28, v49;
	v38 =	vld.idx.msk [tilespmem:v38+s18+$0x0], $0xffff  }
0x1ff: {  	[tilespmem:s2+$0x13610] =	vst v40;
	v50 =	vld.idx.msk [tilespmem:v50+s18+$0x0], $0xffff  }
0x200: {  	[tilespmem:s2+$0x13590] =	vst v39;
	v39 =	vor.u32 v45, v49  }
0x201: {  	v40 =	vor.u32 v21, v49;
	[tilespmem:s2+$0x13690] =	vst v41;
	v51 =	vld.idx.msk [tilespmem:v51+s18+$0x0], $0xffff  }
0x202: {  	v41 =	vor.u32 v36, v49;
	v52 =	vld.idx.msk [tilespmem:v52+s18+$0x0], $0xffff;
	[tilespmem:s2+$0x13420] =	vst v9  }
0x203: {  	v53 =	vld.idx.msk [tilespmem:v53+s18+$0x0], $0xffff;
	v9 =	vor.u32 v47, v49;
	[tilespmem:s2+$0x134A0] =	vst v38  }
0x204: {  	v33 =	vor.u32 v33, v49;
	[tilespmem:s2+$0x13520] =	vst v50;
	v50 =	vld [tilespmem:$0x1FD70]  }
0x205: {  	v38 =	vor.u32 v48, v49;
	v39 =	vld.idx.msk [tilespmem:v39+s18+$0x0], $0xffff  }
0x206: {  	[tilespmem:s2+$0x135A0] =	vst v51;
	v40 =	vld.idx.msk [tilespmem:v40+s18+$0x0], $0xffff  }
0x207: {  	[tilespmem:s2+$0x13620] =	vst v52;
	v52 =	vor.u32 v56, v49;
	v41 =	vld.idx.msk [tilespmem:v41+s18+$0x0], $0xffff  }
0x208: {  	v51 =	vor.u32 v54, v49;
	v9 =	vld.idx.msk [tilespmem:v9+s18+$0x0], $0xffff  }
0x209: {  	[tilespmem:s2+$0x136A0] =	vst v53;
	v53 =	vor.u32 v57, v49;
	v33 =	vld.idx.msk [tilespmem:v33+s18+$0x0], $0xffff  }
0x20a: {  	v38 =	vld.idx.msk [tilespmem:v38+s18+$0x0], $0xffff;
	v50 =	vor.u32 v50, v49;
	[tilespmem:s2+$0x134B0] =	vst v39  }
0x20b: {  	v39 =	vor.u32 v55, v49;
	[tilespmem:s2+$0x13530] =	vst v40;
	v40 =	vld [tilespmem:$0x1FD80]  }
0x20c: {  	[tilespmem:s2+$0x135B0] =	vst v41;
	v52 =	vld.idx.msk [tilespmem:v52+s18+$0x0], $0xffff  }
0x20d: {  	v51 =	vld.idx.msk [tilespmem:v51+s18+$0x0], $0xffff;
	[tilespmem:s2+$0x13630] =	vst v9;
	v9 =	vor.u32 v24, v49  }
0x20e: {  	v53 =	vld.idx.msk [tilespmem:v53+s18+$0x0], $0xffff;
	[tilespmem:s2+$0x13430] =	vst v33;
	v33 =	vor.u32 v22, v49  }
0x20f: {  	v41 =	vor.u32 v19, v49;
	[tilespmem:s2+$0x136B0] =	vst v38;
	v50 =	vld.idx.msk [tilespmem:v50+s18+$0x0], $0xffff  }
0x210: {  	v39 =	vld.idx.msk [tilespmem:v39+s18+$0x0], $0xffff;
	v40 =	vor.u32 v40, v49  }
0x211: {  	v38 =	vor.u32 v12, v49;
	[tilespmem:s2+$0x13540] =	vst v52;
	v52 =	vld [tilespmem:$0x1FD90]  }
0x212: {  	v9 =	vld.idx.msk [tilespmem:v9+s18+$0x0], $0xffff  }
0x213: {  	[tilespmem:s2+$0x134C0] =	vst v51;
	v51 =	vor.u32 v23, v49;
	v33 =	vld.idx.msk [tilespmem:v33+s18+$0x0], $0xffff  }
0x214: {  	v41 =	vld.idx.msk [tilespmem:v41+s18+$0x0], $0xffff;
	[tilespmem:s2+$0x13440] =	vst v50;
	v50 =	vor.u32 v14, v49  }
0x215: {  	[tilespmem:s2+$0x135C0] =	vst v53;
	v40 =	vld.idx.msk [tilespmem:v40+s18+$0x0], $0xffff  }
0x216: {  	v38 =	vld.idx.msk [tilespmem:v38+s18+$0x0], $0xffff;
	[tilespmem:s2+$0x136C0] =	vst v39;
	v52 =	vor.u32 v52, v49  }
0x217: {  	v39 =	vor.u32 v16, v49;
	[tilespmem:s2+$0x13550] =	vst v9;
	v9 =	vld [tilespmem:$0x1FDA0]  }
0x218: {  	v53 =	vor.u32 v58, v49;
	v51 =	vld.idx.msk [tilespmem:v51+s18+$0x0], $0xffff;
	[tilespmem:s2+$0x13640] =	vst v33  }
0x219: {  	[tilespmem:s2+$0x134D0] =	vst v41;
	v33 =	vor.u32 v59, v49;
	v50 =	vld.idx.msk [tilespmem:v50+s18+$0x0], $0xffff  }
0x21a: {  	[tilespmem:s2+$0x13450] =	vst v40;
	v40 =	vor.u32 v13, v49  }
0x21b: {  	v41 =	vor.u32 v11, v49;
	[tilespmem:s2+$0x135D0] =	vst v38;
	v52 =	vld.idx.msk [tilespmem:v52+s18+$0x0], $0xffff  }
0x21c: {  	v39 =	vld.idx.msk [tilespmem:v39+s18+$0x0], $0xffff;
	v9 =	vor.u32 v9, v49  }
0x21d: {  	v53 =	vld.idx.msk [tilespmem:v53+s18+$0x0], $0xffff;
	[tilespmem:s2+$0x136D0] =	vst v51;
	v51 =	vor.u32 v27, v49  }
0x21e: {  	v38 =	vor.u32 v25, v49;
	v33 =	vld.idx.msk [tilespmem:v33+s18+$0x0], $0xffff;
	[tilespmem:s2+$0x13650] =	vst v50  }
0x21f: {  	v50 =	vor.u32 v26, v49;
	v40 =	vld.idx.msk [tilespmem:v40+s18+$0x0], $0xffff  }
0x220: {  	v41 =	vld.idx.msk [tilespmem:v41+s18+$0x0], $0xffff;
	[tilespmem:s2+$0x13460] =	vst v52;
	v52 =	vor.u32 v30, v49  }
0x221: {  	[tilespmem:s2+$0x135E0] =	vst v39;
	v49 =	vor.u32 v32, v49;
	v9 =	vld.idx.msk [tilespmem:v9+s18+$0x0], $0xffff  }
0x222: {  	[tilespmem:s2+$0x134E0] =	vst v53;
	v39 =	vld.idx.msk [tilespmem:v51+s18+$0x0], $0xffff  }
0x223: {  	[tilespmem:s2+$0x13560] =	vst v33;
	v33 =	vld.idx.msk [tilespmem:v38+s18+$0x0], $0xffff  }
0x224: {  	v38 =	vld.idx.msk [tilespmem:v50+s18+$0x0], $0xffff;
	[tilespmem:s2+$0x13660] =	vst v40  }
0x225: {  	[tilespmem:s2+$0x136E0] =	vst v41;
	v40 =	vld.idx.msk [tilespmem:v52+s18+$0x0], $0xffff  }
0x226: {  	p2 =	por p1, p1;
	[tilespmem:s2+$0x13470] =	vst v9;
	v9 =	vld.idx.msk [tilespmem:v49+s18+$0x0], $0xffff  }
.Ltmp2:
0x227: {  	[tilespmem:s2+$0x135F0] =	vst v39;
	(pc) =	sbr.rel @p2 .LBB2_7-.Ltmp2, $4  }
0x228: {  	[tilespmem:s2+$0x134F0] =	vst v33  }
0x229: {  	[tilespmem:s2+$0x13570] =	vst v38  }
0x22a: {  	v41 =	vld [tilespmem:$0x1FEE0];
	[tilespmem:s2+$0x13670] =	vst v40  }
0x22b: {  	s1 =	simm.s32 $0x8;
	p1 =	por $0x0, $0x0;
	v53 =	vmov v44;
	v51 =	vmov v43;
	v50 =	vmov v42;
	v40 =	vld [tilespmem:$0x1FED0];
	[tilespmem:s2+$0x136F0] =	vst v9  }
0x22c: {  	[tilespmem:$0x1FA60] =	vst v32  }
0x22d: {  	[tilespmem:$0x1FA70] =	vst v30  }
0x22e: {  	[tilespmem:$0x1FA80] =	vst v27  }
0x22f: {  	[tilespmem:$0x1FA90] =	vst v26  }
0x230: {  	[tilespmem:$0x1FAA0] =	vst v25  }
0x231: {  	[tilespmem:$0x1FAB0] =	vst v11  }
0x232: {  	[tilespmem:$0x1FAC0] =	vst v13  }
0x233: {  	[tilespmem:$0x1FAD0] =	vst v16  }
0x234: {  	[tilespmem:$0x1FAE0] =	vst v59  }
0x235: {  	[tilespmem:$0x1FAF0] =	vst v58  }
0x236: {  	[tilespmem:$0x1FB00] =	vst v23  }
0x237: {  	[tilespmem:$0x1FB10] =	vst v14  }
0x238: {  	[tilespmem:$0x1FB20] =	vst v12  }
0x239: {  	[tilespmem:$0x1FB30] =	vst v24  }
0x23a: {  	[tilespmem:$0x1FB40] =	vst v19  }
0x23b: {  	[tilespmem:$0x1FB50] =	vst v55  }
0x23c: {  	[tilespmem:$0x1FB60] =	vst v22  }
0x23d: {  	[tilespmem:$0x1FB70] =	vst v57  }
0x23e: {  	[tilespmem:$0x1FB80] =	vst v56  }
0x23f: {  	[tilespmem:$0x1FB90] =	vst v54  }
0x240: {  	[tilespmem:$0x1FBA0] =	vst v48;
	p1 =	seq.s32 s20, $0x18  }
0x241: {  	[tilespmem:$0x1FBB0] =	vst v47;
	s3 =	rddreg [dreg:$0x0];
	s13 =	sshll.u32 @!p1 s20, $0x8  }
0x242: {  	[tilespmem:$0x1FBC0] =	vst v36;
	s1 =	simm.s32 @!p1 $0x80;
	s2 =	simm.s32 @!p1 $0x4B00;
	s0 =	sadd.s32 @!p1 $0x100, s13  }
0x243: {  	[tilespmem:s2], [sflag:$0x1] =	stream.indirect.gather @!p1 [hbm4b:s3+s1], $0x80, s0, s1, $0xb8;
	[tilespmem:$0x18B00] =	vst v63  }
0x244: {  	[tilespmem:$0x1FBD0] =	vst v21;
	s15 =	sadd.s32 s7, s22;
	s0 =	sadd.s32 @!p1 $0x1A00, s13;
	s2 =	simm.s32 @!p1 $0xCB00  }
0x245: {  	[tilespmem:s2], [sflag:$0x1] =	stream.indirect.gather @!p1 [hbm4b:s5+s1], $0x10, s0, s1, $0xb8;
	[tilespmem:$0x18B00] =	vst v63  }
0x246: {  	[tilespmem:$0x1FBE0] =	vst v45;
	s26 =	sshrl.u32 s15, $0x3;
	s0 =	sadd.s32 @!p1 $0x3300, s13;
	s2 =	simm.s32 @!p1 $0xDB00  }
0x247: {  	[tilespmem:s2], [sflag:$0x1] =	stream.indirect.gather @!p1 [hbm4b:s6+s1], $0x10, s0, s1, $0xb8;
	[tilespmem:$0x18B00] =	vst v63  }
0x248: {  	[tilespmem:$0x1FBF0] =	vst v28;
	s1 =	smul.u32 $0x28000, s26;
	s0 =	sshll.u32 s15, $0xA  }
0x249: {  	[tilespmem:$0x1FC00] =	vst v31;
	s0 =	sand.u32 $0x1800, s0  }
0x24a: {  	[tilespmem:$0x1FC10] =	vst v20;
	s0 =	sor.u32 s0, s1  }
0x24b: {  	[tilespmem:$0x1FC20] =	vst v37;
	s2 =	rddreg [dreg:$0x2];
	s0 =	sshrl.u32 s0, $0x3  }
0x24c: {  	[tilespmem:$0x1FC30] =	vst v17;
	s3 =	simm.s32 $0x400;
	s0 =	sadd.s32 s2, s0  }
0x24d: {  	[hbm4b:s0+s3] =	stream.strided.scatter [tilespmem:s25], [sflag:$0x3], $0x5000, s28, s3, $0x38;
	[tilespmem:$0x18B00] =	vst v63  }
0x24e: {  	_ =	swait.ge [sflag:s29], $0x4000  }
0x24f: {  	[sflag:s29] =	ssyncset.done $0x0  }
0x250: {  	s4 =	simm.s32 $0x1;
	[sflag:s29] =	ssyncadd.s32 $0xFFFFC000  }
0x251: {  	s14 =	simm.s32 $0x0;
	v9 =	vmov s4;
	_ =	swait.ge [sflag:s29], $0x800  }
0x252: {  	v33 =	vmov s14;
	v9 =	vand.u32 $0x3D, v9;
	[sflag:s29] =	ssyncset.done $0x0  }
0x253: {  	v33 =	vand.u32 $0x3C, v33;
	v9 =	vbroadcast v9, $0x0;
	[sflag:s29] =	ssyncadd.s32 $0xFFFFF800  }
0x254: {  	s8 =	simm.s32 $0x2;
	v33 =	vbroadcast v33, $0x0;
	_ =	swait.ge [sflag:s29], $0x800  }
0x255: {  	v38 =	vmov s8;
	v39 =	vor.u32 v0, v9;
	[sflag:s29] =	ssyncset.done $0x0  }
0x256: {  	v38 =	vand.u32 $0x3E, v38;
	v40 =	vor.u32 v0, v33;
	s0 =	simm.s32 @!p0 $0x4;
	[sflag:s29] =	ssyncadd.s32 $0xFFFFF800  }
0x257: {  	v38 =	vbroadcast v38, $0x0;
	_ =	swait.ge @!p0 [sflag:s0], $0x5000  }
0x258: {  	s9 =	simm.s32 $0x3;
	[sflag:s0] =	ssyncset.done @!p0 $0x0  }
0x259: {  	v41 =	vmov s9;
	v50 =	vor.u32 v0, v38;
	[sflag:s0] =	ssyncadd.s32 @!p0 $0xFFFFB000  }
0x25a: {  	v41 =	vand.u32 $0x3F, v41;
	v39 =	vld.idx.msk [tilespmem:v39+s19+$0x0], $0xffff  }
0x25b: {  	s10 =	simm.s32 $0x0;
	v49 =	vbroadcast v41, $0x0;
	v46 =	vor.u32 v1, v9;
	v40 =	vld.idx.msk [tilespmem:v40+s19+$0x0], $0xffff  }
0x25c: {  	s12 =	simm.s32 $0x80;
	s11 =	sand.u32 $0x1C00, s10;
	v51 =	vor.u32 v1, v33  }
0x25d: {  	v52 =	vor.u32 v0, v49;
	s1 =	sadd.s32 $0x13B00, s11;
	s2 =	sand.u32 $0x280, s12  }
0x25e: {  	s9 =	sadd.s32 s2, s1;
	s0 =	sand.u32 $0x200, s10;
	v50 =	vld.idx.msk [tilespmem:v50+s19+$0x0], $0xffff  }
0x25f: {  	v53 =	vor.u32 v1, v38;
	s10 =	sadd.s32 s0, s1;
	[tilespmem:s9+$0x0] =	vst v39  }
0x260: {  	s15 =	simm.s32 $0x100;
	[tilespmem:s10+$0x0] =	vst v40;
	v39 =	vld.idx.msk [tilespmem:v46+s19+$0x0], $0xffff  }
0x261: {  	v47 =	vor.u32 v2, v9;
	s0 =	sand.u32 $0x300, s15;
	v57 =	vld.idx.msk [tilespmem:v51+s19+$0x0], $0xffff  }
0x262: {  	v59 =	vor.u32 v2, v33;
	v58 =	vld.idx.msk [tilespmem:v52+s19+$0x0], $0xffff;
	s2 =	sadd.s32 s0, s1  }
0x263: {  	v60 =	vor.u32 v1, v49;
	[tilespmem:s2+$0x0] =	vst v50  }
0x264: {  	s26 =	simm.s32 $0x180;
	v50 =	vld.idx.msk [tilespmem:v53+s19+$0x0], $0xffff  }
0x265: {  	v61 =	vor.u32 v2, v38;
	s0 =	sand.u32 $0x380, s26;
	[tilespmem:s9+$0x10] =	vst v39  }
0x266: {  	s4 =	sadd.s32 s0, s1;
	[tilespmem:s10+$0x10] =	vst v57;
	v39 =	vld.idx.msk [tilespmem:v47+s19+$0x0], $0xffff  }
0x267: {  	v62 =	vor.u32 v3, v9;
	[tilespmem:s4+$0x0] =	vst v58;
	v41 =	vld.idx.msk [tilespmem:v59+s19+$0x0], $0xffff  }
0x268: {  	v32 =	vor.u32 v3, v33;
	v51 =	vld.idx.msk [tilespmem:v60+s19+$0x0], $0xffff  }
0x269: {  	v34 =	vor.u32 v2, v49;
	[tilespmem:s2+$0x10] =	vst v50  }
0x26a: {  	v50 =	vld.idx.msk [tilespmem:v61+s19+$0x0], $0xffff  }
0x26b: {  	v35 =	vor.u32 v3, v38;
	[tilespmem:s9+$0x20] =	vst v39  }
0x26c: {  	[tilespmem:s10+$0x20] =	vst v41;
	v39 =	vld.idx.msk [tilespmem:v62+s19+$0x0], $0xffff  }
0x26d: {  	v37 =	vor.u32 v4, v9;
	[tilespmem:s4+$0x10] =	vst v51;
	v41 =	vld.idx.msk [tilespmem:v32+s19+$0x0], $0xffff  }
0x26e: {  	v44 =	vor.u32 v4, v33;
	v51 =	vld.idx.msk [tilespmem:v34+s19+$0x0], $0xffff  }
0x26f: {  	v45 =	vor.u32 v3, v49;
	[tilespmem:s2+$0x20] =	vst v50  }
0x270: {  	v50 =	vld.idx.msk [tilespmem:v35+s19+$0x0], $0xffff  }
0x271: {  	v46 =	vor.u32 v4, v38;
	[tilespmem:s9+$0x30] =	vst v39  }
0x272: {  	[tilespmem:s10+$0x30] =	vst v41;
	v39 =	vld.idx.msk [tilespmem:v37+s19+$0x0], $0xffff  }
0x273: {  	v47 =	vor.u32 v5, v9;
	[tilespmem:s4+$0x20] =	vst v51;
	v41 =	vld.idx.msk [tilespmem:v44+s19+$0x0], $0xffff  }
0x274: {  	v57 =	vor.u32 v5, v33;
	v51 =	vld.idx.msk [tilespmem:v45+s19+$0x0], $0xffff  }
0x275: {  	v58 =	vor.u32 v4, v49;
	[tilespmem:s2+$0x30] =	vst v50  }
0x276: {  	v50 =	vld.idx.msk [tilespmem:v46+s19+$0x0], $0xffff  }
0x277: {  	v59 =	vor.u32 v5, v38;
	[tilespmem:s9+$0x40] =	vst v39  }
0x278: {  	[tilespmem:s10+$0x40] =	vst v41;
	v39 =	vld.idx.msk [tilespmem:v47+s19+$0x0], $0xffff  }
0x279: {  	v60 =	vor.u32 v6, v9;
	[tilespmem:s4+$0x30] =	vst v51;
	v41 =	vld.idx.msk [tilespmem:v57+s19+$0x0], $0xffff  }
0x27a: {  	v61 =	vor.u32 v6, v33;
	v51 =	vld.idx.msk [tilespmem:v58+s19+$0x0], $0xffff  }
0x27b: {  	v62 =	vor.u32 v5, v49;
	[tilespmem:s2+$0x40] =	vst v50  }
0x27c: {  	v50 =	vld.idx.msk [tilespmem:v59+s19+$0x0], $0xffff  }
0x27d: {  	s3 =	simm.s32 $0x5;
	v44 =	vor.u32 v6, v38;
	[tilespmem:s9+$0x50] =	vst v39  }
0x27e: {  	v45 =	vmov s3;
	[tilespmem:s10+$0x50] =	vst v41;
	v40 =	vld.idx.msk [tilespmem:v60+s19+$0x0], $0xffff  }
0x27f: {  	v9 =	vor.u32 v7, v9;
	[tilespmem:s4+$0x40] =	vst v51;
	v39 =	vand.u32 $0x3D, v45;
	v41 =	vld.idx.msk [tilespmem:v61+s19+$0x0], $0xffff  }
0x280: {  	v33 =	vor.u32 v7, v33;
	v51 =	vld.idx.msk [tilespmem:v62+s19+$0x0], $0xffff;
	v54 =	vbroadcast v39, $0x0  }
0x281: {  	v47 =	vor.u32 v6, v49;
	[tilespmem:s2+$0x50] =	vst v50  }
0x282: {  	s8 =	simm.s32 $0x7;
	v57 =	vld.idx.msk [tilespmem:v44+s19+$0x0], $0xffff;
	v58 =	vor.u32 v0, v54  }
0x283: {  	s11 =	simm.s32 $0x4;
	v46 =	vmov s8;
	v38 =	vor.u32 v7, v38;
	[tilespmem:s9+$0x60] =	vst v40  }
0x284: {  	v56 =	vand.u32 $0x3F, v46;
	v59 =	vmov s11;
	[tilespmem:s10+$0x60] =	vst v41;
	v9 =	vld.idx.msk [tilespmem:v9+s19+$0x0], $0xffff  }
0x285: {  	v12 =	vbroadcast v56, $0x0;
	[tilespmem:s4+$0x50] =	vst v51;
	v60 =	vand.u32 $0x3C, v59;
	v33 =	vld.idx.msk [tilespmem:v33+s19+$0x0], $0xffff  }
0x286: {  	v39 =	vld.idx.msk [tilespmem:v47+s19+$0x0], $0xffff;
	v50 =	vbroadcast v60, $0x0  }
0x287: {  	v61 =	vor.u32 v0, v12;
	[tilespmem:s2+$0x60] =	vst v57;
	v45 =	vld.idx.msk [tilespmem:v58+s19+$0x0], $0xffff  }
0x288: {  	s12 =	simm.s32 $0x2;
	s1 =	simm.s32 $0x200;
	v46 =	vor.u32 v0, v50;
	v38 =	vld.idx.msk [tilespmem:v38+s19+$0x0], $0xffff  }
0x289: {  	s15 =	simm.s32 $0x0;
	s3 =	sand.u32 $0x1C00, s1;
	s11 =	simm.s32 $0x280;
	[tilespmem:s9+$0x70] =	vst v9  }
0x28a: {  	v62 =	vmov s12;
	s12 =	sadd.s32 $0x13B00, s3;
	v44 =	vmov s15;
	s15 =	sand.u32 $0x280, s11;
	v11 =	vld [tilespmem:$0x1FFF0];
	[tilespmem:s10+$0x70] =	vst v33  }
0x28b: {  	v51 =	vshrl.u32 v44, $0x3;
	v47 =	vor.u32 v1, v54;
	s9 =	sadd.s32 s15, s12;
	[tilespmem:s4+$0x60] =	vst v39  }
0x28c: {  	v51 =	vshll.u32 v51, v8;
	v41 =	vld.idx.msk [tilespmem:v61+s19+$0x0], $0xffff;
	[tilespmem:s9+$0x0] =	vst v45  }
0x28d: {  	s26 =	simm.s32 $0x4;
	v37 =	vshrl.u32 v62, $0x3;
	v51 =	vbroadcast v51, $0x0;
	v53 =	vld.idx.msk [tilespmem:v46+s19+$0x0], $0xffff;
	v33 =	vor.u32 v1, v12;
	[tilespmem:s2+$0x70] =	vst v38  }
0x28e: {  	s8 =	simm.s32 $0x8EF0;
	s11 =	simm.s32 $0x380;
	v40 =	vshll.u32 v37, v8;
	v37 =	vmov s26;
	v22 =	vld [tilespmem:$0x1FE10]  }
0x28f: {  	v60 =	vor.u32 v4, v51;
	v40 =	vbroadcast v40, $0x0;
	v9 =	vshrl.u32 v37, $0x3;
	s10 =	sand.u32 $0x380, s11;
	v48 =	vld [tilespmem:s8+$0xFFFFFC50]  }
0x290: {  	v49 =	vor.u32 v7, v49;
	v9 =	vshll.u32 v9, v8;
	v45 =	vld.idx.msk [tilespmem:v47+s19+$0x0], $0xffff;
	s10 =	sadd.s32 s10, s12  }
0x291: {  	v46 =	vor.u32 v1, v50;
	s15 =	sand.u32 $0x200, s1;
	v42 =	vld [tilespmem:s8+$0xFFFFFD50];
	v9 =	vbroadcast v9, $0x0;
	[tilespmem:s10+$0x0] =	vst v41;
	v57 =	vadd.s32 v11, v40  }
0x292: {  	s26 =	simm.s32 $0x6;
	s2 =	sadd.s32 s15, s12;
	v33 =	vld.idx.msk [tilespmem:v33+s19+$0x0], $0xffff  }
0x293: {  	v43 =	vmov s26;
	v61 =	vld [tilespmem:s8+$0xFFFFFE50];
	[tilespmem:s2+$0x0] =	vst v53;
	v47 =	vadd.s32 v22, v9  }
0x294: {  	v44 =	vand.u32 $0x3E, v43;
	[tilespmem:v60+s30+$0x0] =	vst.idx.msk $0xffff, v48  }
0x295: {  	v56 =	vbroadcast v44, $0x0;
	v39 =	vld.idx.msk [tilespmem:v49+s19+$0x0], $0xffff;
	[tilespmem:s9+$0x10] =	vst v45  }
0x296: {  	v62 =	vor.u32 v2, v54;
	v55 =	vld.idx.msk [tilespmem:v46+s19+$0x0], $0xffff;
	[tilespmem:v57+s30+$0x0] =	vst.idx.msk $0xffff, v42  }
0x297: {  	v41 =	vor.u32 v0, v56;
	v48 =	vadd.s32 v63, v40;
	[tilespmem:s10+$0x10] =	vst v33;
	v53 =	vld [tilespmem:s8+$0xFFFFFD60]  }
0x298: {  	[tilespmem:v47+s30+$0x0] =	vst.idx.msk $0xffff, v61  }
0x299: {  	v23 =	vld [tilespmem:$0x1FE20]  }
0x29a: {  	v44 =	vor.u32 v2, v12;
	[tilespmem:s4+$0x70] =	vst v39  }
0x29b: {  	v46 =	vld.idx.msk [tilespmem:v62+s19+$0x0], $0xffff;
	[tilespmem:s2+$0x10] =	vst v55  }
0x29c: {  	v52 =	vor.u32 v2, v50;
	s26 =	simm.s32 $0x6;
	v41 =	vld.idx.msk [tilespmem:v41+s19+$0x0], $0xffff;
	[tilespmem:v48+s30+$0x0] =	vst.idx.msk $0xffff, v53  }
0x29d: {  	v45 =	vmov s26;
	v30 =	vld [tilespmem:$0x1FE50]  }
0x29e: {  	v43 =	vor.u32 v3, v54;
	v38 =	vshrl.u32 v45, $0x3;
	v60 =	vld [tilespmem:s8+$0xFFFFFE60];
	v47 =	vadd.s32 v23, v9  }
0x29f: {  	s1 =	simm.s32 $0x300;
	v38 =	vshll.u32 v38, v8;
	v44 =	vld.idx.msk [tilespmem:v44+s19+$0x0], $0xffff  }
0x2a0: {  	s0 =	sand.u32 $0x300, s1;
	v38 =	vbroadcast v38, $0x0;
	v62 =	vld [tilespmem:s8+$0xFFFFFD70];
	[tilespmem:s9+$0x20] =	vst v46;
	v46 =	vadd.s32 v15, v40  }
0x2a1: {  	s4 =	sadd.s32 s0, s12;
	v52 =	vld.idx.msk [tilespmem:v52+s19+$0x0], $0xffff  }
0x2a2: {  	v53 =	vld [tilespmem:s8+$0xFFFFFF50];
	[tilespmem:s4+$0x0] =	vst v41;
	v55 =	vadd.s32 v30, v38  }
0x2a3: {  	v49 =	vor.u32 v1, v56;
	[tilespmem:v47+s30+$0x0] =	vst.idx.msk $0xffff, v60;
	v47 =	vld.idx.msk [tilespmem:v43+s19+$0x0], $0xffff  }
0x2a4: {  	[tilespmem:s10+$0x20] =	vst v44  }
0x2a5: {  	v24 =	vld [tilespmem:$0x1FE30];
	[tilespmem:v46+s30+$0x0] =	vst.idx.msk $0xffff, v62  }
0x2a6: {  	v45 =	vor.u32 v3, v12;
	[tilespmem:s2+$0x20] =	vst v52  }
0x2a7: {  	[tilespmem:v55+s30+$0x0] =	vst.idx.msk $0xffff, v53  }
0x2a8: {  	v49 =	vld.idx.msk [tilespmem:v49+s19+$0x0], $0xffff;
	[tilespmem:s9+$0x30] =	vst v47  }
0x2a9: {  	v17 =	vld [tilespmem:$0x1FF60]  }
0x2aa: {  	v31 =	vld [tilespmem:$0x1FE60]  }
0x2ab: {  	v45 =	vld.idx.msk [tilespmem:v45+s19+$0x0], $0xffff  }
0x2ac: {  	v41 =	vld [tilespmem:s8+$0xFFFFFE70];
	v39 =	vadd.s32 v24, v9  }
0x2ad: {  	v57 =	vld [tilespmem:s8+$0xFFFFFC60];
	v46 =	vor.u32 v5, v51  }
0x2ae: {  	v59 =	vld [tilespmem:s8+$0xFFFFFD80];
	v47 =	vadd.s32 v17, v40  }
0x2af: {  	v44 =	vor.u32 v4, v54;
	v61 =	vld [tilespmem:s8+$0xFFFFFF60];
	[tilespmem:s4+$0x10] =	vst v49;
	v62 =	vadd.s32 v31, v38  }
0x2b0: {  	[tilespmem:s10+$0x30] =	vst v45  }
0x2b1: {  	v55 =	vor.u32 v2, v56;
	[tilespmem:v39+s30+$0x0] =	vst.idx.msk $0xffff, v41  }
0x2b2: {  	v25 =	vld [tilespmem:$0x1FF20];
	[tilespmem:v46+s30+$0x0] =	vst.idx.msk $0xffff, v57  }
0x2b3: {  	v40 =	vor.u32 v3, v50;
	[tilespmem:v47+s30+$0x0] =	vst.idx.msk $0xffff, v59  }
0x2b4: {  	v44 =	vld.idx.msk [tilespmem:v44+s19+$0x0], $0xffff;
	[tilespmem:v62+s30+$0x0] =	vst.idx.msk $0xffff, v61  }
0x2b5: {  	v32 =	vld [tilespmem:$0x1FE70]  }
0x2b6: {  	v55 =	vld.idx.msk [tilespmem:v55+s19+$0x0], $0xffff  }
0x2b7: {  	v57 =	vor.u32 v6, v51;
	v52 =	vld [tilespmem:s8+$0xFFFFFC70]  }
0x2b8: {  	v40 =	vld.idx.msk [tilespmem:v40+s19+$0x0], $0xffff  }
0x2b9: {  	v60 =	vld [tilespmem:s8+$0xFFFFFE80];
	v9 =	vadd.s32 v25, v9  }
0x2ba: {  	s3 =	simm.s32 $0x3;
	[tilespmem:s9+$0x40] =	vst v44;
	v61 =	vld [tilespmem:s8+$0xFFFFFF70];
	v33 =	vadd.s32 v32, v38  }
0x2bb: {  	v45 =	vmov s3;
	v16 =	vld [tilespmem:$0x1FDF0];
	[tilespmem:s4+$0x20] =	vst v55  }
0x2bc: {  	v49 =	vshrl.u32 v45, $0x3;
	v41 =	vor.u32 v4, v12;
	[tilespmem:v57+s30+$0x0] =	vst.idx.msk $0xffff, v52  }
0x2bd: {  	v53 =	vor.u32 v5, v54;
	v46 =	vshll.u32 v49, v8;
	[tilespmem:s2+$0x30] =	vst v40  }
0x2be: {  	s12 =	simm.s32 $0x5;
	v49 =	vbroadcast v46, $0x0;
	v47 =	vor.u32 v3, v56;
	v62 =	vld [tilespmem:s8+$0xFFFFFDD0];
	[tilespmem:v9+s30+$0x0] =	vst.idx.msk $0xffff, v60  }
0x2bf: {  	v43 =	vmov s12;
	v26 =	vld [tilespmem:$0x1FF70];
	[tilespmem:v33+s30+$0x0] =	vst.idx.msk $0xffff, v61  }
0x2c0: {  	v9 =	vshrl.u32 v43, $0x3;
	v44 =	vadd.s32 v16, v49;
	v34 =	vld [tilespmem:$0x1FF40]  }
0x2c1: {  	v45 =	vor.u32 v4, v50;
	v48 =	vld.idx.msk [tilespmem:v41+s19+$0x0], $0xffff;
	v9 =	vshll.u32 v9, v8  }
0x2c2: {  	v46 =	vld.idx.msk [tilespmem:v53+s19+$0x0], $0xffff;
	v53 =	vbroadcast v9, $0x0  }
0x2c3: {  	v47 =	vld.idx.msk [tilespmem:v47+s19+$0x0], $0xffff  }
0x2c4: {  	v40 =	vld [tilespmem:s8+$0xFFFFFED0];
	v57 =	vadd.s32 v26, v53  }
0x2c5: {  	v9 =	vor.u32 v5, v12;
	[tilespmem:v44+s30+$0x0] =	vst.idx.msk $0xffff, v62;
	v44 =	vld [tilespmem:s8+$0xFFFFFF80];
	v38 =	vadd.s32 v34, v38  }
0x2c6: {  	v41 =	vld.idx.msk [tilespmem:v45+s19+$0x0], $0xffff;
	[tilespmem:s10+$0x40] =	vst v48  }
0x2c7: {  	v20 =	vmov v63;
	v55 =	vor.u32 v7, v51;
	v63 =	vld [tilespmem:s8+$0xFFFFFC80];
	[tilespmem:s9+$0x50] =	vst v46  }
0x2c8: {  	s15 =	simm.s32 $0x7;
	[tilespmem:s4+$0x30] =	vst v47  }
0x2c9: {  	v45 =	vmov s15;
	v33 =	vor.u32 v4, v56;
	v11 =	vld [tilespmem:$0x1FCB0];
	[tilespmem:v57+s30+$0x0] =	vst.idx.msk $0xffff, v40  }
0x2ca: {  	v60 =	vshrl.u32 v45, $0x3;
	v9 =	vld.idx.msk [tilespmem:v9+s19+$0x0], $0xffff;
	[tilespmem:v38+s30+$0x0] =	vst.idx.msk $0xffff, v44  }
0x2cb: {  	v46 =	vshll.u32 v60, v8;
	v60 =	vor.u32 v5, v50;
	v13 =	vld [tilespmem:$0x1FF80];
	[tilespmem:s2+$0x40] =	vst v41  }
0x2cc: {  	v61 =	vld [tilespmem:s8+$0xFFFFFDE0];
	[tilespmem:v55+s30+$0x0] =	vst.idx.msk $0xffff, v63  }
0x2cd: {  	s26 =	simm.s32 $0x1;
	v27 =	vld [tilespmem:$0x1FF30]  }
0x2ce: {  	v47 =	vmov s26;
	v33 =	vld.idx.msk [tilespmem:v33+s19+$0x0], $0xffff;
	v40 =	vor.u32 v6, v12  }
0x2cf: {  	v48 =	vor.u32 v5, v56;
	v51 =	vbroadcast v46, $0x0;
	v62 =	vadd.s32 v11, v49;
	v45 =	vld [tilespmem:s8+$0xFFFFFEE0]  }
0x2d0: {  	v52 =	vshrl.u32 v47, $0x3;
	v60 =	vld.idx.msk [tilespmem:v60+s19+$0x0], $0xffff  }
0x2d1: {  	v44 =	vshll.u32 v52, v8;
	v59 =	vld [tilespmem:s8+$0xFFFFFFD0];
	[tilespmem:s10+$0x50] =	vst v9;
	v9 =	vor.u32 v6, v50;
	v35 =	vadd.s32 v13, v51  }
0x2d2: {  	v52 =	vbroadcast v44, $0x0;
	v18 =	vld [tilespmem:s8+$0xFFFFFCD0];
	v46 =	vadd.s32 v27, v53  }
0x2d3: {  	[tilespmem:s4+$0x40] =	vst v33;
	v14 =	vld.idx.msk [tilespmem:v40+s19+$0x0], $0xffff  }
0x2d4: {  	[tilespmem:v62+s30+$0x0] =	vst.idx.msk $0xffff, v61;
	v47 =	vadd.s32 v10, v52;
	v41 =	vld.idx.msk [tilespmem:v48+s19+$0x0], $0xffff  }
0x2d5: {  	[tilespmem:s2+$0x50] =	vst v60;
	v60 =	vld [tilespmem:s8+$0xFFFFFDF0]  }
0x2d6: {  	v40 =	vld.idx.msk [tilespmem:v9+s19+$0x0], $0xffff;
	[tilespmem:v35+s30+$0x0] =	vst.idx.msk $0xffff, v59  }
0x2d7: {  	[tilespmem:v46+s30+$0x0] =	vst.idx.msk $0xffff, v45;
	v55 =	vld [tilespmem:s8+$0xFFFFFFE0]  }
0x2d8: {  	v39 =	vor.u32 v7, v54;
	v63 =	vor.u32 v6, v54;
	v54 =	vld [tilespmem:s8+$0xFFFFFEF0]  }
0x2d9: {  	v19 =	vmov v11;
	v11 =	vld [tilespmem:$0x1FFE0];
	[tilespmem:v47+s30+$0x0] =	vst.idx.msk $0xffff, v18  }
0x2da: {  	v36 =	vld [tilespmem:$0x1FF90]  }
0x2db: {  	v28 =	vld [tilespmem:$0x1FFA0];
	[tilespmem:s10+$0x60] =	vst v14  }
0x2dc: {  	v37 =	vld [tilespmem:$0x1FF50]  }
0x2dd: {  	v59 =	vor.u32 v7, v12;
	v12 =	vld [tilespmem:$0x1FFD0]  }
0x2de: {  	v18 =	vld [tilespmem:$0x1FDE0]  }
0x2df: {  	v21 =	vld [tilespmem:$0x1FE00]  }
0x2e0: {  	v38 =	vor.u32 v6, v56;
	v29 =	vld [tilespmem:$0x1FFB0]  }
0x2e1: {  	s22 =	sor.u32 $0x1, s22;
	v50 =	vor.u32 v7, v50;
	v61 =	vor.u32 v7, v56;
	v35 =	vld [tilespmem:$0x1FE40];
	v57 =	vadd.s32 v11, v52  }
0x2e2: {  	s31 =	simm.s32 $0x92F0;
	s1 =	simm.s32 $0x8;
	s15 =	simm.s32 $0xF;
	v14 =	vld [tilespmem:$0x1FFC0];
	v62 =	vadd.s32 v36, v51;
	v56 =	vadd.s32 v28, v53;
	v58 =	vadd.s32 v37, v51  }
.LBB2_9:
0x2e3: {  	_ =	sdelay $0x1  }
0x2e4: {  	v9 =	vld [tilespmem:s8+$0xFFFFFCE0]  }
0x2e5: {  	v42 =	vadd.s32 v21, v49;
	[tilespmem:s4+$0x50] =	vst v41  }
0x2e6: {  	s0 =	sadd.s32 $0x1, s1;
	s3 =	sadd.s32 $0x3, s1;
	v63 =	vld.idx.msk [tilespmem:v63+s19+$0x0], $0xffff;
	[tilespmem:v62+s30+$0x0] =	vst.idx.msk $0xffff, v55  }
0x2e7: {  	v43 =	vadd.s32 v35, v53;
	s26 =	smov.u32 s1;
	v48 =	vmov s0;
	v44 =	vmov s3;
	v38 =	vld.idx.msk [tilespmem:v38+s19+$0x0], $0xffff;
	[tilespmem:v56+s30+$0x0] =	vst.idx.msk $0xffff, v54  }
0x2e8: {  	s12 =	sadd.s32 $0x4, s1;
	s0 =	sadd.s32 $0x2, s26;
	v44 =	vand.u32 $0x3F, v44;
	v41 =	vadd.s32 v29, v49;
	v49 =	vand.u32 $0x3D, v48;
	[tilespmem:s2+$0x60] =	vst v40;
	v62 =	vld [tilespmem:s8+$0xFFFFFFF0]  }
0x2e9: {  	p0 =	slt.u32 s1, $0x3C;
	s1 =	sadd.s32 $0xFFFFFFFB, s15;
	s3 =	sadd.s32 $0xFFFFFFFD, s15;
	v48 =	vmov s0;
	v55 =	vbroadcast v49, $0x0;
	v54 =	vbroadcast v44, $0x0;
	v44 =	vld.idx.msk [tilespmem:v50+s19+$0x0], $0xffff;
	[tilespmem:v57+s30+$0x0] =	vst.idx.msk $0xffff, v9  }
0x2ea: {  	v49 =	vand.u32 $0x3E, v48;
	v48 =	vmov s3;
	v40 =	vmov s1;
	v46 =	vld [tilespmem:s8+$0xFFFFFF00];
	[tilespmem:v42+s30+$0x0] =	vst.idx.msk $0xffff, v60  }
0x2eb: {  	v56 =	vbroadcast v49, $0x0;
	v49 =	vshrl.u32 v48, $0x3;
	v47 =	vor.u32 v0, v55;
	v48 =	vld [tilespmem:s8+$0xFFFFFCF0];
	[tilespmem:s9+$0x60] =	vst v63  }
0x2ec: {  	v33 =	vadd.s32 v12, v52;
	v45 =	vmov s26;
	v40 =	vshrl.u32 v40, $0x3;
	v42 =	vld [tilespmem:s8+$0xFFFFFE00]  }
0x2ed: {  	v9 =	vand.u32 $0x3C, v45;
	v40 =	vshll.u32 v40, v8;
	v39 =	vld.idx.msk [tilespmem:v39+s19+$0x0], $0xffff;
	[tilespmem:s4+$0x60] =	vst v38  }
0x2ee: {  	v57 =	vbroadcast v9, $0x0;
	v9 =	vor.u32 v0, v54;
	v53 =	vbroadcast v40, $0x0;
	v40 =	vld.idx.msk [tilespmem:v61+s19+$0x0], $0xffff  }
0x2ef: {  	[tilespmem:v58+s30+$0x0] =	vst.idx.msk $0xffff, v62;
	v62 =	vld [tilespmem:$0x1FFF0]  }
0x2f0: {  	s1 =	sadd.s32 $0xFFFFFFF9, s15;
	[tilespmem:v43+s30+$0x0] =	vst.idx.msk $0xffff, v46;
	v38 =	vld.idx.msk [tilespmem:v47+s19+$0x0], $0xffff  }
0x2f1: {  	s11 =	sadd.s32 $0x200, s11;
	v63 =	vmov s1;
	v43 =	vor.u32 v0, v57;
	[tilespmem:v33+s30+$0x0] =	vst.idx.msk $0xffff, v48;
	v33 =	vld [tilespmem:s8+$0x0]  }
0x2f2: {  	v52 =	vadd.s32 v18, v52;
	s0 =	sadd.s32 $0xFFFFFE80, s11;
	v60 =	vshll.u32 v49, v8;
	v46 =	vshrl.u32 v63, $0x3;
	v58 =	vld [tilespmem:s8+$0xFFFFFD00];
	[tilespmem:v41+s30+$0x0] =	vst.idx.msk $0xffff, v42  }
0x2f3: {  	s26 =	sadd.s32 $0xFFFFFF00, s11;
	s3 =	sand.u32 $0x1C00, s0;
	v9 =	vld.idx.msk [tilespmem:v9+s19+$0x0], $0xffff;
	v41 =	vadd.s32 v14, v51;
	[tilespmem:s2+$0x70] =	vst v44;
	v51 =	vshll.u32 v46, v8  }
0x2f4: {  	s1 =	sadd.s32 $0x13B00, s3;
	s3 =	sand.u32 $0x280, s26;
	v49 =	vbroadcast v60, $0x0;
	v48 =	vor.u32 v1, v55;
	v60 =	vld [tilespmem:s31+$0xFFFFFC50];
	v51 =	vbroadcast v51, $0x0;
	[tilespmem:s9+$0x70] =	vst v39  }
0x2f5: {  	s9 =	sadd.s32 s3, s1;
	v39 =	vld [tilespmem:s31+$0xFFFFFD50];
	v47 =	vadd.s32 v62, v53;
	[tilespmem:s4+$0x70] =	vst v40  }
0x2f6: {  	v45 =	vor.u32 v0, v56;
	v40 =	vld.idx.msk [tilespmem:v43+s19+$0x0], $0xffff;
	[tilespmem:s9+$0x0] =	vst v38;
	v38 =	vor.u32 v4, v51  }
0x2f7: {  	v46 =	vor.u32 v1, v54;
	s3 =	sand.u32 $0x380, s11;
	v43 =	vadd.s32 v22, v49;
	v62 =	vld [tilespmem:s31+$0xFFFFFE50];
	[tilespmem:v52+s30+$0x0] =	vst.idx.msk $0xffff, v58  }
0x2f8: {  	s3 =	sadd.s32 s3, s1;
	[tilespmem:v41+s30+$0x0] =	vst.idx.msk $0xffff, v33  }
0x2f9: {  	v44 =	vld.idx.msk [tilespmem:v48+s19+$0x0], $0xffff;
	[tilespmem:s3+$0x0] =	vst v9  }
0x2fa: {  	[tilespmem:v47+s30+$0x0] =	vst.idx.msk $0xffff, v39  }
0x2fb: {  	s0 =	sand.u32 $0x200, s0;
	s26 =	sadd.s32 $0xFFFFFF80, s11;
	v61 =	vor.u32 v1, v57;
	v41 =	vld.idx.msk [tilespmem:v45+s19+$0x0], $0xffff;
	[tilespmem:v38+s30+$0x0] =	vst.idx.msk $0xffff, v60  }
0x2fc: {  	s26 =	sand.u32 $0x300, s26;
	v63 =	vor.u32 v2, v55;
	s2 =	sadd.s32 s0, s1;
	v58 =	vld.idx.msk [tilespmem:v46+s19+$0x0], $0xffff;
	[tilespmem:v43+s30+$0x0] =	vst.idx.msk $0xffff, v62  }
0x2fd: {  	s4 =	sadd.s32 s26, s1;
	s26 =	sadd.s32 $0xFFFFFFFF, s15;
	v39 =	vor.u32 v2, v54;
	v38 =	vld.idx.msk [tilespmem:v59+s19+$0x0], $0xffff;
	[tilespmem:s2+$0x0] =	vst v40  }
0x2fe: {  	v62 =	vmov s26;
	v40 =	vld [tilespmem:s31+$0xFFFFFD60];
	[tilespmem:s9+$0x10] =	vst v44;
	v44 =	vadd.s32 v20, v53  }
0x2ff: {  	v60 =	vld [tilespmem:s31+$0xFFFFFE60];
	v43 =	vshrl.u32 v62, $0x3;
	v62 =	vadd.s32 v23, v49  }
0x300: {  	v46 =	vld.idx.msk [tilespmem:v61+s19+$0x0], $0xffff  }
0x301: {  	v33 =	vld.idx.msk [tilespmem:v63+s19+$0x0], $0xffff;
	v63 =	vor.u32 v2, v57;
	[tilespmem:s3+$0x10] =	vst v58  }
0x302: {  	v61 =	vor.u32 v3, v55;
	v43 =	vshll.u32 v43, v8;
	v39 =	vld.idx.msk [tilespmem:v39+s19+$0x0], $0xffff;
	[tilespmem:s10+$0x70] =	vst v38  }
0x303: {  	v45 =	vld [tilespmem:s31+$0xFFFFFC60];
	v43 =	vbroadcast v43, $0x0;
	[tilespmem:v44+s30+$0x0] =	vst.idx.msk $0xffff, v40  }
0x304: {  	v42 =	vor.u32 v1, v56;
	v38 =	vld [tilespmem:s31+$0xFFFFFF50];
	[tilespmem:v62+s30+$0x0] =	vst.idx.msk $0xffff, v60  }
0x305: {  	v40 =	vor.u32 v3, v54;
	[tilespmem:s2+$0x10] =	vst v46;
	v44 =	vld [tilespmem:s31+$0xFFFFFD70];
	v46 =	vadd.s32 v30, v43  }
0x306: {  	[tilespmem:s9+$0x20] =	vst v33;
	v33 =	vadd.s32 v15, v53;
	v47 =	vld.idx.msk [tilespmem:v63+s19+$0x0], $0xffff  }
0x307: {  	[tilespmem:s4+$0x0] =	vst v41;
	v52 =	vld.idx.msk [tilespmem:v61+s19+$0x0], $0xffff  }
0x308: {  	s10 =	smov.u32 s3;
	v41 =	vld [tilespmem:s31+$0xFFFFFE70]  }
0x309: {  	v48 =	vor.u32 v3, v57;
	v42 =	vld.idx.msk [tilespmem:v42+s19+$0x0], $0xffff;
	[tilespmem:s10+$0x20] =	vst v39;
	v39 =	vadd.s32 v24, v49  }
0x30a: {  	v58 =	vor.u32 v4, v55;
	v40 =	vld.idx.msk [tilespmem:v40+s19+$0x0], $0xffff;
	[tilespmem:v46+s30+$0x0] =	vst.idx.msk $0xffff, v38  }
0x30b: {  	[tilespmem:v33+s30+$0x0] =	vst.idx.msk $0xffff, v44  }
0x30c: {  	v9 =	vor.u32 v2, v56;
	v33 =	vld [tilespmem:s31+$0xFFFFFF60];
	[tilespmem:s2+$0x20] =	vst v47  }
0x30d: {  	v63 =	vor.u32 v4, v54;
	v44 =	vor.u32 v5, v51;
	v46 =	vld [tilespmem:s31+$0xFFFFFD80];
	[tilespmem:s9+$0x30] =	vst v52  }
0x30e: {  	v52 =	vadd.s32 v31, v43;
	v47 =	vld.idx.msk [tilespmem:v48+s19+$0x0], $0xffff;
	[tilespmem:v39+s30+$0x0] =	vst.idx.msk $0xffff, v41  }
0x30f: {  	v48 =	vadd.s32 v17, v53;
	v53 =	vld.idx.msk [tilespmem:v58+s19+$0x0], $0xffff;
	[tilespmem:s4+$0x10] =	vst v42  }
0x310: {  	v39 =	vld [tilespmem:s31+$0xFFFFFE80]  }
0x311: {  	s1 =	sadd.s32 $0xFFFFFFFC, s15;
	v42 =	vadd.s32 v25, v49;
	v9 =	vld.idx.msk [tilespmem:v9+s19+$0x0], $0xffff;
	[tilespmem:s10+$0x30] =	vst v40  }
0x312: {  	v41 =	vor.u32 v5, v55;
	v40 =	vmov s1;
	v61 =	vld.idx.msk [tilespmem:v63+s19+$0x0], $0xffff;
	[tilespmem:v44+s30+$0x0] =	vst.idx.msk $0xffff, v45  }
0x313: {  	v49 =	vshrl.u32 v40, $0x3;
	v44 =	vor.u32 v6, v51;
	v40 =	vld [tilespmem:s31+$0xFFFFFC70];
	[tilespmem:v52+s30+$0x0] =	vst.idx.msk $0xffff, v33  }
0x314: {  	v59 =	vor.u32 v3, v56;
	v38 =	vshll.u32 v49, v8;
	[tilespmem:v48+s30+$0x0] =	vst.idx.msk $0xffff, v46  }
0x315: {  	s3 =	sadd.s32 $0xFFFFFFFE, s15;
	v49 =	vbroadcast v38, $0x0;
	v45 =	vld [tilespmem:s31+$0xFFFFFDD0];
	[tilespmem:s9+$0x40] =	vst v53  }
0x316: {  	v33 =	vadd.s32 v32, v43;
	v46 =	vor.u32 v4, v57;
	v38 =	vmov s3;
	v52 =	vld [tilespmem:s31+$0xFFFFFF70];
	[tilespmem:v42+s30+$0x0] =	vst.idx.msk $0xffff, v39  }
0x317: {  	v38 =	vshrl.u32 v38, $0x3;
	v41 =	vld.idx.msk [tilespmem:v41+s19+$0x0], $0xffff;
	v62 =	vadd.s32 v16, v49;
	[tilespmem:s4+$0x20] =	vst v9  }
0x318: {  	v38 =	vshll.u32 v38, v8;
	v9 =	vld [tilespmem:s31+$0xFFFFFED0];
	[tilespmem:v44+s30+$0x0] =	vst.idx.msk $0xffff, v40  }
0x319: {  	v48 =	vor.u32 v5, v54;
	v53 =	vbroadcast v38, $0x0;
	v39 =	vld.idx.msk [tilespmem:v59+s19+$0x0], $0xffff;
	[tilespmem:s2+$0x30] =	vst v47  }
0x31a: {  	v60 =	vor.u32 v4, v56;
	v40 =	vld [tilespmem:s31+$0xFFFFFC80]  }
0x31b: {  	v42 =	vadd.s32 v34, v43;
	v44 =	vadd.s32 v26, v53;
	[tilespmem:v33+s30+$0x0] =	vst.idx.msk $0xffff, v52;
	v43 =	vld.idx.msk [tilespmem:v46+s19+$0x0], $0xffff  }
0x31c: {  	[tilespmem:v62+s30+$0x0] =	vst.idx.msk $0xffff, v45;
	v62 =	vld [tilespmem:s31+$0xFFFFFF80]  }
0x31d: {  	v59 =	vmov s15;
	[tilespmem:s10+$0x40] =	vst v61;
	v47 =	vld [tilespmem:s31+$0xFFFFFDE0]  }
0x31e: {  	v33 =	vshrl.u32 v59, $0x3;
	v52 =	vor.u32 v5, v57;
	[tilespmem:s9+$0x50] =	vst v41;
	v41 =	vld.idx.msk [tilespmem:v48+s19+$0x0], $0xffff;
	v48 =	vor.u32 v7, v51  }
0x31f: {  	s26 =	sadd.s32 $0xFFFFFFFA, s15;
	v33 =	vshll.u32 v33, v8;
	[tilespmem:s4+$0x30] =	vst v39  }
0x320: {  	v59 =	vadd.s32 v19, v49;
	v61 =	vmov s26;
	v51 =	vbroadcast v33, $0x0;
	v33 =	vld.idx.msk [tilespmem:v60+s19+$0x0], $0xffff;
	[tilespmem:v44+s30+$0x0] =	vst.idx.msk $0xffff, v9  }
0x321: {  	v58 =	vor.u32 v5, v56;
	v46 =	vor.u32 v6, v54;
	v39 =	vshrl.u32 v61, $0x3;
	[tilespmem:s2+$0x40] =	vst v43  }
0x322: {  	v39 =	vshll.u32 v39, v8;
	v44 =	vld [tilespmem:s31+$0xFFFFFEE0];
	[tilespmem:v42+s30+$0x0] =	vst.idx.msk $0xffff, v62;
	v62 =	vadd.s32 v27, v53  }
0x323: {  	v43 =	vld.idx.msk [tilespmem:v52+s19+$0x0], $0xffff;
	v52 =	vbroadcast v39, $0x0;
	[tilespmem:v48+s30+$0x0] =	vst.idx.msk $0xffff, v40  }
0x324: {  	v38 =	vor.u32 v6, v56;
	v61 =	vor.u32 v7, v56;
	v9 =	vadd.s32 v13, v51;
	v42 =	vld [tilespmem:s31+$0xFFFFFFD0];
	[tilespmem:s10+$0x50] =	vst v41  }
0x325: {  	v48 =	vor.u32 v6, v57;
	[tilespmem:v59+s30+$0x0] =	vst.idx.msk $0xffff, v47;
	v45 =	vld [tilespmem:s31+$0xFFFFFCD0];
	v56 =	vadd.s32 v10, v52  }
0x326: {  	v46 =	vld.idx.msk [tilespmem:v46+s19+$0x0], $0xffff;
	[tilespmem:s4+$0x40] =	vst v33  }
.Ltmp3:
0x327: {  	s8 =	smov.u32 s31;
	v41 =	vld.idx.msk [tilespmem:v58+s19+$0x0], $0xffff;
	[tilespmem:v62+s30+$0x0] =	vst.idx.msk $0xffff, v44;
	(pc) =	sbr.rel @p0 .LBB2_9-.Ltmp3, $4  }
0x328: {  	v50 =	vor.u32 v7, v57;
	v60 =	vld [tilespmem:s8+$0xFFFFFDF0];
	[tilespmem:s2+$0x50] =	vst v43  }
0x329: {  	v63 =	vor.u32 v6, v55;
	v59 =	vor.u32 v7, v54;
	[tilespmem:v9+s30+$0x0] =	vst.idx.msk $0xffff, v42;
	v54 =	vld [tilespmem:s31+$0xFFFFFEF0]  }
0x32a: {  	v39 =	vor.u32 v7, v55;
	v57 =	vadd.s32 v11, v52;
	v40 =	vld.idx.msk [tilespmem:v48+s19+$0x0], $0xffff;
	[tilespmem:v56+s30+$0x0] =	vst.idx.msk $0xffff, v45  }
0x32b: {  	s1 =	smov.u32 s12;
	s15 =	sadd.s32 $0x8, s15;
	v58 =	vadd.s32 v37, v51;
	v62 =	vadd.s32 v36, v51;
	v55 =	vld [tilespmem:s31+$0xFFFFFFE0];
	v56 =	vadd.s32 v28, v53;
	[tilespmem:s10+$0x60] =	vst v46;
	s31 =	sadd.s32 $0x400, s31  }
0x32c: {  	_ =	sdelay $0x3  }
0x32d: {  	[tilespmem:s4+$0x50] =	vst v41;
	v33 =	vld.idx.msk [tilespmem:v63+s19+$0x0], $0xffff  }
0x32e: {  	v9 =	vld.idx.msk [tilespmem:v38+s19+$0x0], $0xffff;
	_ =	sdelay $0x3  }
0x32f: {  	[tilespmem:s9+$0x60] =	vst v33  }
0x330: {  	[tilespmem:s4+$0x60] =	vst v9;
	v39 =	vld.idx.msk [tilespmem:v39+s19+$0x0], $0xffff  }
0x331: {  	s1 =	sadd.s32 $0xFFFFFFFD, s15;
	v9 =	vld.idx.msk [tilespmem:v61+s19+$0x0], $0xffff  }
0x332: {  	v45 =	vmov s1  }
0x333: {  	v33 =	vshrl.u32 v45, $0x3  }
0x334: {  	[tilespmem:s2+$0x60] =	vst v40;
	v33 =	vshll.u32 v33, v8  }
0x335: {  	v33 =	vbroadcast v33, $0x0;
	[tilespmem:s9+$0x70] =	vst v39  }
0x336: {  	s0 =	sadd.s32 $0xFFFFFFFB, s15;
	v40 =	vld.idx.msk [tilespmem:v50+s19+$0x0], $0xffff;
	[tilespmem:s4+$0x70] =	vst v9  }
0x337: {  	v46 =	vmov s0;
	s1 =	sadd.s32 $0xFFFFFFF9, s15;
	v48 =	vadd.s32 v22, v33;
	v22 =	vld [tilespmem:$0x1FFF0]  }
0x338: {  	v42 =	vld.idx.msk [tilespmem:v59+s19+$0x0], $0xffff;
	s3 =	sadd.s32 $0xFFFFFFFF, s15;
	v38 =	vshrl.u32 v46, $0x3;
	v47 =	vmov s1  }
0x339: {  	v43 =	vmov s3;
	v38 =	vshll.u32 v38, v8;
	v41 =	vshrl.u32 v47, $0x3  }
0x33a: {  	v38 =	vbroadcast v38, $0x0;
	v41 =	vshll.u32 v41, v8;
	v9 =	vshrl.u32 v43, $0x3  }
0x33b: {  	v41 =	vbroadcast v41, $0x0;
	v50 =	vld [tilespmem:s31+$0xFFFFFE50];
	v9 =	vshll.u32 v9, v8  }
0x33c: {  	v59 =	vld [tilespmem:s31+$0xFFFFFD50];
	[tilespmem:s2+$0x70] =	vst v40;
	v9 =	vbroadcast v9, $0x0;
	v44 =	vadd.s32 v22, v38  }
0x33d: {  	v46 =	vor.u32 v4, v41;
	[tilespmem:s10+$0x70] =	vst v42;
	v45 =	vld [tilespmem:s31+$0xFFFFFC50]  }
0x33e: {  	v42 =	vld [tilespmem:s31+$0xFFFFFF50];
	v47 =	vadd.s32 v30, v9;
	_ =	sdelay $0x1  }
0x33f: {  	[tilespmem:v48+s30+$0x0] =	vst.idx.msk $0xffff, v50  }
0x340: {  	v40 =	vadd.s32 v23, v33;
	v39 =	vld [tilespmem:s31+$0xFFFFFE60];
	[tilespmem:v44+s30+$0x0] =	vst.idx.msk $0xffff, v59  }
0x341: {  	v63 =	vadd.s32 v20, v38;
	[tilespmem:v46+s30+$0x0] =	vst.idx.msk $0xffff, v45;
	v61 =	vld [tilespmem:s31+$0xFFFFFD60]  }
0x342: {  	v48 =	vor.u32 v5, v41;
	v45 =	vld [tilespmem:s31+$0xFFFFFC60];
	[tilespmem:v47+s30+$0x0] =	vst.idx.msk $0xffff, v42  }
0x343: {  	v50 =	vld [tilespmem:s31+$0xFFFFFF60];
	v59 =	vadd.s32 v31, v9;
	_ =	sdelay $0x1  }
0x344: {  	[tilespmem:v40+s30+$0x0] =	vst.idx.msk $0xffff, v39  }
0x345: {  	v39 =	vld [tilespmem:s31+$0xFFFFFE70];
	[tilespmem:v63+s30+$0x0] =	vst.idx.msk $0xffff, v61;
	v61 =	vadd.s32 v24, v33  }
0x346: {  	[tilespmem:v48+s30+$0x0] =	vst.idx.msk $0xffff, v45;
	v63 =	vadd.s32 v15, v38;
	v43 =	vld [tilespmem:s31+$0xFFFFFD70]  }
0x347: {  	v48 =	vor.u32 v6, v41;
	v42 =	vld [tilespmem:s31+$0xFFFFFC70];
	[tilespmem:v59+s30+$0x0] =	vst.idx.msk $0xffff, v50  }
0x348: {  	v50 =	vadd.s32 v32, v9;
	v47 =	vld [tilespmem:s31+$0xFFFFFF70];
	_ =	sdelay $0x1  }
0x349: {  	[tilespmem:v61+s30+$0x0] =	vst.idx.msk $0xffff, v39  }
0x34a: {  	s11 =	sadd.s32 $0xFFFFFFFC, s15;
	s12 =	sadd.s32 $0xFFFFFFFE, s15;
	v41 =	vor.u32 v7, v41;
	v33 =	vadd.s32 v25, v33;
	[tilespmem:v63+s30+$0x0] =	vst.idx.msk $0xffff, v43;
	v40 =	vld [tilespmem:s31+$0xFFFFFE80]  }
0x34b: {  	s26 =	sadd.s32 $0xFFFFFFFA, s15;
	v59 =	vmov s11;
	v38 =	vadd.s32 v17, v38;
	[tilespmem:v48+s30+$0x0] =	vst.idx.msk $0xffff, v42;
	v63 =	vmov s12;
	v61 =	vld [tilespmem:s31+$0xFFFFFD80]  }
0x34c: {  	v9 =	vadd.s32 v34, v9;
	v32 =	vmov s26;
	v45 =	vld [tilespmem:s31+$0xFFFFFC80];
	[tilespmem:v50+s30+$0x0] =	vst.idx.msk $0xffff, v47;
	v44 =	vshrl.u32 v63, $0x3  }
0x34d: {  	[tilespmem:v62+s30+$0x0] =	vst.idx.msk $0xffff, v55;
	v34 =	vmov s15;
	v43 =	vshrl.u32 v59, $0x3;
	v46 =	vld [tilespmem:s31+$0xFFFFFF80];
	v44 =	vshll.u32 v44, v8  }
0x34e: {  	[tilespmem:v56+s30+$0x0] =	vst.idx.msk $0xffff, v54;
	v62 =	vld [tilespmem:s8+$0xFFFFFFF0];
	v47 =	vshrl.u32 v32, $0x3;
	v43 =	vshll.u32 v43, v8;
	v44 =	vbroadcast v44, $0x0  }
0x34f: {  	v54 =	vshrl.u32 v34, $0x3;
	v48 =	vld [tilespmem:s8+$0xFFFFFCE0];
	v55 =	vshll.u32 v47, v8;
	v43 =	vbroadcast v43, $0x0;
	[tilespmem:v33+s30+$0x0] =	vst.idx.msk $0xffff, v40  }
0x350: {  	v42 =	vadd.s32 v26, v44;
	v33 =	vshll.u32 v54, v8;
	v40 =	vbroadcast v55, $0x0;
	[tilespmem:v38+s30+$0x0] =	vst.idx.msk $0xffff, v61;
	v38 =	vld [tilespmem:s31+$0xFFFFFED0]  }
0x351: {  	[tilespmem:v41+s30+$0x0] =	vst.idx.msk $0xffff, v45;
	v56 =	vadd.s32 v16, v43;
	v33 =	vbroadcast v33, $0x0;
	v47 =	vld [tilespmem:s31+$0xFFFFFDD0]  }
0x352: {  	[tilespmem:v9+s30+$0x0] =	vst.idx.msk $0xffff, v46;
	v9 =	vld [tilespmem:s31+$0xFFFFFCD0];
	v59 =	vadd.s32 v10, v40  }
0x353: {  	[tilespmem:v58+s30+$0x0] =	vst.idx.msk $0xffff, v62;
	v46 =	vld [tilespmem:s31+$0xFFFFFFD0];
	v61 =	vadd.s32 v13, v33  }
0x354: {  	v39 =	vadd.s32 v21, v49;
	[tilespmem:v57+s30+$0x0] =	vst.idx.msk $0xffff, v48  }
0x355: {  	v32 =	vld [tilespmem:s8+$0xFFFFFF00];
	v63 =	vadd.s32 v35, v53;
	[tilespmem:v42+s30+$0x0] =	vst.idx.msk $0xffff, v38  }
0x356: {  	v34 =	vadd.s32 v27, v44;
	[tilespmem:v56+s30+$0x0] =	vst.idx.msk $0xffff, v47;
	v38 =	vld [tilespmem:s31+$0xFFFFFEE0]  }
0x357: {  	v57 =	vadd.s32 v19, v43;
	[tilespmem:v59+s30+$0x0] =	vst.idx.msk $0xffff, v9;
	v47 =	vld [tilespmem:s31+$0xFFFFFDE0]  }
0x358: {  	v9 =	vadd.s32 v11, v40;
	[tilespmem:v61+s30+$0x0] =	vst.idx.msk $0xffff, v46;
	v41 =	vld [tilespmem:s31+$0xFFFFFCE0]  }
0x359: {  	[tilespmem:v39+s30+$0x0] =	vst.idx.msk $0xffff, v60;
	v58 =	vadd.s32 v36, v33;
	v45 =	vld [tilespmem:s31+$0xFFFFFFE0]  }
0x35a: {  	v60 =	vld [tilespmem:s8+$0xFFFFFCF0];
	[tilespmem:v63+s30+$0x0] =	vst.idx.msk $0xffff, v32;
	v59 =	vadd.s32 v12, v52  }
0x35b: {  	v62 =	vld [tilespmem:s8+$0xFFFFFE00];
	v61 =	vadd.s32 v29, v49;
	[tilespmem:v34+s30+$0x0] =	vst.idx.msk $0xffff, v38  }
0x35c: {  	v63 =	vadd.s32 v28, v44;
	[tilespmem:v57+s30+$0x0] =	vst.idx.msk $0xffff, v47;
	v38 =	vld [tilespmem:s31+$0xFFFFFEF0]  }
0x35d: {  	v32 =	vadd.s32 v21, v43;
	[tilespmem:v9+s30+$0x0] =	vst.idx.msk $0xffff, v41;
	v47 =	vld [tilespmem:s31+$0xFFFFFDF0]  }
0x35e: {  	v9 =	vadd.s32 v12, v40;
	[tilespmem:v58+s30+$0x0] =	vst.idx.msk $0xffff, v45;
	v41 =	vld [tilespmem:s31+$0xFFFFFCF0]  }
0x35f: {  	[tilespmem:v59+s30+$0x0] =	vst.idx.msk $0xffff, v60;
	v34 =	vadd.s32 v37, v33;
	v46 =	vld [tilespmem:s31+$0xFFFFFFF0]  }
0x360: {  	v56 =	vadd.s32 v18, v52;
	v57 =	vld [tilespmem:s8+$0xFFFFFD00];
	[tilespmem:v61+s30+$0x0] =	vst.idx.msk $0xffff, v62  }
0x361: {  	v59 =	vadd.s32 v14, v51;
	v58 =	vld [tilespmem:s8+$0x0];
	[tilespmem:v63+s30+$0x0] =	vst.idx.msk $0xffff, v38  }
0x362: {  	v60 =	vadd.s32 v35, v44;
	v42 =	vld [tilespmem:s31+$0xFFFFFF00];
	[tilespmem:v32+s30+$0x0] =	vst.idx.msk $0xffff, v47  }
0x363: {  	v43 =	vadd.s32 v29, v43;
	[tilespmem:v9+s30+$0x0] =	vst.idx.msk $0xffff, v41;
	v61 =	vld [tilespmem:s31+$0xFFFFFE00]  }
0x364: {  	v9 =	vadd.s32 v18, v40;
	[tilespmem:v34+s30+$0x0] =	vst.idx.msk $0xffff, v46;
	v62 =	vld [tilespmem:s31+$0xFFFFFD00]  }
0x365: {  	v33 =	vadd.s32 v14, v33;
	[tilespmem:v56+s30+$0x0] =	vst.idx.msk $0xffff, v57;
	v63 =	vld [tilespmem:s31+$0x0]  }
0x366: {  	[tilespmem:v59+s30+$0x0] =	vst.idx.msk $0xffff, v58  }
0x367: {  	[tilespmem:v60+s30+$0x0] =	vst.idx.msk $0xffff, v42  }
0x368: {  	[tilespmem:v43+s30+$0x0] =	vst.idx.msk $0xffff, v61  }
0x369: {  	[tilespmem:v9+s30+$0x0] =	vst.idx.msk $0xffff, v62  }
0x36a: {  	[tilespmem:v33+s30+$0x0] =	vst.idx.msk $0xffff, v63  }
0x36b: {  	v38 =	vld [tilespmem:$0x1FE80]  }
0x36c: {  	v39 =	vld [tilespmem:$0x1FE90]  }
0x36d: {  	v40 =	vld [tilespmem:$0x1FEA0]  }
0x36e: {  	v41 =	vld [tilespmem:$0x1FEB0]  }
0x36f: {  	v42 =	vld [tilespmem:$0x1FEC0]  }
0x370: {  	v43 =	vld [tilespmem:$0x1FED0]  }
0x371: {  	v44 =	vld [tilespmem:$0x1FEE0]  }
0x372: {  	v45 =	vld [tilespmem:$0x1FEF0]  }
0x373: {  	v33 =	vld [tilespmem:$0x1FCC0]  }
0x374: {  	v62 =	vmov v10;
	v10 =	vld [tilespmem:$0x1FC70]  }
0x375: {  	v30 =	vld [tilespmem:$0x1FC80]  }
0x376: {  	v59 =	vld [tilespmem:$0x1FC90]  }
0x377: {  	v61 =	vld [tilespmem:$0x1FCA0]  }
0x378: {  	v21 =	vld [tilespmem:$0x1FC20]  }
0x379: {  	v55 =	vld [tilespmem:$0x1FC10]  }
0x37a: {  	v22 =	vld [tilespmem:$0x1FC00]  }
0x37b: {  	v56 =	vld [tilespmem:$0x1FBF0]  }
0x37c: {  	v57 =	vld [tilespmem:$0x1FBE0]  }
0x37d: {  	v53 =	vld [tilespmem:$0x1FBD0]  }
0x37e: {  	v54 =	vld [tilespmem:$0x1FBC0]  }
0x37f: {  	v35 =	vld [tilespmem:$0x1FBB0]  }
0x380: {  	v23 =	vld [tilespmem:$0x1FBA0]  }
0x381: {  	v46 =	vld [tilespmem:$0x1FB90]  }
0x382: {  	v47 =	vld [tilespmem:$0x1FB80]  }
0x383: {  	v48 =	vld [tilespmem:$0x1FB70]  }
0x384: {  	v50 =	vld [tilespmem:$0x1FB60]  }
0x385: {  	v51 =	vld [tilespmem:$0x1FB50]  }
0x386: {  	v52 =	vld [tilespmem:$0x1FB40]  }
0x387: {  	v60 =	vld [tilespmem:$0x1FB30]  }
0x388: {  	v13 =	vld [tilespmem:$0x1FB20]  }
0x389: {  	v15 =	vld [tilespmem:$0x1FB10]  }
0x38a: {  	v17 =	vld [tilespmem:$0x1FB00]  }
0x38b: {  	v18 =	vld [tilespmem:$0x1FAF0]  }
0x38c: {  	v16 =	vld [tilespmem:$0x1FAE0]  }
0x38d: {  	v24 =	vld [tilespmem:$0x1FAD0]  }
0x38e: {  	v25 =	vld [tilespmem:$0x1FAC0]  }
0x38f: {  	v26 =	vld [tilespmem:$0x1FAB0]  }
0x390: {  	v27 =	vld [tilespmem:$0x1FAA0]  }
0x391: {  	v28 =	vld [tilespmem:$0x1FA90]  }
0x392: {  	v29 =	vld [tilespmem:$0x1FA80]  }
0x393: {  	v31 =	vld [tilespmem:$0x1FA70]  }
0x394: {  	p0 =	por $0x1, $0x1;
	p2 =	por $0x1, $0x1;
	v63 =	vmov v20;
	v32 =	vld [tilespmem:$0x1FA60]  }
.LBB2_11:
0x395: {  	v9 =	vmov s14  }
0x396: {  	v9 =	vshrl.u32 v9, $0x3  }
0x397: {  	v9 =	vshll.u32 v9, $0x3  }
0x398: {  	v49 =	vbroadcast v9, $0x0;
	_ =	sdelay $0x1  }
0x399: {  	v9 =	vor.u32 v38, v49  }
0x39a: {  	v58 =	vor.u32 v33, v49  }
0x39b: {  	v11 =	vld [tilespmem:$0x1FCD0];
	_ =	sdelay $0x2  }
0x39c: {  	v9 =	vld.idx.msk [tilespmem:v9+s21+$0x0], $0xffff  }
0x39d: {  	v12 =	vmov v33;
	v34 =	vmov v38;
	v38 =	vor.u32 v39, v49;
	v33 =	vld.idx.msk [tilespmem:v58+s21+$0x0], $0xffff  }
0x39e: {  	v58 =	vor.u32 v11, v49  }
0x39f: {  	s0 =	sshll.u32 s14, $0x7;
	v11 =	vld [tilespmem:$0x1FCE0]  }
0x3a0: {  	s2 =	sand.u32 $0x3FFFFF80, s0  }
0x3a1: {  	[tilespmem:s2+$0x17B00] =	vst v9  }
0x3a2: {  	[tilespmem:s2+$0x17B80] =	vst v33;
	v9 =	vld.idx.msk [tilespmem:v38+s21+$0x0], $0xffff  }
0x3a3: {  	v38 =	vld.idx.msk [tilespmem:v58+s21+$0x0], $0xffff  }
0x3a4: {  	v58 =	vor.u32 v11, v49  }
0x3a5: {  	v11 =	vld [tilespmem:$0x1FCF0];
	_ =	sdelay $0x2  }
0x3a6: {  	[tilespmem:s2+$0x17B90] =	vst v38  }
0x3a7: {  	v38 =	vld.idx.msk [tilespmem:v58+s21+$0x0], $0xffff  }
0x3a8: {  	v58 =	vor.u32 v11, v49  }
0x3a9: {  	v11 =	vld [tilespmem:$0x1FD00];
	_ =	sdelay $0x2  }
0x3aa: {  	[tilespmem:s2+$0x17BA0] =	vst v38  }
0x3ab: {  	v33 =	vor.u32 v40, v49;
	v38 =	vld.idx.msk [tilespmem:v58+s21+$0x0], $0xffff  }
0x3ac: {  	v58 =	vor.u32 v11, v49  }
0x3ad: {  	v11 =	vld [tilespmem:$0x1FD10];
	_ =	sdelay $0x1  }
0x3ae: {  	[tilespmem:s2+$0x17B10] =	vst v9  }
0x3af: {  	v9 =	vld.idx.msk [tilespmem:v33+s21+$0x0], $0xffff;
	[tilespmem:s2+$0x17BB0] =	vst v38  }
0x3b0: {  	v33 =	vor.u32 v41, v49;
	v38 =	vld.idx.msk [tilespmem:v58+s21+$0x0], $0xffff  }
0x3b1: {  	v58 =	vor.u32 v11, v49  }
0x3b2: {  	v11 =	vld [tilespmem:$0x1FD20];
	_ =	sdelay $0x1  }
0x3b3: {  	[tilespmem:s2+$0x17B20] =	vst v9  }
0x3b4: {  	v9 =	vld.idx.msk [tilespmem:v33+s21+$0x0], $0xffff;
	[tilespmem:s2+$0x17BC0] =	vst v38  }
0x3b5: {  	v33 =	vor.u32 v42, v49;
	v38 =	vld.idx.msk [tilespmem:v58+s21+$0x0], $0xffff  }
0x3b6: {  	v58 =	vor.u32 v11, v49  }
0x3b7: {  	v11 =	vld [tilespmem:$0x1FD30];
	_ =	sdelay $0x1  }
0x3b8: {  	[tilespmem:s2+$0x17B30] =	vst v9  }
0x3b9: {  	v9 =	vld.idx.msk [tilespmem:v33+s21+$0x0], $0xffff;
	[tilespmem:s2+$0x17BD0] =	vst v38  }
0x3ba: {  	v33 =	vor.u32 v43, v49;
	v38 =	vld.idx.msk [tilespmem:v58+s21+$0x0], $0xffff  }
0x3bb: {  	v58 =	vor.u32 v11, v49;
	v11 =	vld [tilespmem:$0x1FF00];
	_ =	sdelay $0x2  }
0x3bc: {  	[tilespmem:s2+$0x17B40] =	vst v9  }
0x3bd: {  	v9 =	vld.idx.msk [tilespmem:v33+s21+$0x0], $0xffff  }
0x3be: {  	v37 =	vmov v40;
	v40 =	vor.u32 v11, v49;
	v11 =	vld [tilespmem:$0x1FDB0]  }
0x3bf: {  	v33 =	vor.u32 v44, v49;
	_ =	sdelay $0x3  }
0x3c0: {  	v14 =	vmov v41;
	[tilespmem:s2+$0x17B50] =	vst v9;
	v41 =	vor.u32 v11, v49;
	v11 =	vld [tilespmem:$0x1FC40]  }
0x3c1: {  	v9 =	vld.idx.msk [tilespmem:v33+s21+$0x0], $0xffff;
	_ =	sdelay $0x3  }
0x3c2: {  	[tilespmem:s2+$0x17BE0] =	vst v38;
	v38 =	vor.u32 v11, v49;
	v11 =	vld [tilespmem:$0x1FC50]  }
0x3c3: {  	[tilespmem:s2+$0x17B60] =	vst v9;
	v9 =	vld [tilespmem:$0x1FC30]  }
0x3c4: {  	v33 =	vor.u32 v45, v49;
	_ =	sdelay $0x1  }
0x3c5: {  	v36 =	vmov v39;
	v39 =	vld.idx.msk [tilespmem:v58+s21+$0x0], $0xffff  }
0x3c6: {  	v58 =	vmov v42;
	v42 =	vor.u32 v11, v49;
	v11 =	vld [tilespmem:$0x1FC60]  }
0x3c7: {  	v9 =	vor.u32 v9, v49  }
0x3c8: {  	v33 =	vld.idx.msk [tilespmem:v33+s21+$0x0], $0xffff;
	_ =	sdelay $0x1  }
0x3c9: {  	v40 =	vld.idx.msk [tilespmem:v40+s21+$0x0], $0xffff  }
0x3ca: {  	v19 =	vmov v43;
	v43 =	vor.u32 v11, v49;
	v11 =	vld [tilespmem:$0x1FD40]  }
0x3cb: {  	v9 =	vld.idx.msk [tilespmem:v9+s21+$0x0], $0xffff  }
0x3cc: {  	[tilespmem:s2+$0x17B70] =	vst v33;
	v33 =	vor.u32 v10, v49;
	v41 =	vld.idx.msk [tilespmem:v41+s21+$0x0], $0xffff  }
0x3cd: {  	v38 =	vld.idx.msk [tilespmem:v38+s21+$0x0], $0xffff  }
0x3ce: {  	v42 =	vld.idx.msk [tilespmem:v42+s21+$0x0], $0xffff  }
0x3cf: {  	v20 =	vmovc v44;
	[tilespmem:s2+$0x17C00] =	vst v40;
	v40 =	vor.u32 v59, v49;
	v44 =	vor.u32 v11, v49;
	v11 =	vmov v45;
	v45 =	vld [tilespmem:$0x1FDC0]  }
0x3d0: {  	[tilespmem:s2+$0x17D00] =	vst v9;
	v9 =	vld [tilespmem:$0x1FD50]  }
0x3d1: {  	[tilespmem:s2+$0x17BF0] =	vst v39;
	v39 =	vor.u32 v30, v49;
	v33 =	vld.idx.msk [tilespmem:v33+s21+$0x0], $0xffff  }
0x3d2: {  	[tilespmem:s2+$0x17D80] =	vst v38;
	v43 =	vld.idx.msk [tilespmem:v43+s21+$0x0], $0xffff  }
0x3d3: {  	v38 =	vld [tilespmem:$0x1FDD0];
	[tilespmem:s2+$0x17E00] =	vst v42;
	v42 =	vor.u32 v21, v49  }
0x3d4: {  	v40 =	vld.idx.msk [tilespmem:v40+s21+$0x0], $0xffff;
	v45 =	vor.u32 v45, v49  }
0x3d5: {  	[tilespmem:s2+$0x17C80] =	vst v41;
	v41 =	vor.u32 v61, v49;
	v44 =	vld.idx.msk [tilespmem:v44+s21+$0x0], $0xffff  }
0x3d6: {  	v9 =	vor.u32 v9, v49;
	v39 =	vld.idx.msk [tilespmem:v39+s21+$0x0], $0xffff;
	[tilespmem:s2+$0x17D10] =	vst v33  }
0x3d7: {  	v33 =	vld [tilespmem:$0x1FD60];
	[tilespmem:s2+$0x17E80] =	vst v43;
	v43 =	vor.u32 v55, v49  }
0x3d8: {  	v42 =	vld.idx.msk [tilespmem:v42+s21+$0x0], $0xffff  }
0x3d9: {  	[tilespmem:s2+$0x17E10] =	vst v40;
	v40 =	vor.u32 v53, v49;
	v45 =	vld.idx.msk [tilespmem:v45+s21+$0x0], $0xffff  }
0x3da: {  	v41 =	vld.idx.msk [tilespmem:v41+s21+$0x0], $0xffff;
	[tilespmem:s2+$0x17C10] =	vst v44;
	v44 =	vor.u32 v22, v49  }
0x3db: {  	v38 =	vor.u32 v38, v49;
	[tilespmem:s2+$0x17D90] =	vst v39;
	v9 =	vld.idx.msk [tilespmem:v9+s21+$0x0], $0xffff  }
0x3dc: {  	v33 =	vor.u32 v33, v49;
	v43 =	vld.idx.msk [tilespmem:v43+s21+$0x0], $0xffff  }
0x3dd: {  	[tilespmem:s2+$0x17D20] =	vst v42;
	v42 =	vld [tilespmem:$0x1FD70]  }
0x3de: {  	v40 =	vld.idx.msk [tilespmem:v40+s21+$0x0], $0xffff;
	[tilespmem:s2+$0x17C90] =	vst v45;
	v45 =	vor.u32 v56, v49  }
0x3df: {  	v44 =	vld.idx.msk [tilespmem:v44+s21+$0x0], $0xffff  }
0x3e0: {  	v38 =	vld.idx.msk [tilespmem:v38+s21+$0x0], $0xffff;
	[tilespmem:s2+$0x17C20] =	vst v9;
	v9 =	vor.u32 v35, v49  }
0x3e1: {  	v39 =	vor.u32 v57, v49;
	[tilespmem:s2+$0x17E90] =	vst v41;
	v33 =	vld.idx.msk [tilespmem:v33+s21+$0x0], $0xffff  }
0x3e2: {  	v41 =	vor.u32 v54, v49;
	[tilespmem:s2+$0x17DA0] =	vst v43  }
0x3e3: {  	v42 =	vor.u32 v42, v49;
	[tilespmem:s2+$0x17D30] =	vst v40;
	v45 =	vld.idx.msk [tilespmem:v45+s21+$0x0], $0xffff  }
0x3e4: {  	v40 =	vld [tilespmem:$0x1FD80];
	[tilespmem:s2+$0x17E20] =	vst v44;
	v44 =	vor.u32 v47, v49  }
0x3e5: {  	[tilespmem:s2+$0x17CA0] =	vst v38;
	v38 =	vor.u32 v23, v49;
	v9 =	vld.idx.msk [tilespmem:v9+s21+$0x0], $0xffff  }
0x3e6: {  	v39 =	vld.idx.msk [tilespmem:v39+s21+$0x0], $0xffff;
	[tilespmem:s2+$0x17C30] =	vst v33;
	v33 =	vor.u32 v50, v49  }
0x3e7: {  	v43 =	vor.u32 v46, v49;
	v41 =	vld.idx.msk [tilespmem:v41+s21+$0x0], $0xffff  }
0x3e8: {  	v42 =	vld.idx.msk [tilespmem:v42+s21+$0x0], $0xffff;
	[tilespmem:s2+$0x17EA0] =	vst v45;
	v45 =	vor.u32 v48, v49  }
0x3e9: {  	v44 =	vld.idx.msk [tilespmem:v44+s21+$0x0], $0xffff  }
0x3ea: {  	v38 =	vld.idx.msk [tilespmem:v38+s21+$0x0], $0xffff;
	[tilespmem:s2+$0x17E30] =	vst v9;
	v9 =	vor.u32 v60, v49  }
0x3eb: {  	v40 =	vor.u32 v40, v49;
	[tilespmem:s2+$0x17CB0] =	vst v39;
	v33 =	vld.idx.msk [tilespmem:v33+s21+$0x0], $0xffff  }
0x3ec: {  	[tilespmem:s2+$0x17DB0] =	vst v41;
	v39 =	vor.u32 v51, v49;
	v43 =	vld.idx.msk [tilespmem:v43+s21+$0x0], $0xffff  }
0x3ed: {  	[tilespmem:s2+$0x17C40] =	vst v42;
	v42 =	vor.u32 v15, v49;
	v45 =	vld.idx.msk [tilespmem:v45+s21+$0x0], $0xffff  }
0x3ee: {  	v41 =	vor.u32 v52, v49;
	[tilespmem:s2+$0x17D40] =	vst v44;
	v44 =	vld [tilespmem:$0x1FD90]  }
0x3ef: {  	v9 =	vld.idx.msk [tilespmem:v9+s21+$0x0], $0xffff  }
0x3f0: {  	v40 =	vld.idx.msk [tilespmem:v40+s21+$0x0], $0xffff;
	[tilespmem:s2+$0x17EB0] =	vst v38;
	v38 =	vor.u32 v13, v49  }
0x3f1: {  	v39 =	vld.idx.msk [tilespmem:v39+s21+$0x0], $0xffff;
	[tilespmem:s2+$0x17E40] =	vst v33;
	v33 =	vor.u32 v16, v49  }
0x3f2: {  	[tilespmem:s2+$0x17CC0] =	vst v43;
	v43 =	vor.u32 v17, v49;
	v42 =	vld.idx.msk [tilespmem:v42+s21+$0x0], $0xffff  }
0x3f3: {  	v41 =	vld.idx.msk [tilespmem:v41+s21+$0x0], $0xffff;
	v44 =	vor.u32 v44, v49;
	[tilespmem:s2+$0x17DC0] =	vst v45  }
0x3f4: {  	v45 =	vor.u32 v18, v49;
	[tilespmem:s2+$0x17D50] =	vst v9;
	v9 =	vld [tilespmem:$0x1FDA0]  }
0x3f5: {  	v38 =	vld.idx.msk [tilespmem:v38+s21+$0x0], $0xffff  }
0x3f6: {  	[tilespmem:s2+$0x17EC0] =	vst v39;
	v39 =	vor.u32 v24, v49;
	v33 =	vld.idx.msk [tilespmem:v33+s21+$0x0], $0xffff  }
0x3f7: {  	[tilespmem:s2+$0x17C50] =	vst v40;
	v40 =	vor.u32 v25, v49;
	v43 =	vld.idx.msk [tilespmem:v43+s21+$0x0], $0xffff  }
0x3f8: {  	[tilespmem:s2+$0x17CD0] =	vst v41;
	v41 =	vor.u32 v26, v49;
	v44 =	vld.idx.msk [tilespmem:v44+s21+$0x0], $0xffff  }
0x3f9: {  	[tilespmem:s2+$0x17E50] =	vst v42;
	v45 =	vld.idx.msk [tilespmem:v45+s21+$0x0], $0xffff;
	v9 =	vor.u32 v9, v49  }
0x3fa: {  	v42 =	vor.u32 v28, v49;
	[tilespmem:s2+$0x17DD0] =	vst v38  }
0x3fb: {  	v38 =	vor.u32 v27, v49;
	v39 =	vld.idx.msk [tilespmem:v39+s21+$0x0], $0xffff;
	[tilespmem:s2+$0x17D60] =	vst v33  }
0x3fc: {  	v40 =	vld.idx.msk [tilespmem:v40+s21+$0x0], $0xffff;
	[tilespmem:s2+$0x17ED0] =	vst v43;
	v43 =	vor.u32 v29, v49  }
0x3fd: {  	v41 =	vld.idx.msk [tilespmem:v41+s21+$0x0], $0xffff;
	[tilespmem:s2+$0x17C60] =	vst v44;
	v44 =	vor.u32 v31, v49  }
0x3fe: {  	[tilespmem:s2+$0x17CE0] =	vst v45;
	v45 =	vor.u32 v32, v49;
	v9 =	vld.idx.msk [tilespmem:v9+s21+$0x0], $0xffff  }
0x3ff: {  	v49 =	vld.idx.msk [tilespmem:v42+s21+$0x0], $0xffff  }
0x400: {  	v33 =	vld.idx.msk [tilespmem:v38+s21+$0x0], $0xffff;
	[tilespmem:s2+$0x17DE0] =	vst v39  }
0x401: {  	[tilespmem:s2+$0x17E60] =	vst v40;
	v39 =	vld.idx.msk [tilespmem:v43+s21+$0x0], $0xffff  }
0x402: {  	[tilespmem:s2+$0x17EE0] =	vst v41;
	v40 =	vld.idx.msk [tilespmem:v44+s21+$0x0], $0xffff  }
0x403: {  	p3 =	por p2, p2;
	[tilespmem:s2+$0x17C70] =	vst v9;
	v9 =	vld.idx.msk [tilespmem:v45+s21+$0x0], $0xffff  }
.Ltmp4:
0x404: {  	[tilespmem:s2+$0x17D70] =	vst v49;
	(pc) =	sbr.rel @p3 .LBB2_11-.Ltmp4, $4  }
0x405: {  	[tilespmem:s2+$0x17CF0] =	vst v33  }
0x406: {  	[tilespmem:s2+$0x17DF0] =	vst v39  }
0x407: {  	v42 =	vmovc v58;
	v38 =	vmov v34;
	v43 =	vmov v19;
	v41 =	vmov v14;
	[tilespmem:s2+$0x17E70] =	vst v40  }
0x408: {  	s1 =	simm.s32 $0x0;
	s14 =	simm.s32 $0x8;
	p2 =	por $0x0, $0x0;
	v44 =	vmovc v20;
	v45 =	vmovc v11;
	v33 =	vmov v12;
	v39 =	vmov v36;
	v40 =	vmov v37;
	[tilespmem:s2+$0x17EF0] =	vst v9  }
.LBB2_12:
0x409: {  	v9 =	vmov s1  }
0x40a: {  	v9 =	vshrl.u32 v9, $0x3  }
0x40b: {  	v9 =	vshll.u32 v9, $0x3  }
0x40c: {  	v49 =	vbroadcast v9, $0x0;
	_ =	sdelay $0x1  }
0x40d: {  	v9 =	vor.u32 v38, v49  }
0x40e: {  	v33 =	vor.u32 v12, v49  }
0x40f: {  	v38 =	vor.u32 v39, v49;
	v39 =	vld [tilespmem:$0x1FCD0];
	_ =	sdelay $0x2  }
0x410: {  	v9 =	vld.idx.msk [tilespmem:v9+s23+$0x0], $0xffff  }
0x411: {  	v33 =	vld.idx.msk [tilespmem:v33+s23+$0x0], $0xffff  }
0x412: {  	v39 =	vor.u32 v39, v49  }
0x413: {  	s0 =	sshll.u32 s1, $0x7  }
0x414: {  	s2 =	sand.u32 $0x3FFFFF80, s0  }
0x415: {  	[tilespmem:s2+$0x18300] =	vst v9  }
0x416: {  	[tilespmem:s2+$0x18380] =	vst v33;
	v9 =	vld.idx.msk [tilespmem:v38+s23+$0x0], $0xffff  }
0x417: {  	v38 =	vld.idx.msk [tilespmem:v39+s23+$0x0], $0xffff  }
0x418: {  	v39 =	vld [tilespmem:$0x1FCE0];
	_ =	sdelay $0x2  }
0x419: {  	v33 =	vor.u32 v40, v49;
	_ =	sdelay $0x1  }
0x41a: {  	v39 =	vor.u32 v39, v49;
	_ =	sdelay $0x1  }
0x41b: {  	[tilespmem:s2+$0x18310] =	vst v9  }
0x41c: {  	v9 =	vld.idx.msk [tilespmem:v33+s23+$0x0], $0xffff  }
0x41d: {  	[tilespmem:s2+$0x18390] =	vst v38;
	v33 =	vor.u32 v41, v49  }
0x41e: {  	v38 =	vld.idx.msk [tilespmem:v39+s23+$0x0], $0xffff  }
0x41f: {  	v39 =	vld [tilespmem:$0x1FCF0];
	_ =	sdelay $0x1  }
0x420: {  	[tilespmem:s2+$0x18320] =	vst v9  }
0x421: {  	v9 =	vld.idx.msk [tilespmem:v33+s23+$0x0], $0xffff  }
0x422: {  	v33 =	vor.u32 v42, v49  }
0x423: {  	v42 =	vld [tilespmem:$0x1FD00];
	v39 =	vor.u32 v39, v49;
	_ =	sdelay $0x2  }
0x424: {  	[tilespmem:s2+$0x18330] =	vst v9  }
0x425: {  	[tilespmem:s2+$0x183A0] =	vst v38;
	v9 =	vld.idx.msk [tilespmem:v33+s23+$0x0], $0xffff  }
0x426: {  	v38 =	vld.idx.msk [tilespmem:v39+s23+$0x0], $0xffff;
	v39 =	vor.u32 v42, v49;
	v42 =	vor.u32 v43, v49;
	_ =	sdelay $0x3  }
0x427: {  	v43 =	vld [tilespmem:$0x1FD10];
	[tilespmem:s2+$0x18340] =	vst v9  }
0x428: {  	v9 =	vld.idx.msk [tilespmem:v42+s23+$0x0], $0xffff  }
0x429: {  	v44 =	vor.u32 v44, v49  }
0x42a: {  	v33 =	vor.u32 v45, v49;
	v45 =	vld [tilespmem:$0x1FDB0];
	[tilespmem:s2+$0x183B0] =	vst v38  }
0x42b: {  	v38 =	vld.idx.msk [tilespmem:v39+s23+$0x0], $0xffff  }
0x42c: {  	v39 =	vor.u32 v43, v49  }
0x42d: {  	v42 =	vld [tilespmem:$0x1FD20];
	[tilespmem:s2+$0x18350] =	vst v9  }
0x42e: {  	v9 =	vld.idx.msk [tilespmem:v44+s23+$0x0], $0xffff  }
0x42f: {  	v41 =	vor.u32 v45, v49;
	v45 =	vld [tilespmem:$0x1FC50]  }
0x430: {  	[tilespmem:s2+$0x183C0] =	vst v38;
	v44 =	vld [tilespmem:$0x1FF00]  }
0x431: {  	v38 =	vld.idx.msk [tilespmem:v39+s23+$0x0], $0xffff  }
0x432: {  	v39 =	vor.u32 v42, v49  }
0x433: {  	[tilespmem:s2+$0x18360] =	vst v9;
	v9 =	vld [tilespmem:$0x1FC30]  }
0x434: {  	v43 =	vld [tilespmem:$0x1FD30]  }
0x435: {  	v42 =	vor.u32 v45, v49;
	v45 =	vld [tilespmem:$0x1FC60]  }
0x436: {  	v40 =	vor.u32 v44, v49;
	v44 =	vld [tilespmem:$0x1FC40];
	[tilespmem:s2+$0x183D0] =	vst v38  }
0x437: {  	v38 =	vld.idx.msk [tilespmem:v39+s23+$0x0], $0xffff  }
0x438: {  	v9 =	vor.u32 v9, v49;
	_ =	sdelay $0x1  }
0x439: {  	v33 =	vld.idx.msk [tilespmem:v33+s23+$0x0], $0xffff;
	v39 =	vor.u32 v43, v49  }
0x43a: {  	v43 =	vor.u32 v45, v49;
	v45 =	vld [tilespmem:$0x1FDC0]  }
0x43b: {  	[tilespmem:s2+$0x183E0] =	vst v38;
	v38 =	vor.u32 v44, v49;
	v44 =	vld [tilespmem:$0x1FD40]  }
0x43c: {  	v9 =	vld.idx.msk [tilespmem:v9+s23+$0x0], $0xffff  }
0x43d: {  	v41 =	vld.idx.msk [tilespmem:v41+s23+$0x0], $0xffff  }
0x43e: {  	v39 =	vld.idx.msk [tilespmem:v39+s23+$0x0], $0xffff  }
0x43f: {  	v40 =	vld.idx.msk [tilespmem:v40+s23+$0x0], $0xffff;
	v45 =	vor.u32 v45, v49  }
0x440: {  	v42 =	vld.idx.msk [tilespmem:v42+s23+$0x0], $0xffff;
	[tilespmem:s2+$0x18370] =	vst v33;
	v44 =	vor.u32 v44, v49  }
0x441: {  	v33 =	vor.u32 v10, v49;
	[tilespmem:s2+$0x18500] =	vst v9;
	v9 =	vld [tilespmem:$0x1FD50]  }
0x442: {  	[tilespmem:s2+$0x18480] =	vst v41;
	v38 =	vld.idx.msk [tilespmem:v38+s23+$0x0], $0xffff  }
0x443: {  	v43 =	vld.idx.msk [tilespmem:v43+s23+$0x0], $0xffff;
	[tilespmem:s2+$0x183F0] =	vst v39;
	v39 =	vor.u32 v30, v49  }
0x444: {  	[tilespmem:s2+$0x18400] =	vst v40;
	v40 =	vor.u32 v59, v49;
	v45 =	vld.idx.msk [tilespmem:v45+s23+$0x0], $0xffff  }
0x445: {  	v41 =	vor.u32 v61, v49;
	v44 =	vld.idx.msk [tilespmem:v44+s23+$0x0], $0xffff  }
0x446: {  	v33 =	vld.idx.msk [tilespmem:v33+s23+$0x0], $0xffff;
	v9 =	vor.u32 v9, v49  }
0x447: {  	[tilespmem:s2+$0x18580] =	vst v38;
	v38 =	vld [tilespmem:$0x1FDD0]  }
0x448: {  	[tilespmem:s2+$0x18600] =	vst v42;
	v42 =	vor.u32 v21, v49;
	v39 =	vld.idx.msk [tilespmem:v39+s23+$0x0], $0xffff  }
0x449: {  	[tilespmem:s2+$0x18680] =	vst v43;
	v43 =	vor.u32 v55, v49;
	v40 =	vld.idx.msk [tilespmem:v40+s23+$0x0], $0xffff  }
0x44a: {  	v41 =	vld.idx.msk [tilespmem:v41+s23+$0x0], $0xffff;
	[tilespmem:s2+$0x18410] =	vst v44;
	v44 =	vor.u32 v22, v49  }
0x44b: {  	[tilespmem:s2+$0x18490] =	vst v45;
	v45 =	vor.u32 v56, v49;
	v9 =	vld.idx.msk [tilespmem:v9+s23+$0x0], $0xffff  }
0x44c: {  	[tilespmem:s2+$0x18510] =	vst v33;
	v33 =	vld [tilespmem:$0x1FD60];
	v38 =	vor.u32 v38, v49  }
0x44d: {  	v42 =	vld.idx.msk [tilespmem:v42+s23+$0x0], $0xffff;
	[tilespmem:s2+$0x18590] =	vst v39  }
0x44e: {  	[tilespmem:s2+$0x18610] =	vst v40;
	v40 =	vor.u32 v53, v49;
	v43 =	vld.idx.msk [tilespmem:v43+s23+$0x0], $0xffff  }
0x44f: {  	[tilespmem:s2+$0x18690] =	vst v41;
	v41 =	vor.u32 v54, v49;
	v44 =	vld.idx.msk [tilespmem:v44+s23+$0x0], $0xffff  }
0x450: {  	v45 =	vld.idx.msk [tilespmem:v45+s23+$0x0], $0xffff;
	[tilespmem:s2+$0x18420] =	vst v9;
	v9 =	vor.u32 v35, v49  }
0x451: {  	v33 =	vor.u32 v33, v49;
	v38 =	vld.idx.msk [tilespmem:v38+s23+$0x0], $0xffff  }
0x452: {  	v39 =	vor.u32 v57, v49;
	[tilespmem:s2+$0x18520] =	vst v42;
	v42 =	vld [tilespmem:$0x1FD70]  }
0x453: {  	v40 =	vld.idx.msk [tilespmem:v40+s23+$0x0], $0xffff;
	[tilespmem:s2+$0x185A0] =	vst v43  }
0x454: {  	v41 =	vld.idx.msk [tilespmem:v41+s23+$0x0], $0xffff;
	[tilespmem:s2+$0x18620] =	vst v44;
	v44 =	vor.u32 v47, v49  }
0x455: {  	[tilespmem:s2+$0x186A0] =	vst v45;
	v45 =	vor.u32 v48, v49;
	v9 =	vld.idx.msk [tilespmem:v9+s23+$0x0], $0xffff  }
0x456: {  	v33 =	vld.idx.msk [tilespmem:v33+s23+$0x0], $0xffff;
	[tilespmem:s2+$0x184A0] =	vst v38;
	v38 =	vor.u32 v23, v49  }
0x457: {  	v42 =	vor.u32 v42, v49;
	v39 =	vld.idx.msk [tilespmem:v39+s23+$0x0], $0xffff  }
0x458: {  	v43 =	vor.u32 v46, v49;
	[tilespmem:s2+$0x18530] =	vst v40;
	v40 =	vld [tilespmem:$0x1FD80]  }
0x459: {  	[tilespmem:s2+$0x185B0] =	vst v41;
	v44 =	vld.idx.msk [tilespmem:v44+s23+$0x0], $0xffff  }
0x45a: {  	v45 =	vld.idx.msk [tilespmem:v45+s23+$0x0], $0xffff;
	[tilespmem:s2+$0x18630] =	vst v9;
	v9 =	vor.u32 v60, v49  }
0x45b: {  	[tilespmem:s2+$0x18430] =	vst v33;
	v33 =	vor.u32 v50, v49;
	v38 =	vld.idx.msk [tilespmem:v38+s23+$0x0], $0xffff  }
0x45c: {  	v42 =	vld.idx.msk [tilespmem:v42+s23+$0x0], $0xffff;
	[tilespmem:s2+$0x184B0] =	vst v39;
	v39 =	vor.u32 v51, v49  }
0x45d: {  	v40 =	vor.u32 v40, v49;
	v43 =	vld.idx.msk [tilespmem:v43+s23+$0x0], $0xffff  }
0x45e: {  	v41 =	vor.u32 v52, v49;
	[tilespmem:s2+$0x18540] =	vst v44;
	v44 =	vld [tilespmem:$0x1FD90]  }
0x45f: {  	v9 =	vld.idx.msk [tilespmem:v9+s23+$0x0], $0xffff  }
0x460: {  	v33 =	vld.idx.msk [tilespmem:v33+s23+$0x0], $0xffff;
	[tilespmem:s2+$0x186B0] =	vst v38;
	v38 =	vor.u32 v13, v49  }
0x461: {  	[tilespmem:s2+$0x18440] =	vst v42;
	v42 =	vor.u32 v15, v49;
	v39 =	vld.idx.msk [tilespmem:v39+s23+$0x0], $0xffff  }
0x462: {  	v40 =	vld.idx.msk [tilespmem:v40+s23+$0x0], $0xffff;
	[tilespmem:s2+$0x184C0] =	vst v43;
	v43 =	vor.u32 v17, v49  }
0x463: {  	[tilespmem:s2+$0x185C0] =	vst v45;
	v41 =	vld.idx.msk [tilespmem:v41+s23+$0x0], $0xffff;
	v44 =	vor.u32 v44, v49  }
0x464: {  	v45 =	vor.u32 v18, v49;
	[tilespmem:s2+$0x18550] =	vst v9;
	v9 =	vld [tilespmem:$0x1FDA0]  }
0x465: {  	[tilespmem:s2+$0x18640] =	vst v33;
	v33 =	vor.u32 v16, v49;
	v38 =	vld.idx.msk [tilespmem:v38+s23+$0x0], $0xffff  }
0x466: {  	v42 =	vld.idx.msk [tilespmem:v42+s23+$0x0], $0xffff;
	[tilespmem:s2+$0x186C0] =	vst v39;
	v39 =	vor.u32 v24, v49  }
0x467: {  	[tilespmem:s2+$0x18450] =	vst v40;
	v40 =	vor.u32 v25, v49;
	v43 =	vld.idx.msk [tilespmem:v43+s23+$0x0], $0xffff  }
0x468: {  	[tilespmem:s2+$0x184D0] =	vst v41;
	v41 =	vor.u32 v26, v49;
	v44 =	vld.idx.msk [tilespmem:v44+s23+$0x0], $0xffff  }
0x469: {  	v45 =	vld.idx.msk [tilespmem:v45+s23+$0x0], $0xffff;
	v9 =	vor.u32 v9, v49  }
0x46a: {  	v33 =	vld.idx.msk [tilespmem:v33+s23+$0x0], $0xffff;
	[tilespmem:s2+$0x185D0] =	vst v38;
	v38 =	vor.u32 v27, v49  }
0x46b: {  	[tilespmem:s2+$0x18650] =	vst v42;
	v42 =	vor.u32 v28, v49;
	v39 =	vld.idx.msk [tilespmem:v39+s23+$0x0], $0xffff  }
0x46c: {  	v40 =	vld.idx.msk [tilespmem:v40+s23+$0x0], $0xffff;
	[tilespmem:s2+$0x186D0] =	vst v43;
	v43 =	vor.u32 v29, v49  }
0x46d: {  	v41 =	vld.idx.msk [tilespmem:v41+s23+$0x0], $0xffff;
	[tilespmem:s2+$0x18460] =	vst v44;
	v44 =	vor.u32 v31, v49  }
0x46e: {  	[tilespmem:s2+$0x184E0] =	vst v45;
	v45 =	vor.u32 v32, v49;
	v9 =	vld.idx.msk [tilespmem:v9+s23+$0x0], $0xffff  }
0x46f: {  	[tilespmem:s2+$0x18560] =	vst v33;
	v33 =	vld.idx.msk [tilespmem:v38+s23+$0x0], $0xffff  }
0x470: {  	v49 =	vld.idx.msk [tilespmem:v42+s23+$0x0], $0xffff;
	[tilespmem:s2+$0x185E0] =	vst v39  }
0x471: {  	[tilespmem:s2+$0x18660] =	vst v40;
	v39 =	vld.idx.msk [tilespmem:v43+s23+$0x0], $0xffff  }
0x472: {  	[tilespmem:s2+$0x186E0] =	vst v41;
	v40 =	vld.idx.msk [tilespmem:v44+s23+$0x0], $0xffff  }
0x473: {  	p2 =	por p0, p0;
	[tilespmem:s2+$0x18470] =	vst v9;
	v9 =	vld.idx.msk [tilespmem:v45+s23+$0x0], $0xffff  }
.Ltmp5:
0x474: {  	[tilespmem:s2+$0x184F0] =	vst v33;
	(pc) =	sbr.rel @p2 .LBB2_12-.Ltmp5, $4  }
0x475: {  	[tilespmem:s2+$0x18570] =	vst v49  }
0x476: {  	[tilespmem:s2+$0x185F0] =	vst v39  }
0x477: {  	v42 =	vmov v58;
	v38 =	vmov v34;
	v43 =	vmov v19;
	[tilespmem:s2+$0x18670] =	vst v40  }
0x478: {  	s1 =	simm.s32 $0x8;
	p0 =	por $0x0, $0x0;
	v41 =	vmovc v14;
	v44 =	vmovc v20;
	v39 =	vmov v36;
	v45 =	vmov v11;
	v40 =	vmov v37;
	[tilespmem:s2+$0x186F0] =	vst v9  }
0x479: {  	v15 =	vld [tilespmem:$0x1FF10]  }
0x47a: {  	v19 =	vld [tilespmem:$0x1FF60]  }
0x47b: {  	v18 =	vld [tilespmem:$0x1FDF0]  }
0x47c: {  	v25 =	vld [tilespmem:$0x1FE00]  }
0x47d: {  	v14 =	vld [tilespmem:$0x1FE10]  }
0x47e: {  	v16 =	vld [tilespmem:$0x1FE20]  }
0x47f: {  	v20 =	vld [tilespmem:$0x1FE30]  }
0x480: {  	v24 =	vld [tilespmem:$0x1FF20]  }
0x481: {  	v26 =	vld [tilespmem:$0x1FF70]  }
0x482: {  	v9 =	vld [tilespmem:$0x1FF30]  }
0x483: {  	v28 =	vld [tilespmem:$0x1FFA0]  }
0x484: {  	v29 =	vld [tilespmem:$0x1FE40]  }
0x485: {  	s0 =	sadd.s32 @!p1 $0x180, s13;
	s1 =	simm.s32 @!p1 $0x80;
	v30 =	vld [tilespmem:$0x1FE50]  }
0x486: {  	s2 =	simm.s32 @!p1 $0x8B00;
	s3 =	rddreg [dreg:$0x0];
	s15 =	sadd.s32 s7, s22;
	v31 =	vld [tilespmem:$0x1FE60]  }
0x487: {  	v32 =	vld [tilespmem:$0x1FE70];
	[tilespmem:s2], [sflag:$0x2] =	stream.indirect.gather @!p1 [hbm4b:s3+s1], $0x80, s0, s1, $0xb8  }
0x488: {  	s20 =	sadd.s32 $0x1, s20;
	v36 =	vld [tilespmem:$0x1FF40];
	s0 =	sadd.s32 @!p1 $0x1A80, s13;
	s2 =	simm.s32 @!p1 $0xD300  }
0x489: {  	v13 =	vld [tilespmem:$0x1FF80];
	[tilespmem:s2], [sflag:$0x2] =	stream.indirect.gather @!p1 [hbm4b:s5+s1], $0x10, s0, s1, $0xb8  }
0x48a: {  	v37 =	vld [tilespmem:$0x1FF90];
	s22 =	sshrl.u32 s15, $0x3;
	s0 =	sadd.s32 @!p1 $0x3380, s13;
	s2 =	simm.s32 @!p1 $0xE300  }
0x48b: {  	v34 =	vld [tilespmem:$0x1FF50];
	[tilespmem:s2], [sflag:$0x2] =	stream.indirect.gather @!p1 [hbm4b:s6+s1], $0x10, s0, s1, $0xb8  }
0x48c: {  	v21 =	vld [tilespmem:$0x1FFB0];
	p0 =	sne.s32 s20, $0x19;
	s1 =	smul.u32 $0x28000, s22;
	s0 =	sshll.u32 s15, $0xA  }
.Ltmp6:
0x48d: {  	v27 =	vld [tilespmem:$0x1FFF0];
	s0 =	sand.u32 $0x1C00, s0;
	(pc) =	sbr.rel @p0 .LBB2_2-.Ltmp6, $4  }
0x48e: {  	v23 =	vld [tilespmem:$0x1FFC0];
	s0 =	sor.u32 s0, s1  }
0x48f: {  	s26 =	rddreg [dreg:$0x2];
	v11 =	vld [tilespmem:$0x1FFE0];
	s0 =	sshrl.u32 s0, $0x3  }
0x490: {  	s31 =	simm.s32 $0x400;
	v12 =	vld [tilespmem:$0x1FFD0];
	s0 =	sadd.s32 s26, s0  }
0x491: {  	v10 =	vld [tilespmem:$0x1FDE0];
	[hbm4b:s0+s31] =	stream.strided.scatter [tilespmem:s30], [sflag:$0x4], $0x5000, s28, s31, $0x38  }
0x492: {  	s0 =	simm.s32 $0x3  }
0x493: {  	_ =	swait.ge [sflag:s0], $0x5000  }
0x494: {  	[sflag:s0] =	ssyncset.done $0x0  }
0x495: {  	s1 =	simm.s32 $0x4;
	[sflag:s0] =	ssyncadd.s32 $0xFFFFB000  }
0x496: {  	_ =	swait.ge [sflag:s1], $0x5000  }
0x497: {  	s2 =	rddreg [dreg:$0x8]  }
0x498: {  	s31 =	rddreg [dreg:$0x7];
	s2 =	sadd.s32 $0x1, s2  }
0x499: {  	p0 =	sne.s32 s2, s31  }
.Ltmp7:
0x49a: {  	_ = 	snop;
	(pc) =	sbr.rel @p0 .LBB2_1-.Ltmp7, $3  }
0x49b: {  	_ =	sdelay $0x1  }
0x49c: {  	[sflag:s1] =	ssyncset.done $0x0  }
0x49d: {  	[sflag:s1] =	ssyncadd.s32 $0xFFFFB000  }
0x49e: {  	_ =	sfence.sel $0x180000  }
0x49f: {  	[bflag:$0x0] =	sbarrier.arrive $0xFFFF  }
0x4a0: {  	_ =	strace $0x90000047  }
0x4a1: {  	s0 =	stileid.u32;
	[bflag:$0x2] =	sbarrier.arrive $0xFFFF  }
0x4a2: {  	p0 =	sne.s32 s0, $0x0;
	s0 =	rddreg [dreg:$0x3]  }
0x4a3: {  	s0 =	sadd.s32 @!p0 $0x100000, s0  }
0x4a4: {  	[sflag:s0] =	ssyncadd.tile.s32 @!p0 $0x1;
	_ =	shalt  }
.Lfunc_end2:
_tile_overlayer_lowered:
.L_overlay_start_2:
0x4a5: {  	(tag) =	ssettag $0x2  }
0x4a6: {  	s0 =	rddreg [dreg:$0x0];
	s2 =	stileid.u32  }
0x4a7: {  	s1 =	rddreg [dreg:$0x1];
	p0 =	sne.s32 s2, $0x0  }
0x4a8: {  	s3 =	rddreg [dreg:$0x2];
	[bflag:$0x3] =	sbarrier.arrive $0xFFFF;
	s2 =	simm.s32 @!p0 $0x1C05  }
0x4a9: {  	[timem:s3], [sflag:s2] =	dma.local @!p0 [hbm:s0], s1  }
0x4aa: {  	s0 =	simm.s32 @!p0 $0x5  }
0x4ab: {  	_ =	swait.ge @!p0 [sflag:s0], s1  }
0x4ac: {  	s1 =	ssub.s32 @!p0 $0x0, s1;
	[sflag:s0] =	ssyncset.done @!p0 $0x0  }
0x4ad: {  	[sflag:s0] =	ssyncadd.s32 @!p0 s1  }
0x4ae: {  	[bflag:$0x3] =	sbarrier.arrive $0xFFFF  }
0x4af: {  	_ =	shalt  }

</sc_bundles>
